<compile_context>
chip_gen: v7x
topology: tpu7x:2x2x1
jax: 0.10.2.dev20260603
libtpu: 0.0.44.dev20260713+nightly
codegen_flags: <defaults>
</compile_context>

<pallas_src>
import functools

import jax
import jax.numpy as jnp
from jax import lax
from jax.experimental import pallas as pl
from jax.experimental.pallas import tpu as pltpu
from jax.experimental.pallas import tpu_sc as plsc

N = 100000
K = 16
NP = 102400
NW = 32
CHUNK_J = 10
ROWS_PER_DMA = 128
CHUNK = CHUNK_J * ROWS_PER_DMA
IT = 20
MW = IT * CHUNK
MH = NW * MW
NPH = NP // 2
NPH4 = NPH // 4

BN = 1024
R = BN * K
GRID = -(-N // BN)
B4 = BN // 4
R4 = R // 4
NP4 = NP // 4

_LEAK = 0.2


def _leaky(x):
  return jnp.where(x >= 0, x, _LEAK * x)


@functools.lru_cache(maxsize=None)
def _make_sc_gather(d):
  it = IT
  ith = it // 2
  mesh = plsc.VectorSubcoreMesh(
      core_axis_name="c", subcore_axis_name="s", num_cores=2, num_subcores=16)

  @functools.partial(
      pl.kernel,
      mesh=mesh,
      out_type=jax.ShapeDtypeStruct((MH, d), jnp.float32),
      scratch_types=[
          pltpu.VMEM((CHUNK_J, ROWS_PER_DMA), jnp.int32),
          pltpu.VMEM((CHUNK_J, ROWS_PER_DMA), jnp.int32),
          pltpu.VMEM((CHUNK, d), jnp.float32),
          pltpu.VMEM((CHUNK, d), jnp.float32),
          pltpu.SemaphoreType.DMA,
          pltpu.SemaphoreType.DMA,
          pltpu.SemaphoreType.DMA,
      ],
      compiler_params=pltpu.CompilerParams(use_tc_tiling_on_sc=False),
  )
  def gather(table_hbm, idx_hbm, out_hbm, idx0, idx1, rows0, rows1,
             semg, semw0, semw1):
    wid = lax.axis_index("s") * 2 + lax.axis_index("c")

    def one_chunk(chunk, idx_v, rows_v, semw):
      base = (wid * it + chunk) * CHUNK
      pltpu.sync_copy(idx_hbm.at[wid, chunk], idx_v)
      copies = []
      for j in range(CHUNK_J):
        copies.append(
            pltpu.async_copy(
                table_hbm.at[idx_v.at[j]],
                rows_v.at[pl.ds(j * ROWS_PER_DMA, ROWS_PER_DMA)],
                semg,
            )
        )
      for c in copies:
        c.wait()
      pltpu.async_copy(rows_v, out_hbm.at[pl.ds(base, CHUNK)], semw)

    def body(j, _):
      @pl.when(j >= 1)
      def _drain0():
        pltpu.make_async_copy(
            out_hbm.at[pl.ds(0, CHUNK)], rows0, semw0).wait()

      one_chunk(2 * j, idx0, rows0, semw0)

      @pl.when(j >= 1)
      def _drain1():
        pltpu.make_async_copy(
            out_hbm.at[pl.ds(0, CHUNK)], rows1, semw1).wait()

      one_chunk(2 * j + 1, idx1, rows1, semw1)
      return _

    lax.fori_loop(0, ith, body, None)
    pltpu.make_async_copy(out_hbm.at[pl.ds(0, CHUNK)], rows0, semw0).wait()
    pltpu.make_async_copy(out_hbm.at[pl.ds(0, CHUNK)], rows1, semw1).wait()

  return gather


def _gather32(table, idx_pad):
  return _make_sc_gather(32)(table, idx_pad)


def _gather16(table, idx_pad):
  return _make_sc_gather(16)(table, idx_pad)


def _pass_a_body(feat, xyz, w1, b1, tab):
  f = _leaky(jnp.dot(feat[...], w1[...],
                     preferred_element_type=jnp.float32) + b1[...])
  tab[:, 0:3] = xyz[...]
  tab[:, 3:19] = f
  tab[:, 19:32] = jnp.zeros((tab.shape[0], 13), jnp.float32)


def _pass_a(feat, xyz3, w1e, b1e):
  return pl.pallas_call(
      _pass_a_body,
      grid=(GRID,),
      in_specs=[
          pl.BlockSpec((BN, 8), lambda i: (i, 0)),
          pl.BlockSpec((BN, 3), lambda i: (i, 0)),
          pl.BlockSpec((8, 16), lambda i: (0, 0)),
          pl.BlockSpec((1, 16), lambda i: (0, 0)),
      ],
      out_specs=pl.BlockSpec((BN, 32), lambda i: (i, 0)),
      out_shape=jax.ShapeDtypeStruct((N, 32), jnp.float32),
  )(feat, xyz3, w1e, b1e)


def _pass_c_body(gth, tab, s4w, d4w, n4w, t4w, f4w, x4w, b1v, a4w, bap1v,
                 bb4w, bbb2v, tab2_o, fx2_o):
  g3 = gth[...]
  g2 = g3.reshape(R4, 128)
  tp = tab[...]
  rel = tp[None] - g3
  rp = (rel * rel).reshape(R4, 128)
  d2 = jnp.dot(rp, s4w[...], preferred_element_type=jnp.float32)
  dv = jnp.sqrt(d2 + 1e-12)
  tt = jnp.dot(tp, t4w[...], preferred_element_type=jnp.float32)
  fx1 = _leaky(
      (jnp.dot(dv, d4w[...], preferred_element_type=jnp.float32)
       + jnp.dot(g2, n4w[...], preferred_element_type=jnp.float32)
       ).reshape(K, B4, 128) + tt[None] + b1v[...][None]).reshape(R4, 128)
  t = (jnp.dot(g2, f4w[...], preferred_element_type=jnp.float32)
       + jnp.dot(fx1, x4w[...], preferred_element_type=jnp.float32))
  t3 = t.reshape(K, B4, 128)
  m = jnp.max(t3, axis=0, keepdims=True)
  e = jnp.exp(t3 - m)
  s = jnp.sum(t3 * e, axis=0) / jnp.sum(e, axis=0)
  tab2_o[...] = _leaky(jnp.dot(s, a4w[...],
                               preferred_element_type=jnp.float32)
                       + bap1v[...])
  fx2 = _leaky(jnp.dot(fx1, bb4w[...], preferred_element_type=jnp.float32)
               + bbb2v[...][None])
  fx2_o[...] = fx2.reshape(K, B4, 128).astype(jnp.bfloat16)


def _pass_c(h, npts, gth3, tabp, s4w, d4w, n4w, t4w, f4w, x4w, b1v, a4w,
            bap1v, bb4w, bbb2v):
  grid = -(-npts // BN)
  off = h * (NPH // BN)
  wspec = pl.BlockSpec((128, 128), lambda i: (0, 0))
  vspec = pl.BlockSpec((1, 128), lambda i: (0, 0))
  return pl.pallas_call(
      _pass_c_body,
      grid=(grid,),
      in_specs=[
          pl.BlockSpec((K, B4, 128), lambda i: (0, i, 0)),
          pl.BlockSpec((B4, 128), lambda i: (i + off, 0)),
          wspec, wspec, wspec, wspec, wspec, wspec, vspec, wspec, vspec,
          wspec, vspec,
      ],
      out_specs=[
          pl.BlockSpec((B4, 128), lambda i: (i, 0)),
          pl.BlockSpec((K, B4, 128), lambda i: (0, i, 0)),
      ],
      out_shape=[
          jax.ShapeDtypeStruct((-(-npts // 4) + 0, 128), jnp.float32),
          jax.ShapeDtypeStruct((K, NPH4, 128), jnp.bfloat16),
      ],
  )(gth3, tabp, s4w, d4w, n4w, t4w, f4w, x4w, b1v, a4w, bap1v, bb4w, bbb2v)


def _pass_e_body(gth2, fx2, l24w, x24w, a24w, b24v, agg2_o):
  g2 = gth2[...].reshape(R4, 128)
  f2 = fx2[...].reshape(R4, 128).astype(jnp.float32)
  t = (jnp.dot(g2, l24w[...], preferred_element_type=jnp.float32)
       + jnp.dot(f2, x24w[...], preferred_element_type=jnp.float32))
  t3 = t.reshape(K, B4, 128)
  m = jnp.max(t3, axis=0, keepdims=True)
  e = jnp.exp(t3 - m)
  s = jnp.sum(t3 * e, axis=0) / jnp.sum(e, axis=0)
  agg2_o[...] = _leaky(jnp.dot(s, a24w[...],
                               preferred_element_type=jnp.float32)
                       + b24v[...])


def _pass_e(npts, gth2, fx2, l24w, x24w, a24w, b24v):
  grid = -(-npts // BN)
  wspec = pl.BlockSpec((128, 128), lambda i: (0, 0))
  vspec = pl.BlockSpec((1, 128), lambda i: (0, 0))
  return pl.pallas_call(
      _pass_e_body,
      grid=(grid,),
      in_specs=[
          pl.BlockSpec((K, B4, 128), lambda i: (0, i, 0)),
          pl.BlockSpec((K, B4, 128), lambda i: (0, i, 0)),
          wspec, wspec, wspec, vspec,
      ],
      out_specs=pl.BlockSpec((B4, 128), lambda i: (i, 0)),
      out_shape=jax.ShapeDtypeStruct((-(-npts // 4), 128), jnp.float32),
  )(gth2, fx2, l24w, x24w, a24w, b24v)


def _pass_f_body(agg2, feat, wm2, bm2, wm3, bm3, out):
  fp2 = jnp.dot(agg2[...], wm2[...],
                preferred_element_type=jnp.float32) + bm2[...]
  scp = jnp.dot(feat[...], wm3[...],
                preferred_element_type=jnp.float32) + bm3[...]
  out[...] = _leaky(fp2 + scp).T


def _pass_f(agg2r, feat, wm2e, bm2e, wm3e, bm3e):
  return pl.pallas_call(
      _pass_f_body,
      grid=(GRID,),
      in_specs=[
          pl.BlockSpec((BN, 32), lambda i: (i, 0)),
          pl.BlockSpec((BN, 8), lambda i: (i, 0)),
          pl.BlockSpec((32, 64), lambda i: (0, 0)),
          pl.BlockSpec((1, 64), lambda i: (0, 0)),
          pl.BlockSpec((8, 64), lambda i: (0, 0)),
          pl.BlockSpec((1, 64), lambda i: (0, 0)),
      ],
      out_specs=pl.BlockSpec((64, BN), lambda i: (0, i)),
      out_shape=jax.ShapeDtypeStruct((64, N), jnp.float32),
  )(agg2r, feat, wm2e, bm2e, wm3e, bm3e)


def _eff(w, b, g, be):
  we = (g[:, None] * w).T
  be_ = (g * b + be).reshape(1, -1)
  return we.astype(jnp.float32), be_.astype(jnp.float32)


def kernel(feature, xyz, neighbour_index,
           w_mlp1, b_mlp1, g_mlp1, be_mlp1,
           w_bb1, b_bb1, g_bb1, be_bb1,
           w_ap1_fc,
           w_ap1_mlp, b_ap1, g_ap1, be_ap1,
           w_bb2, b_bb2, g_bb2, be_bb2,
           w_ap2_fc,
           w_ap2_mlp, b_ap2, g_ap2, be_ap2,
           w_mlp2, b_mlp2, g_mlp2, be_mlp2,
           w_mlp3, b_mlp3, g_mlp3, be_mlp3):
  feat = feature[0, :, :, 0].T
  xyz3 = xyz[0]

  w1e, b1e = _eff(w_mlp1, b_mlp1, g_mlp1, be_mlp1)
  wbb1e, bbb1e = _eff(w_bb1, b_bb1, g_bb1, be_bb1)
  wap1e, bap1e = _eff(w_ap1_mlp, b_ap1, g_ap1, be_ap1)
  wbb2e, bbb2e = _eff(w_bb2, b_bb2, g_bb2, be_bb2)
  wap2e, bap2e = _eff(w_ap2_mlp, b_ap2, g_ap2, be_ap2)
  wm2e, bm2e = _eff(w_mlp2, b_mlp2, g_mlp2, be_mlp2)
  wm3e, bm3e = _eff(w_mlp3, b_mlp3, g_mlp3, be_mlp3)
  wfc1t = w_ap1_fc.T
  wfc2t = w_ap2_fc.T

  idxt = jnp.pad(neighbour_index[0].T, ((0, 0), (0, NP - N)))
  idx_h = [
      idxt[:, :NPH].reshape(NW, IT, CHUNK_J, ROWS_PER_DMA),
      idxt[:, NPH:].reshape(NW, IT, CHUNK_J, ROWS_PER_DMA),
  ]
  np_h = [NPH, N - NPH]

  def bd4(w, roff, coff):
    z = jnp.zeros((128, 128), jnp.float32)
    h, wd = w.shape
    for a in range(4):
      z = z.at[32 * a + roff:32 * a + roff + h,
               32 * a + coff:32 * a + coff + wd].set(w)
    return z

  def lane4(v, off=0):
    z = jnp.zeros((32,), jnp.float32).at[off:off + v.shape[0]].set(v)
    return jnp.tile(z, 4)[None]

  s4w = bd4(jnp.ones((3, 1), jnp.float32), 0, 0)
  d4w = bd4(wbb1e[0:1, :], 0, 0)
  n4w = bd4(wbb1e[7:10, :] - wbb1e[1:4, :], 0, 0)
  t4w = bd4(wbb1e[1:4, :] + wbb1e[4:7, :], 0, 0)
  f4w = bd4(wfc1t[0:16, :], 3, 0)
  x4w = bd4(wfc1t[16:32, :], 0, 0)
  b1v = lane4(bbb1e.reshape(-1))
  a4w = bd4(wap1e, 0, 0)
  bap1v = lane4(bap1e.reshape(-1))
  bb4w = bd4(wbb2e, 0, 0)
  bbb2v = lane4(bbb2e.reshape(-1))
  l24w = bd4(wfc2t[0:16, :], 0, 0)
  x24w = bd4(wfc2t[16:32, :], 0, 0)
  a24w = bd4(wap2e, 0, 0)
  b24v = lane4(bap2e.reshape(-1))

  table = _pass_a(feat, xyz3, w1e, b1e)
  tablep = table.reshape(N // 4, 128)
  gth_h = [_gather32(table, idx_h[h]).reshape(K, NPH4, 128)
           for h in (0, 1)]
  tab2_h = []
  fx2_h = []
  for h in (0, 1):
    t2, f2 = _pass_c(h, np_h[h], gth_h[h], tablep, s4w, d4w, n4w, t4w,
                     f4w, x4w, b1v, a4w, bap1v, bb4w, bbb2v)
    tab2_h.append(t2)
    fx2_h.append(f2)
  tab2 = jnp.concatenate(tab2_h, axis=0).reshape(N, 32)
  gth2_h = [_gather32(tab2, idx_h[h]).reshape(K, NPH4, 128)
            for h in (0, 1)]
  agg2_h = [_pass_e(np_h[h], gth2_h[h], fx2_h[h], l24w, x24w, a24w, b24v)
            for h in (0, 1)]
  agg2 = jnp.concatenate(agg2_h, axis=0).reshape(N, 32)
  out = _pass_f(agg2, feat, wm2e, bm2e, wm3e, bm3e)
  return out.reshape(1, 2 * 32, N, 1)

# --- scband reference (transcript-rebuilt; emitter-appended) ---
"""Pipeline reference for scband-rand-lanet-62603443306692 (READ-ONLY COPY).

The authoritative reference and input builder live on the scoring server;
editing this copy changes nothing except your own understanding.
"""

import jax, jax.numpy as jnp
import numpy as np

B, N, K = 1, 100000, 16
CIN, COUT = 8, 32
HALF = COUT // 2

PARAM_SHAPES = {
    'w_mlp1': (HALF, CIN), 'b_mlp1': (HALF,), 'g_mlp1': (HALF,), 'be_mlp1': (HALF,),
    'w_bb1': (HALF, 10), 'b_bb1': (HALF,), 'g_bb1': (HALF,), 'be_bb1': (HALF,),
    'w_ap1_fc': (COUT, COUT),
    'w_ap1_mlp': (HALF, COUT), 'b_ap1': (HALF,), 'g_ap1': (HALF,), 'be_ap1': (HALF,),
    'w_bb2': (HALF, HALF), 'b_bb2': (HALF,), 'g_bb2': (HALF,), 'be_bb2': (HALF,),
    'w_ap2_fc': (COUT, COUT),
    'w_ap2_mlp': (COUT, COUT), 'b_ap2': (COUT,), 'g_ap2': (COUT,), 'be_ap2': (COUT,),
    'w_mlp2': (2 * COUT, COUT), 'b_mlp2': (2 * COUT,), 'g_mlp2': (2 * COUT,), 'be_mlp2': (2 * COUT,),
    'w_mlp3': (2 * COUT, CIN), 'b_mlp3': (2 * COUT,), 'g_mlp3': (2 * COUT,), 'be_mlp3': (2 * COUT,),
}

def _conv_bn(x, w, b, g, be, act=True):
    # 1x1 Conv2d over channel dim + BatchNorm (inference affine) + optional LeakyReLU(0.2)
    y = jnp.einsum('oc,bcnk->bonk', w, x) + b[None, :, None, None]
    y = g[None, :, None, None] * y + be[None, :, None, None]
    if act:
        y = jax.nn.leaky_relu(y, negative_slope=0.2)
    return y

def _gather_neigh(pc, nidx):
    # pc: [B, N, C], nidx: [B, N, K] -> [B, N, K, C]
    Bb, Nn, Kk = nidx.shape
    idx = nidx.reshape(Bb, Nn * Kk)
    feats = jnp.take_along_axis(pc, idx[:, :, None], axis=1)
    return feats.reshape(Bb, Nn, Kk, pc.shape[2])

def _att_pool(fs, w_fc, w_mlp, b_mlp, g, be):
    # fs: [B, C, N, K]
    t = jnp.einsum('oc,bcnk->bonk', w_fc, fs)
    score = jax.nn.softmax(t, axis=3)
    s = jnp.sum(t * score, axis=3, keepdims=True)
    return _conv_bn(s, w_mlp, b_mlp, g, be, act=True)

def _rppe(xyz, nidx):
    neigh = _gather_neigh(xyz, nidx)
    tile = jnp.repeat(xyz[:, :, None, :], nidx.shape[-1], axis=2)
    rel = tile - neigh
    dist = jnp.sqrt(jnp.sum(rel * rel, axis=-1, keepdims=True) + 1e-12)
    return jnp.concatenate([dist, rel, tile, neigh], axis=-1)  # [B, N, K, 10]

def _forward(feature, xyz, nidx, p):
    # DilatedResBlock.forward
    fp = _conv_bn(feature, p['w_mlp1'], p['b_mlp1'], p['g_mlp1'], p['be_mlp1'])  # [B, HALF, N, 1]
    # BuildingBlock (LFA)
    f_xyz = _rppe(xyz, nidx).transpose(0, 3, 1, 2)  # [B, 10, N, K]
    f_xyz1 = _conv_bn(f_xyz, p['w_bb1'], p['b_bb1'], p['g_bb1'], p['be_bb1'])  # [B, HALF, N, K]
    f_neigh = _gather_neigh(fp[:, :, :, 0].transpose(0, 2, 1), nidx).transpose(0, 3, 1, 2)
    fc1 = jnp.concatenate([f_neigh, f_xyz1], axis=1)  # [B, COUT, N, K]
    agg1 = _att_pool(fc1, p['w_ap1_fc'], p['w_ap1_mlp'], p['b_ap1'], p['g_ap1'], p['be_ap1'])  # [B, HALF, N, 1]
    f_xyz2 = _conv_bn(f_xyz1, p['w_bb2'], p['b_bb2'], p['g_bb2'], p['be_bb2'])
    f_neigh2 = _gather_neigh(agg1[:, :, :, 0].transpose(0, 2, 1), nidx).transpose(0, 3, 1, 2)
    fc2 = jnp.concatenate([f_neigh2, f_xyz2], axis=1)  # [B, COUT, N, K]
    agg2 = _att_pool(fc2, p['w_ap2_fc'], p['w_ap2_mlp'], p['b_ap2'], p['g_ap2'], p['be_ap2'])  # [B, COUT, N, 1]
    fp2 = _conv_bn(agg2, p['w_mlp2'], p['b_mlp2'], p['g_mlp2'], p['be_mlp2'], act=False)
    sc = _conv_bn(feature, p['w_mlp3'], p['b_mlp3'], p['g_mlp3'], p['be_mlp3'], act=False)
    return jax.nn.leaky_relu(fp2 + sc, negative_slope=0.2)  # [B, 2*COUT, N, 1]

def setup_inputs(seed: int = 0):
    key = jax.random.key(seed)
    inp = {}
    inp['feature'] = jax.random.normal(jax.random.fold_in(key, 1), (B, CIN, N, 1), dtype=jnp.float32)
    inp['xyz'] = jax.random.uniform(jax.random.fold_in(key, 2), (B, N, 3), dtype=jnp.float32)
    inp['neighbour_index'] = jax.random.randint(jax.random.fold_in(key, 3), (B, N, K), 0, N, dtype=jnp.int32)
    for i, (name, shp) in enumerate(PARAM_SHAPES.items()):
        k = jax.random.fold_in(key, 100 + i)
        if name.startswith('g_'):
            inp[name] = jnp.ones(shp, jnp.float32) + 0.05 * jax.random.normal(k, shp, dtype=jnp.float32)
        else:
            inp[name] = 0.1 * jax.random.normal(k, shp, dtype=jnp.float32)
    return inp

def reference(feature, xyz, neighbour_index,
              w_mlp1, b_mlp1, g_mlp1, be_mlp1,
              w_bb1, b_bb1, g_bb1, be_bb1,
              w_ap1_fc,
              w_ap1_mlp, b_ap1, g_ap1, be_ap1,
              w_bb2, b_bb2, g_bb2, be_bb2,
              w_ap2_fc,
              w_ap2_mlp, b_ap2, g_ap2, be_ap2,
              w_mlp2, b_mlp2, g_mlp2, be_mlp2,
              w_mlp3, b_mlp3, g_mlp3, be_mlp3):
    params = {
        'w_mlp1': w_mlp1, 'b_mlp1': b_mlp1, 'g_mlp1': g_mlp1, 'be_mlp1': be_mlp1,
        'w_bb1': w_bb1, 'b_bb1': b_bb1, 'g_bb1': g_bb1, 'be_bb1': be_bb1,
        'w_ap1_fc': w_ap1_fc,
        'w_ap1_mlp': w_ap1_mlp, 'b_ap1': b_ap1, 'g_ap1': g_ap1, 'be_ap1': be_ap1,
        'w_bb2': w_bb2, 'b_bb2': b_bb2, 'g_bb2': g_bb2, 'be_bb2': be_bb2,
        'w_ap2_fc': w_ap2_fc,
        'w_ap2_mlp': w_ap2_mlp, 'b_ap2': b_ap2, 'g_ap2': g_ap2, 'be_ap2': be_ap2,
        'w_mlp2': w_mlp2, 'b_mlp2': b_mlp2, 'g_mlp2': g_mlp2, 'be_mlp2': be_mlp2,
        'w_mlp3': w_mlp3, 'b_mlp3': b_mlp3, 'g_mlp3': g_mlp3, 'be_mlp3': be_mlp3,
    }
    return _forward(feature, xyz, neighbour_index, params)

if __name__ == "__main__":
    import jax
    _d = setup_inputs()
    print(jax.jit(kernel)(*tuple(_d.values())))

</pallas_src>

<mosaic_0001>
#map = affine_map<(d0, d1) -> (0, 0)>
#map1 = affine_map<(d0, d1) -> (0, 0, 0, 0)>
module attributes {stable_mosaic.version = 14 : i64} {
  func.func @gather(%arg0: i32, %arg1: i32, %arg2: memref<100000x32xf32, #tpu.memory_space<hbm>>, %arg3: memref<32x20x10x128xi32, #tpu.memory_space<hbm>>, %arg4: memref<819200x32xf32, #tpu.memory_space<hbm>>, %arg5: memref<10x128xi32, #tpu.memory_space<vmem>>, %arg6: memref<10x128xi32, #tpu.memory_space<vmem>>, %arg7: memref<1280x32xf32, #tpu.memory_space<vmem>>, %arg8: memref<1280x32xf32, #tpu.memory_space<vmem>>, %arg9: memref<!tpu.dma_semaphore, #tpu.memory_space<semaphore_mem>>, %arg10: memref<!tpu.dma_semaphore, #tpu.memory_space<semaphore_mem>>, %arg11: memref<!tpu.dma_semaphore, #tpu.memory_space<semaphore_mem>>) attributes {dimension_semantics = [#tpu.dimension_semantics<core_parallel>, #tpu.dimension_semantics<subcore_parallel>], iteration_bounds = array<i64: 2, 16>, scalar_prefetch = 0 : i64, scratch_operands = 7 : i64, tpu.core_type = #tpu.core_type<sc_vector_subcore>, window_params = [{transform_indices = #map}, {transform_indices = #map1}, {transform_indices = #map}]} {
    %mul3A = arith.constant 2 : i32
    %mul3A_0 = arith.muli %arg1, %mul3A : i32
    %add3A = arith.addi %mul3A_0, %arg0 : i32
    %scan3A = arith.constant 0 : i32
    %scan3A_1 = arith.constant 10 : i32
    %scan3A_2 = arith.addi %scan3A, %scan3A_1 : i32
    %scan3A_3 = arith.constant 1 : i32
    scf.for %scan3A_16 = %scan3A to %scan3A_2 step %scan3A_3  : i32 {
      %ge3A = arith.constant 1 : i32
      %ge3A_17 = arith.cmpi sge, %scan3A_16, %ge3A : i32
      %convert_element_type3A = arith.extui %ge3A_17 : i1 to i32
      %cond3A = arith.constant 0 : i32
      %cond3A_18 = arith.cmpi ne, %convert_element_type3A, %cond3A : i32
      scf.if %cond3A_18 {
        %dma_wait3A_447 = arith.constant 0 : i32
        %dma_wait3A_448 = arith.constant 0 : i32
        %dma_wait3A_449 = tpu.memref_slice %arg4[%dma_wait3A_447, %dma_wait3A_448] : memref<819200x32xf32, #tpu.memory_space<hbm>> -> memref<1280x32xf32, #tpu.memory_space<hbm>>
        %dma_wait3A_450 = arith.constant 0 : i32
        %dma_wait3A_451 = arith.constant 0 : i32
        %dma_wait3A_452 = tpu.memref_slice %arg4[%dma_wait3A_450, %dma_wait3A_451] : memref<819200x32xf32, #tpu.memory_space<hbm>> -> memref<1280x32xf32, #tpu.memory_space<hbm>>
        tpu.wait_dma2 semaphore(%arg10 : memref<!tpu.dma_semaphore, #tpu.memory_space<semaphore_mem>>) src(%dma_wait3A_452 : memref<1280x32xf32, #tpu.memory_space<hbm>>) dst(%arg7 : memref<1280x32xf32, #tpu.memory_space<vmem>>)
      } else {
      }
      %mul3A_19 = arith.constant 2 : i32
      %mul3A_20 = arith.muli %mul3A_19, %scan3A_16 : i32
      %mul3A_21 = arith.constant 20 : i32
      %mul3A_22 = arith.muli %add3A, %mul3A_21 : i32
      %add3A_23 = arith.addi %mul3A_22, %mul3A_20 : i32
      %mul3A_24 = arith.constant 1280 : i32
      %mul3A_25 = arith.muli %add3A_23, %mul3A_24 : i32
      "tpu.region"() ({
        %run_scoped3A = tpu.sem_alloc : memref<!tpu.dma_semaphore, #tpu.memory_space<semaphore_mem>>
        %dma_start3A_447 = arith.constant 0 : i32
        %dma_start3A_448 = arith.constant 0 : i32
        %dma_start3A_449 = tpu.memref_slice %arg3[%add3A, %mul3A_20, %dma_start3A_447, %dma_start3A_448] : memref<32x20x10x128xi32, #tpu.memory_space<hbm>> -> memref<1x1x10x128xi32, #tpu.memory_space<hbm>>
        %dma_start3A_450 = tpu.memref_squeeze %dma_start3A_449 : memref<1x1x10x128xi32, #tpu.memory_space<hbm>> -> memref<10x128xi32, #tpu.memory_space<hbm>>
        %dma_start3A_451 = arith.constant 0 : i32
        %dma_start3A_452 = arith.constant 0 : i32
        %dma_start3A_453 = tpu.memref_slice %arg3[%add3A, %mul3A_20, %dma_start3A_451, %dma_start3A_452] : memref<32x20x10x128xi32, #tpu.memory_space<hbm>> -> memref<1x1x10x128xi32, #tpu.memory_space<hbm>>
        %dma_start3A_454 = tpu.memref_squeeze %dma_start3A_453 : memref<1x1x10x128xi32, #tpu.memory_space<hbm>> -> memref<10x128xi32, #tpu.memory_space<hbm>>
        tpu.enqueue_dma source(%dma_start3A_454 : memref<10x128xi32, #tpu.memory_space<hbm>>) target(%arg5 : memref<10x128xi32, #tpu.memory_space<vmem>>) target_semaphore(%run_scoped3A : memref<!tpu.dma_semaphore, #tpu.memory_space<semaphore_mem>>)
        %dma_wait3A_455 = arith.constant 0 : i32
        %dma_wait3A_456 = arith.constant 0 : i32
        %dma_wait3A_457 = tpu.memref_slice %arg3[%add3A, %mul3A_20, %dma_wait3A_455, %dma_wait3A_456] : memref<32x20x10x128xi32, #tpu.memory_space<hbm>> -> memref<1x1x10x128xi32, #tpu.memory_space<hbm>>
        %dma_wait3A_458 = tpu.memref_squeeze %dma_wait3A_457 : memref<1x1x10x128xi32, #tpu.memory_space<hbm>> -> memref<10x128xi32, #tpu.memory_space<hbm>>
        %dma_wait3A_459 = arith.constant 0 : i32
        %dma_wait3A_460 = arith.constant 0 : i32
        %dma_wait3A_461 = tpu.memref_slice %arg3[%add3A, %mul3A_20, %dma_wait3A_459, %dma_wait3A_460] : memref<32x20x10x128xi32, #tpu.memory_space<hbm>> -> memref<1x1x10x128xi32, #tpu.memory_space<hbm>>
        %dma_wait3A_462 = tpu.memref_squeeze %dma_wait3A_461 : memref<1x1x10x128xi32, #tpu.memory_space<hbm>> -> memref<10x128xi32, #tpu.memory_space<hbm>>
        tpu.wait_dma2 semaphore(%run_scoped3A : memref<!tpu.dma_semaphore, #tpu.memory_space<semaphore_mem>>) src(%dma_wait3A_462 : memref<10x128xi32, #tpu.memory_space<hbm>>) dst(%arg5 : memref<10x128xi32, #tpu.memory_space<vmem>>)
        tpu.yield
      }) : () -> ()
      %dma_start3A = arith.constant 0 : i32
      %dma_start3A_26 = arith.constant 0 : i32
      %dma_start3A_27 = arith.constant 0 : i32
      %dma_start3A_28 = tpu.memref_slice %arg7[%dma_start3A_26, %dma_start3A_27] : memref<1280x32xf32, #tpu.memory_space<vmem>> -> memref<128x32xf32, #tpu.memory_space<vmem>>
      %dma_start3A_29 = arith.constant 0 : i32
      %dma_start3A_30 = tpu.memref_slice %arg5[%dma_start3A, %dma_start3A_29] : memref<10x128xi32, #tpu.memory_space<vmem>> -> memref<1x128xi32, #tpu.memory_space<vmem>>
      %dma_start3A_31 = tpu.memref_squeeze %dma_start3A_30 : memref<1x128xi32, #tpu.memory_space<vmem>> -> memref<128xi32, #tpu.memory_space<vmem>>
      %dma_start3A_32 = arith.constant 0 : i32
      %dma_start3A_33 = arith.constant 0 : i32
      %dma_start3A_34 = tpu.memref_slice %arg2[%dma_start3A_32, %dma_start3A_33] : memref<100000x32xf32, #tpu.memory_space<hbm>> -> memref<100000x32xf32, #tpu.memory_space<hbm>>
      tpu.enqueue_indirect_dma source(%dma_start3A_34 : memref<100000x32xf32, #tpu.memory_space<hbm>>) target(%dma_start3A_28 : memref<128x32xf32, #tpu.memory_space<vmem>>) offsets(%dma_start3A_31 : memref<128xi32, #tpu.memory_space<vmem>>) semaphore(%arg9 : memref<!tpu.dma_semaphore, #tpu.memory_space<semaphore_mem>>)
      %dma_start3A_35 = arith.constant 1 : i32
      %dma_start3A_36 = arith.constant 128 : i32
      %dma_start3A_37 = arith.constant 0 : i32
      %dma_start3A_38 = tpu.memref_slice %arg7[%dma_start3A_36, %dma_start3A_37] : memref<1280x32xf32, #tpu.memory_space<vmem>> -> memref<128x32xf32, #tpu.memory_space<vmem>>
      %dma_start3A_39 = arith.constant 0 : i32
      %dma_start3A_40 = tpu.memref_slice %arg5[%dma_start3A_35, %dma_start3A_39] : memref<10x128xi32, #tpu.memory_space<vmem>> -> memref<1x128xi32, #tpu.memory_space<vmem>>
      %dma_start3A_41 = tpu.memref_squeeze %dma_start3A_40 : memref<1x128xi32, #tpu.memory_space<vmem>> -> memref<128xi32, #tpu.memory_space<vmem>>
      %dma_start3A_42 = arith.constant 0 : i32
      %dma_start3A_43 = arith.constant 0 : i32
      %dma_start3A_44 = tpu.memref_slice %arg2[%dma_start3A_42, %dma_start3A_43] : memref<100000x32xf32, #tpu.memory_space<hbm>> -> memref<100000x32xf32, #tpu.memory_space<hbm>>
      tpu.enqueue_indirect_dma source(%dma_start3A_44 : memref<100000x32xf32, #tpu.memory_space<hbm>>) target(%dma_start3A_38 : memref<128x32xf32, #tpu.memory_space<vmem>>) offsets(%dma_start3A_41 : memref<128xi32, #tpu.memory_space<vmem>>) semaphore(%arg9 : memref<!tpu.dma_semaphore, #tpu.memory_space<semaphore_mem>>)
      %dma_start3A_45 = arith.constant 2 : i32
      %dma_start3A_46 = arith.constant 256 : i32
      %dma_start3A_47 = arith.constant 0 : i32
      %dma_start3A_48 = tpu.memref_slice %arg7[%dma_start3A_46, %dma_start3A_47] : memref<1280x32xf32, #tpu.memory_space<vmem>> -> memref<128x32xf32, #tpu.memory_space<vmem>>
      %dma_start3A_49 = arith.constant 0 : i32
      %dma_start3A_50 = tpu.memref_slice %arg5[%dma_start3A_45, %dma_start3A_49] : memref<10x128xi32, #tpu.memory_space<vmem>> -> memref<1x128xi32, #tpu.memory_space<vmem>>
      %dma_start3A_51 = tpu.memref_squeeze %dma_start3A_50 : memref<1x128xi32, #tpu.memory_space<vmem>> -> memref<128xi32, #tpu.memory_space<vmem>>
      %dma_start3A_52 = arith.constant 0 : i32
      %dma_start3A_53 = arith.constant 0 : i32
      %dma_start3A_54 = tpu.memref_slice %arg2[%dma_start3A_52, %dma_start3A_53] : memref<100000x32xf32, #tpu.memory_space<hbm>> -> memref<100000x32xf32, #tpu.memory_space<hbm>>
      tpu.enqueue_indirect_dma source(%dma_start3A_54 : memref<100000x32xf32, #tpu.memory_space<hbm>>) target(%dma_start3A_48 : memref<128x32xf32, #tpu.memory_space<vmem>>) offsets(%dma_start3A_51 : memref<128xi32, #tpu.memory_space<vmem>>) semaphore(%arg9 : memref<!tpu.dma_semaphore, #tpu.memory_space<semaphore_mem>>)
      %dma_start3A_55 = arith.constant 3 : i32
      %dma_start3A_56 = arith.constant 384 : i32
      %dma_start3A_57 = arith.constant 0 : i32
      %dma_start3A_58 = tpu.memref_slice %arg7[%dma_start3A_56, %dma_start3A_57] : memref<1280x32xf32, #tpu.memory_space<vmem>> -> memref<128x32xf32, #tpu.memory_space<vmem>>
      %dma_start3A_59 = arith.constant 0 : i32
      %dma_start3A_60 = tpu.memref_slice %arg5[%dma_start3A_55, %dma_start3A_59] : memref<10x128xi32, #tpu.memory_space<vmem>> -> memref<1x128xi32, #tpu.memory_space<vmem>>
      %dma_start3A_61 = tpu.memref_squeeze %dma_start3A_60 : memref<1x128xi32, #tpu.memory_space<vmem>> -> memref<128xi32, #tpu.memory_space<vmem>>
      %dma_start3A_62 = arith.constant 0 : i32
      %dma_start3A_63 = arith.constant 0 : i32
      %dma_start3A_64 = tpu.memref_slice %arg2[%dma_start3A_62, %dma_start3A_63] : memref<100000x32xf32, #tpu.memory_space<hbm>> -> memref<100000x32xf32, #tpu.memory_space<hbm>>
      tpu.enqueue_indirect_dma source(%dma_start3A_64 : memref<100000x32xf32, #tpu.memory_space<hbm>>) target(%dma_start3A_58 : memref<128x32xf32, #tpu.memory_space<vmem>>) offsets(%dma_start3A_61 : memref<128xi32, #tpu.memory_space<vmem>>) semaphore(%arg9 : memref<!tpu.dma_semaphore, #tpu.memory_space<semaphore_mem>>)
      %dma_start3A_65 = arith.constant 4 : i32
      %dma_start3A_66 = arith.constant 512 : i32
      %dma_start3A_67 = arith.constant 0 : i32
      %dma_start3A_68 = tpu.memref_slice %arg7[%dma_start3A_66, %dma_start3A_67] : memref<1280x32xf32, #tpu.memory_space<vmem>> -> memref<128x32xf32, #tpu.memory_space<vmem>>
      %dma_start3A_69 = arith.constant 0 : i32
      %dma_start3A_70 = tpu.memref_slice %arg5[%dma_start3A_65, %dma_start3A_69] : memref<10x128xi32, #tpu.memory_space<vmem>> -> memref<1x128xi32, #tpu.memory_space<vmem>>
      %dma_start3A_71 = tpu.memref_squeeze %dma_start3A_70 : memref<1x128xi32, #tpu.memory_space<vmem>> -> memref<128xi32, #tpu.memory_space<vmem>>
      %dma_start3A_72 = arith.constant 0 : i32
      %dma_start3A_73 = arith.constant 0 : i32
      %dma_start3A_74 = tpu.memref_slice %arg2[%dma_start3A_72, %dma_start3A_73] : memref<100000x32xf32, #tpu.memory_space<hbm>> -> memref<100000x32xf32, #tpu.memory_space<hbm>>
      tpu.enqueue_indirect_dma source(%dma_start3A_74 : memref<100000x32xf32, #tpu.memory_space<hbm>>) target(%dma_start3A_68 : memref<128x32xf32, #tpu.memory_space<vmem>>) offsets(%dma_start3A_71 : memref<128xi32, #tpu.memory_space<vmem>>) semaphore(%arg9 : memref<!tpu.dma_semaphore, #tpu.memory_space<semaphore_mem>>)
      %dma_start3A_75 = arith.constant 5 : i32
      %dma_start3A_76 = arith.constant 640 : i32
      %dma_start3A_77 = arith.constant 0 : i32
      %dma_start3A_78 = tpu.memref_slice %arg7[%dma_start3A_76, %dma_start3A_77] : memref<1280x32xf32, #tpu.memory_space<vmem>> -> memref<128x32xf32, #tpu.memory_space<vmem>>
      %dma_start3A_79 = arith.constant 0 : i32
      %dma_start3A_80 = tpu.memref_slice %arg5[%dma_start3A_75, %dma_start3A_79] : memref<10x128xi32, #tpu.memory_space<vmem>> -> memref<1x128xi32, #tpu.memory_space<vmem>>
      %dma_start3A_81 = tpu.memref_squeeze %dma_start3A_80 : memref<1x128xi32, #tpu.memory_space<vmem>> -> memref<128xi32, #tpu.memory_space<vmem>>
      %dma_start3A_82 = arith.constant 0 : i32
      %dma_start3A_83 = arith.constant 0 : i32
      %dma_start3A_84 = tpu.memref_slice %arg2[%dma_start3A_82, %dma_start3A_83] : memref<100000x32xf32, #tpu.memory_space<hbm>> -> memref<100000x32xf32, #tpu.memory_space<hbm>>
      tpu.enqueue_indirect_dma source(%dma_start3A_84 : memref<100000x32xf32, #tpu.memory_space<hbm>>) target(%dma_start3A_78 : memref<128x32xf32, #tpu.memory_space<vmem>>) offsets(%dma_start3A_81 : memref<128xi32, #tpu.memory_space<vmem>>) semaphore(%arg9 : memref<!tpu.dma_semaphore, #tpu.memory_space<semaphore_mem>>)
      %dma_start3A_85 = arith.constant 6 : i32
      %dma_start3A_86 = arith.constant 768 : i32
      %dma_start3A_87 = arith.constant 0 : i32
      %dma_start3A_88 = tpu.memref_slice %arg7[%dma_start3A_86, %dma_start3A_87] : memref<1280x32xf32, #tpu.memory_space<vmem>> -> memref<128x32xf32, #tpu.memory_space<vmem>>
      %dma_start3A_89 = arith.constant 0 : i32
      %dma_start3A_90 = tpu.memref_slice %arg5[%dma_start3A_85, %dma_start3A_89] : memref<10x128xi32, #tpu.memory_space<vmem>> -> memref<1x128xi32, #tpu.memory_space<vmem>>
      %dma_start3A_91 = tpu.memref_squeeze %dma_start3A_90 : memref<1x128xi32, #tpu.memory_space<vmem>> -> memref<128xi32, #tpu.memory_space<vmem>>
      %dma_start3A_92 = arith.constant 0 : i32
      %dma_start3A_93 = arith.constant 0 : i32
      %dma_start3A_94 = tpu.memref_slice %arg2[%dma_start3A_92, %dma_start3A_93] : memref<100000x32xf32, #tpu.memory_space<hbm>> -> memref<100000x32xf32, #tpu.memory_space<hbm>>
      tpu.enqueue_indirect_dma source(%dma_start3A_94 : memref<100000x32xf32, #tpu.memory_space<hbm>>) target(%dma_start3A_88 : memref<128x32xf32, #tpu.memory_space<vmem>>) offsets(%dma_start3A_91 : memref<128xi32, #tpu.memory_space<vmem>>) semaphore(%arg9 : memref<!tpu.dma_semaphore, #tpu.memory_space<semaphore_mem>>)
      %dma_start3A_95 = arith.constant 7 : i32
      %dma_start3A_96 = arith.constant 896 : i32
      %dma_start3A_97 = arith.constant 0 : i32
      %dma_start3A_98 = tpu.memref_slice %arg7[%dma_start3A_96, %dma_start3A_97] : memref<1280x32xf32, #tpu.memory_space<vmem>> -> memref<128x32xf32, #tpu.memory_space<vmem>>
      %dma_start3A_99 = arith.constant 0 : i32
      %dma_start3A_100 = tpu.memref_slice %arg5[%dma_start3A_95, %dma_start3A_99] : memref<10x128xi32, #tpu.memory_space<vmem>> -> memref<1x128xi32, #tpu.memory_space<vmem>>
      %dma_start3A_101 = tpu.memref_squeeze %dma_start3A_100 : memref<1x128xi32, #tpu.memory_space<vmem>> -> memref<128xi32, #tpu.memory_space<vmem>>
      %dma_start3A_102 = arith.constant 0 : i32
      %dma_start3A_103 = arith.constant 0 : i32
      %dma_start3A_104 = tpu.memref_slice %arg2[%dma_start3A_102, %dma_start3A_103] : memref<100000x32xf32, #tpu.memory_space<hbm>> -> memref<100000x32xf32, #tpu.memory_space<hbm>>
      tpu.enqueue_indirect_dma source(%dma_start3A_104 : memref<100000x32xf32, #tpu.memory_space<hbm>>) target(%dma_start3A_98 : memref<128x32xf32, #tpu.memory_space<vmem>>) offsets(%dma_start3A_101 : memref<128xi32, #tpu.memory_space<vmem>>) semaphore(%arg9 : memref<!tpu.dma_semaphore, #tpu.memory_space<semaphore_mem>>)
      %dma_start3A_105 = arith.constant 8 : i32
      %dma_start3A_106 = arith.constant 1024 : i32
      %dma_start3A_107 = arith.constant 0 : i32
      %dma_start3A_108 = tpu.memref_slice %arg7[%dma_start3A_106, %dma_start3A_107] : memref<1280x32xf32, #tpu.memory_space<vmem>> -> memref<128x32xf32, #tpu.memory_space<vmem>>
      %dma_start3A_109 = arith.constant 0 : i32
      %dma_start3A_110 = tpu.memref_slice %arg5[%dma_start3A_105, %dma_start3A_109] : memref<10x128xi32, #tpu.memory_space<vmem>> -> memref<1x128xi32, #tpu.memory_space<vmem>>
      %dma_start3A_111 = tpu.memref_squeeze %dma_start3A_110 : memref<1x128xi32, #tpu.memory_space<vmem>> -> memref<128xi32, #tpu.memory_space<vmem>>
      %dma_start3A_112 = arith.constant 0 : i32
      %dma_start3A_113 = arith.constant 0 : i32
      %dma_start3A_114 = tpu.memref_slice %arg2[%dma_start3A_112, %dma_start3A_113] : memref<100000x32xf32, #tpu.memory_space<hbm>> -> memref<100000x32xf32, #tpu.memory_space<hbm>>
      tpu.enqueue_indirect_dma source(%dma_start3A_114 : memref<100000x32xf32, #tpu.memory_space<hbm>>) target(%dma_start3A_108 : memref<128x32xf32, #tpu.memory_space<vmem>>) offsets(%dma_start3A_111 : memref<128xi32, #tpu.memory_space<vmem>>) semaphore(%arg9 : memref<!tpu.dma_semaphore, #tpu.memory_space<semaphore_mem>>)
      %dma_start3A_115 = arith.constant 9 : i32
      %dma_start3A_116 = arith.constant 1152 : i32
      %dma_start3A_117 = arith.constant 0 : i32
      %dma_start3A_118 = tpu.memref_slice %arg7[%dma_start3A_116, %dma_start3A_117] : memref<1280x32xf32, #tpu.memory_space<vmem>> -> memref<128x32xf32, #tpu.memory_space<vmem>>
      %dma_start3A_119 = arith.constant 0 : i32
      %dma_start3A_120 = tpu.memref_slice %arg5[%dma_start3A_115, %dma_start3A_119] : memref<10x128xi32, #tpu.memory_space<vmem>> -> memref<1x128xi32, #tpu.memory_space<vmem>>
      %dma_start3A_121 = tpu.memref_squeeze %dma_start3A_120 : memref<1x128xi32, #tpu.memory_space<vmem>> -> memref<128xi32, #tpu.memory_space<vmem>>
      %dma_start3A_122 = arith.constant 0 : i32
      %dma_start3A_123 = arith.constant 0 : i32
      %dma_start3A_124 = tpu.memref_slice %arg2[%dma_start3A_122, %dma_start3A_123] : memref<100000x32xf32, #tpu.memory_space<hbm>> -> memref<100000x32xf32, #tpu.memory_space<hbm>>
      tpu.enqueue_indirect_dma source(%dma_start3A_124 : memref<100000x32xf32, #tpu.memory_space<hbm>>) target(%dma_start3A_118 : memref<128x32xf32, #tpu.memory_space<vmem>>) offsets(%dma_start3A_121 : memref<128xi32, #tpu.memory_space<vmem>>) semaphore(%arg9 : memref<!tpu.dma_semaphore, #tpu.memory_space<semaphore_mem>>)
      %dma_wait3A_125 = arith.constant 0 : i32
      %dma_wait3A_126 = arith.constant 0 : i32
      %dma_wait3A_127 = arith.constant 0 : i32
      %dma_wait3A_128 = tpu.memref_slice %arg7[%dma_wait3A_126, %dma_wait3A_127] : memref<1280x32xf32, #tpu.memory_space<vmem>> -> memref<128x32xf32, #tpu.memory_space<vmem>>
      %dma_wait3A_129 = arith.constant 0 : i32
      %dma_wait3A_130 = tpu.memref_slice %arg5[%dma_wait3A_125, %dma_wait3A_129] : memref<10x128xi32, #tpu.memory_space<vmem>> -> memref<1x128xi32, #tpu.memory_space<vmem>>
      %dma_wait3A_131 = tpu.memref_squeeze %dma_wait3A_130 : memref<1x128xi32, #tpu.memory_space<vmem>> -> memref<128xi32, #tpu.memory_space<vmem>>
      %dma_wait3A_132 = arith.constant 0 : i32
      %dma_wait3A_133 = arith.constant 0 : i32
      %dma_wait3A_134 = tpu.memref_slice %arg2[%dma_wait3A_132, %dma_wait3A_133] : memref<100000x32xf32, #tpu.memory_space<hbm>> -> memref<100000x32xf32, #tpu.memory_space<hbm>>
      tpu.wait_indirect_dma semaphore(%arg9 : memref<!tpu.dma_semaphore, #tpu.memory_space<semaphore_mem>>) src(%dma_wait3A_134 : memref<100000x32xf32, #tpu.memory_space<hbm>>) dst(%dma_wait3A_128 : memref<128x32xf32, #tpu.memory_space<vmem>>)
      %dma_wait3A_135 = arith.constant 1 : i32
      %dma_wait3A_136 = arith.constant 128 : i32
      %dma_wait3A_137 = arith.constant 0 : i32
      %dma_wait3A_138 = tpu.memref_slice %arg7[%dma_wait3A_136, %dma_wait3A_137] : memref<1280x32xf32, #tpu.memory_space<vmem>> -> memref<128x32xf32, #tpu.memory_space<vmem>>
      %dma_wait3A_139 = arith.constant 0 : i32
      %dma_wait3A_140 = tpu.memref_slice %arg5[%dma_wait3A_135, %dma_wait3A_139] : memref<10x128xi32, #tpu.memory_space<vmem>> -> memref<1x128xi32, #tpu.memory_space<vmem>>
      %dma_wait3A_141 = tpu.memref_squeeze %dma_wait3A_140 : memref<1x128xi32, #tpu.memory_space<vmem>> -> memref<128xi32, #tpu.memory_space<vmem>>
      %dma_wait3A_142 = arith.constant 0 : i32
      %dma_wait3A_143 = arith.constant 0 : i32
      %dma_wait3A_144 = tpu.memref_slice %arg2[%dma_wait3A_142, %dma_wait3A_143] : memref<100000x32xf32, #tpu.memory_space<hbm>> -> memref<100000x32xf32, #tpu.memory_space<hbm>>
      tpu.wait_indirect_dma semaphore(%arg9 : memref<!tpu.dma_semaphore, #tpu.memory_space<semaphore_mem>>) src(%dma_wait3A_144 : memref<100000x32xf32, #tpu.memory_space<hbm>>) dst(%dma_wait3A_138 : memref<128x32xf32, #tpu.memory_space<vmem>>)
      %dma_wait3A_145 = arith.constant 2 : i32
      %dma_wait3A_146 = arith.constant 256 : i32
      %dma_wait3A_147 = arith.constant 0 : i32
      %dma_wait3A_148 = tpu.memref_slice %arg7[%dma_wait3A_146, %dma_wait3A_147] : memref<1280x32xf32, #tpu.memory_space<vmem>> -> memref<128x32xf32, #tpu.memory_space<vmem>>
      %dma_wait3A_149 = arith.constant 0 : i32
      %dma_wait3A_150 = tpu.memref_slice %arg5[%dma_wait3A_145, %dma_wait3A_149] : memref<10x128xi32, #tpu.memory_space<vmem>> -> memref<1x128xi32, #tpu.memory_space<vmem>>
      %dma_wait3A_151 = tpu.memref_squeeze %dma_wait3A_150 : memref<1x128xi32, #tpu.memory_space<vmem>> -> memref<128xi32, #tpu.memory_space<vmem>>
      %dma_wait3A_152 = arith.constant 0 : i32
      %dma_wait3A_153 = arith.constant 0 : i32
      %dma_wait3A_154 = tpu.memref_slice %arg2[%dma_wait3A_152, %dma_wait3A_153] : memref<100000x32xf32, #tpu.memory_space<hbm>> -> memref<100000x32xf32, #tpu.memory_space<hbm>>
      tpu.wait_indirect_dma semaphore(%arg9 : memref<!tpu.dma_semaphore, #tpu.memory_space<semaphore_mem>>) src(%dma_wait3A_154 : memref<100000x32xf32, #tpu.memory_space<hbm>>) dst(%dma_wait3A_148 : memref<128x32xf32, #tpu.memory_space<vmem>>)
      %dma_wait3A_155 = arith.constant 3 : i32
      %dma_wait3A_156 = arith.constant 384 : i32
      %dma_wait3A_157 = arith.constant 0 : i32
      %dma_wait3A_158 = tpu.memref_slice %arg7[%dma_wait3A_156, %dma_wait3A_157] : memref<1280x32xf32, #tpu.memory_space<vmem>> -> memref<128x32xf32, #tpu.memory_space<vmem>>
      %dma_wait3A_159 = arith.constant 0 : i32
      %dma_wait3A_160 = tpu.memref_slice %arg5[%dma_wait3A_155, %dma_wait3A_159] : memref<10x128xi32, #tpu.memory_space<vmem>> -> memref<1x128xi32, #tpu.memory_space<vmem>>
      %dma_wait3A_161 = tpu.memref_squeeze %dma_wait3A_160 : memref<1x128xi32, #tpu.memory_space<vmem>> -> memref<128xi32, #tpu.memory_space<vmem>>
      %dma_wait3A_162 = arith.constant 0 : i32
      %dma_wait3A_163 = arith.constant 0 : i32
      %dma_wait3A_164 = tpu.memref_slice %arg2[%dma_wait3A_162, %dma_wait3A_163] : memref<100000x32xf32, #tpu.memory_space<hbm>> -> memref<100000x32xf32, #tpu.memory_space<hbm>>
      tpu.wait_indirect_dma semaphore(%arg9 : memref<!tpu.dma_semaphore, #tpu.memory_space<semaphore_mem>>) src(%dma_wait3A_164 : memref<100000x32xf32, #tpu.memory_space<hbm>>) dst(%dma_wait3A_158 : memref<128x32xf32, #tpu.memory_space<vmem>>)
      %dma_wait3A_165 = arith.constant 4 : i32
      %dma_wait3A_166 = arith.constant 512 : i32
      %dma_wait3A_167 = arith.constant 0 : i32
      %dma_wait3A_168 = tpu.memref_slice %arg7[%dma_wait3A_166, %dma_wait3A_167] : memref<1280x32xf32, #tpu.memory_space<vmem>> -> memref<128x32xf32, #tpu.memory_space<vmem>>
      %dma_wait3A_169 = arith.constant 0 : i32
      %dma_wait3A_170 = tpu.memref_slice %arg5[%dma_wait3A_165, %dma_wait3A_169] : memref<10x128xi32, #tpu.memory_space<vmem>> -> memref<1x128xi32, #tpu.memory_space<vmem>>
      %dma_wait3A_171 = tpu.memref_squeeze %dma_wait3A_170 : memref<1x128xi32, #tpu.memory_space<vmem>> -> memref<128xi32, #tpu.memory_space<vmem>>
      %dma_wait3A_172 = arith.constant 0 : i32
      %dma_wait3A_173 = arith.constant 0 : i32
      %dma_wait3A_174 = tpu.memref_slice %arg2[%dma_wait3A_172, %dma_wait3A_173] : memref<100000x32xf32, #tpu.memory_space<hbm>> -> memref<100000x32xf32, #tpu.memory_space<hbm>>
      tpu.wait_indirect_dma semaphore(%arg9 : memref<!tpu.dma_semaphore, #tpu.memory_space<semaphore_mem>>) src(%dma_wait3A_174 : memref<100000x32xf32, #tpu.memory_space<hbm>>) dst(%dma_wait3A_168 : memref<128x32xf32, #tpu.memory_space<vmem>>)
      %dma_wait3A_175 = arith.constant 5 : i32
      %dma_wait3A_176 = arith.constant 640 : i32
      %dma_wait3A_177 = arith.constant 0 : i32
      %dma_wait3A_178 = tpu.memref_slice %arg7[%dma_wait3A_176, %dma_wait3A_177] : memref<1280x32xf32, #tpu.memory_space<vmem>> -> memref<128x32xf32, #tpu.memory_space<vmem>>
      %dma_wait3A_179 = arith.constant 0 : i32
      %dma_wait3A_180 = tpu.memref_slice %arg5[%dma_wait3A_175, %dma_wait3A_179] : memref<10x128xi32, #tpu.memory_space<vmem>> -> memref<1x128xi32, #tpu.memory_space<vmem>>
      %dma_wait3A_181 = tpu.memref_squeeze %dma_wait3A_180 : memref<1x128xi32, #tpu.memory_space<vmem>> -> memref<128xi32, #tpu.memory_space<vmem>>
      %dma_wait3A_182 = arith.constant 0 : i32
      %dma_wait3A_183 = arith.constant 0 : i32
      %dma_wait3A_184 = tpu.memref_slice %arg2[%dma_wait3A_182, %dma_wait3A_183] : memref<100000x32xf32, #tpu.memory_space<hbm>> -> memref<100000x32xf32, #tpu.memory_space<hbm>>
      tpu.wait_indirect_dma semaphore(%arg9 : memref<!tpu.dma_semaphore, #tpu.memory_space<semaphore_mem>>) src(%dma_wait3A_184 : memref<100000x32xf32, #tpu.memory_space<hbm>>) dst(%dma_wait3A_178 : memref<128x32xf32, #tpu.memory_space<vmem>>)
      %dma_wait3A_185 = arith.constant 6 : i32
      %dma_wait3A_186 = arith.constant 768 : i32
      %dma_wait3A_187 = arith.constant 0 : i32
      %dma_wait3A_188 = tpu.memref_slice %arg7[%dma_wait3A_186, %dma_wait3A_187] : memref<1280x32xf32, #tpu.memory_space<vmem>> -> memref<128x32xf32, #tpu.memory_space<vmem>>
      %dma_wait3A_189 = arith.constant 0 : i32
      %dma_wait3A_190 = tpu.memref_slice %arg5[%dma_wait3A_185, %dma_wait3A_189] : memref<10x128xi32, #tpu.memory_space<vmem>> -> memref<1x128xi32, #tpu.memory_space<vmem>>
      %dma_wait3A_191 = tpu.memref_squeeze %dma_wait3A_190 : memref<1x128xi32, #tpu.memory_space<vmem>> -> memref<128xi32, #tpu.memory_space<vmem>>
      %dma_wait3A_192 = arith.constant 0 : i32
      %dma_wait3A_193 = arith.constant 0 : i32
      %dma_wait3A_194 = tpu.memref_slice %arg2[%dma_wait3A_192, %dma_wait3A_193] : memref<100000x32xf32, #tpu.memory_space<hbm>> -> memref<100000x32xf32, #tpu.memory_space<hbm>>
      tpu.wait_indirect_dma semaphore(%arg9 : memref<!tpu.dma_semaphore, #tpu.memory_space<semaphore_mem>>) src(%dma_wait3A_194 : memref<100000x32xf32, #tpu.memory_space<hbm>>) dst(%dma_wait3A_188 : memref<128x32xf32, #tpu.memory_space<vmem>>)
      %dma_wait3A_195 = arith.constant 7 : i32
      %dma_wait3A_196 = arith.constant 896 : i32
      %dma_wait3A_197 = arith.constant 0 : i32
      %dma_wait3A_198 = tpu.memref_slice %arg7[%dma_wait3A_196, %dma_wait3A_197] : memref<1280x32xf32, #tpu.memory_space<vmem>> -> memref<128x32xf32, #tpu.memory_space<vmem>>
      %dma_wait3A_199 = arith.constant 0 : i32
      %dma_wait3A_200 = tpu.memref_slice %arg5[%dma_wait3A_195, %dma_wait3A_199] : memref<10x128xi32, #tpu.memory_space<vmem>> -> memref<1x128xi32, #tpu.memory_space<vmem>>
      %dma_wait3A_201 = tpu.memref_squeeze %dma_wait3A_200 : memref<1x128xi32, #tpu.memory_space<vmem>> -> memref<128xi32, #tpu.memory_space<vmem>>
      %dma_wait3A_202 = arith.constant 0 : i32
      %dma_wait3A_203 = arith.constant 0 : i32
      %dma_wait3A_204 = tpu.memref_slice %arg2[%dma_wait3A_202, %dma_wait3A_203] : memref<100000x32xf32, #tpu.memory_space<hbm>> -> memref<100000x32xf32, #tpu.memory_space<hbm>>
      tpu.wait_indirect_dma semaphore(%arg9 : memref<!tpu.dma_semaphore, #tpu.memory_space<semaphore_mem>>) src(%dma_wait3A_204 : memref<100000x32xf32, #tpu.memory_space<hbm>>) dst(%dma_wait3A_198 : memref<128x32xf32, #tpu.memory_space<vmem>>)
      %dma_wait3A_205 = arith.constant 8 : i32
      %dma_wait3A_206 = arith.constant 1024 : i32
      %dma_wait3A_207 = arith.constant 0 : i32
      %dma_wait3A_208 = tpu.memref_slice %arg7[%dma_wait3A_206, %dma_wait3A_207] : memref<1280x32xf32, #tpu.memory_space<vmem>> -> memref<128x32xf32, #tpu.memory_space<vmem>>
      %dma_wait3A_209 = arith.constant 0 : i32
      %dma_wait3A_210 = tpu.memref_slice %arg5[%dma_wait3A_205, %dma_wait3A_209] : memref<10x128xi32, #tpu.memory_space<vmem>> -> memref<1x128xi32, #tpu.memory_space<vmem>>
      %dma_wait3A_211 = tpu.memref_squeeze %dma_wait3A_210 : memref<1x128xi32, #tpu.memory_space<vmem>> -> memref<128xi32, #tpu.memory_space<vmem>>
      %dma_wait3A_212 = arith.constant 0 : i32
      %dma_wait3A_213 = arith.constant 0 : i32
      %dma_wait3A_214 = tpu.memref_slice %arg2[%dma_wait3A_212, %dma_wait3A_213] : memref<100000x32xf32, #tpu.memory_space<hbm>> -> memref<100000x32xf32, #tpu.memory_space<hbm>>
      tpu.wait_indirect_dma semaphore(%arg9 : memref<!tpu.dma_semaphore, #tpu.memory_space<semaphore_mem>>) src(%dma_wait3A_214 : memref<100000x32xf32, #tpu.memory_space<hbm>>) dst(%dma_wait3A_208 : memref<128x32xf32, #tpu.memory_space<vmem>>)
      %dma_wait3A_215 = arith.constant 9 : i32
      %dma_wait3A_216 = arith.constant 1152 : i32
      %dma_wait3A_217 = arith.constant 0 : i32
      %dma_wait3A_218 = tpu.memref_slice %arg7[%dma_wait3A_216, %dma_wait3A_217] : memref<1280x32xf32, #tpu.memory_space<vmem>> -> memref<128x32xf32, #tpu.memory_space<vmem>>
      %dma_wait3A_219 = arith.constant 0 : i32
      %dma_wait3A_220 = tpu.memref_slice %arg5[%dma_wait3A_215, %dma_wait3A_219] : memref<10x128xi32, #tpu.memory_space<vmem>> -> memref<1x128xi32, #tpu.memory_space<vmem>>
      %dma_wait3A_221 = tpu.memref_squeeze %dma_wait3A_220 : memref<1x128xi32, #tpu.memory_space<vmem>> -> memref<128xi32, #tpu.memory_space<vmem>>
      %dma_wait3A_222 = arith.constant 0 : i32
      %dma_wait3A_223 = arith.constant 0 : i32
      %dma_wait3A_224 = tpu.memref_slice %arg2[%dma_wait3A_222, %dma_wait3A_223] : memref<100000x32xf32, #tpu.memory_space<hbm>> -> memref<100000x32xf32, #tpu.memory_space<hbm>>
      tpu.wait_indirect_dma semaphore(%arg9 : memref<!tpu.dma_semaphore, #tpu.memory_space<semaphore_mem>>) src(%dma_wait3A_224 : memref<100000x32xf32, #tpu.memory_space<hbm>>) dst(%dma_wait3A_218 : memref<128x32xf32, #tpu.memory_space<vmem>>)
      %dma_start3A_225 = arith.constant 0 : i32
      %dma_start3A_226 = tpu.memref_slice %arg4[%mul3A_25, %dma_start3A_225] : memref<819200x32xf32, #tpu.memory_space<hbm>> -> memref<1280x32xf32, #tpu.memory_space<hbm>>
      %dma_start3A_227 = arith.constant 0 : i32
      %dma_start3A_228 = tpu.memref_slice %arg4[%mul3A_25, %dma_start3A_227] : memref<819200x32xf32, #tpu.memory_space<hbm>> -> memref<1280x32xf32, #tpu.memory_space<hbm>>
      tpu.enqueue_dma source(%arg7 : memref<1280x32xf32, #tpu.memory_space<vmem>>) target(%dma_start3A_228 : memref<1280x32xf32, #tpu.memory_space<hbm>>) target_semaphore(%arg10 : memref<!tpu.dma_semaphore, #tpu.memory_space<semaphore_mem>>)
      %ge3A_229 = arith.constant 1 : i32
      %ge3A_230 = arith.cmpi sge, %scan3A_16, %ge3A_229 : i32
      %convert_element_type3A_231 = arith.extui %ge3A_230 : i1 to i32
      %cond3A_232 = arith.constant 0 : i32
      %cond3A_233 = arith.cmpi ne, %convert_element_type3A_231, %cond3A_232 : i32
      scf.if %cond3A_233 {
        %dma_wait3A_447 = arith.constant 0 : i32
        %dma_wait3A_448 = arith.constant 0 : i32
        %dma_wait3A_449 = tpu.memref_slice %arg4[%dma_wait3A_447, %dma_wait3A_448] : memref<819200x32xf32, #tpu.memory_space<hbm>> -> memref<1280x32xf32, #tpu.memory_space<hbm>>
        %dma_wait3A_450 = arith.constant 0 : i32
        %dma_wait3A_451 = arith.constant 0 : i32
        %dma_wait3A_452 = tpu.memref_slice %arg4[%dma_wait3A_450, %dma_wait3A_451] : memref<819200x32xf32, #tpu.memory_space<hbm>> -> memref<1280x32xf32, #tpu.memory_space<hbm>>
        tpu.wait_dma2 semaphore(%arg11 : memref<!tpu.dma_semaphore, #tpu.memory_space<semaphore_mem>>) src(%dma_wait3A_452 : memref<1280x32xf32, #tpu.memory_space<hbm>>) dst(%arg8 : memref<1280x32xf32, #tpu.memory_space<vmem>>)
      } else {
      }
      %mul3A_234 = arith.constant 2 : i32
      %mul3A_235 = arith.muli %mul3A_234, %scan3A_16 : i32
      %add3A_236 = arith.constant 1 : i32
      %add3A_237 = arith.addi %mul3A_235, %add3A_236 : i32
      %mul3A_238 = arith.constant 20 : i32
      %mul3A_239 = arith.muli %add3A, %mul3A_238 : i32
      %add3A_240 = arith.addi %mul3A_239, %add3A_237 : i32
      %mul3A_241 = arith.constant 1280 : i32
      %mul3A_242 = arith.muli %add3A_240, %mul3A_241 : i32
      "tpu.region"() ({
        %run_scoped3A = tpu.sem_alloc : memref<!tpu.dma_semaphore, #tpu.memory_space<semaphore_mem>>
        %dma_start3A_447 = arith.constant 0 : i32
        %dma_start3A_448 = arith.constant 0 : i32
        %dma_start3A_449 = tpu.memref_slice %arg3[%add3A, %add3A_237, %dma_start3A_447, %dma_start3A_448] : memref<32x20x10x128xi32, #tpu.memory_space<hbm>> -> memref<1x1x10x128xi32, #tpu.memory_space<hbm>>
        %dma_start3A_450 = tpu.memref_squeeze %dma_start3A_449 : memref<1x1x10x128xi32, #tpu.memory_space<hbm>> -> memref<10x128xi32, #tpu.memory_space<hbm>>
        %dma_start3A_451 = arith.constant 0 : i32
        %dma_start3A_452 = arith.constant 0 : i32
        %dma_start3A_453 = tpu.memref_slice %arg3[%add3A, %add3A_237, %dma_start3A_451, %dma_start3A_452] : memref<32x20x10x128xi32, #tpu.memory_space<hbm>> -> memref<1x1x10x128xi32, #tpu.memory_space<hbm>>
        %dma_start3A_454 = tpu.memref_squeeze %dma_start3A_453 : memref<1x1x10x128xi32, #tpu.memory_space<hbm>> -> memref<10x128xi32, #tpu.memory_space<hbm>>
        tpu.enqueue_dma source(%dma_start3A_454 : memref<10x128xi32, #tpu.memory_space<hbm>>) target(%arg6 : memref<10x128xi32, #tpu.memory_space<vmem>>) target_semaphore(%run_scoped3A : memref<!tpu.dma_semaphore, #tpu.memory_space<semaphore_mem>>)
        %dma_wait3A_455 = arith.constant 0 : i32
        %dma_wait3A_456 = arith.constant 0 : i32
        %dma_wait3A_457 = tpu.memref_slice %arg3[%add3A, %add3A_237, %dma_wait3A_455, %dma_wait3A_456] : memref<32x20x10x128xi32, #tpu.memory_space<hbm>> -> memref<1x1x10x128xi32, #tpu.memory_space<hbm>>
        %dma_wait3A_458 = tpu.memref_squeeze %dma_wait3A_457 : memref<1x1x10x128xi32, #tpu.memory_space<hbm>> -> memref<10x128xi32, #tpu.memory_space<hbm>>
        %dma_wait3A_459 = arith.constant 0 : i32
        %dma_wait3A_460 = arith.constant 0 : i32
        %dma_wait3A_461 = tpu.memref_slice %arg3[%add3A, %add3A_237, %dma_wait3A_459, %dma_wait3A_460] : memref<32x20x10x128xi32, #tpu.memory_space<hbm>> -> memref<1x1x10x128xi32, #tpu.memory_space<hbm>>
        %dma_wait3A_462 = tpu.memref_squeeze %dma_wait3A_461 : memref<1x1x10x128xi32, #tpu.memory_space<hbm>> -> memref<10x128xi32, #tpu.memory_space<hbm>>
        tpu.wait_dma2 semaphore(%run_scoped3A : memref<!tpu.dma_semaphore, #tpu.memory_space<semaphore_mem>>) src(%dma_wait3A_462 : memref<10x128xi32, #tpu.memory_space<hbm>>) dst(%arg6 : memref<10x128xi32, #tpu.memory_space<vmem>>)
        tpu.yield
      }) : () -> ()
      %dma_start3A_243 = arith.constant 0 : i32
      %dma_start3A_244 = arith.constant 0 : i32
      %dma_start3A_245 = arith.constant 0 : i32
      %dma_start3A_246 = tpu.memref_slice %arg8[%dma_start3A_244, %dma_start3A_245] : memref<1280x32xf32, #tpu.memory_space<vmem>> -> memref<128x32xf32, #tpu.memory_space<vmem>>
      %dma_start3A_247 = arith.constant 0 : i32
      %dma_start3A_248 = tpu.memref_slice %arg6[%dma_start3A_243, %dma_start3A_247] : memref<10x128xi32, #tpu.memory_space<vmem>> -> memref<1x128xi32, #tpu.memory_space<vmem>>
      %dma_start3A_249 = tpu.memref_squeeze %dma_start3A_248 : memref<1x128xi32, #tpu.memory_space<vmem>> -> memref<128xi32, #tpu.memory_space<vmem>>
      %dma_start3A_250 = arith.constant 0 : i32
      %dma_start3A_251 = arith.constant 0 : i32
      %dma_start3A_252 = tpu.memref_slice %arg2[%dma_start3A_250, %dma_start3A_251] : memref<100000x32xf32, #tpu.memory_space<hbm>> -> memref<100000x32xf32, #tpu.memory_space<hbm>>
      tpu.enqueue_indirect_dma source(%dma_start3A_252 : memref<100000x32xf32, #tpu.memory_space<hbm>>) target(%dma_start3A_246 : memref<128x32xf32, #tpu.memory_space<vmem>>) offsets(%dma_start3A_249 : memref<128xi32, #tpu.memory_space<vmem>>) semaphore(%arg9 : memref<!tpu.dma_semaphore, #tpu.memory_space<semaphore_mem>>)
      %dma_start3A_253 = arith.constant 1 : i32
      %dma_start3A_254 = arith.constant 128 : i32
      %dma_start3A_255 = arith.constant 0 : i32
      %dma_start3A_256 = tpu.memref_slice %arg8[%dma_start3A_254, %dma_start3A_255] : memref<1280x32xf32, #tpu.memory_space<vmem>> -> memref<128x32xf32, #tpu.memory_space<vmem>>
      %dma_start3A_257 = arith.constant 0 : i32
      %dma_start3A_258 = tpu.memref_slice %arg6[%dma_start3A_253, %dma_start3A_257] : memref<10x128xi32, #tpu.memory_space<vmem>> -> memref<1x128xi32, #tpu.memory_space<vmem>>
      %dma_start3A_259 = tpu.memref_squeeze %dma_start3A_258 : memref<1x128xi32, #tpu.memory_space<vmem>> -> memref<128xi32, #tpu.memory_space<vmem>>
      %dma_start3A_260 = arith.constant 0 : i32
      %dma_start3A_261 = arith.constant 0 : i32
      %dma_start3A_262 = tpu.memref_slice %arg2[%dma_start3A_260, %dma_start3A_261] : memref<100000x32xf32, #tpu.memory_space<hbm>> -> memref<100000x32xf32, #tpu.memory_space<hbm>>
      tpu.enqueue_indirect_dma source(%dma_start3A_262 : memref<100000x32xf32, #tpu.memory_space<hbm>>) target(%dma_start3A_256 : memref<128x32xf32, #tpu.memory_space<vmem>>) offsets(%dma_start3A_259 : memref<128xi32, #tpu.memory_space<vmem>>) semaphore(%arg9 : memref<!tpu.dma_semaphore, #tpu.memory_space<semaphore_mem>>)
      %dma_start3A_263 = arith.constant 2 : i32
      %dma_start3A_264 = arith.constant 256 : i32
      %dma_start3A_265 = arith.constant 0 : i32
      %dma_start3A_266 = tpu.memref_slice %arg8[%dma_start3A_264, %dma_start3A_265] : memref<1280x32xf32, #tpu.memory_space<vmem>> -> memref<128x32xf32, #tpu.memory_space<vmem>>
      %dma_start3A_267 = arith.constant 0 : i32
      %dma_start3A_268 = tpu.memref_slice %arg6[%dma_start3A_263, %dma_start3A_267] : memref<10x128xi32, #tpu.memory_space<vmem>> -> memref<1x128xi32, #tpu.memory_space<vmem>>
      %dma_start3A_269 = tpu.memref_squeeze %dma_start3A_268 : memref<1x128xi32, #tpu.memory_space<vmem>> -> memref<128xi32, #tpu.memory_space<vmem>>
      %dma_start3A_270 = arith.constant 0 : i32
      %dma_start3A_271 = arith.constant 0 : i32
      %dma_start3A_272 = tpu.memref_slice %arg2[%dma_start3A_270, %dma_start3A_271] : memref<100000x32xf32, #tpu.memory_space<hbm>> -> memref<100000x32xf32, #tpu.memory_space<hbm>>
      tpu.enqueue_indirect_dma source(%dma_start3A_272 : memref<100000x32xf32, #tpu.memory_space<hbm>>) target(%dma_start3A_266 : memref<128x32xf32, #tpu.memory_space<vmem>>) offsets(%dma_start3A_269 : memref<128xi32, #tpu.memory_space<vmem>>) semaphore(%arg9 : memref<!tpu.dma_semaphore, #tpu.memory_space<semaphore_mem>>)
      %dma_start3A_273 = arith.constant 3 : i32
      %dma_start3A_274 = arith.constant 384 : i32
      %dma_start3A_275 = arith.constant 0 : i32
      %dma_start3A_276 = tpu.memref_slice %arg8[%dma_start3A_274, %dma_start3A_275] : memref<1280x32xf32, #tpu.memory_space<vmem>> -> memref<128x32xf32, #tpu.memory_space<vmem>>
      %dma_start3A_277 = arith.constant 0 : i32
      %dma_start3A_278 = tpu.memref_slice %arg6[%dma_start3A_273, %dma_start3A_277] : memref<10x128xi32, #tpu.memory_space<vmem>> -> memref<1x128xi32, #tpu.memory_space<vmem>>
      %dma_start3A_279 = tpu.memref_squeeze %dma_start3A_278 : memref<1x128xi32, #tpu.memory_space<vmem>> -> memref<128xi32, #tpu.memory_space<vmem>>
      %dma_start3A_280 = arith.constant 0 : i32
      %dma_start3A_281 = arith.constant 0 : i32
      %dma_start3A_282 = tpu.memref_slice %arg2[%dma_start3A_280, %dma_start3A_281] : memref<100000x32xf32, #tpu.memory_space<hbm>> -> memref<100000x32xf32, #tpu.memory_space<hbm>>
      tpu.enqueue_indirect_dma source(%dma_start3A_282 : memref<100000x32xf32, #tpu.memory_space<hbm>>) target(%dma_start3A_276 : memref<128x32xf32, #tpu.memory_space<vmem>>) offsets(%dma_start3A_279 : memref<128xi32, #tpu.memory_space<vmem>>) semaphore(%arg9 : memref<!tpu.dma_semaphore, #tpu.memory_space<semaphore_mem>>)
      %dma_start3A_283 = arith.constant 4 : i32
      %dma_start3A_284 = arith.constant 512 : i32
      %dma_start3A_285 = arith.constant 0 : i32
      %dma_start3A_286 = tpu.memref_slice %arg8[%dma_start3A_284, %dma_start3A_285] : memref<1280x32xf32, #tpu.memory_space<vmem>> -> memref<128x32xf32, #tpu.memory_space<vmem>>
      %dma_start3A_287 = arith.constant 0 : i32
      %dma_start3A_288 = tpu.memref_slice %arg6[%dma_start3A_283, %dma_start3A_287] : memref<10x128xi32, #tpu.memory_space<vmem>> -> memref<1x128xi32, #tpu.memory_space<vmem>>
      %dma_start3A_289 = tpu.memref_squeeze %dma_start3A_288 : memref<1x128xi32, #tpu.memory_space<vmem>> -> memref<128xi32, #tpu.memory_space<vmem>>
      %dma_start3A_290 = arith.constant 0 : i32
      %dma_start3A_291 = arith.constant 0 : i32
      %dma_start3A_292 = tpu.memref_slice %arg2[%dma_start3A_290, %dma_start3A_291] : memref<100000x32xf32, #tpu.memory_space<hbm>> -> memref<100000x32xf32, #tpu.memory_space<hbm>>
      tpu.enqueue_indirect_dma source(%dma_start3A_292 : memref<100000x32xf32, #tpu.memory_space<hbm>>) target(%dma_start3A_286 : memref<128x32xf32, #tpu.memory_space<vmem>>) offsets(%dma_start3A_289 : memref<128xi32, #tpu.memory_space<vmem>>) semaphore(%arg9 : memref<!tpu.dma_semaphore, #tpu.memory_space<semaphore_mem>>)
      %dma_start3A_293 = arith.constant 5 : i32
      %dma_start3A_294 = arith.constant 640 : i32
      %dma_start3A_295 = arith.constant 0 : i32
      %dma_start3A_296 = tpu.memref_slice %arg8[%dma_start3A_294, %dma_start3A_295] : memref<1280x32xf32, #tpu.memory_space<vmem>> -> memref<128x32xf32, #tpu.memory_space<vmem>>
      %dma_start3A_297 = arith.constant 0 : i32
      %dma_start3A_298 = tpu.memref_slice %arg6[%dma_start3A_293, %dma_start3A_297] : memref<10x128xi32, #tpu.memory_space<vmem>> -> memref<1x128xi32, #tpu.memory_space<vmem>>
      %dma_start3A_299 = tpu.memref_squeeze %dma_start3A_298 : memref<1x128xi32, #tpu.memory_space<vmem>> -> memref<128xi32, #tpu.memory_space<vmem>>
      %dma_start3A_300 = arith.constant 0 : i32
      %dma_start3A_301 = arith.constant 0 : i32
      %dma_start3A_302 = tpu.memref_slice %arg2[%dma_start3A_300, %dma_start3A_301] : memref<100000x32xf32, #tpu.memory_space<hbm>> -> memref<100000x32xf32, #tpu.memory_space<hbm>>
      tpu.enqueue_indirect_dma source(%dma_start3A_302 : memref<100000x32xf32, #tpu.memory_space<hbm>>) target(%dma_start3A_296 : memref<128x32xf32, #tpu.memory_space<vmem>>) offsets(%dma_start3A_299 : memref<128xi32, #tpu.memory_space<vmem>>) semaphore(%arg9 : memref<!tpu.dma_semaphore, #tpu.memory_space<semaphore_mem>>)
      %dma_start3A_303 = arith.constant 6 : i32
      %dma_start3A_304 = arith.constant 768 : i32
      %dma_start3A_305 = arith.constant 0 : i32
      %dma_start3A_306 = tpu.memref_slice %arg8[%dma_start3A_304, %dma_start3A_305] : memref<1280x32xf32, #tpu.memory_space<vmem>> -> memref<128x32xf32, #tpu.memory_space<vmem>>
      %dma_start3A_307 = arith.constant 0 : i32
      %dma_start3A_308 = tpu.memref_slice %arg6[%dma_start3A_303, %dma_start3A_307] : memref<10x128xi32, #tpu.memory_space<vmem>> -> memref<1x128xi32, #tpu.memory_space<vmem>>
      %dma_start3A_309 = tpu.memref_squeeze %dma_start3A_308 : memref<1x128xi32, #tpu.memory_space<vmem>> -> memref<128xi32, #tpu.memory_space<vmem>>
      %dma_start3A_310 = arith.constant 0 : i32
      %dma_start3A_311 = arith.constant 0 : i32
      %dma_start3A_312 = tpu.memref_slice %arg2[%dma_start3A_310, %dma_start3A_311] : memref<100000x32xf32, #tpu.memory_space<hbm>> -> memref<100000x32xf32, #tpu.memory_space<hbm>>
      tpu.enqueue_indirect_dma source(%dma_start3A_312 : memref<100000x32xf32, #tpu.memory_space<hbm>>) target(%dma_start3A_306 : memref<128x32xf32, #tpu.memory_space<vmem>>) offsets(%dma_start3A_309 : memref<128xi32, #tpu.memory_space<vmem>>) semaphore(%arg9 : memref<!tpu.dma_semaphore, #tpu.memory_space<semaphore_mem>>)
      %dma_start3A_313 = arith.constant 7 : i32
      %dma_start3A_314 = arith.constant 896 : i32
      %dma_start3A_315 = arith.constant 0 : i32
      %dma_start3A_316 = tpu.memref_slice %arg8[%dma_start3A_314, %dma_start3A_315] : memref<1280x32xf32, #tpu.memory_space<vmem>> -> memref<128x32xf32, #tpu.memory_space<vmem>>
      %dma_start3A_317 = arith.constant 0 : i32
      %dma_start3A_318 = tpu.memref_slice %arg6[%dma_start3A_313, %dma_start3A_317] : memref<10x128xi32, #tpu.memory_space<vmem>> -> memref<1x128xi32, #tpu.memory_space<vmem>>
      %dma_start3A_319 = tpu.memref_squeeze %dma_start3A_318 : memref<1x128xi32, #tpu.memory_space<vmem>> -> memref<128xi32, #tpu.memory_space<vmem>>
      %dma_start3A_320 = arith.constant 0 : i32
      %dma_start3A_321 = arith.constant 0 : i32
      %dma_start3A_322 = tpu.memref_slice %arg2[%dma_start3A_320, %dma_start3A_321] : memref<100000x32xf32, #tpu.memory_space<hbm>> -> memref<100000x32xf32, #tpu.memory_space<hbm>>
      tpu.enqueue_indirect_dma source(%dma_start3A_322 : memref<100000x32xf32, #tpu.memory_space<hbm>>) target(%dma_start3A_316 : memref<128x32xf32, #tpu.memory_space<vmem>>) offsets(%dma_start3A_319 : memref<128xi32, #tpu.memory_space<vmem>>) semaphore(%arg9 : memref<!tpu.dma_semaphore, #tpu.memory_space<semaphore_mem>>)
      %dma_start3A_323 = arith.constant 8 : i32
      %dma_start3A_324 = arith.constant 1024 : i32
      %dma_start3A_325 = arith.constant 0 : i32
      %dma_start3A_326 = tpu.memref_slice %arg8[%dma_start3A_324, %dma_start3A_325] : memref<1280x32xf32, #tpu.memory_space<vmem>> -> memref<128x32xf32, #tpu.memory_space<vmem>>
      %dma_start3A_327 = arith.constant 0 : i32
      %dma_start3A_328 = tpu.memref_slice %arg6[%dma_start3A_323, %dma_start3A_327] : memref<10x128xi32, #tpu.memory_space<vmem>> -> memref<1x128xi32, #tpu.memory_space<vmem>>
      %dma_start3A_329 = tpu.memref_squeeze %dma_start3A_328 : memref<1x128xi32, #tpu.memory_space<vmem>> -> memref<128xi32, #tpu.memory_space<vmem>>
      %dma_start3A_330 = arith.constant 0 : i32
      %dma_start3A_331 = arith.constant 0 : i32
      %dma_start3A_332 = tpu.memref_slice %arg2[%dma_start3A_330, %dma_start3A_331] : memref<100000x32xf32, #tpu.memory_space<hbm>> -> memref<100000x32xf32, #tpu.memory_space<hbm>>
      tpu.enqueue_indirect_dma source(%dma_start3A_332 : memref<100000x32xf32, #tpu.memory_space<hbm>>) target(%dma_start3A_326 : memref<128x32xf32, #tpu.memory_space<vmem>>) offsets(%dma_start3A_329 : memref<128xi32, #tpu.memory_space<vmem>>) semaphore(%arg9 : memref<!tpu.dma_semaphore, #tpu.memory_space<semaphore_mem>>)
      %dma_start3A_333 = arith.constant 9 : i32
      %dma_start3A_334 = arith.constant 1152 : i32
      %dma_start3A_335 = arith.constant 0 : i32
      %dma_start3A_336 = tpu.memref_slice %arg8[%dma_start3A_334, %dma_start3A_335] : memref<1280x32xf32, #tpu.memory_space<vmem>> -> memref<128x32xf32, #tpu.memory_space<vmem>>
      %dma_start3A_337 = arith.constant 0 : i32
      %dma_start3A_338 = tpu.memref_slice %arg6[%dma_start3A_333, %dma_start3A_337] : memref<10x128xi32, #tpu.memory_space<vmem>> -> memref<1x128xi32, #tpu.memory_space<vmem>>
      %dma_start3A_339 = tpu.memref_squeeze %dma_start3A_338 : memref<1x128xi32, #tpu.memory_space<vmem>> -> memref<128xi32, #tpu.memory_space<vmem>>
      %dma_start3A_340 = arith.constant 0 : i32
      %dma_start3A_341 = arith.constant 0 : i32
      %dma_start3A_342 = tpu.memref_slice %arg2[%dma_start3A_340, %dma_start3A_341] : memref<100000x32xf32, #tpu.memory_space<hbm>> -> memref<100000x32xf32, #tpu.memory_space<hbm>>
      tpu.enqueue_indirect_dma source(%dma_start3A_342 : memref<100000x32xf32, #tpu.memory_space<hbm>>) target(%dma_start3A_336 : memref<128x32xf32, #tpu.memory_space<vmem>>) offsets(%dma_start3A_339 : memref<128xi32, #tpu.memory_space<vmem>>) semaphore(%arg9 : memref<!tpu.dma_semaphore, #tpu.memory_space<semaphore_mem>>)
      %dma_wait3A_343 = arith.constant 0 : i32
      %dma_wait3A_344 = arith.constant 0 : i32
      %dma_wait3A_345 = arith.constant 0 : i32
      %dma_wait3A_346 = tpu.memref_slice %arg8[%dma_wait3A_344, %dma_wait3A_345] : memref<1280x32xf32, #tpu.memory_space<vmem>> -> memref<128x32xf32, #tpu.memory_space<vmem>>
      %dma_wait3A_347 = arith.constant 0 : i32
      %dma_wait3A_348 = tpu.memref_slice %arg6[%dma_wait3A_343, %dma_wait3A_347] : memref<10x128xi32, #tpu.memory_space<vmem>> -> memref<1x128xi32, #tpu.memory_space<vmem>>
      %dma_wait3A_349 = tpu.memref_squeeze %dma_wait3A_348 : memref<1x128xi32, #tpu.memory_space<vmem>> -> memref<128xi32, #tpu.memory_space<vmem>>
      %dma_wait3A_350 = arith.constant 0 : i32
      %dma_wait3A_351 = arith.constant 0 : i32
      %dma_wait3A_352 = tpu.memref_slice %arg2[%dma_wait3A_350, %dma_wait3A_351] : memref<100000x32xf32, #tpu.memory_space<hbm>> -> memref<100000x32xf32, #tpu.memory_space<hbm>>
      tpu.wait_indirect_dma semaphore(%arg9 : memref<!tpu.dma_semaphore, #tpu.memory_space<semaphore_mem>>) src(%dma_wait3A_352 : memref<100000x32xf32, #tpu.memory_space<hbm>>) dst(%dma_wait3A_346 : memref<128x32xf32, #tpu.memory_space<vmem>>)
      %dma_wait3A_353 = arith.constant 1 : i32
      %dma_wait3A_354 = arith.constant 128 : i32
      %dma_wait3A_355 = arith.constant 0 : i32
      %dma_wait3A_356 = tpu.memref_slice %arg8[%dma_wait3A_354, %dma_wait3A_355] : memref<1280x32xf32, #tpu.memory_space<vmem>> -> memref<128x32xf32, #tpu.memory_space<vmem>>
      %dma_wait3A_357 = arith.constant 0 : i32
      %dma_wait3A_358 = tpu.memref_slice %arg6[%dma_wait3A_353, %dma_wait3A_357] : memref<10x128xi32, #tpu.memory_space<vmem>> -> memref<1x128xi32, #tpu.memory_space<vmem>>
      %dma_wait3A_359 = tpu.memref_squeeze %dma_wait3A_358 : memref<1x128xi32, #tpu.memory_space<vmem>> -> memref<128xi32, #tpu.memory_space<vmem>>
      %dma_wait3A_360 = arith.constant 0 : i32
      %dma_wait3A_361 = arith.constant 0 : i32
      %dma_wait3A_362 = tpu.memref_slice %arg2[%dma_wait3A_360, %dma_wait3A_361] : memref<100000x32xf32, #tpu.memory_space<hbm>> -> memref<100000x32xf32, #tpu.memory_space<hbm>>
      tpu.wait_indirect_dma semaphore(%arg9 : memref<!tpu.dma_semaphore, #tpu.memory_space<semaphore_mem>>) src(%dma_wait3A_362 : memref<100000x32xf32, #tpu.memory_space<hbm>>) dst(%dma_wait3A_356 : memref<128x32xf32, #tpu.memory_space<vmem>>)
      %dma_wait3A_363 = arith.constant 2 : i32
      %dma_wait3A_364 = arith.constant 256 : i32
      %dma_wait3A_365 = arith.constant 0 : i32
      %dma_wait3A_366 = tpu.memref_slice %arg8[%dma_wait3A_364, %dma_wait3A_365] : memref<1280x32xf32, #tpu.memory_space<vmem>> -> memref<128x32xf32, #tpu.memory_space<vmem>>
      %dma_wait3A_367 = arith.constant 0 : i32
      %dma_wait3A_368 = tpu.memref_slice %arg6[%dma_wait3A_363, %dma_wait3A_367] : memref<10x128xi32, #tpu.memory_space<vmem>> -> memref<1x128xi32, #tpu.memory_space<vmem>>
      %dma_wait3A_369 = tpu.memref_squeeze %dma_wait3A_368 : memref<1x128xi32, #tpu.memory_space<vmem>> -> memref<128xi32, #tpu.memory_space<vmem>>
      %dma_wait3A_370 = arith.constant 0 : i32
      %dma_wait3A_371 = arith.constant 0 : i32
      %dma_wait3A_372 = tpu.memref_slice %arg2[%dma_wait3A_370, %dma_wait3A_371] : memref<100000x32xf32, #tpu.memory_space<hbm>> -> memref<100000x32xf32, #tpu.memory_space<hbm>>
      tpu.wait_indirect_dma semaphore(%arg9 : memref<!tpu.dma_semaphore, #tpu.memory_space<semaphore_mem>>) src(%dma_wait3A_372 : memref<100000x32xf32, #tpu.memory_space<hbm>>) dst(%dma_wait3A_366 : memref<128x32xf32, #tpu.memory_space<vmem>>)
      %dma_wait3A_373 = arith.constant 3 : i32
      %dma_wait3A_374 = arith.constant 384 : i32
      %dma_wait3A_375 = arith.constant 0 : i32
      %dma_wait3A_376 = tpu.memref_slice %arg8[%dma_wait3A_374, %dma_wait3A_375] : memref<1280x32xf32, #tpu.memory_space<vmem>> -> memref<128x32xf32, #tpu.memory_space<vmem>>
      %dma_wait3A_377 = arith.constant 0 : i32
      %dma_wait3A_378 = tpu.memref_slice %arg6[%dma_wait3A_373, %dma_wait3A_377] : memref<10x128xi32, #tpu.memory_space<vmem>> -> memref<1x128xi32, #tpu.memory_space<vmem>>
      %dma_wait3A_379 = tpu.memref_squeeze %dma_wait3A_378 : memref<1x128xi32, #tpu.memory_space<vmem>> -> memref<128xi32, #tpu.memory_space<vmem>>
      %dma_wait3A_380 = arith.constant 0 : i32
      %dma_wait3A_381 = arith.constant 0 : i32
      %dma_wait3A_382 = tpu.memref_slice %arg2[%dma_wait3A_380, %dma_wait3A_381] : memref<100000x32xf32, #tpu.memory_space<hbm>> -> memref<100000x32xf32, #tpu.memory_space<hbm>>
      tpu.wait_indirect_dma semaphore(%arg9 : memref<!tpu.dma_semaphore, #tpu.memory_space<semaphore_mem>>) src(%dma_wait3A_382 : memref<100000x32xf32, #tpu.memory_space<hbm>>) dst(%dma_wait3A_376 : memref<128x32xf32, #tpu.memory_space<vmem>>)
      %dma_wait3A_383 = arith.constant 4 : i32
      %dma_wait3A_384 = arith.constant 512 : i32
      %dma_wait3A_385 = arith.constant 0 : i32
      %dma_wait3A_386 = tpu.memref_slice %arg8[%dma_wait3A_384, %dma_wait3A_385] : memref<1280x32xf32, #tpu.memory_space<vmem>> -> memref<128x32xf32, #tpu.memory_space<vmem>>
      %dma_wait3A_387 = arith.constant 0 : i32
      %dma_wait3A_388 = tpu.memref_slice %arg6[%dma_wait3A_383, %dma_wait3A_387] : memref<10x128xi32, #tpu.memory_space<vmem>> -> memref<1x128xi32, #tpu.memory_space<vmem>>
      %dma_wait3A_389 = tpu.memref_squeeze %dma_wait3A_388 : memref<1x128xi32, #tpu.memory_space<vmem>> -> memref<128xi32, #tpu.memory_space<vmem>>
      %dma_wait3A_390 = arith.constant 0 : i32
      %dma_wait3A_391 = arith.constant 0 : i32
      %dma_wait3A_392 = tpu.memref_slice %arg2[%dma_wait3A_390, %dma_wait3A_391] : memref<100000x32xf32, #tpu.memory_space<hbm>> -> memref<100000x32xf32, #tpu.memory_space<hbm>>
      tpu.wait_indirect_dma semaphore(%arg9 : memref<!tpu.dma_semaphore, #tpu.memory_space<semaphore_mem>>) src(%dma_wait3A_392 : memref<100000x32xf32, #tpu.memory_space<hbm>>) dst(%dma_wait3A_386 : memref<128x32xf32, #tpu.memory_space<vmem>>)
      %dma_wait3A_393 = arith.constant 5 : i32
      %dma_wait3A_394 = arith.constant 640 : i32
      %dma_wait3A_395 = arith.constant 0 : i32
      %dma_wait3A_396 = tpu.memref_slice %arg8[%dma_wait3A_394, %dma_wait3A_395] : memref<1280x32xf32, #tpu.memory_space<vmem>> -> memref<128x32xf32, #tpu.memory_space<vmem>>
      %dma_wait3A_397 = arith.constant 0 : i32
      %dma_wait3A_398 = tpu.memref_slice %arg6[%dma_wait3A_393, %dma_wait3A_397] : memref<10x128xi32, #tpu.memory_space<vmem>> -> memref<1x128xi32, #tpu.memory_space<vmem>>
      %dma_wait3A_399 = tpu.memref_squeeze %dma_wait3A_398 : memref<1x128xi32, #tpu.memory_space<vmem>> -> memref<128xi32, #tpu.memory_space<vmem>>
      %dma_wait3A_400 = arith.constant 0 : i32
      %dma_wait3A_401 = arith.constant 0 : i32
      %dma_wait3A_402 = tpu.memref_slice %arg2[%dma_wait3A_400, %dma_wait3A_401] : memref<100000x32xf32, #tpu.memory_space<hbm>> -> memref<100000x32xf32, #tpu.memory_space<hbm>>
      tpu.wait_indirect_dma semaphore(%arg9 : memref<!tpu.dma_semaphore, #tpu.memory_space<semaphore_mem>>) src(%dma_wait3A_402 : memref<100000x32xf32, #tpu.memory_space<hbm>>) dst(%dma_wait3A_396 : memref<128x32xf32, #tpu.memory_space<vmem>>)
      %dma_wait3A_403 = arith.constant 6 : i32
      %dma_wait3A_404 = arith.constant 768 : i32
      %dma_wait3A_405 = arith.constant 0 : i32
      %dma_wait3A_406 = tpu.memref_slice %arg8[%dma_wait3A_404, %dma_wait3A_405] : memref<1280x32xf32, #tpu.memory_space<vmem>> -> memref<128x32xf32, #tpu.memory_space<vmem>>
      %dma_wait3A_407 = arith.constant 0 : i32
      %dma_wait3A_408 = tpu.memref_slice %arg6[%dma_wait3A_403, %dma_wait3A_407] : memref<10x128xi32, #tpu.memory_space<vmem>> -> memref<1x128xi32, #tpu.memory_space<vmem>>
      %dma_wait3A_409 = tpu.memref_squeeze %dma_wait3A_408 : memref<1x128xi32, #tpu.memory_space<vmem>> -> memref<128xi32, #tpu.memory_space<vmem>>
      %dma_wait3A_410 = arith.constant 0 : i32
      %dma_wait3A_411 = arith.constant 0 : i32
      %dma_wait3A_412 = tpu.memref_slice %arg2[%dma_wait3A_410, %dma_wait3A_411] : memref<100000x32xf32, #tpu.memory_space<hbm>> -> memref<100000x32xf32, #tpu.memory_space<hbm>>
      tpu.wait_indirect_dma semaphore(%arg9 : memref<!tpu.dma_semaphore, #tpu.memory_space<semaphore_mem>>) src(%dma_wait3A_412 : memref<100000x32xf32, #tpu.memory_space<hbm>>) dst(%dma_wait3A_406 : memref<128x32xf32, #tpu.memory_space<vmem>>)
      %dma_wait3A_413 = arith.constant 7 : i32
      %dma_wait3A_414 = arith.constant 896 : i32
      %dma_wait3A_415 = arith.constant 0 : i32
      %dma_wait3A_416 = tpu.memref_slice %arg8[%dma_wait3A_414, %dma_wait3A_415] : memref<1280x32xf32, #tpu.memory_space<vmem>> -> memref<128x32xf32, #tpu.memory_space<vmem>>
      %dma_wait3A_417 = arith.constant 0 : i32
      %dma_wait3A_418 = tpu.memref_slice %arg6[%dma_wait3A_413, %dma_wait3A_417] : memref<10x128xi32, #tpu.memory_space<vmem>> -> memref<1x128xi32, #tpu.memory_space<vmem>>
      %dma_wait3A_419 = tpu.memref_squeeze %dma_wait3A_418 : memref<1x128xi32, #tpu.memory_space<vmem>> -> memref<128xi32, #tpu.memory_space<vmem>>
      %dma_wait3A_420 = arith.constant 0 : i32
      %dma_wait3A_421 = arith.constant 0 : i32
      %dma_wait3A_422 = tpu.memref_slice %arg2[%dma_wait3A_420, %dma_wait3A_421] : memref<100000x32xf32, #tpu.memory_space<hbm>> -> memref<100000x32xf32, #tpu.memory_space<hbm>>
      tpu.wait_indirect_dma semaphore(%arg9 : memref<!tpu.dma_semaphore, #tpu.memory_space<semaphore_mem>>) src(%dma_wait3A_422 : memref<100000x32xf32, #tpu.memory_space<hbm>>) dst(%dma_wait3A_416 : memref<128x32xf32, #tpu.memory_space<vmem>>)
      %dma_wait3A_423 = arith.constant 8 : i32
      %dma_wait3A_424 = arith.constant 1024 : i32
      %dma_wait3A_425 = arith.constant 0 : i32
      %dma_wait3A_426 = tpu.memref_slice %arg8[%dma_wait3A_424, %dma_wait3A_425] : memref<1280x32xf32, #tpu.memory_space<vmem>> -> memref<128x32xf32, #tpu.memory_space<vmem>>
      %dma_wait3A_427 = arith.constant 0 : i32
      %dma_wait3A_428 = tpu.memref_slice %arg6[%dma_wait3A_423, %dma_wait3A_427] : memref<10x128xi32, #tpu.memory_space<vmem>> -> memref<1x128xi32, #tpu.memory_space<vmem>>
      %dma_wait3A_429 = tpu.memref_squeeze %dma_wait3A_428 : memref<1x128xi32, #tpu.memory_space<vmem>> -> memref<128xi32, #tpu.memory_space<vmem>>
      %dma_wait3A_430 = arith.constant 0 : i32
      %dma_wait3A_431 = arith.constant 0 : i32
      %dma_wait3A_432 = tpu.memref_slice %arg2[%dma_wait3A_430, %dma_wait3A_431] : memref<100000x32xf32, #tpu.memory_space<hbm>> -> memref<100000x32xf32, #tpu.memory_space<hbm>>
      tpu.wait_indirect_dma semaphore(%arg9 : memref<!tpu.dma_semaphore, #tpu.memory_space<semaphore_mem>>) src(%dma_wait3A_432 : memref<100000x32xf32, #tpu.memory_space<hbm>>) dst(%dma_wait3A_426 : memref<128x32xf32, #tpu.memory_space<vmem>>)
      %dma_wait3A_433 = arith.constant 9 : i32
      %dma_wait3A_434 = arith.constant 1152 : i32
      %dma_wait3A_435 = arith.constant 0 : i32
      %dma_wait3A_436 = tpu.memref_slice %arg8[%dma_wait3A_434, %dma_wait3A_435] : memref<1280x32xf32, #tpu.memory_space<vmem>> -> memref<128x32xf32, #tpu.memory_space<vmem>>
      %dma_wait3A_437 = arith.constant 0 : i32
      %dma_wait3A_438 = tpu.memref_slice %arg6[%dma_wait3A_433, %dma_wait3A_437] : memref<10x128xi32, #tpu.memory_space<vmem>> -> memref<1x128xi32, #tpu.memory_space<vmem>>
      %dma_wait3A_439 = tpu.memref_squeeze %dma_wait3A_438 : memref<1x128xi32, #tpu.memory_space<vmem>> -> memref<128xi32, #tpu.memory_space<vmem>>
      %dma_wait3A_440 = arith.constant 0 : i32
      %dma_wait3A_441 = arith.constant 0 : i32
      %dma_wait3A_442 = tpu.memref_slice %arg2[%dma_wait3A_440, %dma_wait3A_441] : memref<100000x32xf32, #tpu.memory_space<hbm>> -> memref<100000x32xf32, #tpu.memory_space<hbm>>
      tpu.wait_indirect_dma semaphore(%arg9 : memref<!tpu.dma_semaphore, #tpu.memory_space<semaphore_mem>>) src(%dma_wait3A_442 : memref<100000x32xf32, #tpu.memory_space<hbm>>) dst(%dma_wait3A_436 : memref<128x32xf32, #tpu.memory_space<vmem>>)
      %dma_start3A_443 = arith.constant 0 : i32
      %dma_start3A_444 = tpu.memref_slice %arg4[%mul3A_242, %dma_start3A_443] : memref<819200x32xf32, #tpu.memory_space<hbm>> -> memref<1280x32xf32, #tpu.memory_space<hbm>>
      %dma_start3A_445 = arith.constant 0 : i32
      %dma_start3A_446 = tpu.memref_slice %arg4[%mul3A_242, %dma_start3A_445] : memref<819200x32xf32, #tpu.memory_space<hbm>> -> memref<1280x32xf32, #tpu.memory_space<hbm>>
      tpu.enqueue_dma source(%arg8 : memref<1280x32xf32, #tpu.memory_space<vmem>>) target(%dma_start3A_446 : memref<1280x32xf32, #tpu.memory_space<hbm>>) target_semaphore(%arg11 : memref<!tpu.dma_semaphore, #tpu.memory_space<semaphore_mem>>)
    }
    %scan3A_4 = arith.constant 10 : i32
    %dma_wait3A = arith.constant 0 : i32
    %dma_wait3A_5 = arith.constant 0 : i32
    %dma_wait3A_6 = tpu.memref_slice %arg4[%dma_wait3A, %dma_wait3A_5] : memref<819200x32xf32, #tpu.memory_space<hbm>> -> memref<1280x32xf32, #tpu.memory_space<hbm>>
    %dma_wait3A_7 = arith.constant 0 : i32
    %dma_wait3A_8 = arith.constant 0 : i32
    %dma_wait3A_9 = tpu.memref_slice %arg4[%dma_wait3A_7, %dma_wait3A_8] : memref<819200x32xf32, #tpu.memory_space<hbm>> -> memref<1280x32xf32, #tpu.memory_space<hbm>>
    tpu.wait_dma2 semaphore(%arg10 : memref<!tpu.dma_semaphore, #tpu.memory_space<semaphore_mem>>) src(%dma_wait3A_9 : memref<1280x32xf32, #tpu.memory_space<hbm>>) dst(%arg7 : memref<1280x32xf32, #tpu.memory_space<vmem>>)
    %dma_wait3A_10 = arith.constant 0 : i32
    %dma_wait3A_11 = arith.constant 0 : i32
    %dma_wait3A_12 = tpu.memref_slice %arg4[%dma_wait3A_10, %dma_wait3A_11] : memref<819200x32xf32, #tpu.memory_space<hbm>> -> memref<1280x32xf32, #tpu.memory_space<hbm>>
    %dma_wait3A_13 = arith.constant 0 : i32
    %dma_wait3A_14 = arith.constant 0 : i32
    %dma_wait3A_15 = tpu.memref_slice %arg4[%dma_wait3A_13, %dma_wait3A_14] : memref<819200x32xf32, #tpu.memory_space<hbm>> -> memref<1280x32xf32, #tpu.memory_space<hbm>>
    tpu.wait_dma2 semaphore(%arg11 : memref<!tpu.dma_semaphore, #tpu.memory_space<semaphore_mem>>) src(%dma_wait3A_15 : memref<1280x32xf32, #tpu.memory_space<hbm>>) dst(%arg8 : memref<1280x32xf32, #tpu.memory_space<vmem>>)
    return
  }
}

#map = affine_map<(d0, d1) -> (0, 0)>
#map1 = affine_map<(d0, d1) -> (0, 0, 0, 0)>
module attributes {stable_mosaic.version = 14 : i64} {
  func.func @gather(%arg0: i32, %arg1: i32, %arg2: memref<100000x32xf32, #tpu.memory_space<hbm>>, %arg3: memref<32x20x10x128xi32, #tpu.memory_space<hbm>>, %arg4: memref<819200x32xf32, #tpu.memory_space<hbm>>, %arg5: memref<10x128xi32, #tpu.memory_space<vmem>>, %arg6: memref<10x128xi32, #tpu.memory_space<vmem>>, %arg7: memref<1280x32xf32, #tpu.memory_space<vmem>>, %arg8: memref<1280x32xf32, #tpu.memory_space<vmem>>, %arg9: memref<!tpu.dma_semaphore, #tpu.memory_space<semaphore_mem>>, %arg10: memref<!tpu.dma_semaphore, #tpu.memory_space<semaphore_mem>>, %arg11: memref<!tpu.dma_semaphore, #tpu.memory_space<semaphore_mem>>) attributes {dimension_semantics = [#tpu.dimension_semantics<core_parallel>, #tpu.dimension_semantics<subcore_parallel>], iteration_bounds = array<i64: 2, 16>, scalar_prefetch = 0 : i64, scratch_operands = 7 : i64, tpu.core_type = #tpu.core_type<sc_vector_subcore>, window_params = [{transform_indices = #map}, {transform_indices = #map1}, {transform_indices = #map}]} {
    %mul3A = arith.constant 2 : i32
    %mul3A_0 = arith.muli %arg1, %mul3A : i32
    %add3A = arith.addi %mul3A_0, %arg0 : i32
    %scan3A = arith.constant 0 : i32
    %scan3A_1 = arith.constant 10 : i32
    %scan3A_2 = arith.addi %scan3A, %scan3A_1 : i32
    %scan3A_3 = arith.constant 1 : i32
    scf.for %scan3A_16 = %scan3A to %scan3A_2 step %scan3A_3  : i32 {
      %ge3A = arith.constant 1 : i32
      %ge3A_17 = arith.cmpi sge, %scan3A_16, %ge3A : i32
      %convert_element_type3A = arith.extui %ge3A_17 : i1 to i32
      %cond3A = arith.constant 0 : i32
      %cond3A_18 = arith.cmpi ne, %convert_element_type3A, %cond3A : i32
      scf.if %cond3A_18 {
        %dma_wait3A_447 = arith.constant 0 : i32
        %dma_wait3A_448 = arith.constant 0 : i32
        %dma_wait3A_449 = tpu.memref_slice %arg4[%dma_wait3A_447, %dma_wait3A_448] : memref<819200x32xf32, #tpu.memory_space<hbm>> -> memref<1280x32xf32, #tpu.memory_space<hbm>>
        %dma_wait3A_450 = arith.constant 0 : i32
        %dma_wait3A_451 = arith.constant 0 : i32
        %dma_wait3A_452 = tpu.memref_slice %arg4[%dma_wait3A_450, %dma_wait3A_451] : memref<819200x32xf32, #tpu.memory_space<hbm>> -> memref<1280x32xf32, #tpu.memory_space<hbm>>
        tpu.wait_dma2 semaphore(%arg10 : memref<!tpu.dma_semaphore, #tpu.memory_space<semaphore_mem>>) src(%dma_wait3A_452 : memref<1280x32xf32, #tpu.memory_space<hbm>>) dst(%arg7 : memref<1280x32xf32, #tpu.memory_space<vmem>>)
      } else {
      }
      %mul3A_19 = arith.constant 2 : i32
      %mul3A_20 = arith.muli %mul3A_19, %scan3A_16 : i32
      %mul3A_21 = arith.constant 20 : i32
      %mul3A_22 = arith.muli %add3A, %mul3A_21 : i32
      %add3A_23 = arith.addi %mul3A_22, %mul3A_20 : i32
      %mul3A_24 = arith.constant 1280 : i32
      %mul3A_25 = arith.muli %add3A_23, %mul3A_24 : i32
      "tpu.region"() ({
        %run_scoped3A = tpu.sem_alloc : memref<!tpu.dma_semaphore, #tpu.memory_space<semaphore_mem>>
        %dma_start3A_447 = arith.constant 0 : i32
        %dma_start3A_448 = arith.constant 0 : i32
        %dma_start3A_449 = tpu.memref_slice %arg3[%add3A, %mul3A_20, %dma_start3A_447, %dma_start3A_448] : memref<32x20x10x128xi32, #tpu.memory_space<hbm>> -> memref<1x1x10x128xi32, #tpu.memory_space<hbm>>
        %dma_start3A_450 = tpu.memref_squeeze %dma_start3A_449 : memref<1x1x10x128xi32, #tpu.memory_space<hbm>> -> memref<10x128xi32, #tpu.memory_space<hbm>>
        %dma_start3A_451 = arith.constant 0 : i32
        %dma_start3A_452 = arith.constant 0 : i32
        %dma_start3A_453 = tpu.memref_slice %arg3[%add3A, %mul3A_20, %dma_start3A_451, %dma_start3A_452] : memref<32x20x10x128xi32, #tpu.memory_space<hbm>> -> memref<1x1x10x128xi32, #tpu.memory_space<hbm>>
        %dma_start3A_454 = tpu.memref_squeeze %dma_start3A_453 : memref<1x1x10x128xi32, #tpu.memory_space<hbm>> -> memref<10x128xi32, #tpu.memory_space<hbm>>
        tpu.enqueue_dma source(%dma_start3A_454 : memref<10x128xi32, #tpu.memory_space<hbm>>) target(%arg5 : memref<10x128xi32, #tpu.memory_space<vmem>>) target_semaphore(%run_scoped3A : memref<!tpu.dma_semaphore, #tpu.memory_space<semaphore_mem>>)
        %dma_wait3A_455 = arith.constant 0 : i32
        %dma_wait3A_456 = arith.constant 0 : i32
        %dma_wait3A_457 = tpu.memref_slice %arg3[%add3A, %mul3A_20, %dma_wait3A_455, %dma_wait3A_456] : memref<32x20x10x128xi32, #tpu.memory_space<hbm>> -> memref<1x1x10x128xi32, #tpu.memory_space<hbm>>
        %dma_wait3A_458 = tpu.memref_squeeze %dma_wait3A_457 : memref<1x1x10x128xi32, #tpu.memory_space<hbm>> -> memref<10x128xi32, #tpu.memory_space<hbm>>
        %dma_wait3A_459 = arith.constant 0 : i32
        %dma_wait3A_460 = arith.constant 0 : i32
        %dma_wait3A_461 = tpu.memref_slice %arg3[%add3A, %mul3A_20, %dma_wait3A_459, %dma_wait3A_460] : memref<32x20x10x128xi32, #tpu.memory_space<hbm>> -> memref<1x1x10x128xi32, #tpu.memory_space<hbm>>
        %dma_wait3A_462 = tpu.memref_squeeze %dma_wait3A_461 : memref<1x1x10x128xi32, #tpu.memory_space<hbm>> -> memref<10x128xi32, #tpu.memory_space<hbm>>
        tpu.wait_dma2 semaphore(%run_scoped3A : memref<!tpu.dma_semaphore, #tpu.memory_space<semaphore_mem>>) src(%dma_wait3A_462 : memref<10x128xi32, #tpu.memory_space<hbm>>) dst(%arg5 : memref<10x128xi32, #tpu.memory_space<vmem>>)
        tpu.yield
      }) : () -> ()
      %dma_start3A = arith.constant 0 : i32
      %dma_start3A_26 = arith.constant 0 : i32
      %dma_start3A_27 = arith.constant 0 : i32
      %dma_start3A_28 = tpu.memref_slice %arg7[%dma_start3A_26, %dma_start3A_27] : memref<1280x32xf32, #tpu.memory_space<vmem>> -> memref<128x32xf32, #tpu.memory_space<vmem>>
      %dma_start3A_29 = arith.constant 0 : i32
      %dma_start3A_30 = tpu.memref_slice %arg5[%dma_start3A, %dma_start3A_29] : memref<10x128xi32, #tpu.memory_space<vmem>> -> memref<1x128xi32, #tpu.memory_space<vmem>>
      %dma_start3A_31 = tpu.memref_squeeze %dma_start3A_30 : memref<1x128xi32, #tpu.memory_space<vmem>> -> memref<128xi32, #tpu.memory_space<vmem>>
      %dma_start3A_32 = arith.constant 0 : i32
      %dma_start3A_33 = arith.constant 0 : i32
      %dma_start3A_34 = tpu.memref_slice %arg2[%dma_start3A_32, %dma_start3A_33] : memref<100000x32xf32, #tpu.memory_space<hbm>> -> memref<100000x32xf32, #tpu.memory_space<hbm>>
      tpu.enqueue_indirect_dma source(%dma_start3A_34 : memref<100000x32xf32, #tpu.memory_space<hbm>>) target(%dma_start3A_28 : memref<128x32xf32, #tpu.memory_space<vmem>>) offsets(%dma_start3A_31 : memref<128xi32, #tpu.memory_space<vmem>>) semaphore(%arg9 : memref<!tpu.dma_semaphore, #tpu.memory_space<semaphore_mem>>)
      %dma_start3A_35 = arith.constant 1 : i32
      %dma_start3A_36 = arith.constant 128 : i32
      %dma_start3A_37 = arith.constant 0 : i32
      %dma_start3A_38 = tpu.memref_slice %arg7[%dma_start3A_36, %dma_start3A_37] : memref<1280x32xf32, #tpu.memory_space<vmem>> -> memref<128x32xf32, #tpu.memory_space<vmem>>
      %dma_start3A_39 = arith.constant 0 : i32
      %dma_start3A_40 = tpu.memref_slice %arg5[%dma_start3A_35, %dma_start3A_39] : memref<10x128xi32, #tpu.memory_space<vmem>> -> memref<1x128xi32, #tpu.memory_space<vmem>>
      %dma_start3A_41 = tpu.memref_squeeze %dma_start3A_40 : memref<1x128xi32, #tpu.memory_space<vmem>> -> memref<128xi32, #tpu.memory_space<vmem>>
      %dma_start3A_42 = arith.constant 0 : i32
      %dma_start3A_43 = arith.constant 0 : i32
      %dma_start3A_44 = tpu.memref_slice %arg2[%dma_start3A_42, %dma_start3A_43] : memref<100000x32xf32, #tpu.memory_space<hbm>> -> memref<100000x32xf32, #tpu.memory_space<hbm>>
      tpu.enqueue_indirect_dma source(%dma_start3A_44 : memref<100000x32xf32, #tpu.memory_space<hbm>>) target(%dma_start3A_38 : memref<128x32xf32, #tpu.memory_space<vmem>>) offsets(%dma_start3A_41 : memref<128xi32, #tpu.memory_space<vmem>>) semaphore(%arg9 : memref<!tpu.dma_semaphore, #tpu.memory_space<semaphore_mem>>)
      %dma_start3A_45 = arith.constant 2 : i32
      %dma_start3A_46 = arith.constant 256 : i32
      %dma_start3A_47 = arith.constant 0 : i32
      %dma_start3A_48 = tpu.memref_slice %arg7[%dma_start3A_46, %dma_start3A_47] : memref<1280x32xf32, #tpu.memory_space<vmem>> -> memref<128x32xf32, #tpu.memory_space<vmem>>
      %dma_start3A_49 = arith.constant 0 : i32
      %dma_start3A_50 = tpu.memref_slice %arg5[%dma_start3A_45, %dma_start3A_49] : memref<10x128xi32, #tpu.memory_space<vmem>> -> memref<1x128xi32, #tpu.memory_space<vmem>>
      %dma_start3A_51 = tpu.memref_squeeze %dma_start3A_50 : memref<1x128xi32, #tpu.memory_space<vmem>> -> memref<128xi32, #tpu.memory_space<vmem>>
      %dma_start3A_52 = arith.constant 0 : i32
      %dma_start3A_53 = arith.constant 0 : i32
      %dma_start3A_54 = tpu.memref_slice %arg2[%dma_start3A_52, %dma_start3A_53] : memref<100000x32xf32, #tpu.memory_space<hbm>> -> memref<100000x32xf32, #tpu.memory_space<hbm>>
      tpu.enqueue_indirect_dma source(%dma_start3A_54 : memref<100000x32xf32, #tpu.memory_space<hbm>>) target(%dma_start3A_48 : memref<128x32xf32, #tpu.memory_space<vmem>>) offsets(%dma_start3A_51 : memref<128xi32, #tpu.memory_space<vmem>>) semaphore(%arg9 : memref<!tpu.dma_semaphore, #tpu.memory_space<semaphore_mem>>)
      %dma_start3A_55 = arith.constant 3 : i32
      %dma_start3A_56 = arith.constant 384 : i32
      %dma_start3A_57 = arith.constant 0 : i32
      %dma_start3A_58 = tpu.memref_slice %arg7[%dma_start3A_56, %dma_start3A_57] : memref<1280x32xf32, #tpu.memory_space<vmem>> -> memref<128x32xf32, #tpu.memory_space<vmem>>
      %dma_start3A_59 = arith.constant 0 : i32
      %dma_start3A_60 = tpu.memref_slice %arg5[%dma_start3A_55, %dma_start3A_59] : memref<10x128xi32, #tpu.memory_space<vmem>> -> memref<1x128xi32, #tpu.memory_space<vmem>>
      %dma_start3A_61 = tpu.memref_squeeze %dma_start3A_60 : memref<1x128xi32, #tpu.memory_space<vmem>> -> memref<128xi32, #tpu.memory_space<vmem>>
      %dma_start3A_62 = arith.constant 0 : i32
      %dma_start3A_63 = arith.constant 0 : i32
      %dma_start3A_64 = tpu.memref_slice %arg2[%dma_start3A_62, %dma_start3A_63] : memref<100000x32xf32, #tpu.memory_space<hbm>> -> memref<100000x32xf32, #tpu.memory_space<hbm>>
      tpu.enqueue_indirect_dma source(%dma_start3A_64 : memref<100000x32xf32, #tpu.memory_space<hbm>>) target(%dma_start3A_58 : memref<128x32xf32, #tpu.memory_space<vmem>>) offsets(%dma_start3A_61 : memref<128xi32, #tpu.memory_space<vmem>>) semaphore(%arg9 : memref<!tpu.dma_semaphore, #tpu.memory_space<semaphore_mem>>)
      %dma_start3A_65 = arith.constant 4 : i32
      %dma_start3A_66 = arith.constant 512 : i32
      %dma_start3A_67 = arith.constant 0 : i32
      %dma_start3A_68 = tpu.memref_slice %arg7[%dma_start3A_66, %dma_start3A_67] : memref<1280x32xf32, #tpu.memory_space<vmem>> -> memref<128x32xf32, #tpu.memory_space<vmem>>
      %dma_start3A_69 = arith.constant 0 : i32
      %dma_start3A_70 = tpu.memref_slice %arg5[%dma_start3A_65, %dma_start3A_69] : memref<10x128xi32, #tpu.memory_space<vmem>> -> memref<1x128xi32, #tpu.memory_space<vmem>>
      %dma_start3A_71 = tpu.memref_squeeze %dma_start3A_70 : memref<1x128xi32, #tpu.memory_space<vmem>> -> memref<128xi32, #tpu.memory_space<vmem>>
      %dma_start3A_72 = arith.constant 0 : i32
      %dma_start3A_73 = arith.constant 0 : i32
      %dma_start3A_74 = tpu.memref_slice %arg2[%dma_start3A_72, %dma_start3A_73] : memref<100000x32xf32, #tpu.memory_space<hbm>> -> memref<100000x32xf32, #tpu.memory_space<hbm>>
      tpu.enqueue_indirect_dma source(%dma_start3A_74 : memref<100000x32xf32, #tpu.memory_space<hbm>>) target(%dma_start3A_68 : memref<128x32xf32, #tpu.memory_space<vmem>>) offsets(%dma_start3A_71 : memref<128xi32, #tpu.memory_space<vmem>>) semaphore(%arg9 : memref<!tpu.dma_semaphore, #tpu.memory_space<semaphore_mem>>)
      %dma_start3A_75 = arith.constant 5 : i32
      %dma_start3A_76 = arith.constant 640 : i32
      %dma_start3A_77 = arith.constant 0 : i32
      %dma_start3A_78 = tpu.memref_slice %arg7[%dma_start3A_76, %dma_start3A_77] : memref<1280x32xf32, #tpu.memory_space<vmem>> -> memref<128x32xf32, #tpu.memory_space<vmem>>
      %dma_start3A_79 = arith.constant 0 : i32
      %dma_start3A_80 = tpu.memref_slice %arg5[%dma_start3A_75, %dma_start3A_79] : memref<10x128xi32, #tpu.memory_space<vmem>> -> memref<1x128xi32, #tpu.memory_space<vmem>>
      %dma_start3A_81 = tpu.memref_squeeze %dma_start3A_80 : memref<1x128xi32, #tpu.memory_space<vmem>> -> memref<128xi32, #tpu.memory_space<vmem>>
      %dma_start3A_82 = arith.constant 0 : i32
      %dma_start3A_83 = arith.constant 0 : i32
      %dma_start3A_84 = tpu.memref_slice %arg2[%dma_start3A_82, %dma_start3A_83] : memref<100000x32xf32, #tpu.memory_space<hbm>> -> memref<100000x32xf32, #tpu.memory_space<hbm>>
      tpu.enqueue_indirect_dma source(%dma_start3A_84 : memref<100000x32xf32, #tpu.memory_space<hbm>>) target(%dma_start3A_78 : memref<128x32xf32, #tpu.memory_space<vmem>>) offsets(%dma_start3A_81 : memref<128xi32, #tpu.memory_space<vmem>>) semaphore(%arg9 : memref<!tpu.dma_semaphore, #tpu.memory_space<semaphore_mem>>)
      %dma_start3A_85 = arith.constant 6 : i32
      %dma_start3A_86 = arith.constant 768 : i32
      %dma_start3A_87 = arith.constant 0 : i32
      %dma_start3A_88 = tpu.memref_slice %arg7[%dma_start3A_86, %dma_start3A_87] : memref<1280x32xf32, #tpu.memory_space<vmem>> -> memref<128x32xf32, #tpu.memory_space<vmem>>
      %dma_start3A_89 = arith.constant 0 : i32
      %dma_start3A_90 = tpu.memref_slice %arg5[%dma_start3A_85, %dma_start3A_89] : memref<10x128xi32, #tpu.memory_space<vmem>> -> memref<1x128xi32, #tpu.memory_space<vmem>>
      %dma_start3A_91 = tpu.memref_squeeze %dma_start3A_90 : memref<1x128xi32, #tpu.memory_space<vmem>> -> memref<128xi32, #tpu.memory_space<vmem>>
      %dma_start3A_92 = arith.constant 0 : i32
      %dma_start3A_93 = arith.constant 0 : i32
      %dma_start3A_94 = tpu.memref_slice %arg2[%dma_start3A_92, %dma_start3A_93] : memref<100000x32xf32, #tpu.memory_space<hbm>> -> memref<100000x32xf32, #tpu.memory_space<hbm>>
      tpu.enqueue_indirect_dma source(%dma_start3A_94 : memref<100000x32xf32, #tpu.memory_space<hbm>>) target(%dma_start3A_88 : memref<128x32xf32, #tpu.memory_space<vmem>>) offsets(%dma_start3A_91 : memref<128xi32, #tpu.memory_space<vmem>>) semaphore(%arg9 : memref<!tpu.dma_semaphore, #tpu.memory_space<semaphore_mem>>)
      %dma_start3A_95 = arith.constant 7 : i32
      %dma_start3A_96 = arith.constant 896 : i32
      %dma_start3A_97 = arith.constant 0 : i32
      %dma_start3A_98 = tpu.memref_slice %arg7[%dma_start3A_96, %dma_start3A_97] : memref<1280x32xf32, #tpu.memory_space<vmem>> -> memref<128x32xf32, #tpu.memory_space<vmem>>
      %dma_start3A_99 = arith.constant 0 : i32
      %dma_start3A_100 = tpu.memref_slice %arg5[%dma_start3A_95, %dma_start3A_99] : memref<10x128xi32, #tpu.memory_space<vmem>> -> memref<1x128xi32, #tpu.memory_space<vmem>>
      %dma_start3A_101 = tpu.memref_squeeze %dma_start3A_100 : memref<1x128xi32, #tpu.memory_space<vmem>> -> memref<128xi32, #tpu.memory_space<vmem>>
      %dma_start3A_102 = arith.constant 0 : i32
      %dma_start3A_103 = arith.constant 0 : i32
      %dma_start3A_104 = tpu.memref_slice %arg2[%dma_start3A_102, %dma_start3A_103] : memref<100000x32xf32, #tpu.memory_space<hbm>> -> memref<100000x32xf32, #tpu.memory_space<hbm>>
      tpu.enqueue_indirect_dma source(%dma_start3A_104 : memref<100000x32xf32, #tpu.memory_space<hbm>>) target(%dma_start3A_98 : memref<128x32xf32, #tpu.memory_space<vmem>>) offsets(%dma_start3A_101 : memref<128xi32, #tpu.memory_space<vmem>>) semaphore(%arg9 : memref<!tpu.dma_semaphore, #tpu.memory_space<semaphore_mem>>)
      %dma_start3A_105 = arith.constant 8 : i32
      %dma_start3A_106 = arith.constant 1024 : i32
      %dma_start3A_107 = arith.constant 0 : i32
      %dma_start3A_108 = tpu.memref_slice %arg7[%dma_start3A_106, %dma_start3A_107] : memref<1280x32xf32, #tpu.memory_space<vmem>> -> memref<128x32xf32, #tpu.memory_space<vmem>>
      %dma_start3A_109 = arith.constant 0 : i32
      %dma_start3A_110 = tpu.memref_slice %arg5[%dma_start3A_105, %dma_start3A_109] : memref<10x128xi32, #tpu.memory_space<vmem>> -> memref<1x128xi32, #tpu.memory_space<vmem>>
      %dma_start3A_111 = tpu.memref_squeeze %dma_start3A_110 : memref<1x128xi32, #tpu.memory_space<vmem>> -> memref<128xi32, #tpu.memory_space<vmem>>
      %dma_start3A_112 = arith.constant 0 : i32
      %dma_start3A_113 = arith.constant 0 : i32
      %dma_start3A_114 = tpu.memref_slice %arg2[%dma_start3A_112, %dma_start3A_113] : memref<100000x32xf32, #tpu.memory_space<hbm>> -> memref<100000x32xf32, #tpu.memory_space<hbm>>
      tpu.enqueue_indirect_dma source(%dma_start3A_114 : memref<100000x32xf32, #tpu.memory_space<hbm>>) target(%dma_start3A_108 : memref<128x32xf32, #tpu.memory_space<vmem>>) offsets(%dma_start3A_111 : memref<128xi32, #tpu.memory_space<vmem>>) semaphore(%arg9 : memref<!tpu.dma_semaphore, #tpu.memory_space<semaphore_mem>>)
      %dma_start3A_115 = arith.constant 9 : i32
      %dma_start3A_116 = arith.constant 1152 : i32
      %dma_start3A_117 = arith.constant 0 : i32
      %dma_start3A_118 = tpu.memref_slice %arg7[%dma_start3A_116, %dma_start3A_117] : memref<1280x32xf32, #tpu.memory_space<vmem>> -> memref<128x32xf32, #tpu.memory_space<vmem>>
      %dma_start3A_119 = arith.constant 0 : i32
      %dma_start3A_120 = tpu.memref_slice %arg5[%dma_start3A_115, %dma_start3A_119] : memref<10x128xi32, #tpu.memory_space<vmem>> -> memref<1x128xi32, #tpu.memory_space<vmem>>
      %dma_start3A_121 = tpu.memref_squeeze %dma_start3A_120 : memref<1x128xi32, #tpu.memory_space<vmem>> -> memref<128xi32, #tpu.memory_space<vmem>>
      %dma_start3A_122 = arith.constant 0 : i32
      %dma_start3A_123 = arith.constant 0 : i32
      %dma_start3A_124 = tpu.memref_slice %arg2[%dma_start3A_122, %dma_start3A_123] : memref<100000x32xf32, #tpu.memory_space<hbm>> -> memref<100000x32xf32, #tpu.memory_space<hbm>>
      tpu.enqueue_indirect_dma source(%dma_start3A_124 : memref<100000x32xf32, #tpu.memory_space<hbm>>) target(%dma_start3A_118 : memref<128x32xf32, #tpu.memory_space<vmem>>) offsets(%dma_start3A_121 : memref<128xi32, #tpu.memory_space<vmem>>) semaphore(%arg9 : memref<!tpu.dma_semaphore, #tpu.memory_space<semaphore_mem>>)
      %dma_wait3A_125 = arith.constant 0 : i32
      %dma_wait3A_126 = arith.constant 0 : i32
      %dma_wait3A_127 = arith.constant 0 : i32
      %dma_wait3A_128 = tpu.memref_slice %arg7[%dma_wait3A_126, %dma_wait3A_127] : memref<1280x32xf32, #tpu.memory_space<vmem>> -> memref<128x32xf32, #tpu.memory_space<vmem>>
      %dma_wait3A_129 = arith.constant 0 : i32
      %dma_wait3A_130 = tpu.memref_slice %arg5[%dma_wait3A_125, %dma_wait3A_129] : memref<10x128xi32, #tpu.memory_space<vmem>> -> memref<1x128xi32, #tpu.memory_space<vmem>>
      %dma_wait3A_131 = tpu.memref_squeeze %dma_wait3A_130 : memref<1x128xi32, #tpu.memory_space<vmem>> -> memref<128xi32, #tpu.memory_space<vmem>>
      %dma_wait3A_132 = arith.constant 0 : i32
      %dma_wait3A_133 = arith.constant 0 : i32
      %dma_wait3A_134 = tpu.memref_slice %arg2[%dma_wait3A_132, %dma_wait3A_133] : memref<100000x32xf32, #tpu.memory_space<hbm>> -> memref<100000x32xf32, #tpu.memory_space<hbm>>
      tpu.wait_indirect_dma semaphore(%arg9 : memref<!tpu.dma_semaphore, #tpu.memory_space<semaphore_mem>>) src(%dma_wait3A_134 : memref<100000x32xf32, #tpu.memory_space<hbm>>) dst(%dma_wait3A_128 : memref<128x32xf32, #tpu.memory_space<vmem>>)
      %dma_wait3A_135 = arith.constant 1 : i32
      %dma_wait3A_136 = arith.constant 128 : i32
      %dma_wait3A_137 = arith.constant 0 : i32
      %dma_wait3A_138 = tpu.memref_slice %arg7[%dma_wait3A_136, %dma_wait3A_137] : memref<1280x32xf32, #tpu.memory_space<vmem>> -> memref<128x32xf32, #tpu.memory_space<vmem>>
      %dma_wait3A_139 = arith.constant 0 : i32
      %dma_wait3A_140 = tpu.memref_slice %arg5[%dma_wait3A_135, %dma_wait3A_139] : memref<10x128xi32, #tpu.memory_space<vmem>> -> memref<1x128xi32, #tpu.memory_space<vmem>>
      %dma_wait3A_141 = tpu.memref_squeeze %dma_wait3A_140 : memref<1x128xi32, #tpu.memory_space<vmem>> -> memref<128xi32, #tpu.memory_space<vmem>>
      %dma_wait3A_142 = arith.constant 0 : i32
      %dma_wait3A_143 = arith.constant 0 : i32
      %dma_wait3A_144 = tpu.memref_slice %arg2[%dma_wait3A_142, %dma_wait3A_143] : memref<100000x32xf32, #tpu.memory_space<hbm>> -> memref<100000x32xf32, #tpu.memory_space<hbm>>
      tpu.wait_indirect_dma semaphore(%arg9 : memref<!tpu.dma_semaphore, #tpu.memory_space<semaphore_mem>>) src(%dma_wait3A_144 : memref<100000x32xf32, #tpu.memory_space<hbm>>) dst(%dma_wait3A_138 : memref<128x32xf32, #tpu.memory_space<vmem>>)
      %dma_wait3A_145 = arith.constant 2 : i32
      %dma_wait3A_146 = arith.constant 256 : i32
      %dma_wait3A_147 = arith.constant 0 : i32
      %dma_wait3A_148 = tpu.memref_slice %arg7[%dma_wait3A_146, %dma_wait3A_147] : memref<1280x32xf32, #tpu.memory_space<vmem>> -> memref<128x32xf32, #tpu.memory_space<vmem>>
      %dma_wait3A_149 = arith.constant 0 : i32
      %dma_wait3A_150 = tpu.memref_slice %arg5[%dma_wait3A_145, %dma_wait3A_149] : memref<10x128xi32, #tpu.memory_space<vmem>> -> memref<1x128xi32, #tpu.memory_space<vmem>>
      %dma_wait3A_151 = tpu.memref_squeeze %dma_wait3A_150 : memref<1x128xi32, #tpu.memory_space<vmem>> -> memref<128xi32, #tpu.memory_space<vmem>>
      %dma_wait3A_152 = arith.constant 0 : i32
      %dma_wait3A_153 = arith.constant 0 : i32
      %dma_wait3A_154 = tpu.memref_slice %arg2[%dma_wait3A_152, %dma_wait3A_153] : memref<100000x32xf32, #tpu.memory_space<hbm>> -> memref<100000x32xf32, #tpu.memory_space<hbm>>
      tpu.wait_indirect_dma semaphore(%arg9 : memref<!tpu.dma_semaphore, #tpu.memory_space<semaphore_mem>>) src(%dma_wait3A_154 : memref<100000x32xf32, #tpu.memory_space<hbm>>) dst(%dma_wait3A_148 : memref<128x32xf32, #tpu.memory_space<vmem>>)
      %dma_wait3A_155 = arith.constant 3 : i32
      %dma_wait3A_156 = arith.constant 384 : i32
      %dma_wait3A_157 = arith.constant 0 : i32
      %dma_wait3A_158 = tpu.memref_slice %arg7[%dma_wait3A_156, %dma_wait3A_157] : memref<1280x32xf32, #tpu.memory_space<vmem>> -> memref<128x32xf32, #tpu.memory_space<vmem>>
      %dma_wait3A_159 = arith.constant 0 : i32
      %dma_wait3A_160 = tpu.memref_slice %arg5[%dma_wait3A_155, %dma_wait3A_159] : memref<10x128xi32, #tpu.memory_space<vmem>> -> memref<1x128xi32, #tpu.memory_space<vmem>>
      %dma_wait3A_161 = tpu.memref_squeeze %dma_wait3A_160 : memref<1x128xi32, #tpu.memory_space<vmem>> -> memref<128xi32, #tpu.memory_space<vmem>>
      %dma_wait3A_162 = arith.constant 0 : i32
      %dma_wait3A_163 = arith.constant 0 : i32
      %dma_wait3A_164 = tpu.memref_slice %arg2[%dma_wait3A_162, %dma_wait3A_163] : memref<100000x32xf32, #tpu.memory_space<hbm>> -> memref<100000x32xf32, #tpu.memory_space<hbm>>
      tpu.wait_indirect_dma semaphore(%arg9 : memref<!tpu.dma_semaphore, #tpu.memory_space<semaphore_mem>>) src(%dma_wait3A_164 : memref<100000x32xf32, #tpu.memory_space<hbm>>) dst(%dma_wait3A_158 : memref<128x32xf32, #tpu.memory_space<vmem>>)
      %dma_wait3A_165 = arith.constant 4 : i32
      %dma_wait3A_166 = arith.constant 512 : i32
      %dma_wait3A_167 = arith.constant 0 : i32
      %dma_wait3A_168 = tpu.memref_slice %arg7[%dma_wait3A_166, %dma_wait3A_167] : memref<1280x32xf32, #tpu.memory_space<vmem>> -> memref<128x32xf32, #tpu.memory_space<vmem>>
      %dma_wait3A_169 = arith.constant 0 : i32
      %dma_wait3A_170 = tpu.memref_slice %arg5[%dma_wait3A_165, %dma_wait3A_169] : memref<10x128xi32, #tpu.memory_space<vmem>> -> memref<1x128xi32, #tpu.memory_space<vmem>>
      %dma_wait3A_171 = tpu.memref_squeeze %dma_wait3A_170 : memref<1x128xi32, #tpu.memory_space<vmem>> -> memref<128xi32, #tpu.memory_space<vmem>>
      %dma_wait3A_172 = arith.constant 0 : i32
      %dma_wait3A_173 = arith.constant 0 : i32
      %dma_wait3A_174 = tpu.memref_slice %arg2[%dma_wait3A_172, %dma_wait3A_173] : memref<100000x32xf32, #tpu.memory_space<hbm>> -> memref<100000x32xf32, #tpu.memory_space<hbm>>
      tpu.wait_indirect_dma semaphore(%arg9 : memref<!tpu.dma_semaphore, #tpu.memory_space<semaphore_mem>>) src(%dma_wait3A_174 : memref<100000x32xf32, #tpu.memory_space<hbm>>) dst(%dma_wait3A_168 : memref<128x32xf32, #tpu.memory_space<vmem>>)
      %dma_wait3A_175 = arith.constant 5 : i32
      %dma_wait3A_176 = arith.constant 640 : i32
      %dma_wait3A_177 = arith.constant 0 : i32
      %dma_wait3A_178 = tpu.memref_slice %arg7[%dma_wait3A_176, %dma_wait3A_177] : memref<1280x32xf32, #tpu.memory_space<vmem>> -> memref<128x32xf32, #tpu.memory_space<vmem>>
      %dma_wait3A_179 = arith.constant 0 : i32
      %dma_wait3A_180 = tpu.memref_slice %arg5[%dma_wait3A_175, %dma_wait3A_179] : memref<10x128xi32, #tpu.memory_space<vmem>> -> memref<1x128xi32, #tpu.memory_space<vmem>>
      %dma_wait3A_181 = tpu.memref_squeeze %dma_wait3A_180 : memref<1x128xi32, #tpu.memory_space<vmem>> -> memref<128xi32, #tpu.memory_space<vmem>>
      %dma_wait3A_182 = arith.constant 0 : i32
      %dma_wait3A_183 = arith.constant 0 : i32
      %dma_wait3A_184 = tpu.memref_slice %arg2[%dma_wait3A_182, %dma_wait3A_183] : memref<100000x32xf32, #tpu.memory_space<hbm>> -> memref<100000x32xf32, #tpu.memory_space<hbm>>
      tpu.wait_indirect_dma semaphore(%arg9 : memref<!tpu.dma_semaphore, #tpu.memory_space<semaphore_mem>>) src(%dma_wait3A_184 : memref<100000x32xf32, #tpu.memory_space<hbm>>) dst(%dma_wait3A_178 : memref<128x32xf32, #tpu.memory_space<vmem>>)
      %dma_wait3A_185 = arith.constant 6 : i32
      %dma_wait3A_186 = arith.constant 768 : i32
      %dma_wait3A_187 = arith.constant 0 : i32
      %dma_wait3A_188 = tpu.memref_slice %arg7[%dma_wait3A_186, %dma_wait3A_187] : memref<1280x32xf32, #tpu.memory_space<vmem>> -> memref<128x32xf32, #tpu.memory_space<vmem>>
      %dma_wait3A_189 = arith.constant 0 : i32
      %dma_wait3A_190 = tpu.memref_slice %arg5[%dma_wait3A_185, %dma_wait3A_189] : memref<10x128xi32, #tpu.memory_space<vmem>> -> memref<1x128xi32, #tpu.memory_space<vmem>>
      %dma_wait3A_191 = tpu.memref_squeeze %dma_wait3A_190 : memref<1x128xi32, #tpu.memory_space<vmem>> -> memref<128xi32, #tpu.memory_space<vmem>>
      %dma_wait3A_192 = arith.constant 0 : i32
      %dma_wait3A_193 = arith.constant 0 : i32
      %dma_wait3A_194 = tpu.memref_slice %arg2[%dma_wait3A_192, %dma_wait3A_193] : memref<100000x32xf32, #tpu.memory_space<hbm>> -> memref<100000x32xf32, #tpu.memory_space<hbm>>
      tpu.wait_indirect_dma semaphore(%arg9 : memref<!tpu.dma_semaphore, #tpu.memory_space<semaphore_mem>>) src(%dma_wait3A_194 : memref<100000x32xf32, #tpu.memory_space<hbm>>) dst(%dma_wait3A_188 : memref<128x32xf32, #tpu.memory_space<vmem>>)
      %dma_wait3A_195 = arith.constant 7 : i32
      %dma_wait3A_196 = arith.constant 896 : i32
      %dma_wait3A_197 = arith.constant 0 : i32
      %dma_wait3A_198 = tpu.memref_slice %arg7[%dma_wait3A_196, %dma_wait3A_197] : memref<1280x32xf32, #tpu.memory_space<vmem>> -> memref<128x32xf32, #tpu.memory_space<vmem>>
      %dma_wait3A_199 = arith.constant 0 : i32
      %dma_wait3A_200 = tpu.memref_slice %arg5[%dma_wait3A_195, %dma_wait3A_199] : memref<10x128xi32, #tpu.memory_space<vmem>> -> memref<1x128xi32, #tpu.memory_space<vmem>>
      %dma_wait3A_201 = tpu.memref_squeeze %dma_wait3A_200 : memref<1x128xi32, #tpu.memory_space<vmem>> -> memref<128xi32, #tpu.memory_space<vmem>>
      %dma_wait3A_202 = arith.constant 0 : i32
      %dma_wait3A_203 = arith.constant 0 : i32
      %dma_wait3A_204 = tpu.memref_slice %arg2[%dma_wait3A_202, %dma_wait3A_203] : memref<100000x32xf32, #tpu.memory_space<hbm>> -> memref<100000x32xf32, #tpu.memory_space<hbm>>
      tpu.wait_indirect_dma semaphore(%arg9 : memref<!tpu.dma_semaphore, #tpu.memory_space<semaphore_mem>>) src(%dma_wait3A_204 : memref<100000x32xf32, #tpu.memory_space<hbm>>) dst(%dma_wait3A_198 : memref<128x32xf32, #tpu.memory_space<vmem>>)
      %dma_wait3A_205 = arith.constant 8 : i32
      %dma_wait3A_206 = arith.constant 1024 : i32
      %dma_wait3A_207 = arith.constant 0 : i32
      %dma_wait3A_208 = tpu.memref_slice %arg7[%dma_wait3A_206, %dma_wait3A_207] : memref<1280x32xf32, #tpu.memory_space<vmem>> -> memref<128x32xf32, #tpu.memory_space<vmem>>
      %dma_wait3A_209 = arith.constant 0 : i32
      %dma_wait3A_210 = tpu.memref_slice %arg5[%dma_wait3A_205, %dma_wait3A_209] : memref<10x128xi32, #tpu.memory_space<vmem>> -> memref<1x128xi32, #tpu.memory_space<vmem>>
      %dma_wait3A_211 = tpu.memref_squeeze %dma_wait3A_210 : memref<1x128xi32, #tpu.memory_space<vmem>> -> memref<128xi32, #tpu.memory_space<vmem>>
      %dma_wait3A_212 = arith.constant 0 : i32
      %dma_wait3A_213 = arith.constant 0 : i32
      %dma_wait3A_214 = tpu.memref_slice %arg2[%dma_wait3A_212, %dma_wait3A_213] : memref<100000x32xf32, #tpu.memory_space<hbm>> -> memref<100000x32xf32, #tpu.memory_space<hbm>>
      tpu.wait_indirect_dma semaphore(%arg9 : memref<!tpu.dma_semaphore, #tpu.memory_space<semaphore_mem>>) src(%dma_wait3A_214 : memref<100000x32xf32, #tpu.memory_space<hbm>>) dst(%dma_wait3A_208 : memref<128x32xf32, #tpu.memory_space<vmem>>)
      %dma_wait3A_215 = arith.constant 9 : i32
      %dma_wait3A_216 = arith.constant 1152 : i32
      %dma_wait3A_217 = arith.constant 0 : i32
      %dma_wait3A_218 = tpu.memref_slice %arg7[%dma_wait3A_216, %dma_wait3A_217] : memref<1280x32xf32, #tpu.memory_space<vmem>> -> memref<128x32xf32, #tpu.memory_space<vmem>>
      %dma_wait3A_219 = arith.constant 0 : i32
      %dma_wait3A_220 = tpu.memref_slice %arg5[%dma_wait3A_215, %dma_wait3A_219] : memref<10x128xi32, #tpu.memory_space<vmem>> -> memref<1x128xi32, #tpu.memory_space<vmem>>
      %dma_wait3A_221 = tpu.memref_squeeze %dma_wait3A_220 : memref<1x128xi32, #tpu.memory_space<vmem>> -> memref<128xi32, #tpu.memory_space<vmem>>
      %dma_wait3A_222 = arith.constant 0 : i32
      %dma_wait3A_223 = arith.constant 0 : i32
      %dma_wait3A_224 = tpu.memref_slice %arg2[%dma_wait3A_222, %dma_wait3A_223] : memref<100000x32xf32, #tpu.memory_space<hbm>> -> memref<100000x32xf32, #tpu.memory_space<hbm>>
      tpu.wait_indirect_dma semaphore(%arg9 : memref<!tpu.dma_semaphore, #tpu.memory_space<semaphore_mem>>) src(%dma_wait3A_224 : memref<100000x32xf32, #tpu.memory_space<hbm>>) dst(%dma_wait3A_218 : memref<128x32xf32, #tpu.memory_space<vmem>>)
      %dma_start3A_225 = arith.constant 0 : i32
      %dma_start3A_226 = tpu.memref_slice %arg4[%mul3A_25, %dma_start3A_225] : memref<819200x32xf32, #tpu.memory_space<hbm>> -> memref<1280x32xf32, #tpu.memory_space<hbm>>
      %dma_start3A_227 = arith.constant 0 : i32
      %dma_start3A_228 = tpu.memref_slice %arg4[%mul3A_25, %dma_start3A_227] : memref<819200x32xf32, #tpu.memory_space<hbm>> -> memref<1280x32xf32, #tpu.memory_space<hbm>>
      tpu.enqueue_dma source(%arg7 : memref<1280x32xf32, #tpu.memory_space<vmem>>) target(%dma_start3A_228 : memref<1280x32xf32, #tpu.memory_space<hbm>>) target_semaphore(%arg10 : memref<!tpu.dma_semaphore, #tpu.memory_space<semaphore_mem>>)
      %ge3A_229 = arith.constant 1 : i32
      %ge3A_230 = arith.cmpi sge, %scan3A_16, %ge3A_229 : i32
      %convert_element_type3A_231 = arith.extui %ge3A_230 : i1 to i32
      %cond3A_232 = arith.constant 0 : i32
      %cond3A_233 = arith.cmpi ne, %convert_element_type3A_231, %cond3A_232 : i32
      scf.if %cond3A_233 {
        %dma_wait3A_447 = arith.constant 0 : i32
        %dma_wait3A_448 = arith.constant 0 : i32
        %dma_wait3A_449 = tpu.memref_slice %arg4[%dma_wait3A_447, %dma_wait3A_448] : memref<819200x32xf32, #tpu.memory_space<hbm>> -> memref<1280x32xf32, #tpu.memory_space<hbm>>
        %dma_wait3A_450 = arith.constant 0 : i32
        %dma_wait3A_451 = arith.constant 0 : i32
        %dma_wait3A_452 = tpu.memref_slice %arg4[%dma_wait3A_450, %dma_wait3A_451] : memref<819200x32xf32, #tpu.memory_space<hbm>> -> memref<1280x32xf32, #tpu.memory_space<hbm>>
        tpu.wait_dma2 semaphore(%arg11 : memref<!tpu.dma_semaphore, #tpu.memory_space<semaphore_mem>>) src(%dma_wait3A_452 : memref<1280x32xf32, #tpu.memory_space<hbm>>) dst(%arg8 : memref<1280x32xf32, #tpu.memory_space<vmem>>)
      } else {
      }
      %mul3A_234 = arith.constant 2 : i32
      %mul3A_235 = arith.muli %mul3A_234, %scan3A_16 : i32
      %add3A_236 = arith.constant 1 : i32
      %add3A_237 = arith.addi %mul3A_235, %add3A_236 : i32
      %mul3A_238 = arith.constant 20 : i32
      %mul3A_239 = arith.muli %add3A, %mul3A_238 : i32
      %add3A_240 = arith.addi %mul3A_239, %add3A_237 : i32
      %mul3A_241 = arith.constant 1280 : i32
      %mul3A_242 = arith.muli %add3A_240, %mul3A_241 : i32
      "tpu.region"() ({
        %run_scoped3A = tpu.sem_alloc : memref<!tpu.dma_semaphore, #tpu.memory_space<semaphore_mem>>
        %dma_start3A_447 = arith.constant 0 : i32
        %dma_start3A_448 = arith.constant 0 : i32
        %dma_start3A_449 = tpu.memref_slice %arg3[%add3A, %add3A_237, %dma_start3A_447, %dma_start3A_448] : memref<32x20x10x128xi32, #tpu.memory_space<hbm>> -> memref<1x1x10x128xi32, #tpu.memory_space<hbm>>
        %dma_start3A_450 = tpu.memref_squeeze %dma_start3A_449 : memref<1x1x10x128xi32, #tpu.memory_space<hbm>> -> memref<10x128xi32, #tpu.memory_space<hbm>>
        %dma_start3A_451 = arith.constant 0 : i32
        %dma_start3A_452 = arith.constant 0 : i32
        %dma_start3A_453 = tpu.memref_slice %arg3[%add3A, %add3A_237, %dma_start3A_451, %dma_start3A_452] : memref<32x20x10x128xi32, #tpu.memory_space<hbm>> -> memref<1x1x10x128xi32, #tpu.memory_space<hbm>>
        %dma_start3A_454 = tpu.memref_squeeze %dma_start3A_453 : memref<1x1x10x128xi32, #tpu.memory_space<hbm>> -> memref<10x128xi32, #tpu.memory_space<hbm>>
        tpu.enqueue_dma source(%dma_start3A_454 : memref<10x128xi32, #tpu.memory_space<hbm>>) target(%arg6 : memref<10x128xi32, #tpu.memory_space<vmem>>) target_semaphore(%run_scoped3A : memref<!tpu.dma_semaphore, #tpu.memory_space<semaphore_mem>>)
        %dma_wait3A_455 = arith.constant 0 : i32
        %dma_wait3A_456 = arith.constant 0 : i32
        %dma_wait3A_457 = tpu.memref_slice %arg3[%add3A, %add3A_237, %dma_wait3A_455, %dma_wait3A_456] : memref<32x20x10x128xi32, #tpu.memory_space<hbm>> -> memref<1x1x10x128xi32, #tpu.memory_space<hbm>>
        %dma_wait3A_458 = tpu.memref_squeeze %dma_wait3A_457 : memref<1x1x10x128xi32, #tpu.memory_space<hbm>> -> memref<10x128xi32, #tpu.memory_space<hbm>>
        %dma_wait3A_459 = arith.constant 0 : i32
        %dma_wait3A_460 = arith.constant 0 : i32
        %dma_wait3A_461 = tpu.memref_slice %arg3[%add3A, %add3A_237, %dma_wait3A_459, %dma_wait3A_460] : memref<32x20x10x128xi32, #tpu.memory_space<hbm>> -> memref<1x1x10x128xi32, #tpu.memory_space<hbm>>
        %dma_wait3A_462 = tpu.memref_squeeze %dma_wait3A_461 : memref<1x1x10x128xi32, #tpu.memory_space<hbm>> -> memref<10x128xi32, #tpu.memory_space<hbm>>
        tpu.wait_dma2 semaphore(%run_scoped3A : memref<!tpu.dma_semaphore, #tpu.memory_space<semaphore_mem>>) src(%dma_wait3A_462 : memref<10x128xi32, #tpu.memory_space<hbm>>) dst(%arg6 : memref<10x128xi32, #tpu.memory_space<vmem>>)
        tpu.yield
      }) : () -> ()
      %dma_start3A_243 = arith.constant 0 : i32
      %dma_start3A_244 = arith.constant 0 : i32
      %dma_start3A_245 = arith.constant 0 : i32
      %dma_start3A_246 = tpu.memref_slice %arg8[%dma_start3A_244, %dma_start3A_245] : memref<1280x32xf32, #tpu.memory_space<vmem>> -> memref<128x32xf32, #tpu.memory_space<vmem>>
      %dma_start3A_247 = arith.constant 0 : i32
      %dma_start3A_248 = tpu.memref_slice %arg6[%dma_start3A_243, %dma_start3A_247] : memref<10x128xi32, #tpu.memory_space<vmem>> -> memref<1x128xi32, #tpu.memory_space<vmem>>
      %dma_start3A_249 = tpu.memref_squeeze %dma_start3A_248 : memref<1x128xi32, #tpu.memory_space<vmem>> -> memref<128xi32, #tpu.memory_space<vmem>>
      %dma_start3A_250 = arith.constant 0 : i32
      %dma_start3A_251 = arith.constant 0 : i32
      %dma_start3A_252 = tpu.memref_slice %arg2[%dma_start3A_250, %dma_start3A_251] : memref<100000x32xf32, #tpu.memory_space<hbm>> -> memref<100000x32xf32, #tpu.memory_space<hbm>>
      tpu.enqueue_indirect_dma source(%dma_start3A_252 : memref<100000x32xf32, #tpu.memory_space<hbm>>) target(%dma_start3A_246 : memref<128x32xf32, #tpu.memory_space<vmem>>) offsets(%dma_start3A_249 : memref<128xi32, #tpu.memory_space<vmem>>) semaphore(%arg9 : memref<!tpu.dma_semaphore, #tpu.memory_space<semaphore_mem>>)
      %dma_start3A_253 = arith.constant 1 : i32
      %dma_start3A_254 = arith.constant 128 : i32
      %dma_start3A_255 = arith.constant 0 : i32
      %dma_start3A_256 = tpu.memref_slice %arg8[%dma_start3A_254, %dma_start3A_255] : memref<1280x32xf32, #tpu.memory_space<vmem>> -> memref<128x32xf32, #tpu.memory_space<vmem>>
      %dma_start3A_257 = arith.constant 0 : i32
      %dma_start3A_258 = tpu.memref_slice %arg6[%dma_start3A_253, %dma_start3A_257] : memref<10x128xi32, #tpu.memory_space<vmem>> -> memref<1x128xi32, #tpu.memory_space<vmem>>
      %dma_start3A_259 = tpu.memref_squeeze %dma_start3A_258 : memref<1x128xi32, #tpu.memory_space<vmem>> -> memref<128xi32, #tpu.memory_space<vmem>>
      %dma_start3A_260 = arith.constant 0 : i32
      %dma_start3A_261 = arith.constant 0 : i32
      %dma_start3A_262 = tpu.memref_slice %arg2[%dma_start3A_260, %dma_start3A_261] : memref<100000x32xf32, #tpu.memory_space<hbm>> -> memref<100000x32xf32, #tpu.memory_space<hbm>>
      tpu.enqueue_indirect_dma source(%dma_start3A_262 : memref<100000x32xf32, #tpu.memory_space<hbm>>) target(%dma_start3A_256 : memref<128x32xf32, #tpu.memory_space<vmem>>) offsets(%dma_start3A_259 : memref<128xi32, #tpu.memory_space<vmem>>) semaphore(%arg9 : memref<!tpu.dma_semaphore, #tpu.memory_space<semaphore_mem>>)
      %dma_start3A_263 = arith.constant 2 : i32
      %dma_start3A_264 = arith.constant 256 : i32
      %dma_start3A_265 = arith.constant 0 : i32
      %dma_start3A_266 = tpu.memref_slice %arg8[%dma_start3A_264, %dma_start3A_265] : memref<1280x32xf32, #tpu.memory_space<vmem>> -> memref<128x32xf32, #tpu.memory_space<vmem>>
      %dma_start3A_267 = arith.constant 0 : i32
      %dma_start3A_268 = tpu.memref_slice %arg6[%dma_start3A_263, %dma_start3A_267] : memref<10x128xi32, #tpu.memory_space<vmem>> -> memref<1x128xi32, #tpu.memory_space<vmem>>
      %dma_start3A_269 = tpu.memref_squeeze %dma_start3A_268 : memref<1x128xi32, #tpu.memory_space<vmem>> -> memref<128xi32, #tpu.memory_space<vmem>>
      %dma_start3A_270 = arith.constant 0 : i32
      %dma_start3A_271 = arith.constant 0 : i32
      %dma_start3A_272 = tpu.memref_slice %arg2[%dma_start3A_270, %dma_start3A_271] : memref<100000x32xf32, #tpu.memory_space<hbm>> -> memref<100000x32xf32, #tpu.memory_space<hbm>>
      tpu.enqueue_indirect_dma source(%dma_start3A_272 : memref<100000x32xf32, #tpu.memory_space<hbm>>) target(%dma_start3A_266 : memref<128x32xf32, #tpu.memory_space<vmem>>) offsets(%dma_start3A_269 : memref<128xi32, #tpu.memory_space<vmem>>) semaphore(%arg9 : memref<!tpu.dma_semaphore, #tpu.memory_space<semaphore_mem>>)
      %dma_start3A_273 = arith.constant 3 : i32
      %dma_start3A_274 = arith.constant 384 : i32
      %dma_start3A_275 = arith.constant 0 : i32
      %dma_start3A_276 = tpu.memref_slice %arg8[%dma_start3A_274, %dma_start3A_275] : memref<1280x32xf32, #tpu.memory_space<vmem>> -> memref<128x32xf32, #tpu.memory_space<vmem>>
      %dma_start3A_277 = arith.constant 0 : i32
      %dma_start3A_278 = tpu.memref_slice %arg6[%dma_start3A_273, %dma_start3A_277] : memref<10x128xi32, #tpu.memory_space<vmem>> -> memref<1x128xi32, #tpu.memory_space<vmem>>
      %dma_start3A_279 = tpu.memref_squeeze %dma_start3A_278 : memref<1x128xi32, #tpu.memory_space<vmem>> -> memref<128xi32, #tpu.memory_space<vmem>>
      %dma_start3A_280 = arith.constant 0 : i32
      %dma_start3A_281 = arith.constant 0 : i32
      %dma_start3A_282 = tpu.memref_slice %arg2[%dma_start3A_280, %dma_start3A_281] : memref<100000x32xf32, #tpu.memory_space<hbm>> -> memref<100000x32xf32, #tpu.memory_space<hbm>>
      tpu.enqueue_indirect_dma source(%dma_start3A_282 : memref<100000x32xf32, #tpu.memory_space<hbm>>) target(%dma_start3A_276 : memref<128x32xf32, #tpu.memory_space<vmem>>) offsets(%dma_start3A_279 : memref<128xi32, #tpu.memory_space<vmem>>) semaphore(%arg9 : memref<!tpu.dma_semaphore, #tpu.memory_space<semaphore_mem>>)
      %dma_start3A_283 = arith.constant 4 : i32
      %dma_start3A_284 = arith.constant 512 : i32
      %dma_start3A_285 = arith.constant 0 : i32
      %dma_start3A_286 = tpu.memref_slice %arg8[%dma_start3A_284, %dma_start3A_285] : memref<1280x32xf32, #tpu.memory_space<vmem>> -> memref<128x32xf32, #tpu.memory_space<vmem>>
      %dma_start3A_287 = arith.constant 0 : i32
      %dma_start3A_288 = tpu.memref_slice %arg6[%dma_start3A_283, %dma_start3A_287] : memref<10x128xi32, #tpu.memory_space<vmem>> -> memref<1x128xi32, #tpu.memory_space<vmem>>
      %dma_start3A_289 = tpu.memref_squeeze %dma_start3A_288 : memref<1x128xi32, #tpu.memory_space<vmem>> -> memref<128xi32, #tpu.memory_space<vmem>>
      %dma_start3A_290 = arith.constant 0 : i32
      %dma_start3A_291 = arith.constant 0 : i32
      %dma_start3A_292 = tpu.memref_slice %arg2[%dma_start3A_290, %dma_start3A_291] : memref<100000x32xf32, #tpu.memory_space<hbm>> -> memref<100000x32xf32, #tpu.memory_space<hbm>>
      tpu.enqueue_indirect_dma source(%dma_start3A_292 : memref<100000x32xf32, #tpu.memory_space<hbm>>) target(%dma_start3A_286 : memref<128x32xf32, #tpu.memory_space<vmem>>) offsets(%dma_start3A_289 : memref<128xi32, #tpu.memory_space<vmem>>) semaphore(%arg9 : memref<!tpu.dma_semaphore, #tpu.memory_space<semaphore_mem>>)
      %dma_start3A_293 = arith.constant 5 : i32
      %dma_start3A_294 = arith.constant 640 : i32
      %dma_start3A_295 = arith.constant 0 : i32
      %dma_start3A_296 = tpu.memref_slice %arg8[%dma_start3A_294, %dma_start3A_295] : memref<1280x32xf32, #tpu.memory_space<vmem>> -> memref<128x32xf32, #tpu.memory_space<vmem>>
      %dma_start3A_297 = arith.constant 0 : i32
      %dma_start3A_298 = tpu.memref_slice %arg6[%dma_start3A_293, %dma_start3A_297] : memref<10x128xi32, #tpu.memory_space<vmem>> -> memref<1x128xi32, #tpu.memory_space<vmem>>
      %dma_start3A_299 = tpu.memref_squeeze %dma_start3A_298 : memref<1x128xi32, #tpu.memory_space<vmem>> -> memref<128xi32, #tpu.memory_space<vmem>>
      %dma_start3A_300 = arith.constant 0 : i32
      %dma_start3A_301 = arith.constant 0 : i32
      %dma_start3A_302 = tpu.memref_slice %arg2[%dma_start3A_300, %dma_start3A_301] : memref<100000x32xf32, #tpu.memory_space<hbm>> -> memref<100000x32xf32, #tpu.memory_space<hbm>>
      tpu.enqueue_indirect_dma source(%dma_start3A_302 : memref<100000x32xf32, #tpu.memory_space<hbm>>) target(%dma_start3A_296 : memref<128x32xf32, #tpu.memory_space<vmem>>) offsets(%dma_start3A_299 : memref<128xi32, #tpu.memory_space<vmem>>) semaphore(%arg9 : memref<!tpu.dma_semaphore, #tpu.memory_space<semaphore_mem>>)
      %dma_start3A_303 = arith.constant 6 : i32
      %dma_start3A_304 = arith.constant 768 : i32
      %dma_start3A_305 = arith.constant 0 : i32
      %dma_start3A_306 = tpu.memref_slice %arg8[%dma_start3A_304, %dma_start3A_305] : memref<1280x32xf32, #tpu.memory_space<vmem>> -> memref<128x32xf32, #tpu.memory_space<vmem>>
      %dma_start3A_307 = arith.constant 0 : i32
      %dma_start3A_308 = tpu.memref_slice %arg6[%dma_start3A_303, %dma_start3A_307] : memref<10x128xi32, #tpu.memory_space<vmem>> -> memref<1x128xi32, #tpu.memory_space<vmem>>
      %dma_start3A_309 = tpu.memref_squeeze %dma_start3A_308 : memref<1x128xi32, #tpu.memory_space<vmem>> -> memref<128xi32, #tpu.memory_space<vmem>>
      %dma_start3A_310 = arith.constant 0 : i32
      %dma_start3A_311 = arith.constant 0 : i32
      %dma_start3A_312 = tpu.memref_slice %arg2[%dma_start3A_310, %dma_start3A_311] : memref<100000x32xf32, #tpu.memory_space<hbm>> -> memref<100000x32xf32, #tpu.memory_space<hbm>>
      tpu.enqueue_indirect_dma source(%dma_start3A_312 : memref<100000x32xf32, #tpu.memory_space<hbm>>) target(%dma_start3A_306 : memref<128x32xf32, #tpu.memory_space<vmem>>) offsets(%dma_start3A_309 : memref<128xi32, #tpu.memory_space<vmem>>) semaphore(%arg9 : memref<!tpu.dma_semaphore, #tpu.memory_space<semaphore_mem>>)
      %dma_start3A_313 = arith.constant 7 : i32
      %dma_start3A_314 = arith.constant 896 : i32
      %dma_start3A_315 = arith.constant 0 : i32
      %dma_start3A_316 = tpu.memref_slice %arg8[%dma_start3A_314, %dma_start3A_315] : memref<1280x32xf32, #tpu.memory_space<vmem>> -> memref<128x32xf32, #tpu.memory_space<vmem>>
      %dma_start3A_317 = arith.constant 0 : i32
      %dma_start3A_318 = tpu.memref_slice %arg6[%dma_start3A_313, %dma_start3A_317] : memref<10x128xi32, #tpu.memory_space<vmem>> -> memref<1x128xi32, #tpu.memory_space<vmem>>
      %dma_start3A_319 = tpu.memref_squeeze %dma_start3A_318 : memref<1x128xi32, #tpu.memory_space<vmem>> -> memref<128xi32, #tpu.memory_space<vmem>>
      %dma_start3A_320 = arith.constant 0 : i32
      %dma_start3A_321 = arith.constant 0 : i32
      %dma_start3A_322 = tpu.memref_slice %arg2[%dma_start3A_320, %dma_start3A_321] : memref<100000x32xf32, #tpu.memory_space<hbm>> -> memref<100000x32xf32, #tpu.memory_space<hbm>>
      tpu.enqueue_indirect_dma source(%dma_start3A_322 : memref<100000x32xf32, #tpu.memory_space<hbm>>) target(%dma_start3A_316 : memref<128x32xf32, #tpu.memory_space<vmem>>) offsets(%dma_start3A_319 : memref<128xi32, #tpu.memory_space<vmem>>) semaphore(%arg9 : memref<!tpu.dma_semaphore, #tpu.memory_space<semaphore_mem>>)
      %dma_start3A_323 = arith.constant 8 : i32
      %dma_start3A_324 = arith.constant 1024 : i32
      %dma_start3A_325 = arith.constant 0 : i32
      %dma_start3A_326 = tpu.memref_slice %arg8[%dma_start3A_324, %dma_start3A_325] : memref<1280x32xf32, #tpu.memory_space<vmem>> -> memref<128x32xf32, #tpu.memory_space<vmem>>
      %dma_start3A_327 = arith.constant 0 : i32
      %dma_start3A_328 = tpu.memref_slice %arg6[%dma_start3A_323, %dma_start3A_327] : memref<10x128xi32, #tpu.memory_space<vmem>> -> memref<1x128xi32, #tpu.memory_space<vmem>>
      %dma_start3A_329 = tpu.memref_squeeze %dma_start3A_328 : memref<1x128xi32, #tpu.memory_space<vmem>> -> memref<128xi32, #tpu.memory_space<vmem>>
      %dma_start3A_330 = arith.constant 0 : i32
      %dma_start3A_331 = arith.constant 0 : i32
      %dma_start3A_332 = tpu.memref_slice %arg2[%dma_start3A_330, %dma_start3A_331] : memref<100000x32xf32, #tpu.memory_space<hbm>> -> memref<100000x32xf32, #tpu.memory_space<hbm>>
      tpu.enqueue_indirect_dma source(%dma_start3A_332 : memref<100000x32xf32, #tpu.memory_space<hbm>>) target(%dma_start3A_326 : memref<128x32xf32, #tpu.memory_space<vmem>>) offsets(%dma_start3A_329 : memref<128xi32, #tpu.memory_space<vmem>>) semaphore(%arg9 : memref<!tpu.dma_semaphore, #tpu.memory_space<semaphore_mem>>)
      %dma_start3A_333 = arith.constant 9 : i32
      %dma_start3A_334 = arith.constant 1152 : i32
      %dma_start3A_335 = arith.constant 0 : i32
      %dma_start3A_336 = tpu.memref_slice %arg8[%dma_start3A_334, %dma_start3A_335] : memref<1280x32xf32, #tpu.memory_space<vmem>> -> memref<128x32xf32, #tpu.memory_space<vmem>>
      %dma_start3A_337 = arith.constant 0 : i32
      %dma_start3A_338 = tpu.memref_slice %arg6[%dma_start3A_333, %dma_start3A_337] : memref<10x128xi32, #tpu.memory_space<vmem>> -> memref<1x128xi32, #tpu.memory_space<vmem>>
      %dma_start3A_339 = tpu.memref_squeeze %dma_start3A_338 : memref<1x128xi32, #tpu.memory_space<vmem>> -> memref<128xi32, #tpu.memory_space<vmem>>
      %dma_start3A_340 = arith.constant 0 : i32
      %dma_start3A_341 = arith.constant 0 : i32
      %dma_start3A_342 = tpu.memref_slice %arg2[%dma_start3A_340, %dma_start3A_341] : memref<100000x32xf32, #tpu.memory_space<hbm>> -> memref<100000x32xf32, #tpu.memory_space<hbm>>
      tpu.enqueue_indirect_dma source(%dma_start3A_342 : memref<100000x32xf32, #tpu.memory_space<hbm>>) target(%dma_start3A_336 : memref<128x32xf32, #tpu.memory_space<vmem>>) offsets(%dma_start3A_339 : memref<128xi32, #tpu.memory_space<vmem>>) semaphore(%arg9 : memref<!tpu.dma_semaphore, #tpu.memory_space<semaphore_mem>>)
      %dma_wait3A_343 = arith.constant 0 : i32
      %dma_wait3A_344 = arith.constant 0 : i32
      %dma_wait3A_345 = arith.constant 0 : i32
      %dma_wait3A_346 = tpu.memref_slice %arg8[%dma_wait3A_344, %dma_wait3A_345] : memref<1280x32xf32, #tpu.memory_space<vmem>> -> memref<128x32xf32, #tpu.memory_space<vmem>>
      %dma_wait3A_347 = arith.constant 0 : i32
      %dma_wait3A_348 = tpu.memref_slice %arg6[%dma_wait3A_343, %dma_wait3A_347] : memref<10x128xi32, #tpu.memory_space<vmem>> -> memref<1x128xi32, #tpu.memory_space<vmem>>
      %dma_wait3A_349 = tpu.memref_squeeze %dma_wait3A_348 : memref<1x128xi32, #tpu.memory_space<vmem>> -> memref<128xi32, #tpu.memory_space<vmem>>
      %dma_wait3A_350 = arith.constant 0 : i32
      %dma_wait3A_351 = arith.constant 0 : i32
      %dma_wait3A_352 = tpu.memref_slice %arg2[%dma_wait3A_350, %dma_wait3A_351] : memref<100000x32xf32, #tpu.memory_space<hbm>> -> memref<100000x32xf32, #tpu.memory_space<hbm>>
      tpu.wait_indirect_dma semaphore(%arg9 : memref<!tpu.dma_semaphore, #tpu.memory_space<semaphore_mem>>) src(%dma_wait3A_352 : memref<100000x32xf32, #tpu.memory_space<hbm>>) dst(%dma_wait3A_346 : memref<128x32xf32, #tpu.memory_space<vmem>>)
      %dma_wait3A_353 = arith.constant 1 : i32
      %dma_wait3A_354 = arith.constant 128 : i32
      %dma_wait3A_355 = arith.constant 0 : i32
      %dma_wait3A_356 = tpu.memref_slice %arg8[%dma_wait3A_354, %dma_wait3A_355] : memref<1280x32xf32, #tpu.memory_space<vmem>> -> memref<128x32xf32, #tpu.memory_space<vmem>>
      %dma_wait3A_357 = arith.constant 0 : i32
      %dma_wait3A_358 = tpu.memref_slice %arg6[%dma_wait3A_353, %dma_wait3A_357] : memref<10x128xi32, #tpu.memory_space<vmem>> -> memref<1x128xi32, #tpu.memory_space<vmem>>
      %dma_wait3A_359 = tpu.memref_squeeze %dma_wait3A_358 : memref<1x128xi32, #tpu.memory_space<vmem>> -> memref<128xi32, #tpu.memory_space<vmem>>
      %dma_wait3A_360 = arith.constant 0 : i32
      %dma_wait3A_361 = arith.constant 0 : i32
      %dma_wait3A_362 = tpu.memref_slice %arg2[%dma_wait3A_360, %dma_wait3A_361] : memref<100000x32xf32, #tpu.memory_space<hbm>> -> memref<100000x32xf32, #tpu.memory_space<hbm>>
      tpu.wait_indirect_dma semaphore(%arg9 : memref<!tpu.dma_semaphore, #tpu.memory_space<semaphore_mem>>) src(%dma_wait3A_362 : memref<100000x32xf32, #tpu.memory_space<hbm>>) dst(%dma_wait3A_356 : memref<128x32xf32, #tpu.memory_space<vmem>>)
      %dma_wait3A_363 = arith.constant 2 : i32
      %dma_wait3A_364 = arith.constant 256 : i32
      %dma_wait3A_365 = arith.constant 0 : i32
      %dma_wait3A_366 = tpu.memref_slice %arg8[%dma_wait3A_364, %dma_wait3A_365] : memref<1280x32xf32, #tpu.memory_space<vmem>> -> memref<128x32xf32, #tpu.memory_space<vmem>>
      %dma_wait3A_367 = arith.constant 0 : i32
      %dma_wait3A_368 = tpu.memref_slice %arg6[%dma_wait3A_363, %dma_wait3A_367] : memref<10x128xi32, #tpu.memory_space<vmem>> -> memref<1x128xi32, #tpu.memory_space<vmem>>
      %dma_wait3A_369 = tpu.memref_squeeze %dma_wait3A_368 : memref<1x128xi32, #tpu.memory_space<vmem>> -> memref<128xi32, #tpu.memory_space<vmem>>
      %dma_wait3A_370 = arith.constant 0 : i32
      %dma_wait3A_371 = arith.constant 0 : i32
      %dma_wait3A_372 = tpu.memref_slice %arg2[%dma_wait3A_370, %dma_wait3A_371] : memref<100000x32xf32, #tpu.memory_space<hbm>> -> memref<100000x32xf32, #tpu.memory_space<hbm>>
      tpu.wait_indirect_dma semaphore(%arg9 : memref<!tpu.dma_semaphore, #tpu.memory_space<semaphore_mem>>) src(%dma_wait3A_372 : memref<100000x32xf32, #tpu.memory_space<hbm>>) dst(%dma_wait3A_366 : memref<128x32xf32, #tpu.memory_space<vmem>>)
      %dma_wait3A_373 = arith.constant 3 : i32
      %dma_wait3A_374 = arith.constant 384 : i32
      %dma_wait3A_375 = arith.constant 0 : i32
      %dma_wait3A_376 = tpu.memref_slice %arg8[%dma_wait3A_374, %dma_wait3A_375] : memref<1280x32xf32, #tpu.memory_space<vmem>> -> memref<128x32xf32, #tpu.memory_space<vmem>>
      %dma_wait3A_377 = arith.constant 0 : i32
      %dma_wait3A_378 = tpu.memref_slice %arg6[%dma_wait3A_373, %dma_wait3A_377] : memref<10x128xi32, #tpu.memory_space<vmem>> -> memref<1x128xi32, #tpu.memory_space<vmem>>
      %dma_wait3A_379 = tpu.memref_squeeze %dma_wait3A_378 : memref<1x128xi32, #tpu.memory_space<vmem>> -> memref<128xi32, #tpu.memory_space<vmem>>
      %dma_wait3A_380 = arith.constant 0 : i32
      %dma_wait3A_381 = arith.constant 0 : i32
      %dma_wait3A_382 = tpu.memref_slice %arg2[%dma_wait3A_380, %dma_wait3A_381] : memref<100000x32xf32, #tpu.memory_space<hbm>> -> memref<100000x32xf32, #tpu.memory_space<hbm>>
      tpu.wait_indirect_dma semaphore(%arg9 : memref<!tpu.dma_semaphore, #tpu.memory_space<semaphore_mem>>) src(%dma_wait3A_382 : memref<100000x32xf32, #tpu.memory_space<hbm>>) dst(%dma_wait3A_376 : memref<128x32xf32, #tpu.memory_space<vmem>>)
      %dma_wait3A_383 = arith.constant 4 : i32
      %dma_wait3A_384 = arith.constant 512 : i32
      %dma_wait3A_385 = arith.constant 0 : i32
      %dma_wait3A_386 = tpu.memref_slice %arg8[%dma_wait3A_384, %dma_wait3A_385] : memref<1280x32xf32, #tpu.memory_space<vmem>> -> memref<128x32xf32, #tpu.memory_space<vmem>>
      %dma_wait3A_387 = arith.constant 0 : i32
      %dma_wait3A_388 = tpu.memref_slice %arg6[%dma_wait3A_383, %dma_wait3A_387] : memref<10x128xi32, #tpu.memory_space<vmem>> -> memref<1x128xi32, #tpu.memory_space<vmem>>
      %dma_wait3A_389 = tpu.memref_squeeze %dma_wait3A_388 : memref<1x128xi32, #tpu.memory_space<vmem>> -> memref<128xi32, #tpu.memory_space<vmem>>
      %dma_wait3A_390 = arith.constant 0 : i32
      %dma_wait3A_391 = arith.constant 0 : i32
      %dma_wait3A_392 = tpu.memref_slice %arg2[%dma_wait3A_390, %dma_wait3A_391] : memref<100000x32xf32, #tpu.memory_space<hbm>> -> memref<100000x32xf32, #tpu.memory_space<hbm>>
      tpu.wait_indirect_dma semaphore(%arg9 : memref<!tpu.dma_semaphore, #tpu.memory_space<semaphore_mem>>) src(%dma_wait3A_392 : memref<100000x32xf32, #tpu.memory_space<hbm>>) dst(%dma_wait3A_386 : memref<128x32xf32, #tpu.memory_space<vmem>>)
      %dma_wait3A_393 = arith.constant 5 : i32
      %dma_wait3A_394 = arith.constant 640 : i32
      %dma_wait3A_395 = arith.constant 0 : i32
      %dma_wait3A_396 = tpu.memref_slice %arg8[%dma_wait3A_394, %dma_wait3A_395] : memref<1280x32xf32, #tpu.memory_space<vmem>> -> memref<128x32xf32, #tpu.memory_space<vmem>>
      %dma_wait3A_397 = arith.constant 0 : i32
      %dma_wait3A_398 = tpu.memref_slice %arg6[%dma_wait3A_393, %dma_wait3A_397] : memref<10x128xi32, #tpu.memory_space<vmem>> -> memref<1x128xi32, #tpu.memory_space<vmem>>
      %dma_wait3A_399 = tpu.memref_squeeze %dma_wait3A_398 : memref<1x128xi32, #tpu.memory_space<vmem>> -> memref<128xi32, #tpu.memory_space<vmem>>
      %dma_wait3A_400 = arith.constant 0 : i32
      %dma_wait3A_401 = arith.constant 0 : i32
      %dma_wait3A_402 = tpu.memref_slice %arg2[%dma_wait3A_400, %dma_wait3A_401] : memref<100000x32xf32, #tpu.memory_space<hbm>> -> memref<100000x32xf32, #tpu.memory_space<hbm>>
      tpu.wait_indirect_dma semaphore(%arg9 : memref<!tpu.dma_semaphore, #tpu.memory_space<semaphore_mem>>) src(%dma_wait3A_402 : memref<100000x32xf32, #tpu.memory_space<hbm>>) dst(%dma_wait3A_396 : memref<128x32xf32, #tpu.memory_space<vmem>>)
      %dma_wait3A_403 = arith.constant 6 : i32
      %dma_wait3A_404 = arith.constant 768 : i32
      %dma_wait3A_405 = arith.constant 0 : i32
      %dma_wait3A_406 = tpu.memref_slice %arg8[%dma_wait3A_404, %dma_wait3A_405] : memref<1280x32xf32, #tpu.memory_space<vmem>> -> memref<128x32xf32, #tpu.memory_space<vmem>>
      %dma_wait3A_407 = arith.constant 0 : i32
      %dma_wait3A_408 = tpu.memref_slice %arg6[%dma_wait3A_403, %dma_wait3A_407] : memref<10x128xi32, #tpu.memory_space<vmem>> -> memref<1x128xi32, #tpu.memory_space<vmem>>
      %dma_wait3A_409 = tpu.memref_squeeze %dma_wait3A_408 : memref<1x128xi32, #tpu.memory_space<vmem>> -> memref<128xi32, #tpu.memory_space<vmem>>
      %dma_wait3A_410 = arith.constant 0 : i32
      %dma_wait3A_411 = arith.constant 0 : i32
      %dma_wait3A_412 = tpu.memref_slice %arg2[%dma_wait3A_410, %dma_wait3A_411] : memref<100000x32xf32, #tpu.memory_space<hbm>> -> memref<100000x32xf32, #tpu.memory_space<hbm>>
      tpu.wait_indirect_dma semaphore(%arg9 : memref<!tpu.dma_semaphore, #tpu.memory_space<semaphore_mem>>) src(%dma_wait3A_412 : memref<100000x32xf32, #tpu.memory_space<hbm>>) dst(%dma_wait3A_406 : memref<128x32xf32, #tpu.memory_space<vmem>>)
      %dma_wait3A_413 = arith.constant 7 : i32
      %dma_wait3A_414 = arith.constant 896 : i32
      %dma_wait3A_415 = arith.constant 0 : i32
      %dma_wait3A_416 = tpu.memref_slice %arg8[%dma_wait3A_414, %dma_wait3A_415] : memref<1280x32xf32, #tpu.memory_space<vmem>> -> memref<128x32xf32, #tpu.memory_space<vmem>>
      %dma_wait3A_417 = arith.constant 0 : i32
      %dma_wait3A_418 = tpu.memref_slice %arg6[%dma_wait3A_413, %dma_wait3A_417] : memref<10x128xi32, #tpu.memory_space<vmem>> -> memref<1x128xi32, #tpu.memory_space<vmem>>
      %dma_wait3A_419 = tpu.memref_squeeze %dma_wait3A_418 : memref<1x128xi32, #tpu.memory_space<vmem>> -> memref<128xi32, #tpu.memory_space<vmem>>
      %dma_wait3A_420 = arith.constant 0 : i32
      %dma_wait3A_421 = arith.constant 0 : i32
      %dma_wait3A_422 = tpu.memref_slice %arg2[%dma_wait3A_420, %dma_wait3A_421] : memref<100000x32xf32, #tpu.memory_space<hbm>> -> memref<100000x32xf32, #tpu.memory_space<hbm>>
      tpu.wait_indirect_dma semaphore(%arg9 : memref<!tpu.dma_semaphore, #tpu.memory_space<semaphore_mem>>) src(%dma_wait3A_422 : memref<100000x32xf32, #tpu.memory_space<hbm>>) dst(%dma_wait3A_416 : memref<128x32xf32, #tpu.memory_space<vmem>>)
      %dma_wait3A_423 = arith.constant 8 : i32
      %dma_wait3A_424 = arith.constant 1024 : i32
      %dma_wait3A_425 = arith.constant 0 : i32
      %dma_wait3A_426 = tpu.memref_slice %arg8[%dma_wait3A_424, %dma_wait3A_425] : memref<1280x32xf32, #tpu.memory_space<vmem>> -> memref<128x32xf32, #tpu.memory_space<vmem>>
      %dma_wait3A_427 = arith.constant 0 : i32
      %dma_wait3A_428 = tpu.memref_slice %arg6[%dma_wait3A_423, %dma_wait3A_427] : memref<10x128xi32, #tpu.memory_space<vmem>> -> memref<1x128xi32, #tpu.memory_space<vmem>>
      %dma_wait3A_429 = tpu.memref_squeeze %dma_wait3A_428 : memref<1x128xi32, #tpu.memory_space<vmem>> -> memref<128xi32, #tpu.memory_space<vmem>>
      %dma_wait3A_430 = arith.constant 0 : i32
      %dma_wait3A_431 = arith.constant 0 : i32
      %dma_wait3A_432 = tpu.memref_slice %arg2[%dma_wait3A_430, %dma_wait3A_431] : memref<100000x32xf32, #tpu.memory_space<hbm>> -> memref<100000x32xf32, #tpu.memory_space<hbm>>
      tpu.wait_indirect_dma semaphore(%arg9 : memref<!tpu.dma_semaphore, #tpu.memory_space<semaphore_mem>>) src(%dma_wait3A_432 : memref<100000x32xf32, #tpu.memory_space<hbm>>) dst(%dma_wait3A_426 : memref<128x32xf32, #tpu.memory_space<vmem>>)
      %dma_wait3A_433 = arith.constant 9 : i32
      %dma_wait3A_434 = arith.constant 1152 : i32
      %dma_wait3A_435 = arith.constant 0 : i32
      %dma_wait3A_436 = tpu.memref_slice %arg8[%dma_wait3A_434, %dma_wait3A_435] : memref<1280x32xf32, #tpu.memory_space<vmem>> -> memref<128x32xf32, #tpu.memory_space<vmem>>
      %dma_wait3A_437 = arith.constant 0 : i32
      %dma_wait3A_438 = tpu.memref_slice %arg6[%dma_wait3A_433, %dma_wait3A_437] : memref<10x128xi32, #tpu.memory_space<vmem>> -> memref<1x128xi32, #tpu.memory_space<vmem>>
      %dma_wait3A_439 = tpu.memref_squeeze %dma_wait3A_438 : memref<1x128xi32, #tpu.memory_space<vmem>> -> memref<128xi32, #tpu.memory_space<vmem>>
      %dma_wait3A_440 = arith.constant 0 : i32
      %dma_wait3A_441 = arith.constant 0 : i32
      %dma_wait3A_442 = tpu.memref_slice %arg2[%dma_wait3A_440, %dma_wait3A_441] : memref<100000x32xf32, #tpu.memory_space<hbm>> -> memref<100000x32xf32, #tpu.memory_space<hbm>>
      tpu.wait_indirect_dma semaphore(%arg9 : memref<!tpu.dma_semaphore, #tpu.memory_space<semaphore_mem>>) src(%dma_wait3A_442 : memref<100000x32xf32, #tpu.memory_space<hbm>>) dst(%dma_wait3A_436 : memref<128x32xf32, #tpu.memory_space<vmem>>)
      %dma_start3A_443 = arith.constant 0 : i32
      %dma_start3A_444 = tpu.memref_slice %arg4[%mul3A_242, %dma_start3A_443] : memref<819200x32xf32, #tpu.memory_space<hbm>> -> memref<1280x32xf32, #tpu.memory_space<hbm>>
      %dma_start3A_445 = arith.constant 0 : i32
      %dma_start3A_446 = tpu.memref_slice %arg4[%mul3A_242, %dma_start3A_445] : memref<819200x32xf32, #tpu.memory_space<hbm>> -> memref<1280x32xf32, #tpu.memory_space<hbm>>
      tpu.enqueue_dma source(%arg8 : memref<1280x32xf32, #tpu.memory_space<vmem>>) target(%dma_start3A_446 : memref<1280x32xf32, #tpu.memory_space<hbm>>) target_semaphore(%arg11 : memref<!tpu.dma_semaphore, #tpu.memory_space<semaphore_mem>>)
    }
    %scan3A_4 = arith.constant 10 : i32
    %dma_wait3A = arith.constant 0 : i32
    %dma_wait3A_5 = arith.constant 0 : i32
    %dma_wait3A_6 = tpu.memref_slice %arg4[%dma_wait3A, %dma_wait3A_5] : memref<819200x32xf32, #tpu.memory_space<hbm>> -> memref<1280x32xf32, #tpu.memory_space<hbm>>
    %dma_wait3A_7 = arith.constant 0 : i32
    %dma_wait3A_8 = arith.constant 0 : i32
    %dma_wait3A_9 = tpu.memref_slice %arg4[%dma_wait3A_7, %dma_wait3A_8] : memref<819200x32xf32, #tpu.memory_space<hbm>> -> memref<1280x32xf32, #tpu.memory_space<hbm>>
    tpu.wait_dma2 semaphore(%arg10 : memref<!tpu.dma_semaphore, #tpu.memory_space<semaphore_mem>>) src(%dma_wait3A_9 : memref<1280x32xf32, #tpu.memory_space<hbm>>) dst(%arg7 : memref<1280x32xf32, #tpu.memory_space<vmem>>)
    %dma_wait3A_10 = arith.constant 0 : i32
    %dma_wait3A_11 = arith.constant 0 : i32
    %dma_wait3A_12 = tpu.memref_slice %arg4[%dma_wait3A_10, %dma_wait3A_11] : memref<819200x32xf32, #tpu.memory_space<hbm>> -> memref<1280x32xf32, #tpu.memory_space<hbm>>
    %dma_wait3A_13 = arith.constant 0 : i32
    %dma_wait3A_14 = arith.constant 0 : i32
    %dma_wait3A_15 = tpu.memref_slice %arg4[%dma_wait3A_13, %dma_wait3A_14] : memref<819200x32xf32, #tpu.memory_space<hbm>> -> memref<1280x32xf32, #tpu.memory_space<hbm>>
    tpu.wait_dma2 semaphore(%arg11 : memref<!tpu.dma_semaphore, #tpu.memory_space<semaphore_mem>>) src(%dma_wait3A_15 : memref<1280x32xf32, #tpu.memory_space<hbm>>) dst(%arg8 : memref<1280x32xf32, #tpu.memory_space<vmem>>)
    return
  }
}

#map = affine_map<(d0, d1) -> (0, 0)>
#map1 = affine_map<(d0, d1) -> (0, 0, 0, 0)>
module attributes {stable_mosaic.version = 14 : i64} {
  func.func @gather(%arg0: i32, %arg1: i32, %arg2: memref<100000x32xf32, #tpu.memory_space<hbm>>, %arg3: memref<32x20x10x128xi32, #tpu.memory_space<hbm>>, %arg4: memref<819200x32xf32, #tpu.memory_space<hbm>>, %arg5: memref<10x128xi32, #tpu.memory_space<vmem>>, %arg6: memref<10x128xi32, #tpu.memory_space<vmem>>, %arg7: memref<1280x32xf32, #tpu.memory_space<vmem>>, %arg8: memref<1280x32xf32, #tpu.memory_space<vmem>>, %arg9: memref<!tpu.dma_semaphore, #tpu.memory_space<semaphore_mem>>, %arg10: memref<!tpu.dma_semaphore, #tpu.memory_space<semaphore_mem>>, %arg11: memref<!tpu.dma_semaphore, #tpu.memory_space<semaphore_mem>>) attributes {dimension_semantics = [#tpu.dimension_semantics<core_parallel>, #tpu.dimension_semantics<subcore_parallel>], iteration_bounds = array<i64: 2, 16>, scalar_prefetch = 0 : i64, scratch_operands = 7 : i64, tpu.core_type = #tpu.core_type<sc_vector_subcore>, window_params = [{transform_indices = #map}, {transform_indices = #map1}, {transform_indices = #map}]} {
    %mul3A = arith.constant 2 : i32
    %mul3A_0 = arith.muli %arg1, %mul3A : i32
    %add3A = arith.addi %mul3A_0, %arg0 : i32
    %scan3A = arith.constant 0 : i32
    %scan3A_1 = arith.constant 10 : i32
    %scan3A_2 = arith.addi %scan3A, %scan3A_1 : i32
    %scan3A_3 = arith.constant 1 : i32
    scf.for %scan3A_16 = %scan3A to %scan3A_2 step %scan3A_3  : i32 {
      %ge3A = arith.constant 1 : i32
      %ge3A_17 = arith.cmpi sge, %scan3A_16, %ge3A : i32
      %convert_element_type3A = arith.extui %ge3A_17 : i1 to i32
      %cond3A = arith.constant 0 : i32
      %cond3A_18 = arith.cmpi ne, %convert_element_type3A, %cond3A : i32
      scf.if %cond3A_18 {
        %dma_wait3A_447 = arith.constant 0 : i32
        %dma_wait3A_448 = arith.constant 0 : i32
        %dma_wait3A_449 = tpu.memref_slice %arg4[%dma_wait3A_447, %dma_wait3A_448] : memref<819200x32xf32, #tpu.memory_space<hbm>> -> memref<1280x32xf32, #tpu.memory_space<hbm>>
        %dma_wait3A_450 = arith.constant 0 : i32
        %dma_wait3A_451 = arith.constant 0 : i32
        %dma_wait3A_452 = tpu.memref_slice %arg4[%dma_wait3A_450, %dma_wait3A_451] : memref<819200x32xf32, #tpu.memory_space<hbm>> -> memref<1280x32xf32, #tpu.memory_space<hbm>>
        tpu.wait_dma2 semaphore(%arg10 : memref<!tpu.dma_semaphore, #tpu.memory_space<semaphore_mem>>) src(%dma_wait3A_452 : memref<1280x32xf32, #tpu.memory_space<hbm>>) dst(%arg7 : memref<1280x32xf32, #tpu.memory_space<vmem>>)
      } else {
      }
      %mul3A_19 = arith.constant 2 : i32
      %mul3A_20 = arith.muli %mul3A_19, %scan3A_16 : i32
      %mul3A_21 = arith.constant 20 : i32
      %mul3A_22 = arith.muli %add3A, %mul3A_21 : i32
      %add3A_23 = arith.addi %mul3A_22, %mul3A_20 : i32
      %mul3A_24 = arith.constant 1280 : i32
      %mul3A_25 = arith.muli %add3A_23, %mul3A_24 : i32
      "tpu.region"() ({
        %run_scoped3A = tpu.sem_alloc : memref<!tpu.dma_semaphore, #tpu.memory_space<semaphore_mem>>
        %dma_start3A_447 = arith.constant 0 : i32
        %dma_start3A_448 = arith.constant 0 : i32
        %dma_start3A_449 = tpu.memref_slice %arg3[%add3A, %mul3A_20, %dma_start3A_447, %dma_start3A_448] : memref<32x20x10x128xi32, #tpu.memory_space<hbm>> -> memref<1x1x10x128xi32, #tpu.memory_space<hbm>>
        %dma_start3A_450 = tpu.memref_squeeze %dma_start3A_449 : memref<1x1x10x128xi32, #tpu.memory_space<hbm>> -> memref<10x128xi32, #tpu.memory_space<hbm>>
        %dma_start3A_451 = arith.constant 0 : i32
        %dma_start3A_452 = arith.constant 0 : i32
        %dma_start3A_453 = tpu.memref_slice %arg3[%add3A, %mul3A_20, %dma_start3A_451, %dma_start3A_452] : memref<32x20x10x128xi32, #tpu.memory_space<hbm>> -> memref<1x1x10x128xi32, #tpu.memory_space<hbm>>
        %dma_start3A_454 = tpu.memref_squeeze %dma_start3A_453 : memref<1x1x10x128xi32, #tpu.memory_space<hbm>> -> memref<10x128xi32, #tpu.memory_space<hbm>>
        tpu.enqueue_dma source(%dma_start3A_454 : memref<10x128xi32, #tpu.memory_space<hbm>>) target(%arg5 : memref<10x128xi32, #tpu.memory_space<vmem>>) target_semaphore(%run_scoped3A : memref<!tpu.dma_semaphore, #tpu.memory_space<semaphore_mem>>)
        %dma_wait3A_455 = arith.constant 0 : i32
        %dma_wait3A_456 = arith.constant 0 : i32
        %dma_wait3A_457 = tpu.memref_slice %arg3[%add3A, %mul3A_20, %dma_wait3A_455, %dma_wait3A_456] : memref<32x20x10x128xi32, #tpu.memory_space<hbm>> -> memref<1x1x10x128xi32, #tpu.memory_space<hbm>>
        %dma_wait3A_458 = tpu.memref_squeeze %dma_wait3A_457 : memref<1x1x10x128xi32, #tpu.memory_space<hbm>> -> memref<10x128xi32, #tpu.memory_space<hbm>>
        %dma_wait3A_459 = arith.constant 0 : i32
        %dma_wait3A_460 = arith.constant 0 : i32
        %dma_wait3A_461 = tpu.memref_slice %arg3[%add3A, %mul3A_20, %dma_wait3A_459, %dma_wait3A_460] : memref<32x20x10x128xi32, #tpu.memory_space<hbm>> -> memref<1x1x10x128xi32, #tpu.memory_space<hbm>>
        %dma_wait3A_462 = tpu.memref_squeeze %dma_wait3A_461 : memref<1x1x10x128xi32, #tpu.memory_space<hbm>> -> memref<10x128xi32, #tpu.memory_space<hbm>>
        tpu.wait_dma2 semaphore(%run_scoped3A : memref<!tpu.dma_semaphore, #tpu.memory_space<semaphore_mem>>) src(%dma_wait3A_462 : memref<10x128xi32, #tpu.memory_space<hbm>>) dst(%arg5 : memref<10x128xi32, #tpu.memory_space<vmem>>)
        tpu.yield
      }) : () -> ()
      %dma_start3A = arith.constant 0 : i32
      %dma_start3A_26 = arith.constant 0 : i32
      %dma_start3A_27 = arith.constant 0 : i32
      %dma_start3A_28 = tpu.memref_slice %arg7[%dma_start3A_26, %dma_start3A_27] : memref<1280x32xf32, #tpu.memory_space<vmem>> -> memref<128x32xf32, #tpu.memory_space<vmem>>
      %dma_start3A_29 = arith.constant 0 : i32
      %dma_start3A_30 = tpu.memref_slice %arg5[%dma_start3A, %dma_start3A_29] : memref<10x128xi32, #tpu.memory_space<vmem>> -> memref<1x128xi32, #tpu.memory_space<vmem>>
      %dma_start3A_31 = tpu.memref_squeeze %dma_start3A_30 : memref<1x128xi32, #tpu.memory_space<vmem>> -> memref<128xi32, #tpu.memory_space<vmem>>
      %dma_start3A_32 = arith.constant 0 : i32
      %dma_start3A_33 = arith.constant 0 : i32
      %dma_start3A_34 = tpu.memref_slice %arg2[%dma_start3A_32, %dma_start3A_33] : memref<100000x32xf32, #tpu.memory_space<hbm>> -> memref<100000x32xf32, #tpu.memory_space<hbm>>
      tpu.enqueue_indirect_dma source(%dma_start3A_34 : memref<100000x32xf32, #tpu.memory_space<hbm>>) target(%dma_start3A_28 : memref<128x32xf32, #tpu.memory_space<vmem>>) offsets(%dma_start3A_31 : memref<128xi32, #tpu.memory_space<vmem>>) semaphore(%arg9 : memref<!tpu.dma_semaphore, #tpu.memory_space<semaphore_mem>>)
      %dma_start3A_35 = arith.constant 1 : i32
      %dma_start3A_36 = arith.constant 128 : i32
      %dma_start3A_37 = arith.constant 0 : i32
      %dma_start3A_38 = tpu.memref_slice %arg7[%dma_start3A_36, %dma_start3A_37] : memref<1280x32xf32, #tpu.memory_space<vmem>> -> memref<128x32xf32, #tpu.memory_space<vmem>>
      %dma_start3A_39 = arith.constant 0 : i32
      %dma_start3A_40 = tpu.memref_slice %arg5[%dma_start3A_35, %dma_start3A_39] : memref<10x128xi32, #tpu.memory_space<vmem>> -> memref<1x128xi32, #tpu.memory_space<vmem>>
      %dma_start3A_41 = tpu.memref_squeeze %dma_start3A_40 : memref<1x128xi32, #tpu.memory_space<vmem>> -> memref<128xi32, #tpu.memory_space<vmem>>
      %dma_start3A_42 = arith.constant 0 : i32
      %dma_start3A_43 = arith.constant 0 : i32
      %dma_start3A_44 = tpu.memref_slice %arg2[%dma_start3A_42, %dma_start3A_43] : memref<100000x32xf32, #tpu.memory_space<hbm>> -> memref<100000x32xf32, #tpu.memory_space<hbm>>
      tpu.enqueue_indirect_dma source(%dma_start3A_44 : memref<100000x32xf32, #tpu.memory_space<hbm>>) target(%dma_start3A_38 : memref<128x32xf32, #tpu.memory_space<vmem>>) offsets(%dma_start3A_41 : memref<128xi32, #tpu.memory_space<vmem>>) semaphore(%arg9 : memref<!tpu.dma_semaphore, #tpu.memory_space<semaphore_mem>>)
      %dma_start3A_45 = arith.constant 2 : i32
      %dma_start3A_46 = arith.constant 256 : i32
      %dma_start3A_47 = arith.constant 0 : i32
      %dma_start3A_48 = tpu.memref_slice %arg7[%dma_start3A_46, %dma_start3A_47] : memref<1280x32xf32, #tpu.memory_space<vmem>> -> memref<128x32xf32, #tpu.memory_space<vmem>>
      %dma_start3A_49 = arith.constant 0 : i32
      %dma_start3A_50 = tpu.memref_slice %arg5[%dma_start3A_45, %dma_start3A_49] : memref<10x128xi32, #tpu.memory_space<vmem>> -> memref<1x128xi32, #tpu.memory_space<vmem>>
      %dma_start3A_51 = tpu.memref_squeeze %dma_start3A_50 : memref<1x128xi32, #tpu.memory_space<vmem>> -> memref<128xi32, #tpu.memory_space<vmem>>
      %dma_start3A_52 = arith.constant 0 : i32
      %dma_start3A_53 = arith.constant 0 : i32
      %dma_start3A_54 = tpu.memref_slice %arg2[%dma_start3A_52, %dma_start3A_53] : memref<100000x32xf32, #tpu.memory_space<hbm>> -> memref<100000x32xf32, #tpu.memory_space<hbm>>
      tpu.enqueue_indirect_dma source(%dma_start3A_54 : memref<100000x32xf32, #tpu.memory_space<hbm>>) target(%dma_start3A_48 : memref<128x32xf32, #tpu.memory_space<vmem>>) offsets(%dma_start3A_51 : memref<128xi32, #tpu.memory_space<vmem>>) semaphore(%arg9 : memref<!tpu.dma_semaphore, #tpu.memory_space<semaphore_mem>>)
      %dma_start3A_55 = arith.constant 3 : i32
      %dma_start3A_56 = arith.constant 384 : i32
      %dma_start3A_57 = arith.constant 0 : i32
      %dma_start3A_58 = tpu.memref_slice %arg7[%dma_start3A_56, %dma_start3A_57] : memref<1280x32xf32, #tpu.memory_space<vmem>> -> memref<128x32xf32, #tpu.memory_space<vmem>>
      %dma_start3A_59 = arith.constant 0 : i32
      %dma_start3A_60 = tpu.memref_slice %arg5[%dma_start3A_55, %dma_start3A_59] : memref<10x128xi32, #tpu.memory_space<vmem>> -> memref<1x128xi32, #tpu.memory_space<vmem>>
      %dma_start3A_61 = tpu.memref_squeeze %dma_start3A_60 : memref<1x128xi32, #tpu.memory_space<vmem>> -> memref<128xi32, #tpu.memory_space<vmem>>
      %dma_start3A_62 = arith.constant 0 : i32
      %dma_start3A_63 = arith.constant 0 : i32
      %dma_start3A_64 = tpu.memref_slice %arg2[%dma_start3A_62, %dma_start3A_63] : memref<100000x32xf32, #tpu.memory_space<hbm>> -> memref<100000x32xf32, #tpu.memory_space<hbm>>
      tpu.enqueue_indirect_dma source(%dma_start3A_64 : memref<100000x32xf32, #tpu.memory_space<hbm>>) target(%dma_start3A_58 : memref<128x32xf32, #tpu.memory_space<vmem>>) offsets(%dma_start3A_61 : memref<128xi32, #tpu.memory_space<vmem>>) semaphore(%arg9 : memref<!tpu.dma_semaphore, #tpu.memory_space<semaphore_mem>>)
      %dma_start3A_65 = arith.constant 4 : i32
      %dma_start3A_66 = arith.constant 512 : i32
      %dma_start3A_67 = arith.constant 0 : i32
      %dma_start3A_68 = tpu.memref_slice %arg7[%dma_start3A_66, %dma_start3A_67] : memref<1280x32xf32, #tpu.memory_space<vmem>> -> memref<128x32xf32, #tpu.memory_space<vmem>>
      %dma_start3A_69 = arith.constant 0 : i32
      %dma_start3A_70 = tpu.memref_slice %arg5[%dma_start3A_65, %dma_start3A_69] : memref<10x128xi32, #tpu.memory_space<vmem>> -> memref<1x128xi32, #tpu.memory_space<vmem>>
      %dma_start3A_71 = tpu.memref_squeeze %dma_start3A_70 : memref<1x128xi32, #tpu.memory_space<vmem>> -> memref<128xi32, #tpu.memory_space<vmem>>
      %dma_start3A_72 = arith.constant 0 : i32
      %dma_start3A_73 = arith.constant 0 : i32
      %dma_start3A_74 = tpu.memref_slice %arg2[%dma_start3A_72, %dma_start3A_73] : memref<100000x32xf32, #tpu.memory_space<hbm>> -> memref<100000x32xf32, #tpu.memory_space<hbm>>
      tpu.enqueue_indirect_dma source(%dma_start3A_74 : memref<100000x32xf32, #tpu.memory_space<hbm>>) target(%dma_start3A_68 : memref<128x32xf32, #tpu.memory_space<vmem>>) offsets(%dma_start3A_71 : memref<128xi32, #tpu.memory_space<vmem>>) semaphore(%arg9 : memref<!tpu.dma_semaphore, #tpu.memory_space<semaphore_mem>>)
      %dma_start3A_75 = arith.constant 5 : i32
      %dma_start3A_76 = arith.constant 640 : i32
      %dma_start3A_77 = arith.constant 0 : i32
      %dma_start3A_78 = tpu.memref_slice %arg7[%dma_start3A_76, %dma_start3A_77] : memref<1280x32xf32, #tpu.memory_space<vmem>> -> memref<128x32xf32, #tpu.memory_space<vmem>>
      %dma_start3A_79 = arith.constant 0 : i32
      %dma_start3A_80 = tpu.memref_slice %arg5[%dma_start3A_75, %dma_start3A_79] : memref<10x128xi32, #tpu.memory_space<vmem>> -> memref<1x128xi32, #tpu.memory_space<vmem>>
      %dma_start3A_81 = tpu.memref_squeeze %dma_start3A_80 : memref<1x128xi32, #tpu.memory_space<vmem>> -> memref<128xi32, #tpu.memory_space<vmem>>
      %dma_start3A_82 = arith.constant 0 : i32
      %dma_start3A_83 = arith.constant 0 : i32
      %dma_start3A_84 = tpu.memref_slice %arg2[%dma_start3A_82, %dma_start3A_83] : memref<100000x32xf32, #tpu.memory_space<hbm>> -> memref<100000x32xf32, #tpu.memory_space<hbm>>
      tpu.enqueue_indirect_dma source(%dma_start3A_84 : memref<100000x32xf32, #tpu.memory_space<hbm>>) target(%dma_start3A_78 : memref<128x32xf32, #tpu.memory_space<vmem>>) offsets(%dma_start3A_81 : memref<128xi32, #tpu.memory_space<vmem>>) semaphore(%arg9 : memref<!tpu.dma_semaphore, #tpu.memory_space<semaphore_mem>>)
      %dma_start3A_85 = arith.constant 6 : i32
      %dma_start3A_86 = arith.constant 768 : i32
      %dma_start3A_87 = arith.constant 0 : i32
      %dma_start3A_88 = tpu.memref_slice %arg7[%dma_start3A_86, %dma_start3A_87] : memref<1280x32xf32, #tpu.memory_space<vmem>> -> memref<128x32xf32, #tpu.memory_space<vmem>>
      %dma_start3A_89 = arith.constant 0 : i32
      %dma_start3A_90 = tpu.memref_slice %arg5[%dma_start3A_85, %dma_start3A_89] : memref<10x128xi32, #tpu.memory_space<vmem>> -> memref<1x128xi32, #tpu.memory_space<vmem>>
      %dma_start3A_91 = tpu.memref_squeeze %dma_start3A_90 : memref<1x128xi32, #tpu.memory_space<vmem>> -> memref<128xi32, #tpu.memory_space<vmem>>
      %dma_start3A_92 = arith.constant 0 : i32
      %dma_start3A_93 = arith.constant 0 : i32
      %dma_start3A_94 = tpu.memref_slice %arg2[%dma_start3A_92, %dma_start3A_93] : memref<100000x32xf32, #tpu.memory_space<hbm>> -> memref<100000x32xf32, #tpu.memory_space<hbm>>
      tpu.enqueue_indirect_dma source(%dma_start3A_94 : memref<100000x32xf32, #tpu.memory_space<hbm>>) target(%dma_start3A_88 : memref<128x32xf32, #tpu.memory_space<vmem>>) offsets(%dma_start3A_91 : memref<128xi32, #tpu.memory_space<vmem>>) semaphore(%arg9 : memref<!tpu.dma_semaphore, #tpu.memory_space<semaphore_mem>>)
      %dma_start3A_95 = arith.constant 7 : i32
      %dma_start3A_96 = arith.constant 896 : i32
      %dma_start3A_97 = arith.constant 0 : i32
      %dma_start3A_98 = tpu.memref_slice %arg7[%dma_start3A_96, %dma_start3A_97] : memref<1280x32xf32, #tpu.memory_space<vmem>> -> memref<128x32xf32, #tpu.memory_space<vmem>>
      %dma_start3A_99 = arith.constant 0 : i32
      %dma_start3A_100 = tpu.memref_slice %arg5[%dma_start3A_95, %dma_start3A_99] : memref<10x128xi32, #tpu.memory_space<vmem>> -> memref<1x128xi32, #tpu.memory_space<vmem>>
      %dma_start3A_101 = tpu.memref_squeeze %dma_start3A_100 : memref<1x128xi32, #tpu.memory_space<vmem>> -> memref<128xi32, #tpu.memory_space<vmem>>
      %dma_start3A_102 = arith.constant 0 : i32
      %dma_start3A_103 = arith.constant 0 : i32
      %dma_start3A_104 = tpu.memref_slice %arg2[%dma_start3A_102, %dma_start3A_103] : memref<100000x32xf32, #tpu.memory_space<hbm>> -> memref<100000x32xf32, #tpu.memory_space<hbm>>
      tpu.enqueue_indirect_dma source(%dma_start3A_104 : memref<100000x32xf32, #tpu.memory_space<hbm>>) target(%dma_start3A_98 : memref<128x32xf32, #tpu.memory_space<vmem>>) offsets(%dma_start3A_101 : memref<128xi32, #tpu.memory_space<vmem>>) semaphore(%arg9 : memref<!tpu.dma_semaphore, #tpu.memory_space<semaphore_mem>>)
      %dma_start3A_105 = arith.constant 8 : i32
      %dma_start3A_106 = arith.constant 1024 : i32
      %dma_start3A_107 = arith.constant 0 : i32
      %dma_start3A_108 = tpu.memref_slice %arg7[%dma_start3A_106, %dma_start3A_107] : memref<1280x32xf32, #tpu.memory_space<vmem>> -> memref<128x32xf32, #tpu.memory_space<vmem>>
      %dma_start3A_109 = arith.constant 0 : i32
      %dma_start3A_110 = tpu.memref_slice %arg5[%dma_start3A_105, %dma_start3A_109] : memref<10x128xi32, #tpu.memory_space<vmem>> -> memref<1x128xi32, #tpu.memory_space<vmem>>
      %dma_start3A_111 = tpu.memref_squeeze %dma_start3A_110 : memref<1x128xi32, #tpu.memory_space<vmem>> -> memref<128xi32, #tpu.memory_space<vmem>>
      %dma_start3A_112 = arith.constant 0 : i32
      %dma_start3A_113 = arith.constant 0 : i32
      %dma_start3A_114 = tpu.memref_slice %arg2[%dma_start3A_112, %dma_start3A_113] : memref<100000x32xf32, #tpu.memory_space<hbm>> -> memref<100000x32xf32, #tpu.memory_space<hbm>>
      tpu.enqueue_indirect_dma source(%dma_start3A_114 : memref<100000x32xf32, #tpu.memory_space<hbm>>) target(%dma_start3A_108 : memref<128x32xf32, #tpu.memory_space<vmem>>) offsets(%dma_start3A_111 : memref<128xi32, #tpu.memory_space<vmem>>) semaphore(%arg9 : memref<!tpu.dma_semaphore, #tpu.memory_space<semaphore_mem>>)
      %dma_start3A_115 = arith.constant 9 : i32
      %dma_start3A_116 = arith.constant 1152 : i32
      %dma_start3A_117 = arith.constant 0 : i32
      %dma_start3A_118 = tpu.memref_slice %arg7[%dma_start3A_116, %dma_start3A_117] : memref<1280x32xf32, #tpu.memory_space<vmem>> -> memref<128x32xf32, #tpu.memory_space<vmem>>
      %dma_start3A_119 = arith.constant 0 : i32
      %dma_start3A_120 = tpu.memref_slice %arg5[%dma_start3A_115, %dma_start3A_119] : memref<10x128xi32, #tpu.memory_space<vmem>> -> memref<1x128xi32, #tpu.memory_space<vmem>>
      %dma_start3A_121 = tpu.memref_squeeze %dma_start3A_120 : memref<1x128xi32, #tpu.memory_space<vmem>> -> memref<128xi32, #tpu.memory_space<vmem>>
      %dma_start3A_122 = arith.constant 0 : i32
      %dma_start3A_123 = arith.constant 0 : i32
      %dma_start3A_124 = tpu.memref_slice %arg2[%dma_start3A_122, %dma_start3A_123] : memref<100000x32xf32, #tpu.memory_space<hbm>> -> memref<100000x32xf32, #tpu.memory_space<hbm>>
      tpu.enqueue_indirect_dma source(%dma_start3A_124 : memref<100000x32xf32, #tpu.memory_space<hbm>>) target(%dma_start3A_118 : memref<128x32xf32, #tpu.memory_space<vmem>>) offsets(%dma_start3A_121 : memref<128xi32, #tpu.memory_space<vmem>>) semaphore(%arg9 : memref<!tpu.dma_semaphore, #tpu.memory_space<semaphore_mem>>)
      %dma_wait3A_125 = arith.constant 0 : i32
      %dma_wait3A_126 = arith.constant 0 : i32
      %dma_wait3A_127 = arith.constant 0 : i32
      %dma_wait3A_128 = tpu.memref_slice %arg7[%dma_wait3A_126, %dma_wait3A_127] : memref<1280x32xf32, #tpu.memory_space<vmem>> -> memref<128x32xf32, #tpu.memory_space<vmem>>
      %dma_wait3A_129 = arith.constant 0 : i32
      %dma_wait3A_130 = tpu.memref_slice %arg5[%dma_wait3A_125, %dma_wait3A_129] : memref<10x128xi32, #tpu.memory_space<vmem>> -> memref<1x128xi32, #tpu.memory_space<vmem>>
      %dma_wait3A_131 = tpu.memref_squeeze %dma_wait3A_130 : memref<1x128xi32, #tpu.memory_space<vmem>> -> memref<128xi32, #tpu.memory_space<vmem>>
      %dma_wait3A_132 = arith.constant 0 : i32
      %dma_wait3A_133 = arith.constant 0 : i32
      %dma_wait3A_134 = tpu.memref_slice %arg2[%dma_wait3A_132, %dma_wait3A_133] : memref<100000x32xf32, #tpu.memory_space<hbm>> -> memref<100000x32xf32, #tpu.memory_space<hbm>>
      tpu.wait_indirect_dma semaphore(%arg9 : memref<!tpu.dma_semaphore, #tpu.memory_space<semaphore_mem>>) src(%dma_wait3A_134 : memref<100000x32xf32, #tpu.memory_space<hbm>>) dst(%dma_wait3A_128 : memref<128x32xf32, #tpu.memory_space<vmem>>)
      %dma_wait3A_135 = arith.constant 1 : i32
      %dma_wait3A_136 = arith.constant 128 : i32
      %dma_wait3A_137 = arith.constant 0 : i32
      %dma_wait3A_138 = tpu.memref_slice %arg7[%dma_wait3A_136, %dma_wait3A_137] : memref<1280x32xf32, #tpu.memory_space<vmem>> -> memref<128x32xf32, #tpu.memory_space<vmem>>
      %dma_wait3A_139 = arith.constant 0 : i32
      %dma_wait3A_140 = tpu.memref_slice %arg5[%dma_wait3A_135, %dma_wait3A_139] : memref<10x128xi32, #tpu.memory_space<vmem>> -> memref<1x128xi32, #tpu.memory_space<vmem>>
      %dma_wait3A_141 = tpu.memref_squeeze %dma_wait3A_140 : memref<1x128xi32, #tpu.memory_space<vmem>> -> memref<128xi32, #tpu.memory_space<vmem>>
      %dma_wait3A_142 = arith.constant 0 : i32
      %dma_wait3A_143 = arith.constant 0 : i32
      %dma_wait3A_144 = tpu.memref_slice %arg2[%dma_wait3A_142, %dma_wait3A_143] : memref<100000x32xf32, #tpu.memory_space<hbm>> -> memref<100000x32xf32, #tpu.memory_space<hbm>>
      tpu.wait_indirect_dma semaphore(%arg9 : memref<!tpu.dma_semaphore, #tpu.memory_space<semaphore_mem>>) src(%dma_wait3A_144 : memref<100000x32xf32, #tpu.memory_space<hbm>>) dst(%dma_wait3A_138 : memref<128x32xf32, #tpu.memory_space<vmem>>)
      %dma_wait3A_145 = arith.constant 2 : i32
      %dma_wait3A_146 = arith.constant 256 : i32
      %dma_wait3A_147 = arith.constant 0 : i32
      %dma_wait3A_148 = tpu.memref_slice %arg7[%dma_wait3A_146, %dma_wait3A_147] : memref<1280x32xf32, #tpu.memory_space<vmem>> -> memref<128x32xf32, #tpu.memory_space<vmem>>
      %dma_wait3A_149 = arith.constant 0 : i32
      %dma_wait3A_150 = tpu.memref_slice %arg5[%dma_wait3A_145, %dma_wait3A_149] : memref<10x128xi32, #tpu.memory_space<vmem>> -> memref<1x128xi32, #tpu.memory_space<vmem>>
      %dma_wait3A_151 = tpu.memref_squeeze %dma_wait3A_150 : memref<1x128xi32, #tpu.memory_space<vmem>> -> memref<128xi32, #tpu.memory_space<vmem>>
      %dma_wait3A_152 = arith.constant 0 : i32
      %dma_wait3A_153 = arith.constant 0 : i32
      %dma_wait3A_154 = tpu.memref_slice %arg2[%dma_wait3A_152, %dma_wait3A_153] : memref<100000x32xf32, #tpu.memory_space<hbm>> -> memref<100000x32xf32, #tpu.memory_space<hbm>>
      tpu.wait_indirect_dma semaphore(%arg9 : memref<!tpu.dma_semaphore, #tpu.memory_space<semaphore_mem>>) src(%dma_wait3A_154 : memref<100000x32xf32, #tpu.memory_space<hbm>>) dst(%dma_wait3A_148 : memref<128x32xf32, #tpu.memory_space<vmem>>)
      %dma_wait3A_155 = arith.constant 3 : i32
      %dma_wait3A_156 = arith.constant 384 : i32
      %dma_wait3A_157 = arith.constant 0 : i32
      %dma_wait3A_158 = tpu.memref_slice %arg7[%dma_wait3A_156, %dma_wait3A_157] : memref<1280x32xf32, #tpu.memory_space<vmem>> -> memref<128x32xf32, #tpu.memory_space<vmem>>
      %dma_wait3A_159 = arith.constant 0 : i32
      %dma_wait3A_160 = tpu.memref_slice %arg5[%dma_wait3A_155, %dma_wait3A_159] : memref<10x128xi32, #tpu.memory_space<vmem>> -> memref<1x128xi32, #tpu.memory_space<vmem>>
      %dma_wait3A_161 = tpu.memref_squeeze %dma_wait3A_160 : memref<1x128xi32, #tpu.memory_space<vmem>> -> memref<128xi32, #tpu.memory_space<vmem>>
      %dma_wait3A_162 = arith.constant 0 : i32
      %dma_wait3A_163 = arith.constant 0 : i32
      %dma_wait3A_164 = tpu.memref_slice %arg2[%dma_wait3A_162, %dma_wait3A_163] : memref<100000x32xf32, #tpu.memory_space<hbm>> -> memref<100000x32xf32, #tpu.memory_space<hbm>>
      tpu.wait_indirect_dma semaphore(%arg9 : memref<!tpu.dma_semaphore, #tpu.memory_space<semaphore_mem>>) src(%dma_wait3A_164 : memref<100000x32xf32, #tpu.memory_space<hbm>>) dst(%dma_wait3A_158 : memref<128x32xf32, #tpu.memory_space<vmem>>)
      %dma_wait3A_165 = arith.constant 4 : i32
      %dma_wait3A_166 = arith.constant 512 : i32
      %dma_wait3A_167 = arith.constant 0 : i32
      %dma_wait3A_168 = tpu.memref_slice %arg7[%dma_wait3A_166, %dma_wait3A_167] : memref<1280x32xf32, #tpu.memory_space<vmem>> -> memref<128x32xf32, #tpu.memory_space<vmem>>
      %dma_wait3A_169 = arith.constant 0 : i32
      %dma_wait3A_170 = tpu.memref_slice %arg5[%dma_wait3A_165, %dma_wait3A_169] : memref<10x128xi32, #tpu.memory_space<vmem>> -> memref<1x128xi32, #tpu.memory_space<vmem>>
      %dma_wait3A_171 = tpu.memref_squeeze %dma_wait3A_170 : memref<1x128xi32, #tpu.memory_space<vmem>> -> memref<128xi32, #tpu.memory_space<vmem>>
      %dma_wait3A_172 = arith.constant 0 : i32
      %dma_wait3A_173 = arith.constant 0 : i32
      %dma_wait3A_174 = tpu.memref_slice %arg2[%dma_wait3A_172, %dma_wait3A_173] : memref<100000x32xf32, #tpu.memory_space<hbm>> -> memref<100000x32xf32, #tpu.memory_space<hbm>>
      tpu.wait_indirect_dma semaphore(%arg9 : memref<!tpu.dma_semaphore, #tpu.memory_space<semaphore_mem>>) src(%dma_wait3A_174 : memref<100000x32xf32, #tpu.memory_space<hbm>>) dst(%dma_wait3A_168 : memref<128x32xf32, #tpu.memory_space<vmem>>)
      %dma_wait3A_175 = arith.constant 5 : i32
      %dma_wait3A_176 = arith.constant 640 : i32
      %dma_wait3A_177 = arith.constant 0 : i32
      %dma_wait3A_178 = tpu.memref_slice %arg7[%dma_wait3A_176, %dma_wait3A_177] : memref<1280x32xf32, #tpu.memory_space<vmem>> -> memref<128x32xf32, #tpu.memory_space<vmem>>
      %dma_wait3A_179 = arith.constant 0 : i32
      %dma_wait3A_180 = tpu.memref_slice %arg5[%dma_wait3A_175, %dma_wait3A_179] : memref<10x128xi32, #tpu.memory_space<vmem>> -> memref<1x128xi32, #tpu.memory_space<vmem>>
      %dma_wait3A_181 = tpu.memref_squeeze %dma_wait3A_180 : memref<1x128xi32, #tpu.memory_space<vmem>> -> memref<128xi32, #tpu.memory_space<vmem>>
      %dma_wait3A_182 = arith.constant 0 : i32
      %dma_wait3A_183 = arith.constant 0 : i32
      %dma_wait3A_184 = tpu.memref_slice %arg2[%dma_wait3A_182, %dma_wait3A_183] : memref<100000x32xf32, #tpu.memory_space<hbm>> -> memref<100000x32xf32, #tpu.memory_space<hbm>>
      tpu.wait_indirect_dma semaphore(%arg9 : memref<!tpu.dma_semaphore, #tpu.memory_space<semaphore_mem>>) src(%dma_wait3A_184 : memref<100000x32xf32, #tpu.memory_space<hbm>>) dst(%dma_wait3A_178 : memref<128x32xf32, #tpu.memory_space<vmem>>)
      %dma_wait3A_185 = arith.constant 6 : i32
      %dma_wait3A_186 = arith.constant 768 : i32
      %dma_wait3A_187 = arith.constant 0 : i32
      %dma_wait3A_188 = tpu.memref_slice %arg7[%dma_wait3A_186, %dma_wait3A_187] : memref<1280x32xf32, #tpu.memory_space<vmem>> -> memref<128x32xf32, #tpu.memory_space<vmem>>
      %dma_wait3A_189 = arith.constant 0 : i32
      %dma_wait3A_190 = tpu.memref_slice %arg5[%dma_wait3A_185, %dma_wait3A_189] : memref<10x128xi32, #tpu.memory_space<vmem>> -> memref<1x128xi32, #tpu.memory_space<vmem>>
      %dma_wait3A_191 = tpu.memref_squeeze %dma_wait3A_190 : memref<1x128xi32, #tpu.memory_space<vmem>> -> memref<128xi32, #tpu.memory_space<vmem>>
      %dma_wait3A_192 = arith.constant 0 : i32
      %dma_wait3A_193 = arith.constant 0 : i32
      %dma_wait3A_194 = tpu.memref_slice %arg2[%dma_wait3A_192, %dma_wait3A_193] : memref<100000x32xf32, #tpu.memory_space<hbm>> -> memref<100000x32xf32, #tpu.memory_space<hbm>>
      tpu.wait_indirect_dma semaphore(%arg9 : memref<!tpu.dma_semaphore, #tpu.memory_space<semaphore_mem>>) src(%dma_wait3A_194 : memref<100000x32xf32, #tpu.memory_space<hbm>>) dst(%dma_wait3A_188 : memref<128x32xf32, #tpu.memory_space<vmem>>)
      %dma_wait3A_195 = arith.constant 7 : i32
      %dma_wait3A_196 = arith.constant 896 : i32
      %dma_wait3A_197 = arith.constant 0 : i32
      %dma_wait3A_198 = tpu.memref_slice %arg7[%dma_wait3A_196, %dma_wait3A_197] : memref<1280x32xf32, #tpu.memory_space<vmem>> -> memref<128x32xf32, #tpu.memory_space<vmem>>
      %dma_wait3A_199 = arith.constant 0 : i32
      %dma_wait3A_200 = tpu.memref_slice %arg5[%dma_wait3A_195, %dma_wait3A_199] : memref<10x128xi32, #tpu.memory_space<vmem>> -> memref<1x128xi32, #tpu.memory_space<vmem>>
      %dma_wait3A_201 = tpu.memref_squeeze %dma_wait3A_200 : memref<1x128xi32, #tpu.memory_space<vmem>> -> memref<128xi32, #tpu.memory_space<vmem>>
      %dma_wait3A_202 = arith.constant 0 : i32
      %dma_wait3A_203 = arith.constant 0 : i32
      %dma_wait3A_204 = tpu.memref_slice %arg2[%dma_wait3A_202, %dma_wait3A_203] : memref<100000x32xf32, #tpu.memory_space<hbm>> -> memref<100000x32xf32, #tpu.memory_space<hbm>>
      tpu.wait_indirect_dma semaphore(%arg9 : memref<!tpu.dma_semaphore, #tpu.memory_space<semaphore_mem>>) src(%dma_wait3A_204 : memref<100000x32xf32, #tpu.memory_space<hbm>>) dst(%dma_wait3A_198 : memref<128x32xf32, #tpu.memory_space<vmem>>)
      %dma_wait3A_205 = arith.constant 8 : i32
      %dma_wait3A_206 = arith.constant 1024 : i32
      %dma_wait3A_207 = arith.constant 0 : i32
      %dma_wait3A_208 = tpu.memref_slice %arg7[%dma_wait3A_206, %dma_wait3A_207] : memref<1280x32xf32, #tpu.memory_space<vmem>> -> memref<128x32xf32, #tpu.memory_space<vmem>>
      %dma_wait3A_209 = arith.constant 0 : i32
      %dma_wait3A_210 = tpu.memref_slice %arg5[%dma_wait3A_205, %dma_wait3A_209] : memref<10x128xi32, #tpu.memory_space<vmem>> -> memref<1x128xi32, #tpu.memory_space<vmem>>
      %dma_wait3A_211 = tpu.memref_squeeze %dma_wait3A_210 : memref<1x128xi32, #tpu.memory_space<vmem>> -> memref<128xi32, #tpu.memory_space<vmem>>
      %dma_wait3A_212 = arith.constant 0 : i32
      %dma_wait3A_213 = arith.constant 0 : i32
      %dma_wait3A_214 = tpu.memref_slice %arg2[%dma_wait3A_212, %dma_wait3A_213] : memref<100000x32xf32, #tpu.memory_space<hbm>> -> memref<100000x32xf32, #tpu.memory_space<hbm>>
      tpu.wait_indirect_dma semaphore(%arg9 : memref<!tpu.dma_semaphore, #tpu.memory_space<semaphore_mem>>) src(%dma_wait3A_214 : memref<100000x32xf32, #tpu.memory_space<hbm>>) dst(%dma_wait3A_208 : memref<128x32xf32, #tpu.memory_space<vmem>>)
      %dma_wait3A_215 = arith.constant 9 : i32
      %dma_wait3A_216 = arith.constant 1152 : i32
      %dma_wait3A_217 = arith.constant 0 : i32
      %dma_wait3A_218 = tpu.memref_slice %arg7[%dma_wait3A_216, %dma_wait3A_217] : memref<1280x32xf32, #tpu.memory_space<vmem>> -> memref<128x32xf32, #tpu.memory_space<vmem>>
      %dma_wait3A_219 = arith.constant 0 : i32
      %dma_wait3A_220 = tpu.memref_slice %arg5[%dma_wait3A_215, %dma_wait3A_219] : memref<10x128xi32, #tpu.memory_space<vmem>> -> memref<1x128xi32, #tpu.memory_space<vmem>>
      %dma_wait3A_221 = tpu.memref_squeeze %dma_wait3A_220 : memref<1x128xi32, #tpu.memory_space<vmem>> -> memref<128xi32, #tpu.memory_space<vmem>>
      %dma_wait3A_222 = arith.constant 0 : i32
      %dma_wait3A_223 = arith.constant 0 : i32
      %dma_wait3A_224 = tpu.memref_slice %arg2[%dma_wait3A_222, %dma_wait3A_223] : memref<100000x32xf32, #tpu.memory_space<hbm>> -> memref<100000x32xf32, #tpu.memory_space<hbm>>
      tpu.wait_indirect_dma semaphore(%arg9 : memref<!tpu.dma_semaphore, #tpu.memory_space<semaphore_mem>>) src(%dma_wait3A_224 : memref<100000x32xf32, #tpu.memory_space<hbm>>) dst(%dma_wait3A_218 : memref<128x32xf32, #tpu.memory_space<vmem>>)
      %dma_start3A_225 = arith.constant 0 : i32
      %dma_start3A_226 = tpu.memref_slice %arg4[%mul3A_25, %dma_start3A_225] : memref<819200x32xf32, #tpu.memory_space<hbm>> -> memref<1280x32xf32, #tpu.memory_space<hbm>>
      %dma_start3A_227 = arith.constant 0 : i32
      %dma_start3A_228 = tpu.memref_slice %arg4[%mul3A_25, %dma_start3A_227] : memref<819200x32xf32, #tpu.memory_space<hbm>> -> memref<1280x32xf32, #tpu.memory_space<hbm>>
      tpu.enqueue_dma source(%arg7 : memref<1280x32xf32, #tpu.memory_space<vmem>>) target(%dma_start3A_228 : memref<1280x32xf32, #tpu.memory_space<hbm>>) target_semaphore(%arg10 : memref<!tpu.dma_semaphore, #tpu.memory_space<semaphore_mem>>)
      %ge3A_229 = arith.constant 1 : i32
      %ge3A_230 = arith.cmpi sge, %scan3A_16, %ge3A_229 : i32
      %convert_element_type3A_231 = arith.extui %ge3A_230 : i1 to i32
      %cond3A_232 = arith.constant 0 : i32
      %cond3A_233 = arith.cmpi ne, %convert_element_type3A_231, %cond3A_232 : i32
      scf.if %cond3A_233 {
        %dma_wait3A_447 = arith.constant 0 : i32
        %dma_wait3A_448 = arith.constant 0 : i32
        %dma_wait3A_449 = tpu.memref_slice %arg4[%dma_wait3A_447, %dma_wait3A_448] : memref<819200x32xf32, #tpu.memory_space<hbm>> -> memref<1280x32xf32, #tpu.memory_space<hbm>>
        %dma_wait3A_450 = arith.constant 0 : i32
        %dma_wait3A_451 = arith.constant 0 : i32
        %dma_wait3A_452 = tpu.memref_slice %arg4[%dma_wait3A_450, %dma_wait3A_451] : memref<819200x32xf32, #tpu.memory_space<hbm>> -> memref<1280x32xf32, #tpu.memory_space<hbm>>
        tpu.wait_dma2 semaphore(%arg11 : memref<!tpu.dma_semaphore, #tpu.memory_space<semaphore_mem>>) src(%dma_wait3A_452 : memref<1280x32xf32, #tpu.memory_space<hbm>>) dst(%arg8 : memref<1280x32xf32, #tpu.memory_space<vmem>>)
      } else {
      }
      %mul3A_234 = arith.constant 2 : i32
      %mul3A_235 = arith.muli %mul3A_234, %scan3A_16 : i32
      %add3A_236 = arith.constant 1 : i32
      %add3A_237 = arith.addi %mul3A_235, %add3A_236 : i32
      %mul3A_238 = arith.constant 20 : i32
      %mul3A_239 = arith.muli %add3A, %mul3A_238 : i32
      %add3A_240 = arith.addi %mul3A_239, %add3A_237 : i32
      %mul3A_241 = arith.constant 1280 : i32
      %mul3A_242 = arith.muli %add3A_240, %mul3A_241 : i32
      "tpu.region"() ({
        %run_scoped3A = tpu.sem_alloc : memref<!tpu.dma_semaphore, #tpu.memory_space<semaphore_mem>>
        %dma_start3A_447 = arith.constant 0 : i32
        %dma_start3A_448 = arith.constant 0 : i32
        %dma_start3A_449 = tpu.memref_slice %arg3[%add3A, %add3A_237, %dma_start3A_447, %dma_start3A_448] : memref<32x20x10x128xi32, #tpu.memory_space<hbm>> -> memref<1x1x10x128xi32, #tpu.memory_space<hbm>>
        %dma_start3A_450 = tpu.memref_squeeze %dma_start3A_449 : memref<1x1x10x128xi32, #tpu.memory_space<hbm>> -> memref<10x128xi32, #tpu.memory_space<hbm>>
        %dma_start3A_451 = arith.constant 0 : i32
        %dma_start3A_452 = arith.constant 0 : i32
        %dma_start3A_453 = tpu.memref_slice %arg3[%add3A, %add3A_237, %dma_start3A_451, %dma_start3A_452] : memref<32x20x10x128xi32, #tpu.memory_space<hbm>> -> memref<1x1x10x128xi32, #tpu.memory_space<hbm>>
        %dma_start3A_454 = tpu.memref_squeeze %dma_start3A_453 : memref<1x1x10x128xi32, #tpu.memory_space<hbm>> -> memref<10x128xi32, #tpu.memory_space<hbm>>
        tpu.enqueue_dma source(%dma_start3A_454 : memref<10x128xi32, #tpu.memory_space<hbm>>) target(%arg6 : memref<10x128xi32, #tpu.memory_space<vmem>>) target_semaphore(%run_scoped3A : memref<!tpu.dma_semaphore, #tpu.memory_space<semaphore_mem>>)
        %dma_wait3A_455 = arith.constant 0 : i32
        %dma_wait3A_456 = arith.constant 0 : i32
        %dma_wait3A_457 = tpu.memref_slice %arg3[%add3A, %add3A_237, %dma_wait3A_455, %dma_wait3A_456] : memref<32x20x10x128xi32, #tpu.memory_space<hbm>> -> memref<1x1x10x128xi32, #tpu.memory_space<hbm>>
        %dma_wait3A_458 = tpu.memref_squeeze %dma_wait3A_457 : memref<1x1x10x128xi32, #tpu.memory_space<hbm>> -> memref<10x128xi32, #tpu.memory_space<hbm>>
        %dma_wait3A_459 = arith.constant 0 : i32
        %dma_wait3A_460 = arith.constant 0 : i32
        %dma_wait3A_461 = tpu.memref_slice %arg3[%add3A, %add3A_237, %dma_wait3A_459, %dma_wait3A_460] : memref<32x20x10x128xi32, #tpu.memory_space<hbm>> -> memref<1x1x10x128xi32, #tpu.memory_space<hbm>>
        %dma_wait3A_462 = tpu.memref_squeeze %dma_wait3A_461 : memref<1x1x10x128xi32, #tpu.memory_space<hbm>> -> memref<10x128xi32, #tpu.memory_space<hbm>>
        tpu.wait_dma2 semaphore(%run_scoped3A : memref<!tpu.dma_semaphore, #tpu.memory_space<semaphore_mem>>) src(%dma_wait3A_462 : memref<10x128xi32, #tpu.memory_space<hbm>>) dst(%arg6 : memref<10x128xi32, #tpu.memory_space<vmem>>)
        tpu.yield
      }) : () -> ()
      %dma_start3A_243 = arith.constant 0 : i32
      %dma_start3A_244 = arith.constant 0 : i32
      %dma_start3A_245 = arith.constant 0 : i32
      %dma_start3A_246 = tpu.memref_slice %arg8[%dma_start3A_244, %dma_start3A_245] : memref<1280x32xf32, #tpu.memory_space<vmem>> -> memref<128x32xf32, #tpu.memory_space<vmem>>
      %dma_start3A_247 = arith.constant 0 : i32
      %dma_start3A_248 = tpu.memref_slice %arg6[%dma_start3A_243, %dma_start3A_247] : memref<10x128xi32, #tpu.memory_space<vmem>> -> memref<1x128xi32, #tpu.memory_space<vmem>>
      %dma_start3A_249 = tpu.memref_squeeze %dma_start3A_248 : memref<1x128xi32, #tpu.memory_space<vmem>> -> memref<128xi32, #tpu.memory_space<vmem>>
      %dma_start3A_250 = arith.constant 0 : i32
      %dma_start3A_251 = arith.constant 0 : i32
      %dma_start3A_252 = tpu.memref_slice %arg2[%dma_start3A_250, %dma_start3A_251] : memref<100000x32xf32, #tpu.memory_space<hbm>> -> memref<100000x32xf32, #tpu.memory_space<hbm>>
      tpu.enqueue_indirect_dma source(%dma_start3A_252 : memref<100000x32xf32, #tpu.memory_space<hbm>>) target(%dma_start3A_246 : memref<128x32xf32, #tpu.memory_space<vmem>>) offsets(%dma_start3A_249 : memref<128xi32, #tpu.memory_space<vmem>>) semaphore(%arg9 : memref<!tpu.dma_semaphore, #tpu.memory_space<semaphore_mem>>)
      %dma_start3A_253 = arith.constant 1 : i32
      %dma_start3A_254 = arith.constant 128 : i32
      %dma_start3A_255 = arith.constant 0 : i32
      %dma_start3A_256 = tpu.memref_slice %arg8[%dma_start3A_254, %dma_start3A_255] : memref<1280x32xf32, #tpu.memory_space<vmem>> -> memref<128x32xf32, #tpu.memory_space<vmem>>
      %dma_start3A_257 = arith.constant 0 : i32
      %dma_start3A_258 = tpu.memref_slice %arg6[%dma_start3A_253, %dma_start3A_257] : memref<10x128xi32, #tpu.memory_space<vmem>> -> memref<1x128xi32, #tpu.memory_space<vmem>>
      %dma_start3A_259 = tpu.memref_squeeze %dma_start3A_258 : memref<1x128xi32, #tpu.memory_space<vmem>> -> memref<128xi32, #tpu.memory_space<vmem>>
      %dma_start3A_260 = arith.constant 0 : i32
      %dma_start3A_261 = arith.constant 0 : i32
      %dma_start3A_262 = tpu.memref_slice %arg2[%dma_start3A_260, %dma_start3A_261] : memref<100000x32xf32, #tpu.memory_space<hbm>> -> memref<100000x32xf32, #tpu.memory_space<hbm>>
      tpu.enqueue_indirect_dma source(%dma_start3A_262 : memref<100000x32xf32, #tpu.memory_space<hbm>>) target(%dma_start3A_256 : memref<128x32xf32, #tpu.memory_space<vmem>>) offsets(%dma_start3A_259 : memref<128xi32, #tpu.memory_space<vmem>>) semaphore(%arg9 : memref<!tpu.dma_semaphore, #tpu.memory_space<semaphore_mem>>)
      %dma_start3A_263 = arith.constant 2 : i32
      %dma_start3A_264 = arith.constant 256 : i32
      %dma_start3A_265 = arith.constant 0 : i32
      %dma_start3A_266 = tpu.memref_slice %arg8[%dma_start3A_264, %dma_start3A_265] : memref<1280x32xf32, #tpu.memory_space<vmem>> -> memref<128x32xf32, #tpu.memory_space<vmem>>
      %dma_start3A_267 = arith.constant 0 : i32
      %dma_start3A_268 = tpu.memref_slice %arg6[%dma_start3A_263, %dma_start3A_267] : memref<10x128xi32, #tpu.memory_space<vmem>> -> memref<1x128xi32, #tpu.memory_space<vmem>>
      %dma_start3A_269 = tpu.memref_squeeze %dma_start3A_268 : memref<1x128xi32, #tpu.memory_space<vmem>> -> memref<128xi32, #tpu.memory_space<vmem>>
      %dma_start3A_270 = arith.constant 0 : i32
      %dma_start3A_271 = arith.constant 0 : i32
      %dma_start3A_272 = tpu.memref_slice %arg2[%dma_start3A_270, %dma_start3A_271] : memref<100000x32xf32, #tpu.memory_space<hbm>> -> memref<100000x32xf32, #tpu.memory_space<hbm>>
      tpu.enqueue_indirect_dma source(%dma_start3A_272 : memref<100000x32xf32, #tpu.memory_space<hbm>>) target(%dma_start3A_266 : memref<128x32xf32, #tpu.memory_space<vmem>>) offsets(%dma_start3A_269 : memref<128xi32, #tpu.memory_space<vmem>>) semaphore(%arg9 : memref<!tpu.dma_semaphore, #tpu.memory_space<semaphore_mem>>)
      %dma_start3A_273 = arith.constant 3 : i32
      %dma_start3A_274 = arith.constant 384 : i32
      %dma_start3A_275 = arith.constant 0 : i32
      %dma_start3A_276 = tpu.memref_slice %arg8[%dma_start3A_274, %dma_start3A_275] : memref<1280x32xf32, #tpu.memory_space<vmem>> -> memref<128x32xf32, #tpu.memory_space<vmem>>
      %dma_start3A_277 = arith.constant 0 : i32
      %dma_start3A_278 = tpu.memref_slice %arg6[%dma_start3A_273, %dma_start3A_277] : memref<10x128xi32, #tpu.memory_space<vmem>> -> memref<1x128xi32, #tpu.memory_space<vmem>>
      %dma_start3A_279 = tpu.memref_squeeze %dma_start3A_278 : memref<1x128xi32, #tpu.memory_space<vmem>> -> memref<128xi32, #tpu.memory_space<vmem>>
      %dma_start3A_280 = arith.constant 0 : i32
      %dma_start3A_281 = arith.constant 0 : i32
      %dma_start3A_282 = tpu.memref_slice %arg2[%dma_start3A_280, %dma_start3A_281] : memref<100000x32xf32, #tpu.memory_space<hbm>> -> memref<100000x32xf32, #tpu.memory_space<hbm>>
      tpu.enqueue_indirect_dma source(%dma_start3A_282 : memref<100000x32xf32, #tpu.memory_space<hbm>>) target(%dma_start3A_276 : memref<128x32xf32, #tpu.memory_space<vmem>>) offsets(%dma_start3A_279 : memref<128xi32, #tpu.memory_space<vmem>>) semaphore(%arg9 : memref<!tpu.dma_semaphore, #tpu.memory_space<semaphore_mem>>)
      %dma_start3A_283 = arith.constant 4 : i32
      %dma_start3A_284 = arith.constant 512 : i32
      %dma_start3A_285 = arith.constant 0 : i32
      %dma_start3A_286 = tpu.memref_slice %arg8[%dma_start3A_284, %dma_start3A_285] : memref<1280x32xf32, #tpu.memory_space<vmem>> -> memref<128x32xf32, #tpu.memory_space<vmem>>
      %dma_start3A_287 = arith.constant 0 : i32
      %dma_start3A_288 = tpu.memref_slice %arg6[%dma_start3A_283, %dma_start3A_287] : memref<10x128xi32, #tpu.memory_space<vmem>> -> memref<1x128xi32, #tpu.memory_space<vmem>>
      %dma_start3A_289 = tpu.memref_squeeze %dma_start3A_288 : memref<1x128xi32, #tpu.memory_space<vmem>> -> memref<128xi32, #tpu.memory_space<vmem>>
      %dma_start3A_290 = arith.constant 0 : i32
      %dma_start3A_291 = arith.constant 0 : i32
      %dma_start3A_292 = tpu.memref_slice %arg2[%dma_start3A_290, %dma_start3A_291] : memref<100000x32xf32, #tpu.memory_space<hbm>> -> memref<100000x32xf32, #tpu.memory_space<hbm>>
      tpu.enqueue_indirect_dma source(%dma_start3A_292 : memref<100000x32xf32, #tpu.memory_space<hbm>>) target(%dma_start3A_286 : memref<128x32xf32, #tpu.memory_space<vmem>>) offsets(%dma_start3A_289 : memref<128xi32, #tpu.memory_space<vmem>>) semaphore(%arg9 : memref<!tpu.dma_semaphore, #tpu.memory_space<semaphore_mem>>)
      %dma_start3A_293 = arith.constant 5 : i32
      %dma_start3A_294 = arith.constant 640 : i32
      %dma_start3A_295 = arith.constant 0 : i32
      %dma_start3A_296 = tpu.memref_slice %arg8[%dma_start3A_294, %dma_start3A_295] : memref<1280x32xf32, #tpu.memory_space<vmem>> -> memref<128x32xf32, #tpu.memory_space<vmem>>
      %dma_start3A_297 = arith.constant 0 : i32
      %dma_start3A_298 = tpu.memref_slice %arg6[%dma_start3A_293, %dma_start3A_297] : memref<10x128xi32, #tpu.memory_space<vmem>> -> memref<1x128xi32, #tpu.memory_space<vmem>>
      %dma_start3A_299 = tpu.memref_squeeze %dma_start3A_298 : memref<1x128xi32, #tpu.memory_space<vmem>> -> memref<128xi32, #tpu.memory_space<vmem>>
      %dma_start3A_300 = arith.constant 0 : i32
      %dma_start3A_301 = arith.constant 0 : i32
      %dma_start3A_302 = tpu.memref_slice %arg2[%dma_start3A_300, %dma_start3A_301] : memref<100000x32xf32, #tpu.memory_space<hbm>> -> memref<100000x32xf32, #tpu.memory_space<hbm>>
      tpu.enqueue_indirect_dma source(%dma_start3A_302 : memref<100000x32xf32, #tpu.memory_space<hbm>>) target(%dma_start3A_296 : memref<128x32xf32, #tpu.memory_space<vmem>>) offsets(%dma_start3A_299 : memref<128xi32, #tpu.memory_space<vmem>>) semaphore(%arg9 : memref<!tpu.dma_semaphore, #tpu.memory_space<semaphore_mem>>)
      %dma_start3A_303 = arith.constant 6 : i32
      %dma_start3A_304 = arith.constant 768 : i32
      %dma_start3A_305 = arith.constant 0 : i32
      %dma_start3A_306 = tpu.memref_slice %arg8[%dma_start3A_304, %dma_start3A_305] : memref<1280x32xf32, #tpu.memory_space<vmem>> -> memref<128x32xf32, #tpu.memory_space<vmem>>
      %dma_start3A_307 = arith.constant 0 : i32
      %dma_start3A_308 = tpu.memref_slice %arg6[%dma_start3A_303, %dma_start3A_307] : memref<10x128xi32, #tpu.memory_space<vmem>> -> memref<1x128xi32, #tpu.memory_space<vmem>>
      %dma_start3A_309 = tpu.memref_squeeze %dma_start3A_308 : memref<1x128xi32, #tpu.memory_space<vmem>> -> memref<128xi32, #tpu.memory_space<vmem>>
      %dma_start3A_310 = arith.constant 0 : i32
      %dma_start3A_311 = arith.constant 0 : i32
      %dma_start3A_312 = tpu.memref_slice %arg2[%dma_start3A_310, %dma_start3A_311] : memref<100000x32xf32, #tpu.memory_space<hbm>> -> memref<100000x32xf32, #tpu.memory_space<hbm>>
      tpu.enqueue_indirect_dma source(%dma_start3A_312 : memref<100000x32xf32, #tpu.memory_space<hbm>>) target(%dma_start3A_306 : memref<128x32xf32, #tpu.memory_space<vmem>>) offsets(%dma_start3A_309 : memref<128xi32, #tpu.memory_space<vmem>>) semaphore(%arg9 : memref<!tpu.dma_semaphore, #tpu.memory_space<semaphore_mem>>)
      %dma_start3A_313 = arith.constant 7 : i32
      %dma_start3A_314 = arith.constant 896 : i32
      %dma_start3A_315 = arith.constant 0 : i32
      %dma_start3A_316 = tpu.memref_slice %arg8[%dma_start3A_314, %dma_start3A_315] : memref<1280x32xf32, #tpu.memory_space<vmem>> -> memref<128x32xf32, #tpu.memory_space<vmem>>
      %dma_start3A_317 = arith.constant 0 : i32
      %dma_start3A_318 = tpu.memref_slice %arg6[%dma_start3A_313, %dma_start3A_317] : memref<10x128xi32, #tpu.memory_space<vmem>> -> memref<1x128xi32, #tpu.memory_space<vmem>>
      %dma_start3A_319 = tpu.memref_squeeze %dma_start3A_318 : memref<1x128xi32, #tpu.memory_space<vmem>> -> memref<128xi32, #tpu.memory_space<vmem>>
      %dma_start3A_320 = arith.constant 0 : i32
      %dma_start3A_321 = arith.constant 0 : i32
      %dma_start3A_322 = tpu.memref_slice %arg2[%dma_start3A_320, %dma_start3A_321] : memref<100000x32xf32, #tpu.memory_space<hbm>> -> memref<100000x32xf32, #tpu.memory_space<hbm>>
      tpu.enqueue_indirect_dma source(%dma_start3A_322 : memref<100000x32xf32, #tpu.memory_space<hbm>>) target(%dma_start3A_316 : memref<128x32xf32, #tpu.memory_space<vmem>>) offsets(%dma_start3A_319 : memref<128xi32, #tpu.memory_space<vmem>>) semaphore(%arg9 : memref<!tpu.dma_semaphore, #tpu.memory_space<semaphore_mem>>)
      %dma_start3A_323 = arith.constant 8 : i32
      %dma_start3A_324 = arith.constant 1024 : i32
      %dma_start3A_325 = arith.constant 0 : i32
      %dma_start3A_326 = tpu.memref_slice %arg8[%dma_start3A_324, %dma_start3A_325] : memref<1280x32xf32, #tpu.memory_space<vmem>> -> memref<128x32xf32, #tpu.memory_space<vmem>>
      %dma_start3A_327 = arith.constant 0 : i32
      %dma_start3A_328 = tpu.memref_slice %arg6[%dma_start3A_323, %dma_start3A_327] : memref<10x128xi32, #tpu.memory_space<vmem>> -> memref<1x128xi32, #tpu.memory_space<vmem>>
      %dma_start3A_329 = tpu.memref_squeeze %dma_start3A_328 : memref<1x128xi32, #tpu.memory_space<vmem>> -> memref<128xi32, #tpu.memory_space<vmem>>
      %dma_start3A_330 = arith.constant 0 : i32
      %dma_start3A_331 = arith.constant 0 : i32
      %dma_start3A_332 = tpu.memref_slice %arg2[%dma_start3A_330, %dma_start3A_331] : memref<100000x32xf32, #tpu.memory_space<hbm>> -> memref<100000x32xf32, #tpu.memory_space<hbm>>
      tpu.enqueue_indirect_dma source(%dma_start3A_332 : memref<100000x32xf32, #tpu.memory_space<hbm>>) target(%dma_start3A_326 : memref<128x32xf32, #tpu.memory_space<vmem>>) offsets(%dma_start3A_329 : memref<128xi32, #tpu.memory_space<vmem>>) semaphore(%arg9 : memref<!tpu.dma_semaphore, #tpu.memory_space<semaphore_mem>>)
      %dma_start3A_333 = arith.constant 9 : i32
      %dma_start3A_334 = arith.constant 1152 : i32
      %dma_start3A_335 = arith.constant 0 : i32
      %dma_start3A_336 = tpu.memref_slice %arg8[%dma_start3A_334, %dma_start3A_335] : memref<1280x32xf32, #tpu.memory_space<vmem>> -> memref<128x32xf32, #tpu.memory_space<vmem>>
      %dma_start3A_337 = arith.constant 0 : i32
      %dma_start3A_338 = tpu.memref_slice %arg6[%dma_start3A_333, %dma_start3A_337] : memref<10x128xi32, #tpu.memory_space<vmem>> -> memref<1x128xi32, #tpu.memory_space<vmem>>
      %dma_start3A_339 = tpu.memref_squeeze %dma_start3A_338 : memref<1x128xi32, #tpu.memory_space<vmem>> -> memref<128xi32, #tpu.memory_space<vmem>>
      %dma_start3A_340 = arith.constant 0 : i32
      %dma_start3A_341 = arith.constant 0 : i32
      %dma_start3A_342 = tpu.memref_slice %arg2[%dma_start3A_340, %dma_start3A_341] : memref<100000x32xf32, #tpu.memory_space<hbm>> -> memref<100000x32xf32, #tpu.memory_space<hbm>>
      tpu.enqueue_indirect_dma source(%dma_start3A_342 : memref<100000x32xf32, #tpu.memory_space<hbm>>) target(%dma_start3A_336 : memref<128x32xf32, #tpu.memory_space<vmem>>) offsets(%dma_start3A_339 : memref<128xi32, #tpu.memory_space<vmem>>) semaphore(%arg9 : memref<!tpu.dma_semaphore, #tpu.memory_space<semaphore_mem>>)
      %dma_wait3A_343 = arith.constant 0 : i32
      %dma_wait3A_344 = arith.constant 0 : i32
      %dma_wait3A_345 = arith.constant 0 : i32
      %dma_wait3A_346 = tpu.memref_slice %arg8[%dma_wait3A_344, %dma_wait3A_345] : memref<1280x32xf32, #tpu.memory_space<vmem>> -> memref<128x32xf32, #tpu.memory_space<vmem>>
      %dma_wait3A_347 = arith.constant 0 : i32
      %dma_wait3A_348 = tpu.memref_slice %arg6[%dma_wait3A_343, %dma_wait3A_347] : memref<10x128xi32, #tpu.memory_space<vmem>> -> memref<1x128xi32, #tpu.memory_space<vmem>>
      %dma_wait3A_349 = tpu.memref_squeeze %dma_wait3A_348 : memref<1x128xi32, #tpu.memory_space<vmem>> -> memref<128xi32, #tpu.memory_space<vmem>>
      %dma_wait3A_350 = arith.constant 0 : i32
      %dma_wait3A_351 = arith.constant 0 : i32
      %dma_wait3A_352 = tpu.memref_slice %arg2[%dma_wait3A_350, %dma_wait3A_351] : memref<100000x32xf32, #tpu.memory_space<hbm>> -> memref<100000x32xf32, #tpu.memory_space<hbm>>
      tpu.wait_indirect_dma semaphore(%arg9 : memref<!tpu.dma_semaphore, #tpu.memory_space<semaphore_mem>>) src(%dma_wait3A_352 : memref<100000x32xf32, #tpu.memory_space<hbm>>) dst(%dma_wait3A_346 : memref<128x32xf32, #tpu.memory_space<vmem>>)
      %dma_wait3A_353 = arith.constant 1 : i32
      %dma_wait3A_354 = arith.constant 128 : i32
      %dma_wait3A_355 = arith.constant 0 : i32
      %dma_wait3A_356 = tpu.memref_slice %arg8[%dma_wait3A_354, %dma_wait3A_355] : memref<1280x32xf32, #tpu.memory_space<vmem>> -> memref<128x32xf32, #tpu.memory_space<vmem>>
      %dma_wait3A_357 = arith.constant 0 : i32
      %dma_wait3A_358 = tpu.memref_slice %arg6[%dma_wait3A_353, %dma_wait3A_357] : memref<10x128xi32, #tpu.memory_space<vmem>> -> memref<1x128xi32, #tpu.memory_space<vmem>>
      %dma_wait3A_359 = tpu.memref_squeeze %dma_wait3A_358 : memref<1x128xi32, #tpu.memory_space<vmem>> -> memref<128xi32, #tpu.memory_space<vmem>>
      %dma_wait3A_360 = arith.constant 0 : i32
      %dma_wait3A_361 = arith.constant 0 : i32
      %dma_wait3A_362 = tpu.memref_slice %arg2[%dma_wait3A_360, %dma_wait3A_361] : memref<100000x32xf32, #tpu.memory_space<hbm>> -> memref<100000x32xf32, #tpu.memory_space<hbm>>
      tpu.wait_indirect_dma semaphore(%arg9 : memref<!tpu.dma_semaphore, #tpu.memory_space<semaphore_mem>>) src(%dma_wait3A_362 : memref<100000x32xf32, #tpu.memory_space<hbm>>) dst(%dma_wait3A_356 : memref<128x32xf32, #tpu.memory_space<vmem>>)
      %dma_wait3A_363 = arith.constant 2 : i32
      %dma_wait3A_364 = arith.constant 256 : i32
      %dma_wait3A_365 = arith.constant 0 : i32
      %dma_wait3A_366 = tpu.memref_slice %arg8[%dma_wait3A_364, %dma_wait3A_365] : memref<1280x32xf32, #tpu.memory_space<vmem>> -> memref<128x32xf32, #tpu.memory_space<vmem>>
      %dma_wait3A_367 = arith.constant 0 : i32
      %dma_wait3A_368 = tpu.memref_slice %arg6[%dma_wait3A_363, %dma_wait3A_367] : memref<10x128xi32, #tpu.memory_space<vmem>> -> memref<1x128xi32, #tpu.memory_space<vmem>>
      %dma_wait3A_369 = tpu.memref_squeeze %dma_wait3A_368 : memref<1x128xi32, #tpu.memory_space<vmem>> -> memref<128xi32, #tpu.memory_space<vmem>>
      %dma_wait3A_370 = arith.constant 0 : i32
      %dma_wait3A_371 = arith.constant 0 : i32
      %dma_wait3A_372 = tpu.memref_slice %arg2[%dma_wait3A_370, %dma_wait3A_371] : memref<100000x32xf32, #tpu.memory_space<hbm>> -> memref<100000x32xf32, #tpu.memory_space<hbm>>
      tpu.wait_indirect_dma semaphore(%arg9 : memref<!tpu.dma_semaphore, #tpu.memory_space<semaphore_mem>>) src(%dma_wait3A_372 : memref<100000x32xf32, #tpu.memory_space<hbm>>) dst(%dma_wait3A_366 : memref<128x32xf32, #tpu.memory_space<vmem>>)
      %dma_wait3A_373 = arith.constant 3 : i32
      %dma_wait3A_374 = arith.constant 384 : i32
      %dma_wait3A_375 = arith.constant 0 : i32
      %dma_wait3A_376 = tpu.memref_slice %arg8[%dma_wait3A_374, %dma_wait3A_375] : memref<1280x32xf32, #tpu.memory_space<vmem>> -> memref<128x32xf32, #tpu.memory_space<vmem>>
      %dma_wait3A_377 = arith.constant 0 : i32
      %dma_wait3A_378 = tpu.memref_slice %arg6[%dma_wait3A_373, %dma_wait3A_377] : memref<10x128xi32, #tpu.memory_space<vmem>> -> memref<1x128xi32, #tpu.memory_space<vmem>>
      %dma_wait3A_379 = tpu.memref_squeeze %dma_wait3A_378 : memref<1x128xi32, #tpu.memory_space<vmem>> -> memref<128xi32, #tpu.memory_space<vmem>>
      %dma_wait3A_380 = arith.constant 0 : i32
      %dma_wait3A_381 = arith.constant 0 : i32
      %dma_wait3A_382 = tpu.memref_slice %arg2[%dma_wait3A_380, %dma_wait3A_381] : memref<100000x32xf32, #tpu.memory_space<hbm>> -> memref<100000x32xf32, #tpu.memory_space<hbm>>
      tpu.wait_indirect_dma semaphore(%arg9 : memref<!tpu.dma_semaphore, #tpu.memory_space<semaphore_mem>>) src(%dma_wait3A_382 : memref<100000x32xf32, #tpu.memory_space<hbm>>) dst(%dma_wait3A_376 : memref<128x32xf32, #tpu.memory_space<vmem>>)
      %dma_wait3A_383 = arith.constant 4 : i32
      %dma_wait3A_384 = arith.constant 512 : i32
      %dma_wait3A_385 = arith.constant 0 : i32
      %dma_wait3A_386 = tpu.memref_slice %arg8[%dma_wait3A_384, %dma_wait3A_385] : memref<1280x32xf32, #tpu.memory_space<vmem>> -> memref<128x32xf32, #tpu.memory_space<vmem>>
      %dma_wait3A_387 = arith.constant 0 : i32
      %dma_wait3A_388 = tpu.memref_slice %arg6[%dma_wait3A_383, %dma_wait3A_387] : memref<10x128xi32, #tpu.memory_space<vmem>> -> memref<1x128xi32, #tpu.memory_space<vmem>>
      %dma_wait3A_389 = tpu.memref_squeeze %dma_wait3A_388 : memref<1x128xi32, #tpu.memory_space<vmem>> -> memref<128xi32, #tpu.memory_space<vmem>>
      %dma_wait3A_390 = arith.constant 0 : i32
      %dma_wait3A_391 = arith.constant 0 : i32
      %dma_wait3A_392 = tpu.memref_slice %arg2[%dma_wait3A_390, %dma_wait3A_391] : memref<100000x32xf32, #tpu.memory_space<hbm>> -> memref<100000x32xf32, #tpu.memory_space<hbm>>
      tpu.wait_indirect_dma semaphore(%arg9 : memref<!tpu.dma_semaphore, #tpu.memory_space<semaphore_mem>>) src(%dma_wait3A_392 : memref<100000x32xf32, #tpu.memory_space<hbm>>) dst(%dma_wait3A_386 : memref<128x32xf32, #tpu.memory_space<vmem>>)
      %dma_wait3A_393 = arith.constant 5 : i32
      %dma_wait3A_394 = arith.constant 640 : i32
      %dma_wait3A_395 = arith.constant 0 : i32
      %dma_wait3A_396 = tpu.memref_slice %arg8[%dma_wait3A_394, %dma_wait3A_395] : memref<1280x32xf32, #tpu.memory_space<vmem>> -> memref<128x32xf32, #tpu.memory_space<vmem>>
      %dma_wait3A_397 = arith.constant 0 : i32
      %dma_wait3A_398 = tpu.memref_slice %arg6[%dma_wait3A_393, %dma_wait3A_397] : memref<10x128xi32, #tpu.memory_space<vmem>> -> memref<1x128xi32, #tpu.memory_space<vmem>>
      %dma_wait3A_399 = tpu.memref_squeeze %dma_wait3A_398 : memref<1x128xi32, #tpu.memory_space<vmem>> -> memref<128xi32, #tpu.memory_space<vmem>>
      %dma_wait3A_400 = arith.constant 0 : i32
      %dma_wait3A_401 = arith.constant 0 : i32
      %dma_wait3A_402 = tpu.memref_slice %arg2[%dma_wait3A_400, %dma_wait3A_401] : memref<100000x32xf32, #tpu.memory_space<hbm>> -> memref<100000x32xf32, #tpu.memory_space<hbm>>
      tpu.wait_indirect_dma semaphore(%arg9 : memref<!tpu.dma_semaphore, #tpu.memory_space<semaphore_mem>>) src(%dma_wait3A_402 : memref<100000x32xf32, #tpu.memory_space<hbm>>) dst(%dma_wait3A_396 : memref<128x32xf32, #tpu.memory_space<vmem>>)
      %dma_wait3A_403 = arith.constant 6 : i32
      %dma_wait3A_404 = arith.constant 768 : i32
      %dma_wait3A_405 = arith.constant 0 : i32
      %dma_wait3A_406 = tpu.memref_slice %arg8[%dma_wait3A_404, %dma_wait3A_405] : memref<1280x32xf32, #tpu.memory_space<vmem>> -> memref<128x32xf32, #tpu.memory_space<vmem>>
      %dma_wait3A_407 = arith.constant 0 : i32
      %dma_wait3A_408 = tpu.memref_slice %arg6[%dma_wait3A_403, %dma_wait3A_407] : memref<10x128xi32, #tpu.memory_space<vmem>> -> memref<1x128xi32, #tpu.memory_space<vmem>>
      %dma_wait3A_409 = tpu.memref_squeeze %dma_wait3A_408 : memref<1x128xi32, #tpu.memory_space<vmem>> -> memref<128xi32, #tpu.memory_space<vmem>>
      %dma_wait3A_410 = arith.constant 0 : i32
      %dma_wait3A_411 = arith.constant 0 : i32
      %dma_wait3A_412 = tpu.memref_slice %arg2[%dma_wait3A_410, %dma_wait3A_411] : memref<100000x32xf32, #tpu.memory_space<hbm>> -> memref<100000x32xf32, #tpu.memory_space<hbm>>
      tpu.wait_indirect_dma semaphore(%arg9 : memref<!tpu.dma_semaphore, #tpu.memory_space<semaphore_mem>>) src(%dma_wait3A_412 : memref<100000x32xf32, #tpu.memory_space<hbm>>) dst(%dma_wait3A_406 : memref<128x32xf32, #tpu.memory_space<vmem>>)
      %dma_wait3A_413 = arith.constant 7 : i32
      %dma_wait3A_414 = arith.constant 896 : i32
      %dma_wait3A_415 = arith.constant 0 : i32
      %dma_wait3A_416 = tpu.memref_slice %arg8[%dma_wait3A_414, %dma_wait3A_415] : memref<1280x32xf32, #tpu.memory_space<vmem>> -> memref<128x32xf32, #tpu.memory_space<vmem>>
      %dma_wait3A_417 = arith.constant 0 : i32
      %dma_wait3A_418 = tpu.memref_slice %arg6[%dma_wait3A_413, %dma_wait3A_417] : memref<10x128xi32, #tpu.memory_space<vmem>> -> memref<1x128xi32, #tpu.memory_space<vmem>>
      %dma_wait3A_419 = tpu.memref_squeeze %dma_wait3A_418 : memref<1x128xi32, #tpu.memory_space<vmem>> -> memref<128xi32, #tpu.memory_space<vmem>>
      %dma_wait3A_420 = arith.constant 0 : i32
      %dma_wait3A_421 = arith.constant 0 : i32
      %dma_wait3A_422 = tpu.memref_slice %arg2[%dma_wait3A_420, %dma_wait3A_421] : memref<100000x32xf32, #tpu.memory_space<hbm>> -> memref<100000x32xf32, #tpu.memory_space<hbm>>
      tpu.wait_indirect_dma semaphore(%arg9 : memref<!tpu.dma_semaphore, #tpu.memory_space<semaphore_mem>>) src(%dma_wait3A_422 : memref<100000x32xf32, #tpu.memory_space<hbm>>) dst(%dma_wait3A_416 : memref<128x32xf32, #tpu.memory_space<vmem>>)
      %dma_wait3A_423 = arith.constant 8 : i32
      %dma_wait3A_424 = arith.constant 1024 : i32
      %dma_wait3A_425 = arith.constant 0 : i32
      %dma_wait3A_426 = tpu.memref_slice %arg8[%dma_wait3A_424, %dma_wait3A_425] : memref<1280x32xf32, #tpu.memory_space<vmem>> -> memref<128x32xf32, #tpu.memory_space<vmem>>
      %dma_wait3A_427 = arith.constant 0 : i32
      %dma_wait3A_428 = tpu.memref_slice %arg6[%dma_wait3A_423, %dma_wait3A_427] : memref<10x128xi32, #tpu.memory_space<vmem>> -> memref<1x128xi32, #tpu.memory_space<vmem>>
      %dma_wait3A_429 = tpu.memref_squeeze %dma_wait3A_428 : memref<1x128xi32, #tpu.memory_space<vmem>> -> memref<128xi32, #tpu.memory_space<vmem>>
      %dma_wait3A_430 = arith.constant 0 : i32
      %dma_wait3A_431 = arith.constant 0 : i32
      %dma_wait3A_432 = tpu.memref_slice %arg2[%dma_wait3A_430, %dma_wait3A_431] : memref<100000x32xf32, #tpu.memory_space<hbm>> -> memref<100000x32xf32, #tpu.memory_space<hbm>>
      tpu.wait_indirect_dma semaphore(%arg9 : memref<!tpu.dma_semaphore, #tpu.memory_space<semaphore_mem>>) src(%dma_wait3A_432 : memref<100000x32xf32, #tpu.memory_space<hbm>>) dst(%dma_wait3A_426 : memref<128x32xf32, #tpu.memory_space<vmem>>)
      %dma_wait3A_433 = arith.constant 9 : i32
      %dma_wait3A_434 = arith.constant 1152 : i32
      %dma_wait3A_435 = arith.constant 0 : i32
      %dma_wait3A_436 = tpu.memref_slice %arg8[%dma_wait3A_434, %dma_wait3A_435] : memref<1280x32xf32, #tpu.memory_space<vmem>> -> memref<128x32xf32, #tpu.memory_space<vmem>>
      %dma_wait3A_437 = arith.constant 0 : i32
      %dma_wait3A_438 = tpu.memref_slice %arg6[%dma_wait3A_433, %dma_wait3A_437] : memref<10x128xi32, #tpu.memory_space<vmem>> -> memref<1x128xi32, #tpu.memory_space<vmem>>
      %dma_wait3A_439 = tpu.memref_squeeze %dma_wait3A_438 : memref<1x128xi32, #tpu.memory_space<vmem>> -> memref<128xi32, #tpu.memory_space<vmem>>
      %dma_wait3A_440 = arith.constant 0 : i32
      %dma_wait3A_441 = arith.constant 0 : i32
      %dma_wait3A_442 = tpu.memref_slice %arg2[%dma_wait3A_440, %dma_wait3A_441] : memref<100000x32xf32, #tpu.memory_space<hbm>> -> memref<100000x32xf32, #tpu.memory_space<hbm>>
      tpu.wait_indirect_dma semaphore(%arg9 : memref<!tpu.dma_semaphore, #tpu.memory_space<semaphore_mem>>) src(%dma_wait3A_442 : memref<100000x32xf32, #tpu.memory_space<hbm>>) dst(%dma_wait3A_436 : memref<128x32xf32, #tpu.memory_space<vmem>>)
      %dma_start3A_443 = arith.constant 0 : i32
      %dma_start3A_444 = tpu.memref_slice %arg4[%mul3A_242, %dma_start3A_443] : memref<819200x32xf32, #tpu.memory_space<hbm>> -> memref<1280x32xf32, #tpu.memory_space<hbm>>
      %dma_start3A_445 = arith.constant 0 : i32
      %dma_start3A_446 = tpu.memref_slice %arg4[%mul3A_242, %dma_start3A_445] : memref<819200x32xf32, #tpu.memory_space<hbm>> -> memref<1280x32xf32, #tpu.memory_space<hbm>>
      tpu.enqueue_dma source(%arg8 : memref<1280x32xf32, #tpu.memory_space<vmem>>) target(%dma_start3A_446 : memref<1280x32xf32, #tpu.memory_space<hbm>>) target_semaphore(%arg11 : memref<!tpu.dma_semaphore, #tpu.memory_space<semaphore_mem>>)
    }
    %scan3A_4 = arith.constant 10 : i32
    %dma_wait3A = arith.constant 0 : i32
    %dma_wait3A_5 = arith.constant 0 : i32
    %dma_wait3A_6 = tpu.memref_slice %arg4[%dma_wait3A, %dma_wait3A_5] : memref<819200x32xf32, #tpu.memory_space<hbm>> -> memref<1280x32xf32, #tpu.memory_space<hbm>>
    %dma_wait3A_7 = arith.constant 0 : i32
    %dma_wait3A_8 = arith.constant 0 : i32
    %dma_wait3A_9 = tpu.memref_slice %arg4[%dma_wait3A_7, %dma_wait3A_8] : memref<819200x32xf32, #tpu.memory_space<hbm>> -> memref<1280x32xf32, #tpu.memory_space<hbm>>
    tpu.wait_dma2 semaphore(%arg10 : memref<!tpu.dma_semaphore, #tpu.memory_space<semaphore_mem>>) src(%dma_wait3A_9 : memref<1280x32xf32, #tpu.memory_space<hbm>>) dst(%arg7 : memref<1280x32xf32, #tpu.memory_space<vmem>>)
    %dma_wait3A_10 = arith.constant 0 : i32
    %dma_wait3A_11 = arith.constant 0 : i32
    %dma_wait3A_12 = tpu.memref_slice %arg4[%dma_wait3A_10, %dma_wait3A_11] : memref<819200x32xf32, #tpu.memory_space<hbm>> -> memref<1280x32xf32, #tpu.memory_space<hbm>>
    %dma_wait3A_13 = arith.constant 0 : i32
    %dma_wait3A_14 = arith.constant 0 : i32
    %dma_wait3A_15 = tpu.memref_slice %arg4[%dma_wait3A_13, %dma_wait3A_14] : memref<819200x32xf32, #tpu.memory_space<hbm>> -> memref<1280x32xf32, #tpu.memory_space<hbm>>
    tpu.wait_dma2 semaphore(%arg11 : memref<!tpu.dma_semaphore, #tpu.memory_space<semaphore_mem>>) src(%dma_wait3A_15 : memref<1280x32xf32, #tpu.memory_space<hbm>>) dst(%arg8 : memref<1280x32xf32, #tpu.memory_space<vmem>>)
    return
  }
}

#map = affine_map<(d0, d1) -> (0, 0)>
#map1 = affine_map<(d0, d1) -> (0, 0, 0, 0)>
module attributes {stable_mosaic.version = 14 : i64} {
  func.func @gather(%arg0: i32, %arg1: i32, %arg2: memref<100000x32xf32, #tpu.memory_space<hbm>>, %arg3: memref<32x20x10x128xi32, #tpu.memory_space<hbm>>, %arg4: memref<819200x32xf32, #tpu.memory_space<hbm>>, %arg5: memref<10x128xi32, #tpu.memory_space<vmem>>, %arg6: memref<10x128xi32, #tpu.memory_space<vmem>>, %arg7: memref<1280x32xf32, #tpu.memory_space<vmem>>, %arg8: memref<1280x32xf32, #tpu.memory_space<vmem>>, %arg9: memref<!tpu.dma_semaphore, #tpu.memory_space<semaphore_mem>>, %arg10: memref<!tpu.dma_semaphore, #tpu.memory_space<semaphore_mem>>, %arg11: memref<!tpu.dma_semaphore, #tpu.memory_space<semaphore_mem>>) attributes {dimension_semantics = [#tpu.dimension_semantics<core_parallel>, #tpu.dimension_semantics<subcore_parallel>], iteration_bounds = array<i64: 2, 16>, scalar_prefetch = 0 : i64, scratch_operands = 7 : i64, tpu.core_type = #tpu.core_type<sc_vector_subcore>, window_params = [{transform_indices = #map}, {transform_indices = #map1}, {transform_indices = #map}]} {
    %mul3A = arith.constant 2 : i32
    %mul3A_0 = arith.muli %arg1, %mul3A : i32
    %add3A = arith.addi %mul3A_0, %arg0 : i32
    %scan3A = arith.constant 0 : i32
    %scan3A_1 = arith.constant 10 : i32
    %scan3A_2 = arith.addi %scan3A, %scan3A_1 : i32
    %scan3A_3 = arith.constant 1 : i32
    scf.for %scan3A_16 = %scan3A to %scan3A_2 step %scan3A_3  : i32 {
      %ge3A = arith.constant 1 : i32
      %ge3A_17 = arith.cmpi sge, %scan3A_16, %ge3A : i32
      %convert_element_type3A = arith.extui %ge3A_17 : i1 to i32
      %cond3A = arith.constant 0 : i32
      %cond3A_18 = arith.cmpi ne, %convert_element_type3A, %cond3A : i32
      scf.if %cond3A_18 {
        %dma_wait3A_447 = arith.constant 0 : i32
        %dma_wait3A_448 = arith.constant 0 : i32
        %dma_wait3A_449 = tpu.memref_slice %arg4[%dma_wait3A_447, %dma_wait3A_448] : memref<819200x32xf32, #tpu.memory_space<hbm>> -> memref<1280x32xf32, #tpu.memory_space<hbm>>
        %dma_wait3A_450 = arith.constant 0 : i32
        %dma_wait3A_451 = arith.constant 0 : i32
        %dma_wait3A_452 = tpu.memref_slice %arg4[%dma_wait3A_450, %dma_wait3A_451] : memref<819200x32xf32, #tpu.memory_space<hbm>> -> memref<1280x32xf32, #tpu.memory_space<hbm>>
        tpu.wait_dma2 semaphore(%arg10 : memref<!tpu.dma_semaphore, #tpu.memory_space<semaphore_mem>>) src(%dma_wait3A_452 : memref<1280x32xf32, #tpu.memory_space<hbm>>) dst(%arg7 : memref<1280x32xf32, #tpu.memory_space<vmem>>)
      } else {
      }
      %mul3A_19 = arith.constant 2 : i32
      %mul3A_20 = arith.muli %mul3A_19, %scan3A_16 : i32
      %mul3A_21 = arith.constant 20 : i32
      %mul3A_22 = arith.muli %add3A, %mul3A_21 : i32
      %add3A_23 = arith.addi %mul3A_22, %mul3A_20 : i32
      %mul3A_24 = arith.constant 1280 : i32
      %mul3A_25 = arith.muli %add3A_23, %mul3A_24 : i32
      "tpu.region"() ({
        %run_scoped3A = tpu.sem_alloc : memref<!tpu.dma_semaphore, #tpu.memory_space<semaphore_mem>>
        %dma_start3A_447 = arith.constant 0 : i32
        %dma_start3A_448 = arith.constant 0 : i32
        %dma_start3A_449 = tpu.memref_slice %arg3[%add3A, %mul3A_20, %dma_start3A_447, %dma_start3A_448] : memref<32x20x10x128xi32, #tpu.memory_space<hbm>> -> memref<1x1x10x128xi32, #tpu.memory_space<hbm>>
        %dma_start3A_450 = tpu.memref_squeeze %dma_start3A_449 : memref<1x1x10x128xi32, #tpu.memory_space<hbm>> -> memref<10x128xi32, #tpu.memory_space<hbm>>
        %dma_start3A_451 = arith.constant 0 : i32
        %dma_start3A_452 = arith.constant 0 : i32
        %dma_start3A_453 = tpu.memref_slice %arg3[%add3A, %mul3A_20, %dma_start3A_451, %dma_start3A_452] : memref<32x20x10x128xi32, #tpu.memory_space<hbm>> -> memref<1x1x10x128xi32, #tpu.memory_space<hbm>>
        %dma_start3A_454 = tpu.memref_squeeze %dma_start3A_453 : memref<1x1x10x128xi32, #tpu.memory_space<hbm>> -> memref<10x128xi32, #tpu.memory_space<hbm>>
        tpu.enqueue_dma source(%dma_start3A_454 : memref<10x128xi32, #tpu.memory_space<hbm>>) target(%arg5 : memref<10x128xi32, #tpu.memory_space<vmem>>) target_semaphore(%run_scoped3A : memref<!tpu.dma_semaphore, #tpu.memory_space<semaphore_mem>>)
        %dma_wait3A_455 = arith.constant 0 : i32
        %dma_wait3A_456 = arith.constant 0 : i32
        %dma_wait3A_457 = tpu.memref_slice %arg3[%add3A, %mul3A_20, %dma_wait3A_455, %dma_wait3A_456] : memref<32x20x10x128xi32, #tpu.memory_space<hbm>> -> memref<1x1x10x128xi32, #tpu.memory_space<hbm>>
        %dma_wait3A_458 = tpu.memref_squeeze %dma_wait3A_457 : memref<1x1x10x128xi32, #tpu.memory_space<hbm>> -> memref<10x128xi32, #tpu.memory_space<hbm>>
        %dma_wait3A_459 = arith.constant 0 : i32
        %dma_wait3A_460 = arith.constant 0 : i32
        %dma_wait3A_461 = tpu.memref_slice %arg3[%add3A, %mul3A_20, %dma_wait3A_459, %dma_wait3A_460] : memref<32x20x10x128xi32, #tpu.memory_space<hbm>> -> memref<1x1x10x128xi32, #tpu.memory_space<hbm>>
        %dma_wait3A_462 = tpu.memref_squeeze %dma_wait3A_461 : memref<1x1x10x128xi32, #tpu.memory_space<hbm>> -> memref<10x128xi32, #tpu.memory_space<hbm>>
        tpu.wait_dma2 semaphore(%run_scoped3A : memref<!tpu.dma_semaphore, #tpu.memory_space<semaphore_mem>>) src(%dma_wait3A_462 : memref<10x128xi32, #tpu.memory_space<hbm>>) dst(%arg5 : memref<10x128xi32, #tpu.memory_space<vmem>>)
        tpu.yield
      }) : () -> ()
      %dma_start3A = arith.constant 0 : i32
      %dma_start3A_26 = arith.constant 0 : i32
      %dma_start3A_27 = arith.constant 0 : i32
      %dma_start3A_28 = tpu.memref_slice %arg7[%dma_start3A_26, %dma_start3A_27] : memref<1280x32xf32, #tpu.memory_space<vmem>> -> memref<128x32xf32, #tpu.memory_space<vmem>>
      %dma_start3A_29 = arith.constant 0 : i32
      %dma_start3A_30 = tpu.memref_slice %arg5[%dma_start3A, %dma_start3A_29] : memref<10x128xi32, #tpu.memory_space<vmem>> -> memref<1x128xi32, #tpu.memory_space<vmem>>
      %dma_start3A_31 = tpu.memref_squeeze %dma_start3A_30 : memref<1x128xi32, #tpu.memory_space<vmem>> -> memref<128xi32, #tpu.memory_space<vmem>>
      %dma_start3A_32 = arith.constant 0 : i32
      %dma_start3A_33 = arith.constant 0 : i32
      %dma_start3A_34 = tpu.memref_slice %arg2[%dma_start3A_32, %dma_start3A_33] : memref<100000x32xf32, #tpu.memory_space<hbm>> -> memref<100000x32xf32, #tpu.memory_space<hbm>>
      tpu.enqueue_indirect_dma source(%dma_start3A_34 : memref<100000x32xf32, #tpu.memory_space<hbm>>) target(%dma_start3A_28 : memref<128x32xf32, #tpu.memory_space<vmem>>) offsets(%dma_start3A_31 : memref<128xi32, #tpu.memory_space<vmem>>) semaphore(%arg9 : memref<!tpu.dma_semaphore, #tpu.memory_space<semaphore_mem>>)
      %dma_start3A_35 = arith.constant 1 : i32
      %dma_start3A_36 = arith.constant 128 : i32
      %dma_start3A_37 = arith.constant 0 : i32
      %dma_start3A_38 = tpu.memref_slice %arg7[%dma_start3A_36, %dma_start3A_37] : memref<1280x32xf32, #tpu.memory_space<vmem>> -> memref<128x32xf32, #tpu.memory_space<vmem>>
      %dma_start3A_39 = arith.constant 0 : i32
      %dma_start3A_40 = tpu.memref_slice %arg5[%dma_start3A_35, %dma_start3A_39] : memref<10x128xi32, #tpu.memory_space<vmem>> -> memref<1x128xi32, #tpu.memory_space<vmem>>
      %dma_start3A_41 = tpu.memref_squeeze %dma_start3A_40 : memref<1x128xi32, #tpu.memory_space<vmem>> -> memref<128xi32, #tpu.memory_space<vmem>>
      %dma_start3A_42 = arith.constant 0 : i32
      %dma_start3A_43 = arith.constant 0 : i32
      %dma_start3A_44 = tpu.memref_slice %arg2[%dma_start3A_42, %dma_start3A_43] : memref<100000x32xf32, #tpu.memory_space<hbm>> -> memref<100000x32xf32, #tpu.memory_space<hbm>>
      tpu.enqueue_indirect_dma source(%dma_start3A_44 : memref<100000x32xf32, #tpu.memory_space<hbm>>) target(%dma_start3A_38 : memref<128x32xf32, #tpu.memory_space<vmem>>) offsets(%dma_start3A_41 : memref<128xi32, #tpu.memory_space<vmem>>) semaphore(%arg9 : memref<!tpu.dma_semaphore, #tpu.memory_space<semaphore_mem>>)
      %dma_start3A_45 = arith.constant 2 : i32
      %dma_start3A_46 = arith.constant 256 : i32
      %dma_start3A_47 = arith.constant 0 : i32
      %dma_start3A_48 = tpu.memref_slice %arg7[%dma_start3A_46, %dma_start3A_47] : memref<1280x32xf32, #tpu.memory_space<vmem>> -> memref<128x32xf32, #tpu.memory_space<vmem>>
      %dma_start3A_49 = arith.constant 0 : i32
      %dma_start3A_50 = tpu.memref_slice %arg5[%dma_start3A_45, %dma_start3A_49] : memref<10x128xi32, #tpu.memory_space<vmem>> -> memref<1x128xi32, #tpu.memory_space<vmem>>
      %dma_start3A_51 = tpu.memref_squeeze %dma_start3A_50 : memref<1x128xi32, #tpu.memory_space<vmem>> -> memref<128xi32, #tpu.memory_space<vmem>>
      %dma_start3A_52 = arith.constant 0 : i32
      %dma_start3A_53 = arith.constant 0 : i32
      %dma_start3A_54 = tpu.memref_slice %arg2[%dma_start3A_52, %dma_start3A_53] : memref<100000x32xf32, #tpu.memory_space<hbm>> -> memref<100000x32xf32, #tpu.memory_space<hbm>>
      tpu.enqueue_indirect_dma source(%dma_start3A_54 : memref<100000x32xf32, #tpu.memory_space<hbm>>) target(%dma_start3A_48 : memref<128x32xf32, #tpu.memory_space<vmem>>) offsets(%dma_start3A_51 : memref<128xi32, #tpu.memory_space<vmem>>) semaphore(%arg9 : memref<!tpu.dma_semaphore, #tpu.memory_space<semaphore_mem>>)
      %dma_start3A_55 = arith.constant 3 : i32
      %dma_start3A_56 = arith.constant 384 : i32
      %dma_start3A_57 = arith.constant 0 : i32
      %dma_start3A_58 = tpu.memref_slice %arg7[%dma_start3A_56, %dma_start3A_57] : memref<1280x32xf32, #tpu.memory_space<vmem>> -> memref<128x32xf32, #tpu.memory_space<vmem>>
      %dma_start3A_59 = arith.constant 0 : i32
      %dma_start3A_60 = tpu.memref_slice %arg5[%dma_start3A_55, %dma_start3A_59] : memref<10x128xi32, #tpu.memory_space<vmem>> -> memref<1x128xi32, #tpu.memory_space<vmem>>
      %dma_start3A_61 = tpu.memref_squeeze %dma_start3A_60 : memref<1x128xi32, #tpu.memory_space<vmem>> -> memref<128xi32, #tpu.memory_space<vmem>>
      %dma_start3A_62 = arith.constant 0 : i32
      %dma_start3A_63 = arith.constant 0 : i32
      %dma_start3A_64 = tpu.memref_slice %arg2[%dma_start3A_62, %dma_start3A_63] : memref<100000x32xf32, #tpu.memory_space<hbm>> -> memref<100000x32xf32, #tpu.memory_space<hbm>>
      tpu.enqueue_indirect_dma source(%dma_start3A_64 : memref<100000x32xf32, #tpu.memory_space<hbm>>) target(%dma_start3A_58 : memref<128x32xf32, #tpu.memory_space<vmem>>) offsets(%dma_start3A_61 : memref<128xi32, #tpu.memory_space<vmem>>) semaphore(%arg9 : memref<!tpu.dma_semaphore, #tpu.memory_space<semaphore_mem>>)
      %dma_start3A_65 = arith.constant 4 : i32
      %dma_start3A_66 = arith.constant 512 : i32
      %dma_start3A_67 = arith.constant 0 : i32
      %dma_start3A_68 = tpu.memref_slice %arg7[%dma_start3A_66, %dma_start3A_67] : memref<1280x32xf32, #tpu.memory_space<vmem>> -> memref<128x32xf32, #tpu.memory_space<vmem>>
      %dma_start3A_69 = arith.constant 0 : i32
      %dma_start3A_70 = tpu.memref_slice %arg5[%dma_start3A_65, %dma_start3A_69] : memref<10x128xi32, #tpu.memory_space<vmem>> -> memref<1x128xi32, #tpu.memory_space<vmem>>
      %dma_start3A_71 = tpu.memref_squeeze %dma_start3A_70 : memref<1x128xi32, #tpu.memory_space<vmem>> -> memref<128xi32, #tpu.memory_space<vmem>>
      %dma_start3A_72 = arith.constant 0 : i32
      %dma_start3A_73 = arith.constant 0 : i32
      %dma_start3A_74 = tpu.memref_slice %arg2[%dma_start3A_72, %dma_start3A_73] : memref<100000x32xf32, #tpu.memory_space<hbm>> -> memref<100000x32xf32, #tpu.memory_space<hbm>>
      tpu.enqueue_indirect_dma source(%dma_start3A_74 : memref<100000x32xf32, #tpu.memory_space<hbm>>) target(%dma_start3A_68 : memref<128x32xf32, #tpu.memory_space<vmem>>) offsets(%dma_start3A_71 : memref<128xi32, #tpu.memory_space<vmem>>) semaphore(%arg9 : memref<!tpu.dma_semaphore, #tpu.memory_space<semaphore_mem>>)
      %dma_start3A_75 = arith.constant 5 : i32
      %dma_start3A_76 = arith.constant 640 : i32
      %dma_start3A_77 = arith.constant 0 : i32
      %dma_start3A_78 = tpu.memref_slice %arg7[%dma_start3A_76, %dma_start3A_77] : memref<1280x32xf32, #tpu.memory_space<vmem>> -> memref<128x32xf32, #tpu.memory_space<vmem>>
      %dma_start3A_79 = arith.constant 0 : i32
      %dma_start3A_80 = tpu.memref_slice %arg5[%dma_start3A_75, %dma_start3A_79] : memref<10x128xi32, #tpu.memory_space<vmem>> -> memref<1x128xi32, #tpu.memory_space<vmem>>
      %dma_start3A_81 = tpu.memref_squeeze %dma_start3A_80 : memref<1x128xi32, #tpu.memory_space<vmem>> -> memref<128xi32, #tpu.memory_space<vmem>>
      %dma_start3A_82 = arith.constant 0 : i32
      %dma_start3A_83 = arith.constant 0 : i32
      %dma_start3A_84 = tpu.memref_slice %arg2[%dma_start3A_82, %dma_start3A_83] : memref<100000x32xf32, #tpu.memory_space<hbm>> -> memref<100000x32xf32, #tpu.memory_space<hbm>>
      tpu.enqueue_indirect_dma source(%dma_start3A_84 : memref<100000x32xf32, #tpu.memory_space<hbm>>) target(%dma_start3A_78 : memref<128x32xf32, #tpu.memory_space<vmem>>) offsets(%dma_start3A_81 : memref<128xi32, #tpu.memory_space<vmem>>) semaphore(%arg9 : memref<!tpu.dma_semaphore, #tpu.memory_space<semaphore_mem>>)
      %dma_start3A_85 = arith.constant 6 : i32
      %dma_start3A_86 = arith.constant 768 : i32
      %dma_start3A_87 = arith.constant 0 : i32
      %dma_start3A_88 = tpu.memref_slice %arg7[%dma_start3A_86, %dma_start3A_87] : memref<1280x32xf32, #tpu.memory_space<vmem>> -> memref<128x32xf32, #tpu.memory_space<vmem>>
      %dma_start3A_89 = arith.constant 0 : i32
      %dma_start3A_90 = tpu.memref_slice %arg5[%dma_start3A_85, %dma_start3A_89] : memref<10x128xi32, #tpu.memory_space<vmem>> -> memref<1x128xi32, #tpu.memory_space<vmem>>
      %dma_start3A_91 = tpu.memref_squeeze %dma_start3A_90 : memref<1x128xi32, #tpu.memory_space<vmem>> -> memref<128xi32, #tpu.memory_space<vmem>>
      %dma_start3A_92 = arith.constant 0 : i32
      %dma_start3A_93 = arith.constant 0 : i32
      %dma_start3A_94 = tpu.memref_slice %arg2[%dma_start3A_92, %dma_start3A_93] : memref<100000x32xf32, #tpu.memory_space<hbm>> -> memref<100000x32xf32, #tpu.memory_space<hbm>>
      tpu.enqueue_indirect_dma source(%dma_start3A_94 : memref<100000x32xf32, #tpu.memory_space<hbm>>) target(%dma_start3A_88 : memref<128x32xf32, #tpu.memory_space<vmem>>) offsets(%dma_start3A_91 : memref<128xi32, #tpu.memory_space<vmem>>) semaphore(%arg9 : memref<!tpu.dma_semaphore, #tpu.memory_space<semaphore_mem>>)
      %dma_start3A_95 = arith.constant 7 : i32
      %dma_start3A_96 = arith.constant 896 : i32
      %dma_start3A_97 = arith.constant 0 : i32
      %dma_start3A_98 = tpu.memref_slice %arg7[%dma_start3A_96, %dma_start3A_97] : memref<1280x32xf32, #tpu.memory_space<vmem>> -> memref<128x32xf32, #tpu.memory_space<vmem>>
      %dma_start3A_99 = arith.constant 0 : i32
      %dma_start3A_100 = tpu.memref_slice %arg5[%dma_start3A_95, %dma_start3A_99] : memref<10x128xi32, #tpu.memory_space<vmem>> -> memref<1x128xi32, #tpu.memory_space<vmem>>
      %dma_start3A_101 = tpu.memref_squeeze %dma_start3A_100 : memref<1x128xi32, #tpu.memory_space<vmem>> -> memref<128xi32, #tpu.memory_space<vmem>>
      %dma_start3A_102 = arith.constant 0 : i32
      %dma_start3A_103 = arith.constant 0 : i32
      %dma_start3A_104 = tpu.memref_slice %arg2[%dma_start3A_102, %dma_start3A_103] : memref<100000x32xf32, #tpu.memory_space<hbm>> -> memref<100000x32xf32, #tpu.memory_space<hbm>>
      tpu.enqueue_indirect_dma source(%dma_start3A_104 : memref<100000x32xf32, #tpu.memory_space<hbm>>) target(%dma_start3A_98 : memref<128x32xf32, #tpu.memory_space<vmem>>) offsets(%dma_start3A_101 : memref<128xi32, #tpu.memory_space<vmem>>) semaphore(%arg9 : memref<!tpu.dma_semaphore, #tpu.memory_space<semaphore_mem>>)
      %dma_start3A_105 = arith.constant 8 : i32
      %dma_start3A_106 = arith.constant 1024 : i32
      %dma_start3A_107 = arith.constant 0 : i32
      %dma_start3A_108 = tpu.memref_slice %arg7[%dma_start3A_106, %dma_start3A_107] : memref<1280x32xf32, #tpu.memory_space<vmem>> -> memref<128x32xf32, #tpu.memory_space<vmem>>
      %dma_start3A_109 = arith.constant 0 : i32
      %dma_start3A_110 = tpu.memref_slice %arg5[%dma_start3A_105, %dma_start3A_109] : memref<10x128xi32, #tpu.memory_space<vmem>> -> memref<1x128xi32, #tpu.memory_space<vmem>>
      %dma_start3A_111 = tpu.memref_squeeze %dma_start3A_110 : memref<1x128xi32, #tpu.memory_space<vmem>> -> memref<128xi32, #tpu.memory_space<vmem>>
      %dma_start3A_112 = arith.constant 0 : i32
      %dma_start3A_113 = arith.constant 0 : i32
      %dma_start3A_114 = tpu.memref_slice %arg2[%dma_start3A_112, %dma_start3A_113] : memref<100000x32xf32, #tpu.memory_space<hbm>> -> memref<100000x32xf32, #tpu.memory_space<hbm>>
      tpu.enqueue_indirect_dma source(%dma_start3A_114 : memref<100000x32xf32, #tpu.memory_space<hbm>>) target(%dma_start3A_108 : memref<128x32xf32, #tpu.memory_space<vmem>>) offsets(%dma_start3A_111 : memref<128xi32, #tpu.memory_space<vmem>>) semaphore(%arg9 : memref<!tpu.dma_semaphore, #tpu.memory_space<semaphore_mem>>)
      %dma_start3A_115 = arith.constant 9 : i32
      %dma_start3A_116 = arith.constant 1152 : i32
      %dma_start3A_117 = arith.constant 0 : i32
      %dma_start3A_118 = tpu.memref_slice %arg7[%dma_start3A_116, %dma_start3A_117] : memref<1280x32xf32, #tpu.memory_space<vmem>> -> memref<128x32xf32, #tpu.memory_space<vmem>>
      %dma_start3A_119 = arith.constant 0 : i32
      %dma_start3A_120 = tpu.memref_slice %arg5[%dma_start3A_115, %dma_start3A_119] : memref<10x128xi32, #tpu.memory_space<vmem>> -> memref<1x128xi32, #tpu.memory_space<vmem>>
      %dma_start3A_121 = tpu.memref_squeeze %dma_start3A_120 : memref<1x128xi32, #tpu.memory_space<vmem>> -> memref<128xi32, #tpu.memory_space<vmem>>
      %dma_start3A_122 = arith.constant 0 : i32
      %dma_start3A_123 = arith.constant 0 : i32
      %dma_start3A_124 = tpu.memref_slice %arg2[%dma_start3A_122, %dma_start3A_123] : memref<100000x32xf32, #tpu.memory_space<hbm>> -> memref<100000x32xf32, #tpu.memory_space<hbm>>
      tpu.enqueue_indirect_dma source(%dma_start3A_124 : memref<100000x32xf32, #tpu.memory_space<hbm>>) target(%dma_start3A_118 : memref<128x32xf32, #tpu.memory_space<vmem>>) offsets(%dma_start3A_121 : memref<128xi32, #tpu.memory_space<vmem>>) semaphore(%arg9 : memref<!tpu.dma_semaphore, #tpu.memory_space<semaphore_mem>>)
      %dma_wait3A_125 = arith.constant 0 : i32
      %dma_wait3A_126 = arith.constant 0 : i32
      %dma_wait3A_127 = arith.constant 0 : i32
      %dma_wait3A_128 = tpu.memref_slice %arg7[%dma_wait3A_126, %dma_wait3A_127] : memref<1280x32xf32, #tpu.memory_space<vmem>> -> memref<128x32xf32, #tpu.memory_space<vmem>>
      %dma_wait3A_129 = arith.constant 0 : i32
      %dma_wait3A_130 = tpu.memref_slice %arg5[%dma_wait3A_125, %dma_wait3A_129] : memref<10x128xi32, #tpu.memory_space<vmem>> -> memref<1x128xi32, #tpu.memory_space<vmem>>
      %dma_wait3A_131 = tpu.memref_squeeze %dma_wait3A_130 : memref<1x128xi32, #tpu.memory_space<vmem>> -> memref<128xi32, #tpu.memory_space<vmem>>
      %dma_wait3A_132 = arith.constant 0 : i32
      %dma_wait3A_133 = arith.constant 0 : i32
      %dma_wait3A_134 = tpu.memref_slice %arg2[%dma_wait3A_132, %dma_wait3A_133] : memref<100000x32xf32, #tpu.memory_space<hbm>> -> memref<100000x32xf32, #tpu.memory_space<hbm>>
      tpu.wait_indirect_dma semaphore(%arg9 : memref<!tpu.dma_semaphore, #tpu.memory_space<semaphore_mem>>) src(%dma_wait3A_134 : memref<100000x32xf32, #tpu.memory_space<hbm>>) dst(%dma_wait3A_128 : memref<128x32xf32, #tpu.memory_space<vmem>>)
      %dma_wait3A_135 = arith.constant 1 : i32
      %dma_wait3A_136 = arith.constant 128 : i32
      %dma_wait3A_137 = arith.constant 0 : i32
      %dma_wait3A_138 = tpu.memref_slice %arg7[%dma_wait3A_136, %dma_wait3A_137] : memref<1280x32xf32, #tpu.memory_space<vmem>> -> memref<128x32xf32, #tpu.memory_space<vmem>>
      %dma_wait3A_139 = arith.constant 0 : i32
      %dma_wait3A_140 = tpu.memref_slice %arg5[%dma_wait3A_135, %dma_wait3A_139] : memref<10x128xi32, #tpu.memory_space<vmem>> -> memref<1x128xi32, #tpu.memory_space<vmem>>
      %dma_wait3A_141 = tpu.memref_squeeze %dma_wait3A_140 : memref<1x128xi32, #tpu.memory_space<vmem>> -> memref<128xi32, #tpu.memory_space<vmem>>
      %dma_wait3A_142 = arith.constant 0 : i32
      %dma_wait3A_143 = arith.constant 0 : i32
      %dma_wait3A_144 = tpu.memref_slice %arg2[%dma_wait3A_142, %dma_wait3A_143] : memref<100000x32xf32, #tpu.memory_space<hbm>> -> memref<100000x32xf32, #tpu.memory_space<hbm>>
      tpu.wait_indirect_dma semaphore(%arg9 : memref<!tpu.dma_semaphore, #tpu.memory_space<semaphore_mem>>) src(%dma_wait3A_144 : memref<100000x32xf32, #tpu.memory_space<hbm>>) dst(%dma_wait3A_138 : memref<128x32xf32, #tpu.memory_space<vmem>>)
      %dma_wait3A_145 = arith.constant 2 : i32
      %dma_wait3A_146 = arith.constant 256 : i32
      %dma_wait3A_147 = arith.constant 0 : i32
      %dma_wait3A_148 = tpu.memref_slice %arg7[%dma_wait3A_146, %dma_wait3A_147] : memref<1280x32xf32, #tpu.memory_space<vmem>> -> memref<128x32xf32, #tpu.memory_space<vmem>>
      %dma_wait3A_149 = arith.constant 0 : i32
      %dma_wait3A_150 = tpu.memref_slice %arg5[%dma_wait3A_145, %dma_wait3A_149] : memref<10x128xi32, #tpu.memory_space<vmem>> -> memref<1x128xi32, #tpu.memory_space<vmem>>
      %dma_wait3A_151 = tpu.memref_squeeze %dma_wait3A_150 : memref<1x128xi32, #tpu.memory_space<vmem>> -> memref<128xi32, #tpu.memory_space<vmem>>
      %dma_wait3A_152 = arith.constant 0 : i32
      %dma_wait3A_153 = arith.constant 0 : i32
      %dma_wait3A_154 = tpu.memref_slice %arg2[%dma_wait3A_152, %dma_wait3A_153] : memref<100000x32xf32, #tpu.memory_space<hbm>> -> memref<100000x32xf32, #tpu.memory_space<hbm>>
      tpu.wait_indirect_dma semaphore(%arg9 : memref<!tpu.dma_semaphore, #tpu.memory_space<semaphore_mem>>) src(%dma_wait3A_154 : memref<100000x32xf32, #tpu.memory_space<hbm>>) dst(%dma_wait3A_148 : memref<128x32xf32, #tpu.memory_space<vmem>>)
      %dma_wait3A_155 = arith.constant 3 : i32
      %dma_wait3A_156 = arith.constant 384 : i32
      %dma_wait3A_157 = arith.constant 0 : i32
      %dma_wait3A_158 = tpu.memref_slice %arg7[%dma_wait3A_156, %dma_wait3A_157] : memref<1280x32xf32, #tpu.memory_space<vmem>> -> memref<128x32xf32, #tpu.memory_space<vmem>>
      %dma_wait3A_159 = arith.constant 0 : i32
      %dma_wait3A_160 = tpu.memref_slice %arg5[%dma_wait3A_155, %dma_wait3A_159] : memref<10x128xi32, #tpu.memory_space<vmem>> -> memref<1x128xi32, #tpu.memory_space<vmem>>
      %dma_wait3A_161 = tpu.memref_squeeze %dma_wait3A_160 : memref<1x128xi32, #tpu.memory_space<vmem>> -> memref<128xi32, #tpu.memory_space<vmem>>
      %dma_wait3A_162 = arith.constant 0 : i32
      %dma_wait3A_163 = arith.constant 0 : i32
      %dma_wait3A_164 = tpu.memref_slice %arg2[%dma_wait3A_162, %dma_wait3A_163] : memref<100000x32xf32, #tpu.memory_space<hbm>> -> memref<100000x32xf32, #tpu.memory_space<hbm>>
      tpu.wait_indirect_dma semaphore(%arg9 : memref<!tpu.dma_semaphore, #tpu.memory_space<semaphore_mem>>) src(%dma_wait3A_164 : memref<100000x32xf32, #tpu.memory_space<hbm>>) dst(%dma_wait3A_158 : memref<128x32xf32, #tpu.memory_space<vmem>>)
      %dma_wait3A_165 = arith.constant 4 : i32
      %dma_wait3A_166 = arith.constant 512 : i32
      %dma_wait3A_167 = arith.constant 0 : i32
      %dma_wait3A_168 = tpu.memref_slice %arg7[%dma_wait3A_166, %dma_wait3A_167] : memref<1280x32xf32, #tpu.memory_space<vmem>> -> memref<128x32xf32, #tpu.memory_space<vmem>>
      %dma_wait3A_169 = arith.constant 0 : i32
      %dma_wait3A_170 = tpu.memref_slice %arg5[%dma_wait3A_165, %dma_wait3A_169] : memref<10x128xi32, #tpu.memory_space<vmem>> -> memref<1x128xi32, #tpu.memory_space<vmem>>
      %dma_wait3A_171 = tpu.memref_squeeze %dma_wait3A_170 : memref<1x128xi32, #tpu.memory_space<vmem>> -> memref<128xi32, #tpu.memory_space<vmem>>
      %dma_wait3A_172 = arith.constant 0 : i32
      %dma_wait3A_173 = arith.constant 0 : i32
      %dma_wait3A_174 = tpu.memref_slice %arg2[%dma_wait3A_172, %dma_wait3A_173] : memref<100000x32xf32, #tpu.memory_space<hbm>> -> memref<100000x32xf32, #tpu.memory_space<hbm>>
      tpu.wait_indirect_dma semaphore(%arg9 : memref<!tpu.dma_semaphore, #tpu.memory_space<semaphore_mem>>) src(%dma_wait3A_174 : memref<100000x32xf32, #tpu.memory_space<hbm>>) dst(%dma_wait3A_168 : memref<128x32xf32, #tpu.memory_space<vmem>>)
      %dma_wait3A_175 = arith.constant 5 : i32
      %dma_wait3A_176 = arith.constant 640 : i32
      %dma_wait3A_177 = arith.constant 0 : i32
      %dma_wait3A_178 = tpu.memref_slice %arg7[%dma_wait3A_176, %dma_wait3A_177] : memref<1280x32xf32, #tpu.memory_space<vmem>> -> memref<128x32xf32, #tpu.memory_space<vmem>>
      %dma_wait3A_179 = arith.constant 0 : i32
      %dma_wait3A_180 = tpu.memref_slice %arg5[%dma_wait3A_175, %dma_wait3A_179] : memref<10x128xi32, #tpu.memory_space<vmem>> -> memref<1x128xi32, #tpu.memory_space<vmem>>
      %dma_wait3A_181 = tpu.memref_squeeze %dma_wait3A_180 : memref<1x128xi32, #tpu.memory_space<vmem>> -> memref<128xi32, #tpu.memory_space<vmem>>
      %dma_wait3A_182 = arith.constant 0 : i32
      %dma_wait3A_183 = arith.constant 0 : i32
      %dma_wait3A_184 = tpu.memref_slice %arg2[%dma_wait3A_182, %dma_wait3A_183] : memref<100000x32xf32, #tpu.memory_space<hbm>> -> memref<100000x32xf32, #tpu.memory_space<hbm>>
      tpu.wait_indirect_dma semaphore(%arg9 : memref<!tpu.dma_semaphore, #tpu.memory_space<semaphore_mem>>) src(%dma_wait3A_184 : memref<100000x32xf32, #tpu.memory_space<hbm>>) dst(%dma_wait3A_178 : memref<128x32xf32, #tpu.memory_space<vmem>>)
      %dma_wait3A_185 = arith.constant 6 : i32
      %dma_wait3A_186 = arith.constant 768 : i32
      %dma_wait3A_187 = arith.constant 0 : i32
      %dma_wait3A_188 = tpu.memref_slice %arg7[%dma_wait3A_186, %dma_wait3A_187] : memref<1280x32xf32, #tpu.memory_space<vmem>> -> memref<128x32xf32, #tpu.memory_space<vmem>>
      %dma_wait3A_189 = arith.constant 0 : i32
      %dma_wait3A_190 = tpu.memref_slice %arg5[%dma_wait3A_185, %dma_wait3A_189] : memref<10x128xi32, #tpu.memory_space<vmem>> -> memref<1x128xi32, #tpu.memory_space<vmem>>
      %dma_wait3A_191 = tpu.memref_squeeze %dma_wait3A_190 : memref<1x128xi32, #tpu.memory_space<vmem>> -> memref<128xi32, #tpu.memory_space<vmem>>
      %dma_wait3A_192 = arith.constant 0 : i32
      %dma_wait3A_193 = arith.constant 0 : i32
      %dma_wait3A_194 = tpu.memref_slice %arg2[%dma_wait3A_192, %dma_wait3A_193] : memref<100000x32xf32, #tpu.memory_space<hbm>> -> memref<100000x32xf32, #tpu.memory_space<hbm>>
      tpu.wait_indirect_dma semaphore(%arg9 : memref<!tpu.dma_semaphore, #tpu.memory_space<semaphore_mem>>) src(%dma_wait3A_194 : memref<100000x32xf32, #tpu.memory_space<hbm>>) dst(%dma_wait3A_188 : memref<128x32xf32, #tpu.memory_space<vmem>>)
      %dma_wait3A_195 = arith.constant 7 : i32
      %dma_wait3A_196 = arith.constant 896 : i32
      %dma_wait3A_197 = arith.constant 0 : i32
      %dma_wait3A_198 = tpu.memref_slice %arg7[%dma_wait3A_196, %dma_wait3A_197] : memref<1280x32xf32, #tpu.memory_space<vmem>> -> memref<128x32xf32, #tpu.memory_space<vmem>>
      %dma_wait3A_199 = arith.constant 0 : i32
      %dma_wait3A_200 = tpu.memref_slice %arg5[%dma_wait3A_195, %dma_wait3A_199] : memref<10x128xi32, #tpu.memory_space<vmem>> -> memref<1x128xi32, #tpu.memory_space<vmem>>
      %dma_wait3A_201 = tpu.memref_squeeze %dma_wait3A_200 : memref<1x128xi32, #tpu.memory_space<vmem>> -> memref<128xi32, #tpu.memory_space<vmem>>
      %dma_wait3A_202 = arith.constant 0 : i32
      %dma_wait3A_203 = arith.constant 0 : i32
      %dma_wait3A_204 = tpu.memref_slice %arg2[%dma_wait3A_202, %dma_wait3A_203] : memref<100000x32xf32, #tpu.memory_space<hbm>> -> memref<100000x32xf32, #tpu.memory_space<hbm>>
      tpu.wait_indirect_dma semaphore(%arg9 : memref<!tpu.dma_semaphore, #tpu.memory_space<semaphore_mem>>) src(%dma_wait3A_204 : memref<100000x32xf32, #tpu.memory_space<hbm>>) dst(%dma_wait3A_198 : memref<128x32xf32, #tpu.memory_space<vmem>>)
      %dma_wait3A_205 = arith.constant 8 : i32
      %dma_wait3A_206 = arith.constant 1024 : i32
      %dma_wait3A_207 = arith.constant 0 : i32
      %dma_wait3A_208 = tpu.memref_slice %arg7[%dma_wait3A_206, %dma_wait3A_207] : memref<1280x32xf32, #tpu.memory_space<vmem>> -> memref<128x32xf32, #tpu.memory_space<vmem>>
      %dma_wait3A_209 = arith.constant 0 : i32
      %dma_wait3A_210 = tpu.memref_slice %arg5[%dma_wait3A_205, %dma_wait3A_209] : memref<10x128xi32, #tpu.memory_space<vmem>> -> memref<1x128xi32, #tpu.memory_space<vmem>>
      %dma_wait3A_211 = tpu.memref_squeeze %dma_wait3A_210 : memref<1x128xi32, #tpu.memory_space<vmem>> -> memref<128xi32, #tpu.memory_space<vmem>>
      %dma_wait3A_212 = arith.constant 0 : i32
      %dma_wait3A_213 = arith.constant 0 : i32
      %dma_wait3A_214 = tpu.memref_slice %arg2[%dma_wait3A_212, %dma_wait3A_213] : memref<100000x32xf32, #tpu.memory_space<hbm>> -> memref<100000x32xf32, #tpu.memory_space<hbm>>
      tpu.wait_indirect_dma semaphore(%arg9 : memref<!tpu.dma_semaphore, #tpu.memory_space<semaphore_mem>>) src(%dma_wait3A_214 : memref<100000x32xf32, #tpu.memory_space<hbm>>) dst(%dma_wait3A_208 : memref<128x32xf32, #tpu.memory_space<vmem>>)
      %dma_wait3A_215 = arith.constant 9 : i32
      %dma_wait3A_216 = arith.constant 1152 : i32
      %dma_wait3A_217 = arith.constant 0 : i32
      %dma_wait3A_218 = tpu.memref_slice %arg7[%dma_wait3A_216, %dma_wait3A_217] : memref<1280x32xf32, #tpu.memory_space<vmem>> -> memref<128x32xf32, #tpu.memory_space<vmem>>
      %dma_wait3A_219 = arith.constant 0 : i32
      %dma_wait3A_220 = tpu.memref_slice %arg5[%dma_wait3A_215, %dma_wait3A_219] : memref<10x128xi32, #tpu.memory_space<vmem>> -> memref<1x128xi32, #tpu.memory_space<vmem>>
      %dma_wait3A_221 = tpu.memref_squeeze %dma_wait3A_220 : memref<1x128xi32, #tpu.memory_space<vmem>> -> memref<128xi32, #tpu.memory_space<vmem>>
      %dma_wait3A_222 = arith.constant 0 : i32
      %dma_wait3A_223 = arith.constant 0 : i32
      %dma_wait3A_224 = tpu.memref_slice %arg2[%dma_wait3A_222, %dma_wait3A_223] : memref<100000x32xf32, #tpu.memory_space<hbm>> -> memref<100000x32xf32, #tpu.memory_space<hbm>>
      tpu.wait_indirect_dma semaphore(%arg9 : memref<!tpu.dma_semaphore, #tpu.memory_space<semaphore_mem>>) src(%dma_wait3A_224 : memref<100000x32xf32, #tpu.memory_space<hbm>>) dst(%dma_wait3A_218 : memref<128x32xf32, #tpu.memory_space<vmem>>)
      %dma_start3A_225 = arith.constant 0 : i32
      %dma_start3A_226 = tpu.memref_slice %arg4[%mul3A_25, %dma_start3A_225] : memref<819200x32xf32, #tpu.memory_space<hbm>> -> memref<1280x32xf32, #tpu.memory_space<hbm>>
      %dma_start3A_227 = arith.constant 0 : i32
      %dma_start3A_228 = tpu.memref_slice %arg4[%mul3A_25, %dma_start3A_227] : memref<819200x32xf32, #tpu.memory_space<hbm>> -> memref<1280x32xf32, #tpu.memory_space<hbm>>
      tpu.enqueue_dma source(%arg7 : memref<1280x32xf32, #tpu.memory_space<vmem>>) target(%dma_start3A_228 : memref<1280x32xf32, #tpu.memory_space<hbm>>) target_semaphore(%arg10 : memref<!tpu.dma_semaphore, #tpu.memory_space<semaphore_mem>>)
      %ge3A_229 = arith.constant 1 : i32
      %ge3A_230 = arith.cmpi sge, %scan3A_16, %ge3A_229 : i32
      %convert_element_type3A_231 = arith.extui %ge3A_230 : i1 to i32
      %cond3A_232 = arith.constant 0 : i32
      %cond3A_233 = arith.cmpi ne, %convert_element_type3A_231, %cond3A_232 : i32
      scf.if %cond3A_233 {
        %dma_wait3A_447 = arith.constant 0 : i32
        %dma_wait3A_448 = arith.constant 0 : i32
        %dma_wait3A_449 = tpu.memref_slice %arg4[%dma_wait3A_447, %dma_wait3A_448] : memref<819200x32xf32, #tpu.memory_space<hbm>> -> memref<1280x32xf32, #tpu.memory_space<hbm>>
        %dma_wait3A_450 = arith.constant 0 : i32
        %dma_wait3A_451 = arith.constant 0 : i32
        %dma_wait3A_452 = tpu.memref_slice %arg4[%dma_wait3A_450, %dma_wait3A_451] : memref<819200x32xf32, #tpu.memory_space<hbm>> -> memref<1280x32xf32, #tpu.memory_space<hbm>>
        tpu.wait_dma2 semaphore(%arg11 : memref<!tpu.dma_semaphore, #tpu.memory_space<semaphore_mem>>) src(%dma_wait3A_452 : memref<1280x32xf32, #tpu.memory_space<hbm>>) dst(%arg8 : memref<1280x32xf32, #tpu.memory_space<vmem>>)
      } else {
      }
      %mul3A_234 = arith.constant 2 : i32
      %mul3A_235 = arith.muli %mul3A_234, %scan3A_16 : i32
      %add3A_236 = arith.constant 1 : i32
      %add3A_237 = arith.addi %mul3A_235, %add3A_236 : i32
      %mul3A_238 = arith.constant 20 : i32
      %mul3A_239 = arith.muli %add3A, %mul3A_238 : i32
      %add3A_240 = arith.addi %mul3A_239, %add3A_237 : i32
      %mul3A_241 = arith.constant 1280 : i32
      %mul3A_242 = arith.muli %add3A_240, %mul3A_241 : i32
      "tpu.region"() ({
        %run_scoped3A = tpu.sem_alloc : memref<!tpu.dma_semaphore, #tpu.memory_space<semaphore_mem>>
        %dma_start3A_447 = arith.constant 0 : i32
        %dma_start3A_448 = arith.constant 0 : i32
        %dma_start3A_449 = tpu.memref_slice %arg3[%add3A, %add3A_237, %dma_start3A_447, %dma_start3A_448] : memref<32x20x10x128xi32, #tpu.memory_space<hbm>> -> memref<1x1x10x128xi32, #tpu.memory_space<hbm>>
        %dma_start3A_450 = tpu.memref_squeeze %dma_start3A_449 : memref<1x1x10x128xi32, #tpu.memory_space<hbm>> -> memref<10x128xi32, #tpu.memory_space<hbm>>
        %dma_start3A_451 = arith.constant 0 : i32
        %dma_start3A_452 = arith.constant 0 : i32
        %dma_start3A_453 = tpu.memref_slice %arg3[%add3A, %add3A_237, %dma_start3A_451, %dma_start3A_452] : memref<32x20x10x128xi32, #tpu.memory_space<hbm>> -> memref<1x1x10x128xi32, #tpu.memory_space<hbm>>
        %dma_start3A_454 = tpu.memref_squeeze %dma_start3A_453 : memref<1x1x10x128xi32, #tpu.memory_space<hbm>> -> memref<10x128xi32, #tpu.memory_space<hbm>>
        tpu.enqueue_dma source(%dma_start3A_454 : memref<10x128xi32, #tpu.memory_space<hbm>>) target(%arg6 : memref<10x128xi32, #tpu.memory_space<vmem>>) target_semaphore(%run_scoped3A : memref<!tpu.dma_semaphore, #tpu.memory_space<semaphore_mem>>)
        %dma_wait3A_455 = arith.constant 0 : i32
        %dma_wait3A_456 = arith.constant 0 : i32
        %dma_wait3A_457 = tpu.memref_slice %arg3[%add3A, %add3A_237, %dma_wait3A_455, %dma_wait3A_456] : memref<32x20x10x128xi32, #tpu.memory_space<hbm>> -> memref<1x1x10x128xi32, #tpu.memory_space<hbm>>
        %dma_wait3A_458 = tpu.memref_squeeze %dma_wait3A_457 : memref<1x1x10x128xi32, #tpu.memory_space<hbm>> -> memref<10x128xi32, #tpu.memory_space<hbm>>
        %dma_wait3A_459 = arith.constant 0 : i32
        %dma_wait3A_460 = arith.constant 0 : i32
        %dma_wait3A_461 = tpu.memref_slice %arg3[%add3A, %add3A_237, %dma_wait3A_459, %dma_wait3A_460] : memref<32x20x10x128xi32, #tpu.memory_space<hbm>> -> memref<1x1x10x128xi32, #tpu.memory_space<hbm>>
        %dma_wait3A_462 = tpu.memref_squeeze %dma_wait3A_461 : memref<1x1x10x128xi32, #tpu.memory_space<hbm>> -> memref<10x128xi32, #tpu.memory_space<hbm>>
        tpu.wait_dma2 semaphore(%run_scoped3A : memref<!tpu.dma_semaphore, #tpu.memory_space<semaphore_mem>>) src(%dma_wait3A_462 : memref<10x128xi32, #tpu.memory_space<hbm>>) dst(%arg6 : memref<10x128xi32, #tpu.memory_space<vmem>>)
        tpu.yield
      }) : () -> ()
      %dma_start3A_243 = arith.constant 0 : i32
      %dma_start3A_244 = arith.constant 0 : i32
      %dma_start3A_245 = arith.constant 0 : i32
      %dma_start3A_246 = tpu.memref_slice %arg8[%dma_start3A_244, %dma_start3A_245] : memref<1280x32xf32, #tpu.memory_space<vmem>> -> memref<128x32xf32, #tpu.memory_space<vmem>>
      %dma_start3A_247 = arith.constant 0 : i32
      %dma_start3A_248 = tpu.memref_slice %arg6[%dma_start3A_243, %dma_start3A_247] : memref<10x128xi32, #tpu.memory_space<vmem>> -> memref<1x128xi32, #tpu.memory_space<vmem>>
      %dma_start3A_249 = tpu.memref_squeeze %dma_start3A_248 : memref<1x128xi32, #tpu.memory_space<vmem>> -> memref<128xi32, #tpu.memory_space<vmem>>
      %dma_start3A_250 = arith.constant 0 : i32
      %dma_start3A_251 = arith.constant 0 : i32
      %dma_start3A_252 = tpu.memref_slice %arg2[%dma_start3A_250, %dma_start3A_251] : memref<100000x32xf32, #tpu.memory_space<hbm>> -> memref<100000x32xf32, #tpu.memory_space<hbm>>
      tpu.enqueue_indirect_dma source(%dma_start3A_252 : memref<100000x32xf32, #tpu.memory_space<hbm>>) target(%dma_start3A_246 : memref<128x32xf32, #tpu.memory_space<vmem>>) offsets(%dma_start3A_249 : memref<128xi32, #tpu.memory_space<vmem>>) semaphore(%arg9 : memref<!tpu.dma_semaphore, #tpu.memory_space<semaphore_mem>>)
      %dma_start3A_253 = arith.constant 1 : i32
      %dma_start3A_254 = arith.constant 128 : i32
      %dma_start3A_255 = arith.constant 0 : i32
      %dma_start3A_256 = tpu.memref_slice %arg8[%dma_start3A_254, %dma_start3A_255] : memref<1280x32xf32, #tpu.memory_space<vmem>> -> memref<128x32xf32, #tpu.memory_space<vmem>>
      %dma_start3A_257 = arith.constant 0 : i32
      %dma_start3A_258 = tpu.memref_slice %arg6[%dma_start3A_253, %dma_start3A_257] : memref<10x128xi32, #tpu.memory_space<vmem>> -> memref<1x128xi32, #tpu.memory_space<vmem>>
      %dma_start3A_259 = tpu.memref_squeeze %dma_start3A_258 : memref<1x128xi32, #tpu.memory_space<vmem>> -> memref<128xi32, #tpu.memory_space<vmem>>
      %dma_start3A_260 = arith.constant 0 : i32
      %dma_start3A_261 = arith.constant 0 : i32
      %dma_start3A_262 = tpu.memref_slice %arg2[%dma_start3A_260, %dma_start3A_261] : memref<100000x32xf32, #tpu.memory_space<hbm>> -> memref<100000x32xf32, #tpu.memory_space<hbm>>
      tpu.enqueue_indirect_dma source(%dma_start3A_262 : memref<100000x32xf32, #tpu.memory_space<hbm>>) target(%dma_start3A_256 : memref<128x32xf32, #tpu.memory_space<vmem>>) offsets(%dma_start3A_259 : memref<128xi32, #tpu.memory_space<vmem>>) semaphore(%arg9 : memref<!tpu.dma_semaphore, #tpu.memory_space<semaphore_mem>>)
      %dma_start3A_263 = arith.constant 2 : i32
      %dma_start3A_264 = arith.constant 256 : i32
      %dma_start3A_265 = arith.constant 0 : i32
      %dma_start3A_266 = tpu.memref_slice %arg8[%dma_start3A_264, %dma_start3A_265] : memref<1280x32xf32, #tpu.memory_space<vmem>> -> memref<128x32xf32, #tpu.memory_space<vmem>>
      %dma_start3A_267 = arith.constant 0 : i32
      %dma_start3A_268 = tpu.memref_slice %arg6[%dma_start3A_263, %dma_start3A_267] : memref<10x128xi32, #tpu.memory_space<vmem>> -> memref<1x128xi32, #tpu.memory_space<vmem>>
      %dma_start3A_269 = tpu.memref_squeeze %dma_start3A_268 : memref<1x128xi32, #tpu.memory_space<vmem>> -> memref<128xi32, #tpu.memory_space<vmem>>
      %dma_start3A_270 = arith.constant 0 : i32
      %dma_start3A_271 = arith.constant 0 : i32
      %dma_start3A_272 = tpu.memref_slice %arg2[%dma_start3A_270, %dma_start3A_271] : memref<100000x32xf32, #tpu.memory_space<hbm>> -> memref<100000x32xf32, #tpu.memory_space<hbm>>
      tpu.enqueue_indirect_dma source(%dma_start3A_272 : memref<100000x32xf32, #tpu.memory_space<hbm>>) target(%dma_start3A_266 : memref<128x32xf32, #tpu.memory_space<vmem>>) offsets(%dma_start3A_269 : memref<128xi32, #tpu.memory_space<vmem>>) semaphore(%arg9 : memref<!tpu.dma_semaphore, #tpu.memory_space<semaphore_mem>>)
      %dma_start3A_273 = arith.constant 3 : i32
      %dma_start3A_274 = arith.constant 384 : i32
      %dma_start3A_275 = arith.constant 0 : i32
      %dma_start3A_276 = tpu.memref_slice %arg8[%dma_start3A_274, %dma_start3A_275] : memref<1280x32xf32, #tpu.memory_space<vmem>> -> memref<128x32xf32, #tpu.memory_space<vmem>>
      %dma_start3A_277 = arith.constant 0 : i32
      %dma_start3A_278 = tpu.memref_slice %arg6[%dma_start3A_273, %dma_start3A_277] : memref<10x128xi32, #tpu.memory_space<vmem>> -> memref<1x128xi32, #tpu.memory_space<vmem>>
      %dma_start3A_279 = tpu.memref_squeeze %dma_start3A_278 : memref<1x128xi32, #tpu.memory_space<vmem>> -> memref<128xi32, #tpu.memory_space<vmem>>
      %dma_start3A_280 = arith.constant 0 : i32
      %dma_start3A_281 = arith.constant 0 : i32
      %dma_start3A_282 = tpu.memref_slice %arg2[%dma_start3A_280, %dma_start3A_281] : memref<100000x32xf32, #tpu.memory_space<hbm>> -> memref<100000x32xf32, #tpu.memory_space<hbm>>
      tpu.enqueue_indirect_dma source(%dma_start3A_282 : memref<100000x32xf32, #tpu.memory_space<hbm>>) target(%dma_start3A_276 : memref<128x32xf32, #tpu.memory_space<vmem>>) offsets(%dma_start3A_279 : memref<128xi32, #tpu.memory_space<vmem>>) semaphore(%arg9 : memref<!tpu.dma_semaphore, #tpu.memory_space<semaphore_mem>>)
      %dma_start3A_283 = arith.constant 4 : i32
      %dma_start3A_284 = arith.constant 512 : i32
      %dma_start3A_285 = arith.constant 0 : i32
      %dma_start3A_286 = tpu.memref_slice %arg8[%dma_start3A_284, %dma_start3A_285] : memref<1280x32xf32, #tpu.memory_space<vmem>> -> memref<128x32xf32, #tpu.memory_space<vmem>>
      %dma_start3A_287 = arith.constant 0 : i32
      %dma_start3A_288 = tpu.memref_slice %arg6[%dma_start3A_283, %dma_start3A_287] : memref<10x128xi32, #tpu.memory_space<vmem>> -> memref<1x128xi32, #tpu.memory_space<vmem>>
      %dma_start3A_289 = tpu.memref_squeeze %dma_start3A_288 : memref<1x128xi32, #tpu.memory_space<vmem>> -> memref<128xi32, #tpu.memory_space<vmem>>
      %dma_start3A_290 = arith.constant 0 : i32
      %dma_start3A_291 = arith.constant 0 : i32
      %dma_start3A_292 = tpu.memref_slice %arg2[%dma_start3A_290, %dma_start3A_291] : memref<100000x32xf32, #tpu.memory_space<hbm>> -> memref<100000x32xf32, #tpu.memory_space<hbm>>
      tpu.enqueue_indirect_dma source(%dma_start3A_292 : memref<100000x32xf32, #tpu.memory_space<hbm>>) target(%dma_start3A_286 : memref<128x32xf32, #tpu.memory_space<vmem>>) offsets(%dma_start3A_289 : memref<128xi32, #tpu.memory_space<vmem>>) semaphore(%arg9 : memref<!tpu.dma_semaphore, #tpu.memory_space<semaphore_mem>>)
      %dma_start3A_293 = arith.constant 5 : i32
      %dma_start3A_294 = arith.constant 640 : i32
      %dma_start3A_295 = arith.constant 0 : i32
      %dma_start3A_296 = tpu.memref_slice %arg8[%dma_start3A_294, %dma_start3A_295] : memref<1280x32xf32, #tpu.memory_space<vmem>> -> memref<128x32xf32, #tpu.memory_space<vmem>>
      %dma_start3A_297 = arith.constant 0 : i32
      %dma_start3A_298 = tpu.memref_slice %arg6[%dma_start3A_293, %dma_start3A_297] : memref<10x128xi32, #tpu.memory_space<vmem>> -> memref<1x128xi32, #tpu.memory_space<vmem>>
      %dma_start3A_299 = tpu.memref_squeeze %dma_start3A_298 : memref<1x128xi32, #tpu.memory_space<vmem>> -> memref<128xi32, #tpu.memory_space<vmem>>
      %dma_start3A_300 = arith.constant 0 : i32
      %dma_start3A_301 = arith.constant 0 : i32
      %dma_start3A_302 = tpu.memref_slice %arg2[%dma_start3A_300, %dma_start3A_301] : memref<100000x32xf32, #tpu.memory_space<hbm>> -> memref<100000x32xf32, #tpu.memory_space<hbm>>
      tpu.enqueue_indirect_dma source(%dma_start3A_302 : memref<100000x32xf32, #tpu.memory_space<hbm>>) target(%dma_start3A_296 : memref<128x32xf32, #tpu.memory_space<vmem>>) offsets(%dma_start3A_299 : memref<128xi32, #tpu.memory_space<vmem>>) semaphore(%arg9 : memref<!tpu.dma_semaphore, #tpu.memory_space<semaphore_mem>>)
      %dma_start3A_303 = arith.constant 6 : i32
      %dma_start3A_304 = arith.constant 768 : i32
      %dma_start3A_305 = arith.constant 0 : i32
      %dma_start3A_306 = tpu.memref_slice %arg8[%dma_start3A_304, %dma_start3A_305] : memref<1280x32xf32, #tpu.memory_space<vmem>> -> memref<128x32xf32, #tpu.memory_space<vmem>>
      %dma_start3A_307 = arith.constant 0 : i32
      %dma_start3A_308 = tpu.memref_slice %arg6[%dma_start3A_303, %dma_start3A_307] : memref<10x128xi32, #tpu.memory_space<vmem>> -> memref<1x128xi32, #tpu.memory_space<vmem>>
      %dma_start3A_309 = tpu.memref_squeeze %dma_start3A_308 : memref<1x128xi32, #tpu.memory_space<vmem>> -> memref<128xi32, #tpu.memory_space<vmem>>
      %dma_start3A_310 = arith.constant 0 : i32
      %dma_start3A_311 = arith.constant 0 : i32
      %dma_start3A_312 = tpu.memref_slice %arg2[%dma_start3A_310, %dma_start3A_311] : memref<100000x32xf32, #tpu.memory_space<hbm>> -> memref<100000x32xf32, #tpu.memory_space<hbm>>
      tpu.enqueue_indirect_dma source(%dma_start3A_312 : memref<100000x32xf32, #tpu.memory_space<hbm>>) target(%dma_start3A_306 : memref<128x32xf32, #tpu.memory_space<vmem>>) offsets(%dma_start3A_309 : memref<128xi32, #tpu.memory_space<vmem>>) semaphore(%arg9 : memref<!tpu.dma_semaphore, #tpu.memory_space<semaphore_mem>>)
      %dma_start3A_313 = arith.constant 7 : i32
      %dma_start3A_314 = arith.constant 896 : i32
      %dma_start3A_315 = arith.constant 0 : i32
      %dma_start3A_316 = tpu.memref_slice %arg8[%dma_start3A_314, %dma_start3A_315] : memref<1280x32xf32, #tpu.memory_space<vmem>> -> memref<128x32xf32, #tpu.memory_space<vmem>>
      %dma_start3A_317 = arith.constant 0 : i32
      %dma_start3A_318 = tpu.memref_slice %arg6[%dma_start3A_313, %dma_start3A_317] : memref<10x128xi32, #tpu.memory_space<vmem>> -> memref<1x128xi32, #tpu.memory_space<vmem>>
      %dma_start3A_319 = tpu.memref_squeeze %dma_start3A_318 : memref<1x128xi32, #tpu.memory_space<vmem>> -> memref<128xi32, #tpu.memory_space<vmem>>
      %dma_start3A_320 = arith.constant 0 : i32
      %dma_start3A_321 = arith.constant 0 : i32
      %dma_start3A_322 = tpu.memref_slice %arg2[%dma_start3A_320, %dma_start3A_321] : memref<100000x32xf32, #tpu.memory_space<hbm>> -> memref<100000x32xf32, #tpu.memory_space<hbm>>
      tpu.enqueue_indirect_dma source(%dma_start3A_322 : memref<100000x32xf32, #tpu.memory_space<hbm>>) target(%dma_start3A_316 : memref<128x32xf32, #tpu.memory_space<vmem>>) offsets(%dma_start3A_319 : memref<128xi32, #tpu.memory_space<vmem>>) semaphore(%arg9 : memref<!tpu.dma_semaphore, #tpu.memory_space<semaphore_mem>>)
      %dma_start3A_323 = arith.constant 8 : i32
      %dma_start3A_324 = arith.constant 1024 : i32
      %dma_start3A_325 = arith.constant 0 : i32
      %dma_start3A_326 = tpu.memref_slice %arg8[%dma_start3A_324, %dma_start3A_325] : memref<1280x32xf32, #tpu.memory_space<vmem>> -> memref<128x32xf32, #tpu.memory_space<vmem>>
      %dma_start3A_327 = arith.constant 0 : i32
      %dma_start3A_328 = tpu.memref_slice %arg6[%dma_start3A_323, %dma_start3A_327] : memref<10x128xi32, #tpu.memory_space<vmem>> -> memref<1x128xi32, #tpu.memory_space<vmem>>
      %dma_start3A_329 = tpu.memref_squeeze %dma_start3A_328 : memref<1x128xi32, #tpu.memory_space<vmem>> -> memref<128xi32, #tpu.memory_space<vmem>>
      %dma_start3A_330 = arith.constant 0 : i32
      %dma_start3A_331 = arith.constant 0 : i32
      %dma_start3A_332 = tpu.memref_slice %arg2[%dma_start3A_330, %dma_start3A_331] : memref<100000x32xf32, #tpu.memory_space<hbm>> -> memref<100000x32xf32, #tpu.memory_space<hbm>>
      tpu.enqueue_indirect_dma source(%dma_start3A_332 : memref<100000x32xf32, #tpu.memory_space<hbm>>) target(%dma_start3A_326 : memref<128x32xf32, #tpu.memory_space<vmem>>) offsets(%dma_start3A_329 : memref<128xi32, #tpu.memory_space<vmem>>) semaphore(%arg9 : memref<!tpu.dma_semaphore, #tpu.memory_space<semaphore_mem>>)
      %dma_start3A_333 = arith.constant 9 : i32
      %dma_start3A_334 = arith.constant 1152 : i32
      %dma_start3A_335 = arith.constant 0 : i32
      %dma_start3A_336 = tpu.memref_slice %arg8[%dma_start3A_334, %dma_start3A_335] : memref<1280x32xf32, #tpu.memory_space<vmem>> -> memref<128x32xf32, #tpu.memory_space<vmem>>
      %dma_start3A_337 = arith.constant 0 : i32
      %dma_start3A_338 = tpu.memref_slice %arg6[%dma_start3A_333, %dma_start3A_337] : memref<10x128xi32, #tpu.memory_space<vmem>> -> memref<1x128xi32, #tpu.memory_space<vmem>>
      %dma_start3A_339 = tpu.memref_squeeze %dma_start3A_338 : memref<1x128xi32, #tpu.memory_space<vmem>> -> memref<128xi32, #tpu.memory_space<vmem>>
      %dma_start3A_340 = arith.constant 0 : i32
      %dma_start3A_341 = arith.constant 0 : i32
      %dma_start3A_342 = tpu.memref_slice %arg2[%dma_start3A_340, %dma_start3A_341] : memref<100000x32xf32, #tpu.memory_space<hbm>> -> memref<100000x32xf32, #tpu.memory_space<hbm>>
      tpu.enqueue_indirect_dma source(%dma_start3A_342 : memref<100000x32xf32, #tpu.memory_space<hbm>>) target(%dma_start3A_336 : memref<128x32xf32, #tpu.memory_space<vmem>>) offsets(%dma_start3A_339 : memref<128xi32, #tpu.memory_space<vmem>>) semaphore(%arg9 : memref<!tpu.dma_semaphore, #tpu.memory_space<semaphore_mem>>)
      %dma_wait3A_343 = arith.constant 0 : i32
      %dma_wait3A_344 = arith.constant 0 : i32
      %dma_wait3A_345 = arith.constant 0 : i32
      %dma_wait3A_346 = tpu.memref_slice %arg8[%dma_wait3A_344, %dma_wait3A_345] : memref<1280x32xf32, #tpu.memory_space<vmem>> -> memref<128x32xf32, #tpu.memory_space<vmem>>
      %dma_wait3A_347 = arith.constant 0 : i32
      %dma_wait3A_348 = tpu.memref_slice %arg6[%dma_wait3A_343, %dma_wait3A_347] : memref<10x128xi32, #tpu.memory_space<vmem>> -> memref<1x128xi32, #tpu.memory_space<vmem>>
      %dma_wait3A_349 = tpu.memref_squeeze %dma_wait3A_348 : memref<1x128xi32, #tpu.memory_space<vmem>> -> memref<128xi32, #tpu.memory_space<vmem>>
      %dma_wait3A_350 = arith.constant 0 : i32
      %dma_wait3A_351 = arith.constant 0 : i32
      %dma_wait3A_352 = tpu.memref_slice %arg2[%dma_wait3A_350, %dma_wait3A_351] : memref<100000x32xf32, #tpu.memory_space<hbm>> -> memref<100000x32xf32, #tpu.memory_space<hbm>>
      tpu.wait_indirect_dma semaphore(%arg9 : memref<!tpu.dma_semaphore, #tpu.memory_space<semaphore_mem>>) src(%dma_wait3A_352 : memref<100000x32xf32, #tpu.memory_space<hbm>>) dst(%dma_wait3A_346 : memref<128x32xf32, #tpu.memory_space<vmem>>)
      %dma_wait3A_353 = arith.constant 1 : i32
      %dma_wait3A_354 = arith.constant 128 : i32
      %dma_wait3A_355 = arith.constant 0 : i32
      %dma_wait3A_356 = tpu.memref_slice %arg8[%dma_wait3A_354, %dma_wait3A_355] : memref<1280x32xf32, #tpu.memory_space<vmem>> -> memref<128x32xf32, #tpu.memory_space<vmem>>
      %dma_wait3A_357 = arith.constant 0 : i32
      %dma_wait3A_358 = tpu.memref_slice %arg6[%dma_wait3A_353, %dma_wait3A_357] : memref<10x128xi32, #tpu.memory_space<vmem>> -> memref<1x128xi32, #tpu.memory_space<vmem>>
      %dma_wait3A_359 = tpu.memref_squeeze %dma_wait3A_358 : memref<1x128xi32, #tpu.memory_space<vmem>> -> memref<128xi32, #tpu.memory_space<vmem>>
      %dma_wait3A_360 = arith.constant 0 : i32
      %dma_wait3A_361 = arith.constant 0 : i32
      %dma_wait3A_362 = tpu.memref_slice %arg2[%dma_wait3A_360, %dma_wait3A_361] : memref<100000x32xf32, #tpu.memory_space<hbm>> -> memref<100000x32xf32, #tpu.memory_space<hbm>>
      tpu.wait_indirect_dma semaphore(%arg9 : memref<!tpu.dma_semaphore, #tpu.memory_space<semaphore_mem>>) src(%dma_wait3A_362 : memref<100000x32xf32, #tpu.memory_space<hbm>>) dst(%dma_wait3A_356 : memref<128x32xf32, #tpu.memory_space<vmem>>)
      %dma_wait3A_363 = arith.constant 2 : i32
      %dma_wait3A_364 = arith.constant 256 : i32
      %dma_wait3A_365 = arith.constant 0 : i32
      %dma_wait3A_366 = tpu.memref_slice %arg8[%dma_wait3A_364, %dma_wait3A_365] : memref<1280x32xf32, #tpu.memory_space<vmem>> -> memref<128x32xf32, #tpu.memory_space<vmem>>
      %dma_wait3A_367 = arith.constant 0 : i32
      %dma_wait3A_368 = tpu.memref_slice %arg6[%dma_wait3A_363, %dma_wait3A_367] : memref<10x128xi32, #tpu.memory_space<vmem>> -> memref<1x128xi32, #tpu.memory_space<vmem>>
      %dma_wait3A_369 = tpu.memref_squeeze %dma_wait3A_368 : memref<1x128xi32, #tpu.memory_space<vmem>> -> memref<128xi32, #tpu.memory_space<vmem>>
      %dma_wait3A_370 = arith.constant 0 : i32
      %dma_wait3A_371 = arith.constant 0 : i32
      %dma_wait3A_372 = tpu.memref_slice %arg2[%dma_wait3A_370, %dma_wait3A_371] : memref<100000x32xf32, #tpu.memory_space<hbm>> -> memref<100000x32xf32, #tpu.memory_space<hbm>>
      tpu.wait_indirect_dma semaphore(%arg9 : memref<!tpu.dma_semaphore, #tpu.memory_space<semaphore_mem>>) src(%dma_wait3A_372 : memref<100000x32xf32, #tpu.memory_space<hbm>>) dst(%dma_wait3A_366 : memref<128x32xf32, #tpu.memory_space<vmem>>)
      %dma_wait3A_373 = arith.constant 3 : i32
      %dma_wait3A_374 = arith.constant 384 : i32
      %dma_wait3A_375 = arith.constant 0 : i32
      %dma_wait3A_376 = tpu.memref_slice %arg8[%dma_wait3A_374, %dma_wait3A_375] : memref<1280x32xf32, #tpu.memory_space<vmem>> -> memref<128x32xf32, #tpu.memory_space<vmem>>
      %dma_wait3A_377 = arith.constant 0 : i32
      %dma_wait3A_378 = tpu.memref_slice %arg6[%dma_wait3A_373, %dma_wait3A_377] : memref<10x128xi32, #tpu.memory_space<vmem>> -> memref<1x128xi32, #tpu.memory_space<vmem>>
      %dma_wait3A_379 = tpu.memref_squeeze %dma_wait3A_378 : memref<1x128xi32, #tpu.memory_space<vmem>> -> memref<128xi32, #tpu.memory_space<vmem>>
      %dma_wait3A_380 = arith.constant 0 : i32
      %dma_wait3A_381 = arith.constant 0 : i32
      %dma_wait3A_382 = tpu.memref_slice %arg2[%dma_wait3A_380, %dma_wait3A_381] : memref<100000x32xf32, #tpu.memory_space<hbm>> -> memref<100000x32xf32, #tpu.memory_space<hbm>>
      tpu.wait_indirect_dma semaphore(%arg9 : memref<!tpu.dma_semaphore, #tpu.memory_space<semaphore_mem>>) src(%dma_wait3A_382 : memref<100000x32xf32, #tpu.memory_space<hbm>>) dst(%dma_wait3A_376 : memref<128x32xf32, #tpu.memory_space<vmem>>)
      %dma_wait3A_383 = arith.constant 4 : i32
      %dma_wait3A_384 = arith.constant 512 : i32
      %dma_wait3A_385 = arith.constant 0 : i32
      %dma_wait3A_386 = tpu.memref_slice %arg8[%dma_wait3A_384, %dma_wait3A_385] : memref<1280x32xf32, #tpu.memory_space<vmem>> -> memref<128x32xf32, #tpu.memory_space<vmem>>
      %dma_wait3A_387 = arith.constant 0 : i32
      %dma_wait3A_388 = tpu.memref_slice %arg6[%dma_wait3A_383, %dma_wait3A_387] : memref<10x128xi32, #tpu.memory_space<vmem>> -> memref<1x128xi32, #tpu.memory_space<vmem>>
      %dma_wait3A_389 = tpu.memref_squeeze %dma_wait3A_388 : memref<1x128xi32, #tpu.memory_space<vmem>> -> memref<128xi32, #tpu.memory_space<vmem>>
      %dma_wait3A_390 = arith.constant 0 : i32
      %dma_wait3A_391 = arith.constant 0 : i32
      %dma_wait3A_392 = tpu.memref_slice %arg2[%dma_wait3A_390, %dma_wait3A_391] : memref<100000x32xf32, #tpu.memory_space<hbm>> -> memref<100000x32xf32, #tpu.memory_space<hbm>>
      tpu.wait_indirect_dma semaphore(%arg9 : memref<!tpu.dma_semaphore, #tpu.memory_space<semaphore_mem>>) src(%dma_wait3A_392 : memref<100000x32xf32, #tpu.memory_space<hbm>>) dst(%dma_wait3A_386 : memref<128x32xf32, #tpu.memory_space<vmem>>)
      %dma_wait3A_393 = arith.constant 5 : i32
      %dma_wait3A_394 = arith.constant 640 : i32
      %dma_wait3A_395 = arith.constant 0 : i32
      %dma_wait3A_396 = tpu.memref_slice %arg8[%dma_wait3A_394, %dma_wait3A_395] : memref<1280x32xf32, #tpu.memory_space<vmem>> -> memref<128x32xf32, #tpu.memory_space<vmem>>
      %dma_wait3A_397 = arith.constant 0 : i32
      %dma_wait3A_398 = tpu.memref_slice %arg6[%dma_wait3A_393, %dma_wait3A_397] : memref<10x128xi32, #tpu.memory_space<vmem>> -> memref<1x128xi32, #tpu.memory_space<vmem>>
      %dma_wait3A_399 = tpu.memref_squeeze %dma_wait3A_398 : memref<1x128xi32, #tpu.memory_space<vmem>> -> memref<128xi32, #tpu.memory_space<vmem>>
      %dma_wait3A_400 = arith.constant 0 : i32
      %dma_wait3A_401 = arith.constant 0 : i32
      %dma_wait3A_402 = tpu.memref_slice %arg2[%dma_wait3A_400, %dma_wait3A_401] : memref<100000x32xf32, #tpu.memory_space<hbm>> -> memref<100000x32xf32, #tpu.memory_space<hbm>>
      tpu.wait_indirect_dma semaphore(%arg9 : memref<!tpu.dma_semaphore, #tpu.memory_space<semaphore_mem>>) src(%dma_wait3A_402 : memref<100000x32xf32, #tpu.memory_space<hbm>>) dst(%dma_wait3A_396 : memref<128x32xf32, #tpu.memory_space<vmem>>)
      %dma_wait3A_403 = arith.constant 6 : i32
      %dma_wait3A_404 = arith.constant 768 : i32
      %dma_wait3A_405 = arith.constant 0 : i32
      %dma_wait3A_406 = tpu.memref_slice %arg8[%dma_wait3A_404, %dma_wait3A_405] : memref<1280x32xf32, #tpu.memory_space<vmem>> -> memref<128x32xf32, #tpu.memory_space<vmem>>
      %dma_wait3A_407 = arith.constant 0 : i32
      %dma_wait3A_408 = tpu.memref_slice %arg6[%dma_wait3A_403, %dma_wait3A_407] : memref<10x128xi32, #tpu.memory_space<vmem>> -> memref<1x128xi32, #tpu.memory_space<vmem>>
      %dma_wait3A_409 = tpu.memref_squeeze %dma_wait3A_408 : memref<1x128xi32, #tpu.memory_space<vmem>> -> memref<128xi32, #tpu.memory_space<vmem>>
      %dma_wait3A_410 = arith.constant 0 : i32
      %dma_wait3A_411 = arith.constant 0 : i32
      %dma_wait3A_412 = tpu.memref_slice %arg2[%dma_wait3A_410, %dma_wait3A_411] : memref<100000x32xf32, #tpu.memory_space<hbm>> -> memref<100000x32xf32, #tpu.memory_space<hbm>>
      tpu.wait_indirect_dma semaphore(%arg9 : memref<!tpu.dma_semaphore, #tpu.memory_space<semaphore_mem>>) src(%dma_wait3A_412 : memref<100000x32xf32, #tpu.memory_space<hbm>>) dst(%dma_wait3A_406 : memref<128x32xf32, #tpu.memory_space<vmem>>)
      %dma_wait3A_413 = arith.constant 7 : i32
      %dma_wait3A_414 = arith.constant 896 : i32
      %dma_wait3A_415 = arith.constant 0 : i32
      %dma_wait3A_416 = tpu.memref_slice %arg8[%dma_wait3A_414, %dma_wait3A_415] : memref<1280x32xf32, #tpu.memory_space<vmem>> -> memref<128x32xf32, #tpu.memory_space<vmem>>
      %dma_wait3A_417 = arith.constant 0 : i32
      %dma_wait3A_418 = tpu.memref_slice %arg6[%dma_wait3A_413, %dma_wait3A_417] : memref<10x128xi32, #tpu.memory_space<vmem>> -> memref<1x128xi32, #tpu.memory_space<vmem>>
      %dma_wait3A_419 = tpu.memref_squeeze %dma_wait3A_418 : memref<1x128xi32, #tpu.memory_space<vmem>> -> memref<128xi32, #tpu.memory_space<vmem>>
      %dma_wait3A_420 = arith.constant 0 : i32
      %dma_wait3A_421 = arith.constant 0 : i32
      %dma_wait3A_422 = tpu.memref_slice %arg2[%dma_wait3A_420, %dma_wait3A_421] : memref<100000x32xf32, #tpu.memory_space<hbm>> -> memref<100000x32xf32, #tpu.memory_space<hbm>>
      tpu.wait_indirect_dma semaphore(%arg9 : memref<!tpu.dma_semaphore, #tpu.memory_space<semaphore_mem>>) src(%dma_wait3A_422 : memref<100000x32xf32, #tpu.memory_space<hbm>>) dst(%dma_wait3A_416 : memref<128x32xf32, #tpu.memory_space<vmem>>)
      %dma_wait3A_423 = arith.constant 8 : i32
      %dma_wait3A_424 = arith.constant 1024 : i32
      %dma_wait3A_425 = arith.constant 0 : i32
      %dma_wait3A_426 = tpu.memref_slice %arg8[%dma_wait3A_424, %dma_wait3A_425] : memref<1280x32xf32, #tpu.memory_space<vmem>> -> memref<128x32xf32, #tpu.memory_space<vmem>>
      %dma_wait3A_427 = arith.constant 0 : i32
      %dma_wait3A_428 = tpu.memref_slice %arg6[%dma_wait3A_423, %dma_wait3A_427] : memref<10x128xi32, #tpu.memory_space<vmem>> -> memref<1x128xi32, #tpu.memory_space<vmem>>
      %dma_wait3A_429 = tpu.memref_squeeze %dma_wait3A_428 : memref<1x128xi32, #tpu.memory_space<vmem>> -> memref<128xi32, #tpu.memory_space<vmem>>
      %dma_wait3A_430 = arith.constant 0 : i32
      %dma_wait3A_431 = arith.constant 0 : i32
      %dma_wait3A_432 = tpu.memref_slice %arg2[%dma_wait3A_430, %dma_wait3A_431] : memref<100000x32xf32, #tpu.memory_space<hbm>> -> memref<100000x32xf32, #tpu.memory_space<hbm>>
      tpu.wait_indirect_dma semaphore(%arg9 : memref<!tpu.dma_semaphore, #tpu.memory_space<semaphore_mem>>) src(%dma_wait3A_432 : memref<100000x32xf32, #tpu.memory_space<hbm>>) dst(%dma_wait3A_426 : memref<128x32xf32, #tpu.memory_space<vmem>>)
      %dma_wait3A_433 = arith.constant 9 : i32
      %dma_wait3A_434 = arith.constant 1152 : i32
      %dma_wait3A_435 = arith.constant 0 : i32
      %dma_wait3A_436 = tpu.memref_slice %arg8[%dma_wait3A_434, %dma_wait3A_435] : memref<1280x32xf32, #tpu.memory_space<vmem>> -> memref<128x32xf32, #tpu.memory_space<vmem>>
      %dma_wait3A_437 = arith.constant 0 : i32
      %dma_wait3A_438 = tpu.memref_slice %arg6[%dma_wait3A_433, %dma_wait3A_437] : memref<10x128xi32, #tpu.memory_space<vmem>> -> memref<1x128xi32, #tpu.memory_space<vmem>>
      %dma_wait3A_439 = tpu.memref_squeeze %dma_wait3A_438 : memref<1x128xi32, #tpu.memory_space<vmem>> -> memref<128xi32, #tpu.memory_space<vmem>>
      %dma_wait3A_440 = arith.constant 0 : i32
      %dma_wait3A_441 = arith.constant 0 : i32
      %dma_wait3A_442 = tpu.memref_slice %arg2[%dma_wait3A_440, %dma_wait3A_441] : memref<100000x32xf32, #tpu.memory_space<hbm>> -> memref<100000x32xf32, #tpu.memory_space<hbm>>
      tpu.wait_indirect_dma semaphore(%arg9 : memref<!tpu.dma_semaphore, #tpu.memory_space<semaphore_mem>>) src(%dma_wait3A_442 : memref<100000x32xf32, #tpu.memory_space<hbm>>) dst(%dma_wait3A_436 : memref<128x32xf32, #tpu.memory_space<vmem>>)
      %dma_start3A_443 = arith.constant 0 : i32
      %dma_start3A_444 = tpu.memref_slice %arg4[%mul3A_242, %dma_start3A_443] : memref<819200x32xf32, #tpu.memory_space<hbm>> -> memref<1280x32xf32, #tpu.memory_space<hbm>>
      %dma_start3A_445 = arith.constant 0 : i32
      %dma_start3A_446 = tpu.memref_slice %arg4[%mul3A_242, %dma_start3A_445] : memref<819200x32xf32, #tpu.memory_space<hbm>> -> memref<1280x32xf32, #tpu.memory_space<hbm>>
      tpu.enqueue_dma source(%arg8 : memref<1280x32xf32, #tpu.memory_space<vmem>>) target(%dma_start3A_446 : memref<1280x32xf32, #tpu.memory_space<hbm>>) target_semaphore(%arg11 : memref<!tpu.dma_semaphore, #tpu.memory_space<semaphore_mem>>)
    }
    %scan3A_4 = arith.constant 10 : i32
    %dma_wait3A = arith.constant 0 : i32
    %dma_wait3A_5 = arith.constant 0 : i32
    %dma_wait3A_6 = tpu.memref_slice %arg4[%dma_wait3A, %dma_wait3A_5] : memref<819200x32xf32, #tpu.memory_space<hbm>> -> memref<1280x32xf32, #tpu.memory_space<hbm>>
    %dma_wait3A_7 = arith.constant 0 : i32
    %dma_wait3A_8 = arith.constant 0 : i32
    %dma_wait3A_9 = tpu.memref_slice %arg4[%dma_wait3A_7, %dma_wait3A_8] : memref<819200x32xf32, #tpu.memory_space<hbm>> -> memref<1280x32xf32, #tpu.memory_space<hbm>>
    tpu.wait_dma2 semaphore(%arg10 : memref<!tpu.dma_semaphore, #tpu.memory_space<semaphore_mem>>) src(%dma_wait3A_9 : memref<1280x32xf32, #tpu.memory_space<hbm>>) dst(%arg7 : memref<1280x32xf32, #tpu.memory_space<vmem>>)
    %dma_wait3A_10 = arith.constant 0 : i32
    %dma_wait3A_11 = arith.constant 0 : i32
    %dma_wait3A_12 = tpu.memref_slice %arg4[%dma_wait3A_10, %dma_wait3A_11] : memref<819200x32xf32, #tpu.memory_space<hbm>> -> memref<1280x32xf32, #tpu.memory_space<hbm>>
    %dma_wait3A_13 = arith.constant 0 : i32
    %dma_wait3A_14 = arith.constant 0 : i32
    %dma_wait3A_15 = tpu.memref_slice %arg4[%dma_wait3A_13, %dma_wait3A_14] : memref<819200x32xf32, #tpu.memory_space<hbm>> -> memref<1280x32xf32, #tpu.memory_space<hbm>>
    tpu.wait_dma2 semaphore(%arg11 : memref<!tpu.dma_semaphore, #tpu.memory_space<semaphore_mem>>) src(%dma_wait3A_15 : memref<1280x32xf32, #tpu.memory_space<hbm>>) dst(%arg8 : memref<1280x32xf32, #tpu.memory_space<vmem>>)
    return
  }
}

module attributes {stable_mosaic.version = 14 : i64} {
  func.func @_pass_a_body(%arg0: i32, %arg1: memref<1024x8xf32, #tpu.memory_space<vmem>>, %arg2: memref<1024x3xf32, #tpu.memory_space<vmem>>, %arg3: memref<8x16xf32, #tpu.memory_space<vmem>>, %arg4: memref<1x16xf32, #tpu.memory_space<vmem>>, %arg5: memref<1024x32xf32, #tpu.memory_space<vmem>>) attributes {dimension_semantics = [#tpu.dimension_semantics<arbitrary>], iteration_bounds = array<i64: 98>, scalar_prefetch = 0 : i64, scratch_operands = 0 : i64, tpu.core_type = #tpu.core_type<tc>, window_params = [{transform_indices = @transform_0, window_bounds = array<i64: 1024, 8>}, {transform_indices = @transform_1, window_bounds = array<i64: 1024, 3>}, {pipeline_mode = #tpu.pipeline_mode<synchronous>, transform_indices = @transform_2, window_bounds = array<i64: 8, 16>}, {pipeline_mode = #tpu.pipeline_mode<synchronous>, transform_indices = @transform_3, window_bounds = array<i64: 1, 16>}, {transform_indices = @transform_4, window_bounds = array<i64: 1024, 32>}]} {
    %get3A = arith.constant 0 : index
    %get3A_0 = arith.constant 0 : index
    %get3A_1 = vector.load %arg1[%get3A, %get3A_0] : memref<1024x8xf32, #tpu.memory_space<vmem>>, vector<1024x8xf32>
    %get3A_2 = arith.constant 0 : index
    %get3A_3 = arith.constant 0 : index
    %get3A_4 = vector.load %arg3[%get3A_2, %get3A_3] : memref<8x16xf32, #tpu.memory_space<vmem>>, vector<8x16xf32>
    %dot_general3A = arith.constant dense<0.000000e+00> : vector<1024x16xf32>
    %dot_general3A_5 = tpu.matmul %get3A_1, %get3A_4, %dot_general3A {dimension_numbers = #tpu.dot_dimension_numbers<[1], [0], [0], [1], [0, 0, 1, 1], [], []>, transpose_lhs_hint = false} : vector<1024x8xf32>, vector<8x16xf32>, vector<1024x16xf32> -> vector<1024x16xf32>
    %get3A_6 = arith.constant 0 : index
    %get3A_7 = arith.constant 0 : index
    %get3A_8 = vector.load %arg4[%get3A_6, %get3A_7] : memref<1x16xf32, #tpu.memory_space<vmem>>, vector<1x16xf32>
    %add3A = vector.broadcast %get3A_8 : vector<1x16xf32> to vector<1024x16xf32>
    %add3A_9 = arith.addf %dot_general3A_5, %add3A : vector<1024x16xf32>
    %ge3A = arith.constant 0.000000e+00 : f32
    %ge3A_10 = vector.broadcast %ge3A : f32 to vector<1024x16xf32>
    %ge3A_11 = arith.cmpf oge, %add3A_9, %ge3A_10 : vector<1024x16xf32>
    %mul3A = arith.constant 2.000000e-01 : f32
    %mul3A_12 = vector.broadcast %mul3A : f32 to vector<1024x16xf32>
    %mul3A_13 = arith.mulf %mul3A_12, %add3A_9 : vector<1024x16xf32>
    %select_n3A = arith.select %ge3A_11, %add3A_9, %mul3A_13 : vector<1024x16xi1>, vector<1024x16xf32>
    %get3A_14 = arith.constant 0 : index
    %get3A_15 = arith.constant 0 : index
    %get3A_16 = vector.load %arg2[%get3A_14, %get3A_15] : memref<1024x3xf32, #tpu.memory_space<vmem>>, vector<1024x3xf32>
    %swap3A = arith.constant 0 : index
    %swap3A_17 = arith.constant 0 : index
    %swap3A_18 = vector.load %arg5[%swap3A, %swap3A_17] : memref<1024x32xf32, #tpu.memory_space<vmem>>, vector<1024x3xf32>
    tpu.vector_store %arg5[%swap3A, %swap3A_17], %get3A_16 {strides = array<i32>} : memref<1024x32xf32, #tpu.memory_space<vmem>>, vector<1024x3xf32>,
    %swap3A_19 = arith.constant 0 : index
    %swap3A_20 = arith.constant 3 : index
    %swap3A_21 = vector.load %arg5[%swap3A_19, %swap3A_20] : memref<1024x32xf32, #tpu.memory_space<vmem>>, vector<1024x16xf32>
    tpu.vector_store %arg5[%swap3A_19, %swap3A_20], %select_n3A {strides = array<i32>} : memref<1024x32xf32, #tpu.memory_space<vmem>>, vector<1024x16xf32>,
    %broadcast_in_dim3A = arith.constant 0.000000e+00 : f32
    %broadcast_in_dim3A_22 = vector.broadcast %broadcast_in_dim3A : f32 to vector<1024x13xf32>
    %swap3A_23 = arith.constant 0 : index
    %swap3A_24 = arith.constant 19 : index
    %swap3A_25 = vector.load %arg5[%swap3A_23, %swap3A_24] : memref<1024x32xf32, #tpu.memory_space<vmem>>, vector<1024x13xf32>
    tpu.vector_store %arg5[%swap3A_23, %swap3A_24], %broadcast_in_dim3A_22 {strides = array<i32>} : memref<1024x32xf32, #tpu.memory_space<vmem>>, vector<1024x13xf32>,
    return
  }
  func.func @transform_0(%arg0: i32) -> (i32, i32) {
    %c0_i32 = arith.constant 0 : i32
    %c0_i32_0 = arith.constant 0 : i32
    return %arg0, %c0_i32 : i32, i32
  }
  func.func @transform_1(%arg0: i32) -> (i32, i32) {
    %c0_i32 = arith.constant 0 : i32
    %c0_i32_0 = arith.constant 0 : i32
    return %arg0, %c0_i32 : i32, i32
  }
  func.func @transform_2(%arg0: i32) -> (i32, i32) {
    %c0_i32 = arith.constant 0 : i32
    %c0_i32_0 = arith.constant 0 : i32
    %c0_i32_1 = arith.constant 0 : i32
    return %c0_i32, %c0_i32_0 : i32, i32
  }
  func.func @transform_3(%arg0: i32) -> (i32, i32) {
    %c0_i32 = arith.constant 0 : i32
    %c0_i32_0 = arith.constant 0 : i32
    %c0_i32_1 = arith.constant 0 : i32
    return %c0_i32, %c0_i32_0 : i32, i32
  }
  func.func @transform_4(%arg0: i32) -> (i32, i32) {
    %c0_i32 = arith.constant 0 : i32
    %c0_i32_0 = arith.constant 0 : i32
    return %arg0, %c0_i32 : i32, i32
  }
}

module attributes {stable_mosaic.version = 14 : i64} {
  func.func @_pass_c_body(%arg0: i32, %arg1: memref<16x256x128xf32, #tpu.memory_space<vmem>>, %arg2: memref<256x128xf32, #tpu.memory_space<vmem>>, %arg3: memref<128x128xf32, #tpu.memory_space<vmem>>, %arg4: memref<128x128xf32, #tpu.memory_space<vmem>>, %arg5: memref<128x128xf32, #tpu.memory_space<vmem>>, %arg6: memref<128x128xf32, #tpu.memory_space<vmem>>, %arg7: memref<128x128xf32, #tpu.memory_space<vmem>>, %arg8: memref<128x128xf32, #tpu.memory_space<vmem>>, %arg9: memref<1x128xf32, #tpu.memory_space<vmem>>, %arg10: memref<128x128xf32, #tpu.memory_space<vmem>>, %arg11: memref<1x128xf32, #tpu.memory_space<vmem>>, %arg12: memref<128x128xf32, #tpu.memory_space<vmem>>, %arg13: memref<1x128xf32, #tpu.memory_space<vmem>>, %arg14: memref<256x128xf32, #tpu.memory_space<vmem>>, %arg15: memref<16x256x128xbf16, #tpu.memory_space<vmem>>) attributes {dimension_semantics = [#tpu.dimension_semantics<arbitrary>], iteration_bounds = array<i64: 50>, scalar_prefetch = 0 : i64, scratch_operands = 0 : i64, tpu.core_type = #tpu.core_type<tc>, window_params = [{transform_indices = @transform_0, window_bounds = array<i64: 16, 256, 128>}, {transform_indices = @transform_1, window_bounds = array<i64: 256, 128>}, {pipeline_mode = #tpu.pipeline_mode<synchronous>, transform_indices = @transform_2, window_bounds = array<i64: 128, 128>}, {pipeline_mode = #tpu.pipeline_mode<synchronous>, transform_indices = @transform_3, window_bounds = array<i64: 128, 128>}, {pipeline_mode = #tpu.pipeline_mode<synchronous>, transform_indices = @transform_4, window_bounds = array<i64: 128, 128>}, {pipeline_mode = #tpu.pipeline_mode<synchronous>, transform_indices = @transform_5, window_bounds = array<i64: 128, 128>}, {pipeline_mode = #tpu.pipeline_mode<synchronous>, transform_indices = @transform_6, window_bounds = array<i64: 128, 128>}, {pipeline_mode = #tpu.pipeline_mode<synchronous>, transform_indices = @transform_7, window_bounds = array<i64: 128, 128>}, {pipeline_mode = #tpu.pipeline_mode<synchronous>, transform_indices = @transform_8, window_bounds = array<i64: 1, 128>}, {pipeline_mode = #tpu.pipeline_mode<synchronous>, transform_indices = @transform_9, window_bounds = array<i64: 128, 128>}, {pipeline_mode = #tpu.pipeline_mode<synchronous>, transform_indices = @transform_10, window_bounds = array<i64: 1, 128>}, {pipeline_mode = #tpu.pipeline_mode<synchronous>, transform_indices = @transform_11, window_bounds = array<i64: 128, 128>}, {pipeline_mode = #tpu.pipeline_mode<synchronous>, transform_indices = @transform_12, window_bounds = array<i64: 1, 128>}, {transform_indices = @transform_13, window_bounds = array<i64: 256, 128>}, {transform_indices = @transform_14, window_bounds = array<i64: 16, 256, 128>}]} {
    %get3A = arith.constant 0 : index
    %get3A_0 = arith.constant 0 : index
    %get3A_1 = arith.constant 0 : index
    %get3A_2 = vector.load %arg1[%get3A, %get3A_0, %get3A_1] : memref<16x256x128xf32, #tpu.memory_space<vmem>>, vector<16x256x128xf32>
    %reshape3A = vector.shape_cast %get3A_2 : vector<16x256x128xf32> to vector<4096x128xf32>
    %get3A_3 = arith.constant 0 : index
    %get3A_4 = arith.constant 0 : index
    %get3A_5 = vector.load %arg2[%get3A_3, %get3A_4] : memref<256x128xf32, #tpu.memory_space<vmem>>, vector<256x128xf32>
    %broadcast_in_dim3A = vector.shape_cast %get3A_5 : vector<256x128xf32> to vector<1x256x128xf32>
    %sub3A = vector.broadcast %broadcast_in_dim3A : vector<1x256x128xf32> to vector<16x256x128xf32>
    %sub3A_6 = arith.subf %sub3A, %get3A_2 : vector<16x256x128xf32>
    %mul3A = arith.mulf %sub3A_6, %sub3A_6 : vector<16x256x128xf32>
    %reshape3A_7 = vector.shape_cast %mul3A : vector<16x256x128xf32> to vector<4096x128xf32>
    %get3A_8 = arith.constant 0 : index
    %get3A_9 = arith.constant 0 : index
    %get3A_10 = vector.load %arg3[%get3A_8, %get3A_9] : memref<128x128xf32, #tpu.memory_space<vmem>>, vector<128x128xf32>
    %dot_general3A = arith.constant dense<0.000000e+00> : vector<4096x128xf32>
    %dot_general3A_11 = tpu.matmul %reshape3A_7, %get3A_10, %dot_general3A {dimension_numbers = #tpu.dot_dimension_numbers<[1], [0], [0], [1], [0, 0, 1, 1], [], []>, transpose_lhs_hint = false} : vector<4096x128xf32>, vector<128x128xf32>, vector<4096x128xf32> -> vector<4096x128xf32>
    %add3A = arith.constant 9.99999996E-13 : f32
    %add3A_12 = vector.broadcast %add3A : f32 to vector<4096x128xf32>
    %add3A_13 = arith.addf %dot_general3A_11, %add3A_12 : vector<4096x128xf32>
    %sqrt3A = math.sqrt %add3A_13 : vector<4096x128xf32>
    %get3A_14 = arith.constant 0 : index
    %get3A_15 = arith.constant 0 : index
    %get3A_16 = vector.load %arg6[%get3A_14, %get3A_15] : memref<128x128xf32, #tpu.memory_space<vmem>>, vector<128x128xf32>
    %dot_general3A_17 = arith.constant dense<0.000000e+00> : vector<256x128xf32>
    %dot_general3A_18 = tpu.matmul %get3A_5, %get3A_16, %dot_general3A_17 {dimension_numbers = #tpu.dot_dimension_numbers<[1], [0], [0], [1], [0, 0, 1, 1], [], []>, transpose_lhs_hint = false} : vector<256x128xf32>, vector<128x128xf32>, vector<256x128xf32> -> vector<256x128xf32>
    %get3A_19 = arith.constant 0 : index
    %get3A_20 = arith.constant 0 : index
    %get3A_21 = vector.load %arg4[%get3A_19, %get3A_20] : memref<128x128xf32, #tpu.memory_space<vmem>>, vector<128x128xf32>
    %dot_general3A_22 = arith.constant dense<0.000000e+00> : vector<4096x128xf32>
    %dot_general3A_23 = tpu.matmul %sqrt3A, %get3A_21, %dot_general3A_22 {dimension_numbers = #tpu.dot_dimension_numbers<[1], [0], [0], [1], [0, 0, 1, 1], [], []>, transpose_lhs_hint = false} : vector<4096x128xf32>, vector<128x128xf32>, vector<4096x128xf32> -> vector<4096x128xf32>
    %get3A_24 = arith.constant 0 : index
    %get3A_25 = arith.constant 0 : index
    %get3A_26 = vector.load %arg5[%get3A_24, %get3A_25] : memref<128x128xf32, #tpu.memory_space<vmem>>, vector<128x128xf32>
    %dot_general3A_27 = arith.constant dense<0.000000e+00> : vector<4096x128xf32>
    %dot_general3A_28 = tpu.matmul %reshape3A, %get3A_26, %dot_general3A_27 {dimension_numbers = #tpu.dot_dimension_numbers<[1], [0], [0], [1], [0, 0, 1, 1], [], []>, transpose_lhs_hint = false} : vector<4096x128xf32>, vector<128x128xf32>, vector<4096x128xf32> -> vector<4096x128xf32>
    %add3A_29 = arith.addf %dot_general3A_23, %dot_general3A_28 : vector<4096x128xf32>
    %reshape3A_30 = vector.shape_cast %add3A_29 : vector<4096x128xf32> to vector<16x256x128xf32>
    %broadcast_in_dim3A_31 = vector.shape_cast %dot_general3A_18 : vector<256x128xf32> to vector<1x256x128xf32>
    %add3A_32 = vector.broadcast %broadcast_in_dim3A_31 : vector<1x256x128xf32> to vector<16x256x128xf32>
    %add3A_33 = arith.addf %reshape3A_30, %add3A_32 : vector<16x256x128xf32>
    %get3A_34 = arith.constant 0 : index
    %get3A_35 = arith.constant 0 : index
    %get3A_36 = vector.load %arg9[%get3A_34, %get3A_35] : memref<1x128xf32, #tpu.memory_space<vmem>>, vector<1x128xf32>
    %broadcast_in_dim3A_37 = vector.shape_cast %get3A_36 : vector<1x128xf32> to vector<1x1x128xf32>
    %add3A_38 = vector.broadcast %broadcast_in_dim3A_37 : vector<1x1x128xf32> to vector<16x256x128xf32>
    %add3A_39 = arith.addf %add3A_33, %add3A_38 : vector<16x256x128xf32>
    %ge3A = arith.constant 0.000000e+00 : f32
    %ge3A_40 = vector.broadcast %ge3A : f32 to vector<16x256x128xf32>
    %ge3A_41 = arith.cmpf oge, %add3A_39, %ge3A_40 : vector<16x256x128xf32>
    %mul3A_42 = arith.constant 2.000000e-01 : f32
    %mul3A_43 = vector.broadcast %mul3A_42 : f32 to vector<16x256x128xf32>
    %mul3A_44 = arith.mulf %mul3A_43, %add3A_39 : vector<16x256x128xf32>
    %select_n3A = arith.select %ge3A_41, %add3A_39, %mul3A_44 : vector<16x256x128xi1>, vector<16x256x128xf32>
    %reshape3A_45 = vector.shape_cast %select_n3A : vector<16x256x128xf32> to vector<4096x128xf32>
    %get3A_46 = arith.constant 0 : index
    %get3A_47 = arith.constant 0 : index
    %get3A_48 = vector.load %arg7[%get3A_46, %get3A_47] : memref<128x128xf32, #tpu.memory_space<vmem>>, vector<128x128xf32>
    %dot_general3A_49 = arith.constant dense<0.000000e+00> : vector<4096x128xf32>
    %dot_general3A_50 = tpu.matmul %reshape3A, %get3A_48, %dot_general3A_49 {dimension_numbers = #tpu.dot_dimension_numbers<[1], [0], [0], [1], [0, 0, 1, 1], [], []>, transpose_lhs_hint = false} : vector<4096x128xf32>, vector<128x128xf32>, vector<4096x128xf32> -> vector<4096x128xf32>
    %get3A_51 = arith.constant 0 : index
    %get3A_52 = arith.constant 0 : index
    %get3A_53 = vector.load %arg8[%get3A_51, %get3A_52] : memref<128x128xf32, #tpu.memory_space<vmem>>, vector<128x128xf32>
    %dot_general3A_54 = arith.constant dense<0.000000e+00> : vector<4096x128xf32>
    %dot_general3A_55 = tpu.matmul %reshape3A_45, %get3A_53, %dot_general3A_54 {dimension_numbers = #tpu.dot_dimension_numbers<[1], [0], [0], [1], [0, 0, 1, 1], [], []>, transpose_lhs_hint = false} : vector<4096x128xf32>, vector<128x128xf32>, vector<4096x128xf32> -> vector<4096x128xf32>
    %add3A_56 = arith.addf %dot_general3A_50, %dot_general3A_55 : vector<4096x128xf32>
    %reshape3A_57 = vector.shape_cast %add3A_56 : vector<4096x128xf32> to vector<16x256x128xf32>
    %reduce_max3A = arith.constant dense<0xFF800000> : vector<256x128xf32>
    %reduce_max3A_58 = vector.multi_reduction <maximumf>, %reshape3A_57, %reduce_max3A [0] : vector<16x256x128xf32> to vector<256x128xf32>
    %broadcast_in_dim3A_59 = vector.shape_cast %reduce_max3A_58 : vector<256x128xf32> to vector<1x256x128xf32>
    %sub3A_60 = vector.broadcast %broadcast_in_dim3A_59 : vector<1x256x128xf32> to vector<16x256x128xf32>
    %sub3A_61 = arith.subf %reshape3A_57, %sub3A_60 : vector<16x256x128xf32>
    %exp3A = math.exp %sub3A_61 : vector<16x256x128xf32>
    %mul3A_62 = arith.mulf %reshape3A_57, %exp3A : vector<16x256x128xf32>
    %reduce_sum3A = arith.constant dense<0.000000e+00> : vector<256x128xf32>
    %reduce_sum3A_63 = vector.multi_reduction <add>, %mul3A_62, %reduce_sum3A [0] : vector<16x256x128xf32> to vector<256x128xf32>
    %reduce_sum3A_64 = arith.constant dense<0.000000e+00> : vector<256x128xf32>
    %reduce_sum3A_65 = vector.multi_reduction <add>, %exp3A, %reduce_sum3A_64 [0] : vector<16x256x128xf32> to vector<256x128xf32>
    %div3A = arith.divf %reduce_sum3A_63, %reduce_sum3A_65 : vector<256x128xf32>
    %get3A_66 = arith.constant 0 : index
    %get3A_67 = arith.constant 0 : index
    %get3A_68 = vector.load %arg10[%get3A_66, %get3A_67] : memref<128x128xf32, #tpu.memory_space<vmem>>, vector<128x128xf32>
    %dot_general3A_69 = arith.constant dense<0.000000e+00> : vector<256x128xf32>
    %dot_general3A_70 = tpu.matmul %div3A, %get3A_68, %dot_general3A_69 {dimension_numbers = #tpu.dot_dimension_numbers<[1], [0], [0], [1], [0, 0, 1, 1], [], []>, transpose_lhs_hint = false} : vector<256x128xf32>, vector<128x128xf32>, vector<256x128xf32> -> vector<256x128xf32>
    %get3A_71 = arith.constant 0 : index
    %get3A_72 = arith.constant 0 : index
    %get3A_73 = vector.load %arg11[%get3A_71, %get3A_72] : memref<1x128xf32, #tpu.memory_space<vmem>>, vector<1x128xf32>
    %add3A_74 = vector.broadcast %get3A_73 : vector<1x128xf32> to vector<256x128xf32>
    %add3A_75 = arith.addf %dot_general3A_70, %add3A_74 : vector<256x128xf32>
    %ge3A_76 = arith.constant 0.000000e+00 : f32
    %ge3A_77 = vector.broadcast %ge3A_76 : f32 to vector<256x128xf32>
    %ge3A_78 = arith.cmpf oge, %add3A_75, %ge3A_77 : vector<256x128xf32>
    %mul3A_79 = arith.constant 2.000000e-01 : f32
    %mul3A_80 = vector.broadcast %mul3A_79 : f32 to vector<256x128xf32>
    %mul3A_81 = arith.mulf %mul3A_80, %add3A_75 : vector<256x128xf32>
    %select_n3A_82 = arith.select %ge3A_78, %add3A_75, %mul3A_81 : vector<256x128xi1>, vector<256x128xf32>
    %swap3A = arith.constant 0 : index
    %swap3A_83 = arith.constant 0 : index
    %swap3A_84 = vector.load %arg14[%swap3A, %swap3A_83] : memref<256x128xf32, #tpu.memory_space<vmem>>, vector<256x128xf32>
    tpu.vector_store %arg14[%swap3A, %swap3A_83], %select_n3A_82 {strides = array<i32>} : memref<256x128xf32, #tpu.memory_space<vmem>>, vector<256x128xf32>,
    %get3A_85 = arith.constant 0 : index
    %get3A_86 = arith.constant 0 : index
    %get3A_87 = vector.load %arg12[%get3A_85, %get3A_86] : memref<128x128xf32, #tpu.memory_space<vmem>>, vector<128x128xf32>
    %dot_general3A_88 = arith.constant dense<0.000000e+00> : vector<4096x128xf32>
    %dot_general3A_89 = tpu.matmul %reshape3A_45, %get3A_87, %dot_general3A_88 {dimension_numbers = #tpu.dot_dimension_numbers<[1], [0], [0], [1], [0, 0, 1, 1], [], []>, transpose_lhs_hint = false} : vector<4096x128xf32>, vector<128x128xf32>, vector<4096x128xf32> -> vector<4096x128xf32>
    %get3A_90 = arith.constant 0 : index
    %get3A_91 = arith.constant 0 : index
    %get3A_92 = vector.load %arg13[%get3A_90, %get3A_91] : memref<1x128xf32, #tpu.memory_space<vmem>>, vector<1x128xf32>
    %broadcast_in_dim3A_93 = vector.shape_cast %get3A_92 : vector<1x128xf32> to vector<1x1x128xf32>
    %broadcast_in_dim3A_94 = vector.shape_cast %dot_general3A_89 : vector<4096x128xf32> to vector<1x4096x128xf32>
    %add3A_95 = vector.broadcast %broadcast_in_dim3A_93 : vector<1x1x128xf32> to vector<1x4096x128xf32>
    %add3A_96 = arith.addf %broadcast_in_dim3A_94, %add3A_95 : vector<1x4096x128xf32>
    %ge3A_97 = arith.constant 0.000000e+00 : f32
    %ge3A_98 = vector.broadcast %ge3A_97 : f32 to vector<1x4096x128xf32>
    %ge3A_99 = arith.cmpf oge, %add3A_96, %ge3A_98 : vector<1x4096x128xf32>
    %mul3A_100 = arith.constant 2.000000e-01 : f32
    %mul3A_101 = vector.broadcast %mul3A_100 : f32 to vector<1x4096x128xf32>
    %mul3A_102 = arith.mulf %mul3A_101, %add3A_96 : vector<1x4096x128xf32>
    %select_n3A_103 = arith.select %ge3A_99, %add3A_96, %mul3A_102 : vector<1x4096x128xi1>, vector<1x4096x128xf32>
    %reshape3A_104 = vector.shape_cast %select_n3A_103 : vector<1x4096x128xf32> to vector<16x256x128xf32>
    %convert_element_type3A = arith.truncf %reshape3A_104 : vector<16x256x128xf32> to vector<16x256x128xbf16>
    %swap3A_105 = arith.constant 0 : index
    %swap3A_106 = arith.constant 0 : index
    %swap3A_107 = arith.constant 0 : index
    %swap3A_108 = vector.load %arg15[%swap3A_105, %swap3A_106, %swap3A_107] : memref<16x256x128xbf16, #tpu.memory_space<vmem>>, vector<16x256x128xbf16>
    tpu.vector_store %arg15[%swap3A_105, %swap3A_106, %swap3A_107], %convert_element_type3A {strides = array<i32>} : memref<16x256x128xbf16, #tpu.memory_space<vmem>>, vector<16x256x128xbf16>,
    return
  }
  func.func @transform_0(%arg0: i32) -> (i32, i32, i32) {
    %c0_i32 = arith.constant 0 : i32
    %c0_i32_0 = arith.constant 0 : i32
    %c0_i32_1 = arith.constant 0 : i32
    return %c0_i32, %arg0, %c0_i32_0 : i32, i32, i32
  }
  func.func @transform_1(%arg0: i32) -> (i32, i32) {
    %add3A = arith.constant 0 : i32
    %add3A_0 = arith.addi %arg0, %add3A : i32
    %c0_i32 = arith.constant 0 : i32
    %c0_i32_1 = arith.constant 0 : i32
    return %add3A_0, %c0_i32 : i32, i32
  }
  func.func @transform_2(%arg0: i32) -> (i32, i32) {
    %c0_i32 = arith.constant 0 : i32
    %c0_i32_0 = arith.constant 0 : i32
    %c0_i32_1 = arith.constant 0 : i32
    return %c0_i32, %c0_i32_0 : i32, i32
  }
  func.func @transform_3(%arg0: i32) -> (i32, i32) {
    %c0_i32 = arith.constant 0 : i32
    %c0_i32_0 = arith.constant 0 : i32
    %c0_i32_1 = arith.constant 0 : i32
    return %c0_i32, %c0_i32_0 : i32, i32
  }
  func.func @transform_4(%arg0: i32) -> (i32, i32) {
    %c0_i32 = arith.constant 0 : i32
    %c0_i32_0 = arith.constant 0 : i32
    %c0_i32_1 = arith.constant 0 : i32
    return %c0_i32, %c0_i32_0 : i32, i32
  }
  func.func @transform_5(%arg0: i32) -> (i32, i32) {
    %c0_i32 = arith.constant 0 : i32
    %c0_i32_0 = arith.constant 0 : i32
    %c0_i32_1 = arith.constant 0 : i32
    return %c0_i32, %c0_i32_0 : i32, i32
  }
  func.func @transform_6(%arg0: i32) -> (i32, i32) {
    %c0_i32 = arith.constant 0 : i32
    %c0_i32_0 = arith.constant 0 : i32
    %c0_i32_1 = arith.constant 0 : i32
    return %c0_i32, %c0_i32_0 : i32, i32
  }
  func.func @transform_7(%arg0: i32) -> (i32, i32) {
    %c0_i32 = arith.constant 0 : i32
    %c0_i32_0 = arith.constant 0 : i32
    %c0_i32_1 = arith.constant 0 : i32
    return %c0_i32, %c0_i32_0 : i32, i32
  }
  func.func @transform_8(%arg0: i32) -> (i32, i32) {
    %c0_i32 = arith.constant 0 : i32
    %c0_i32_0 = arith.constant 0 : i32
    %c0_i32_1 = arith.constant 0 : i32
    return %c0_i32, %c0_i32_0 : i32, i32
  }
  func.func @transform_9(%arg0: i32) -> (i32, i32) {
    %c0_i32 = arith.constant 0 : i32
    %c0_i32_0 = arith.constant 0 : i32
    %c0_i32_1 = arith.constant 0 : i32
    return %c0_i32, %c0_i32_0 : i32, i32
  }
  func.func @transform_10(%arg0: i32) -> (i32, i32) {
    %c0_i32 = arith.constant 0 : i32
    %c0_i32_0 = arith.constant 0 : i32
    %c0_i32_1 = arith.constant 0 : i32
    return %c0_i32, %c0_i32_0 : i32, i32
  }
  func.func @transform_11(%arg0: i32) -> (i32, i32) {
    %c0_i32 = arith.constant 0 : i32
    %c0_i32_0 = arith.constant 0 : i32
    %c0_i32_1 = arith.constant 0 : i32
    return %c0_i32, %c0_i32_0 : i32, i32
  }
  func.func @transform_12(%arg0: i32) -> (i32, i32) {
    %c0_i32 = arith.constant 0 : i32
    %c0_i32_0 = arith.constant 0 : i32
    %c0_i32_1 = arith.constant 0 : i32
    return %c0_i32, %c0_i32_0 : i32, i32
  }
  func.func @transform_13(%arg0: i32) -> (i32, i32) {
    %c0_i32 = arith.constant 0 : i32
    %c0_i32_0 = arith.constant 0 : i32
    return %arg0, %c0_i32 : i32, i32
  }
  func.func @transform_14(%arg0: i32) -> (i32, i32, i32) {
    %c0_i32 = arith.constant 0 : i32
    %c0_i32_0 = arith.constant 0 : i32
    %c0_i32_1 = arith.constant 0 : i32
    return %c0_i32, %arg0, %c0_i32_0 : i32, i32, i32
  }
}

module attributes {stable_mosaic.version = 14 : i64} {
  func.func @_pass_c_body(%arg0: i32, %arg1: memref<16x256x128xf32, #tpu.memory_space<vmem>>, %arg2: memref<256x128xf32, #tpu.memory_space<vmem>>, %arg3: memref<128x128xf32, #tpu.memory_space<vmem>>, %arg4: memref<128x128xf32, #tpu.memory_space<vmem>>, %arg5: memref<128x128xf32, #tpu.memory_space<vmem>>, %arg6: memref<128x128xf32, #tpu.memory_space<vmem>>, %arg7: memref<128x128xf32, #tpu.memory_space<vmem>>, %arg8: memref<128x128xf32, #tpu.memory_space<vmem>>, %arg9: memref<1x128xf32, #tpu.memory_space<vmem>>, %arg10: memref<128x128xf32, #tpu.memory_space<vmem>>, %arg11: memref<1x128xf32, #tpu.memory_space<vmem>>, %arg12: memref<128x128xf32, #tpu.memory_space<vmem>>, %arg13: memref<1x128xf32, #tpu.memory_space<vmem>>, %arg14: memref<256x128xf32, #tpu.memory_space<vmem>>, %arg15: memref<16x256x128xbf16, #tpu.memory_space<vmem>>) attributes {dimension_semantics = [#tpu.dimension_semantics<arbitrary>], iteration_bounds = array<i64: 48>, scalar_prefetch = 0 : i64, scratch_operands = 0 : i64, tpu.core_type = #tpu.core_type<tc>, window_params = [{transform_indices = @transform_0, window_bounds = array<i64: 16, 256, 128>}, {transform_indices = @transform_1, window_bounds = array<i64: 256, 128>}, {pipeline_mode = #tpu.pipeline_mode<synchronous>, transform_indices = @transform_2, window_bounds = array<i64: 128, 128>}, {pipeline_mode = #tpu.pipeline_mode<synchronous>, transform_indices = @transform_3, window_bounds = array<i64: 128, 128>}, {pipeline_mode = #tpu.pipeline_mode<synchronous>, transform_indices = @transform_4, window_bounds = array<i64: 128, 128>}, {pipeline_mode = #tpu.pipeline_mode<synchronous>, transform_indices = @transform_5, window_bounds = array<i64: 128, 128>}, {pipeline_mode = #tpu.pipeline_mode<synchronous>, transform_indices = @transform_6, window_bounds = array<i64: 128, 128>}, {pipeline_mode = #tpu.pipeline_mode<synchronous>, transform_indices = @transform_7, window_bounds = array<i64: 128, 128>}, {pipeline_mode = #tpu.pipeline_mode<synchronous>, transform_indices = @transform_8, window_bounds = array<i64: 1, 128>}, {pipeline_mode = #tpu.pipeline_mode<synchronous>, transform_indices = @transform_9, window_bounds = array<i64: 128, 128>}, {pipeline_mode = #tpu.pipeline_mode<synchronous>, transform_indices = @transform_10, window_bounds = array<i64: 1, 128>}, {pipeline_mode = #tpu.pipeline_mode<synchronous>, transform_indices = @transform_11, window_bounds = array<i64: 128, 128>}, {pipeline_mode = #tpu.pipeline_mode<synchronous>, transform_indices = @transform_12, window_bounds = array<i64: 1, 128>}, {transform_indices = @transform_13, window_bounds = array<i64: 256, 128>}, {transform_indices = @transform_14, window_bounds = array<i64: 16, 256, 128>}]} {
    %get3A = arith.constant 0 : index
    %get3A_0 = arith.constant 0 : index
    %get3A_1 = arith.constant 0 : index
    %get3A_2 = vector.load %arg1[%get3A, %get3A_0, %get3A_1] : memref<16x256x128xf32, #tpu.memory_space<vmem>>, vector<16x256x128xf32>
    %reshape3A = vector.shape_cast %get3A_2 : vector<16x256x128xf32> to vector<4096x128xf32>
    %get3A_3 = arith.constant 0 : index
    %get3A_4 = arith.constant 0 : index
    %get3A_5 = vector.load %arg2[%get3A_3, %get3A_4] : memref<256x128xf32, #tpu.memory_space<vmem>>, vector<256x128xf32>
    %broadcast_in_dim3A = vector.shape_cast %get3A_5 : vector<256x128xf32> to vector<1x256x128xf32>
    %sub3A = vector.broadcast %broadcast_in_dim3A : vector<1x256x128xf32> to vector<16x256x128xf32>
    %sub3A_6 = arith.subf %sub3A, %get3A_2 : vector<16x256x128xf32>
    %mul3A = arith.mulf %sub3A_6, %sub3A_6 : vector<16x256x128xf32>
    %reshape3A_7 = vector.shape_cast %mul3A : vector<16x256x128xf32> to vector<4096x128xf32>
    %get3A_8 = arith.constant 0 : index
    %get3A_9 = arith.constant 0 : index
    %get3A_10 = vector.load %arg3[%get3A_8, %get3A_9] : memref<128x128xf32, #tpu.memory_space<vmem>>, vector<128x128xf32>
    %dot_general3A = arith.constant dense<0.000000e+00> : vector<4096x128xf32>
    %dot_general3A_11 = tpu.matmul %reshape3A_7, %get3A_10, %dot_general3A {dimension_numbers = #tpu.dot_dimension_numbers<[1], [0], [0], [1], [0, 0, 1, 1], [], []>, transpose_lhs_hint = false} : vector<4096x128xf32>, vector<128x128xf32>, vector<4096x128xf32> -> vector<4096x128xf32>
    %add3A = arith.constant 9.99999996E-13 : f32
    %add3A_12 = vector.broadcast %add3A : f32 to vector<4096x128xf32>
    %add3A_13 = arith.addf %dot_general3A_11, %add3A_12 : vector<4096x128xf32>
    %sqrt3A = math.sqrt %add3A_13 : vector<4096x128xf32>
    %get3A_14 = arith.constant 0 : index
    %get3A_15 = arith.constant 0 : index
    %get3A_16 = vector.load %arg6[%get3A_14, %get3A_15] : memref<128x128xf32, #tpu.memory_space<vmem>>, vector<128x128xf32>
    %dot_general3A_17 = arith.constant dense<0.000000e+00> : vector<256x128xf32>
    %dot_general3A_18 = tpu.matmul %get3A_5, %get3A_16, %dot_general3A_17 {dimension_numbers = #tpu.dot_dimension_numbers<[1], [0], [0], [1], [0, 0, 1, 1], [], []>, transpose_lhs_hint = false} : vector<256x128xf32>, vector<128x128xf32>, vector<256x128xf32> -> vector<256x128xf32>
    %get3A_19 = arith.constant 0 : index
    %get3A_20 = arith.constant 0 : index
    %get3A_21 = vector.load %arg4[%get3A_19, %get3A_20] : memref<128x128xf32, #tpu.memory_space<vmem>>, vector<128x128xf32>
    %dot_general3A_22 = arith.constant dense<0.000000e+00> : vector<4096x128xf32>
    %dot_general3A_23 = tpu.matmul %sqrt3A, %get3A_21, %dot_general3A_22 {dimension_numbers = #tpu.dot_dimension_numbers<[1], [0], [0], [1], [0, 0, 1, 1], [], []>, transpose_lhs_hint = false} : vector<4096x128xf32>, vector<128x128xf32>, vector<4096x128xf32> -> vector<4096x128xf32>
    %get3A_24 = arith.constant 0 : index
    %get3A_25 = arith.constant 0 : index
    %get3A_26 = vector.load %arg5[%get3A_24, %get3A_25] : memref<128x128xf32, #tpu.memory_space<vmem>>, vector<128x128xf32>
    %dot_general3A_27 = arith.constant dense<0.000000e+00> : vector<4096x128xf32>
    %dot_general3A_28 = tpu.matmul %reshape3A, %get3A_26, %dot_general3A_27 {dimension_numbers = #tpu.dot_dimension_numbers<[1], [0], [0], [1], [0, 0, 1, 1], [], []>, transpose_lhs_hint = false} : vector<4096x128xf32>, vector<128x128xf32>, vector<4096x128xf32> -> vector<4096x128xf32>
    %add3A_29 = arith.addf %dot_general3A_23, %dot_general3A_28 : vector<4096x128xf32>
    %reshape3A_30 = vector.shape_cast %add3A_29 : vector<4096x128xf32> to vector<16x256x128xf32>
    %broadcast_in_dim3A_31 = vector.shape_cast %dot_general3A_18 : vector<256x128xf32> to vector<1x256x128xf32>
    %add3A_32 = vector.broadcast %broadcast_in_dim3A_31 : vector<1x256x128xf32> to vector<16x256x128xf32>
    %add3A_33 = arith.addf %reshape3A_30, %add3A_32 : vector<16x256x128xf32>
    %get3A_34 = arith.constant 0 : index
    %get3A_35 = arith.constant 0 : index
    %get3A_36 = vector.load %arg9[%get3A_34, %get3A_35] : memref<1x128xf32, #tpu.memory_space<vmem>>, vector<1x128xf32>
    %broadcast_in_dim3A_37 = vector.shape_cast %get3A_36 : vector<1x128xf32> to vector<1x1x128xf32>
    %add3A_38 = vector.broadcast %broadcast_in_dim3A_37 : vector<1x1x128xf32> to vector<16x256x128xf32>
    %add3A_39 = arith.addf %add3A_33, %add3A_38 : vector<16x256x128xf32>
    %ge3A = arith.constant 0.000000e+00 : f32
    %ge3A_40 = vector.broadcast %ge3A : f32 to vector<16x256x128xf32>
    %ge3A_41 = arith.cmpf oge, %add3A_39, %ge3A_40 : vector<16x256x128xf32>
    %mul3A_42 = arith.constant 2.000000e-01 : f32
    %mul3A_43 = vector.broadcast %mul3A_42 : f32 to vector<16x256x128xf32>
    %mul3A_44 = arith.mulf %mul3A_43, %add3A_39 : vector<16x256x128xf32>
    %select_n3A = arith.select %ge3A_41, %add3A_39, %mul3A_44 : vector<16x256x128xi1>, vector<16x256x128xf32>
    %reshape3A_45 = vector.shape_cast %select_n3A : vector<16x256x128xf32> to vector<4096x128xf32>
    %get3A_46 = arith.constant 0 : index
    %get3A_47 = arith.constant 0 : index
    %get3A_48 = vector.load %arg7[%get3A_46, %get3A_47] : memref<128x128xf32, #tpu.memory_space<vmem>>, vector<128x128xf32>
    %dot_general3A_49 = arith.constant dense<0.000000e+00> : vector<4096x128xf32>
    %dot_general3A_50 = tpu.matmul %reshape3A, %get3A_48, %dot_general3A_49 {dimension_numbers = #tpu.dot_dimension_numbers<[1], [0], [0], [1], [0, 0, 1, 1], [], []>, transpose_lhs_hint = false} : vector<4096x128xf32>, vector<128x128xf32>, vector<4096x128xf32> -> vector<4096x128xf32>
    %get3A_51 = arith.constant 0 : index
    %get3A_52 = arith.constant 0 : index
    %get3A_53 = vector.load %arg8[%get3A_51, %get3A_52] : memref<128x128xf32, #tpu.memory_space<vmem>>, vector<128x128xf32>
    %dot_general3A_54 = arith.constant dense<0.000000e+00> : vector<4096x128xf32>
    %dot_general3A_55 = tpu.matmul %reshape3A_45, %get3A_53, %dot_general3A_54 {dimension_numbers = #tpu.dot_dimension_numbers<[1], [0], [0], [1], [0, 0, 1, 1], [], []>, transpose_lhs_hint = false} : vector<4096x128xf32>, vector<128x128xf32>, vector<4096x128xf32> -> vector<4096x128xf32>
    %add3A_56 = arith.addf %dot_general3A_50, %dot_general3A_55 : vector<4096x128xf32>
    %reshape3A_57 = vector.shape_cast %add3A_56 : vector<4096x128xf32> to vector<16x256x128xf32>
    %reduce_max3A = arith.constant dense<0xFF800000> : vector<256x128xf32>
    %reduce_max3A_58 = vector.multi_reduction <maximumf>, %reshape3A_57, %reduce_max3A [0] : vector<16x256x128xf32> to vector<256x128xf32>
    %broadcast_in_dim3A_59 = vector.shape_cast %reduce_max3A_58 : vector<256x128xf32> to vector<1x256x128xf32>
    %sub3A_60 = vector.broadcast %broadcast_in_dim3A_59 : vector<1x256x128xf32> to vector<16x256x128xf32>
    %sub3A_61 = arith.subf %reshape3A_57, %sub3A_60 : vector<16x256x128xf32>
    %exp3A = math.exp %sub3A_61 : vector<16x256x128xf32>
    %mul3A_62 = arith.mulf %reshape3A_57, %exp3A : vector<16x256x128xf32>
    %reduce_sum3A = arith.constant dense<0.000000e+00> : vector<256x128xf32>
    %reduce_sum3A_63 = vector.multi_reduction <add>, %mul3A_62, %reduce_sum3A [0] : vector<16x256x128xf32> to vector<256x128xf32>
    %reduce_sum3A_64 = arith.constant dense<0.000000e+00> : vector<256x128xf32>
    %reduce_sum3A_65 = vector.multi_reduction <add>, %exp3A, %reduce_sum3A_64 [0] : vector<16x256x128xf32> to vector<256x128xf32>
    %div3A = arith.divf %reduce_sum3A_63, %reduce_sum3A_65 : vector<256x128xf32>
    %get3A_66 = arith.constant 0 : index
    %get3A_67 = arith.constant 0 : index
    %get3A_68 = vector.load %arg10[%get3A_66, %get3A_67] : memref<128x128xf32, #tpu.memory_space<vmem>>, vector<128x128xf32>
    %dot_general3A_69 = arith.constant dense<0.000000e+00> : vector<256x128xf32>
    %dot_general3A_70 = tpu.matmul %div3A, %get3A_68, %dot_general3A_69 {dimension_numbers = #tpu.dot_dimension_numbers<[1], [0], [0], [1], [0, 0, 1, 1], [], []>, transpose_lhs_hint = false} : vector<256x128xf32>, vector<128x128xf32>, vector<256x128xf32> -> vector<256x128xf32>
    %get3A_71 = arith.constant 0 : index
    %get3A_72 = arith.constant 0 : index
    %get3A_73 = vector.load %arg11[%get3A_71, %get3A_72] : memref<1x128xf32, #tpu.memory_space<vmem>>, vector<1x128xf32>
    %add3A_74 = vector.broadcast %get3A_73 : vector<1x128xf32> to vector<256x128xf32>
    %add3A_75 = arith.addf %dot_general3A_70, %add3A_74 : vector<256x128xf32>
    %ge3A_76 = arith.constant 0.000000e+00 : f32
    %ge3A_77 = vector.broadcast %ge3A_76 : f32 to vector<256x128xf32>
    %ge3A_78 = arith.cmpf oge, %add3A_75, %ge3A_77 : vector<256x128xf32>
    %mul3A_79 = arith.constant 2.000000e-01 : f32
    %mul3A_80 = vector.broadcast %mul3A_79 : f32 to vector<256x128xf32>
    %mul3A_81 = arith.mulf %mul3A_80, %add3A_75 : vector<256x128xf32>
    %select_n3A_82 = arith.select %ge3A_78, %add3A_75, %mul3A_81 : vector<256x128xi1>, vector<256x128xf32>
    %swap3A = arith.constant 0 : index
    %swap3A_83 = arith.constant 0 : index
    %swap3A_84 = vector.load %arg14[%swap3A, %swap3A_83] : memref<256x128xf32, #tpu.memory_space<vmem>>, vector<256x128xf32>
    tpu.vector_store %arg14[%swap3A, %swap3A_83], %select_n3A_82 {strides = array<i32>} : memref<256x128xf32, #tpu.memory_space<vmem>>, vector<256x128xf32>,
    %get3A_85 = arith.constant 0 : index
    %get3A_86 = arith.constant 0 : index
    %get3A_87 = vector.load %arg12[%get3A_85, %get3A_86] : memref<128x128xf32, #tpu.memory_space<vmem>>, vector<128x128xf32>
    %dot_general3A_88 = arith.constant dense<0.000000e+00> : vector<4096x128xf32>
    %dot_general3A_89 = tpu.matmul %reshape3A_45, %get3A_87, %dot_general3A_88 {dimension_numbers = #tpu.dot_dimension_numbers<[1], [0], [0], [1], [0, 0, 1, 1], [], []>, transpose_lhs_hint = false} : vector<4096x128xf32>, vector<128x128xf32>, vector<4096x128xf32> -> vector<4096x128xf32>
    %get3A_90 = arith.constant 0 : index
    %get3A_91 = arith.constant 0 : index
    %get3A_92 = vector.load %arg13[%get3A_90, %get3A_91] : memref<1x128xf32, #tpu.memory_space<vmem>>, vector<1x128xf32>
    %broadcast_in_dim3A_93 = vector.shape_cast %get3A_92 : vector<1x128xf32> to vector<1x1x128xf32>
    %broadcast_in_dim3A_94 = vector.shape_cast %dot_general3A_89 : vector<4096x128xf32> to vector<1x4096x128xf32>
    %add3A_95 = vector.broadcast %broadcast_in_dim3A_93 : vector<1x1x128xf32> to vector<1x4096x128xf32>
    %add3A_96 = arith.addf %broadcast_in_dim3A_94, %add3A_95 : vector<1x4096x128xf32>
    %ge3A_97 = arith.constant 0.000000e+00 : f32
    %ge3A_98 = vector.broadcast %ge3A_97 : f32 to vector<1x4096x128xf32>
    %ge3A_99 = arith.cmpf oge, %add3A_96, %ge3A_98 : vector<1x4096x128xf32>
    %mul3A_100 = arith.constant 2.000000e-01 : f32
    %mul3A_101 = vector.broadcast %mul3A_100 : f32 to vector<1x4096x128xf32>
    %mul3A_102 = arith.mulf %mul3A_101, %add3A_96 : vector<1x4096x128xf32>
    %select_n3A_103 = arith.select %ge3A_99, %add3A_96, %mul3A_102 : vector<1x4096x128xi1>, vector<1x4096x128xf32>
    %reshape3A_104 = vector.shape_cast %select_n3A_103 : vector<1x4096x128xf32> to vector<16x256x128xf32>
    %convert_element_type3A = arith.truncf %reshape3A_104 : vector<16x256x128xf32> to vector<16x256x128xbf16>
    %swap3A_105 = arith.constant 0 : index
    %swap3A_106 = arith.constant 0 : index
    %swap3A_107 = arith.constant 0 : index
    %swap3A_108 = vector.load %arg15[%swap3A_105, %swap3A_106, %swap3A_107] : memref<16x256x128xbf16, #tpu.memory_space<vmem>>, vector<16x256x128xbf16>
    tpu.vector_store %arg15[%swap3A_105, %swap3A_106, %swap3A_107], %convert_element_type3A {strides = array<i32>} : memref<16x256x128xbf16, #tpu.memory_space<vmem>>, vector<16x256x128xbf16>,
    return
  }
  func.func @transform_0(%arg0: i32) -> (i32, i32, i32) {
    %c0_i32 = arith.constant 0 : i32
    %c0_i32_0 = arith.constant 0 : i32
    %c0_i32_1 = arith.constant 0 : i32
    return %c0_i32, %arg0, %c0_i32_0 : i32, i32, i32
  }
  func.func @transform_1(%arg0: i32) -> (i32, i32) {
    %add3A = arith.constant 50 : i32
    %add3A_0 = arith.addi %arg0, %add3A : i32
    %c0_i32 = arith.constant 0 : i32
    %c0_i32_1 = arith.constant 0 : i32
    return %add3A_0, %c0_i32 : i32, i32
  }
  func.func @transform_2(%arg0: i32) -> (i32, i32) {
    %c0_i32 = arith.constant 0 : i32
    %c0_i32_0 = arith.constant 0 : i32
    %c0_i32_1 = arith.constant 0 : i32
    return %c0_i32, %c0_i32_0 : i32, i32
  }
  func.func @transform_3(%arg0: i32) -> (i32, i32) {
    %c0_i32 = arith.constant 0 : i32
    %c0_i32_0 = arith.constant 0 : i32
    %c0_i32_1 = arith.constant 0 : i32
    return %c0_i32, %c0_i32_0 : i32, i32
  }
  func.func @transform_4(%arg0: i32) -> (i32, i32) {
    %c0_i32 = arith.constant 0 : i32
    %c0_i32_0 = arith.constant 0 : i32
    %c0_i32_1 = arith.constant 0 : i32
    return %c0_i32, %c0_i32_0 : i32, i32
  }
  func.func @transform_5(%arg0: i32) -> (i32, i32) {
    %c0_i32 = arith.constant 0 : i32
    %c0_i32_0 = arith.constant 0 : i32
    %c0_i32_1 = arith.constant 0 : i32
    return %c0_i32, %c0_i32_0 : i32, i32
  }
  func.func @transform_6(%arg0: i32) -> (i32, i32) {
    %c0_i32 = arith.constant 0 : i32
    %c0_i32_0 = arith.constant 0 : i32
    %c0_i32_1 = arith.constant 0 : i32
    return %c0_i32, %c0_i32_0 : i32, i32
  }
  func.func @transform_7(%arg0: i32) -> (i32, i32) {
    %c0_i32 = arith.constant 0 : i32
    %c0_i32_0 = arith.constant 0 : i32
    %c0_i32_1 = arith.constant 0 : i32
    return %c0_i32, %c0_i32_0 : i32, i32
  }
  func.func @transform_8(%arg0: i32) -> (i32, i32) {
    %c0_i32 = arith.constant 0 : i32
    %c0_i32_0 = arith.constant 0 : i32
    %c0_i32_1 = arith.constant 0 : i32
    return %c0_i32, %c0_i32_0 : i32, i32
  }
  func.func @transform_9(%arg0: i32) -> (i32, i32) {
    %c0_i32 = arith.constant 0 : i32
    %c0_i32_0 = arith.constant 0 : i32
    %c0_i32_1 = arith.constant 0 : i32
    return %c0_i32, %c0_i32_0 : i32, i32
  }
  func.func @transform_10(%arg0: i32) -> (i32, i32) {
    %c0_i32 = arith.constant 0 : i32
    %c0_i32_0 = arith.constant 0 : i32
    %c0_i32_1 = arith.constant 0 : i32
    return %c0_i32, %c0_i32_0 : i32, i32
  }
  func.func @transform_11(%arg0: i32) -> (i32, i32) {
    %c0_i32 = arith.constant 0 : i32
    %c0_i32_0 = arith.constant 0 : i32
    %c0_i32_1 = arith.constant 0 : i32
    return %c0_i32, %c0_i32_0 : i32, i32
  }
  func.func @transform_12(%arg0: i32) -> (i32, i32) {
    %c0_i32 = arith.constant 0 : i32
    %c0_i32_0 = arith.constant 0 : i32
    %c0_i32_1 = arith.constant 0 : i32
    return %c0_i32, %c0_i32_0 : i32, i32
  }
  func.func @transform_13(%arg0: i32) -> (i32, i32) {
    %c0_i32 = arith.constant 0 : i32
    %c0_i32_0 = arith.constant 0 : i32
    return %arg0, %c0_i32 : i32, i32
  }
  func.func @transform_14(%arg0: i32) -> (i32, i32, i32) {
    %c0_i32 = arith.constant 0 : i32
    %c0_i32_0 = arith.constant 0 : i32
    %c0_i32_1 = arith.constant 0 : i32
    return %c0_i32, %arg0, %c0_i32_0 : i32, i32, i32
  }
}

module attributes {stable_mosaic.version = 14 : i64} {
  func.func @_pass_e_body(%arg0: i32, %arg1: memref<16x256x128xf32, #tpu.memory_space<vmem>>, %arg2: memref<16x256x128xbf16, #tpu.memory_space<vmem>>, %arg3: memref<128x128xf32, #tpu.memory_space<vmem>>, %arg4: memref<128x128xf32, #tpu.memory_space<vmem>>, %arg5: memref<128x128xf32, #tpu.memory_space<vmem>>, %arg6: memref<1x128xf32, #tpu.memory_space<vmem>>, %arg7: memref<256x128xf32, #tpu.memory_space<vmem>>) attributes {dimension_semantics = [#tpu.dimension_semantics<arbitrary>], iteration_bounds = array<i64: 50>, scalar_prefetch = 0 : i64, scratch_operands = 0 : i64, tpu.core_type = #tpu.core_type<tc>, window_params = [{transform_indices = @transform_0, window_bounds = array<i64: 16, 256, 128>}, {transform_indices = @transform_1, window_bounds = array<i64: 16, 256, 128>}, {pipeline_mode = #tpu.pipeline_mode<synchronous>, transform_indices = @transform_2, window_bounds = array<i64: 128, 128>}, {pipeline_mode = #tpu.pipeline_mode<synchronous>, transform_indices = @transform_3, window_bounds = array<i64: 128, 128>}, {pipeline_mode = #tpu.pipeline_mode<synchronous>, transform_indices = @transform_4, window_bounds = array<i64: 128, 128>}, {pipeline_mode = #tpu.pipeline_mode<synchronous>, transform_indices = @transform_5, window_bounds = array<i64: 1, 128>}, {transform_indices = @transform_6, window_bounds = array<i64: 256, 128>}]} {
    %get3A = arith.constant 0 : index
    %get3A_0 = arith.constant 0 : index
    %get3A_1 = arith.constant 0 : index
    %get3A_2 = vector.load %arg1[%get3A, %get3A_0, %get3A_1] : memref<16x256x128xf32, #tpu.memory_space<vmem>>, vector<16x256x128xf32>
    %reshape3A = vector.shape_cast %get3A_2 : vector<16x256x128xf32> to vector<4096x128xf32>
    %get3A_3 = arith.constant 0 : index
    %get3A_4 = arith.constant 0 : index
    %get3A_5 = arith.constant 0 : index
    %get3A_6 = vector.load %arg2[%get3A_3, %get3A_4, %get3A_5] : memref<16x256x128xbf16, #tpu.memory_space<vmem>>, vector<16x256x128xbf16>
    %reshape3A_7 = vector.shape_cast %get3A_6 : vector<16x256x128xbf16> to vector<4096x128xbf16>
    %convert_element_type3A = arith.extf %reshape3A_7 : vector<4096x128xbf16> to vector<4096x128xf32>
    %get3A_8 = arith.constant 0 : index
    %get3A_9 = arith.constant 0 : index
    %get3A_10 = vector.load %arg3[%get3A_8, %get3A_9] : memref<128x128xf32, #tpu.memory_space<vmem>>, vector<128x128xf32>
    %dot_general3A = arith.constant dense<0.000000e+00> : vector<4096x128xf32>
    %dot_general3A_11 = tpu.matmul %reshape3A, %get3A_10, %dot_general3A {dimension_numbers = #tpu.dot_dimension_numbers<[1], [0], [0], [1], [0, 0, 1, 1], [], []>, transpose_lhs_hint = false} : vector<4096x128xf32>, vector<128x128xf32>, vector<4096x128xf32> -> vector<4096x128xf32>
    %get3A_12 = arith.constant 0 : index
    %get3A_13 = arith.constant 0 : index
    %get3A_14 = vector.load %arg4[%get3A_12, %get3A_13] : memref<128x128xf32, #tpu.memory_space<vmem>>, vector<128x128xf32>
    %dot_general3A_15 = arith.constant dense<0.000000e+00> : vector<4096x128xf32>
    %dot_general3A_16 = tpu.matmul %convert_element_type3A, %get3A_14, %dot_general3A_15 {dimension_numbers = #tpu.dot_dimension_numbers<[1], [0], [0], [1], [0, 0, 1, 1], [], []>, transpose_lhs_hint = false} : vector<4096x128xf32>, vector<128x128xf32>, vector<4096x128xf32> -> vector<4096x128xf32>
    %add3A = arith.addf %dot_general3A_11, %dot_general3A_16 : vector<4096x128xf32>
    %reshape3A_17 = vector.shape_cast %add3A : vector<4096x128xf32> to vector<16x256x128xf32>
    %reduce_max3A = arith.constant dense<0xFF800000> : vector<256x128xf32>
    %reduce_max3A_18 = vector.multi_reduction <maximumf>, %reshape3A_17, %reduce_max3A [0] : vector<16x256x128xf32> to vector<256x128xf32>
    %broadcast_in_dim3A = vector.shape_cast %reduce_max3A_18 : vector<256x128xf32> to vector<1x256x128xf32>
    %sub3A = vector.broadcast %broadcast_in_dim3A : vector<1x256x128xf32> to vector<16x256x128xf32>
    %sub3A_19 = arith.subf %reshape3A_17, %sub3A : vector<16x256x128xf32>
    %exp3A = math.exp %sub3A_19 : vector<16x256x128xf32>
    %mul3A = arith.mulf %reshape3A_17, %exp3A : vector<16x256x128xf32>
    %reduce_sum3A = arith.constant dense<0.000000e+00> : vector<256x128xf32>
    %reduce_sum3A_20 = vector.multi_reduction <add>, %mul3A, %reduce_sum3A [0] : vector<16x256x128xf32> to vector<256x128xf32>
    %reduce_sum3A_21 = arith.constant dense<0.000000e+00> : vector<256x128xf32>
    %reduce_sum3A_22 = vector.multi_reduction <add>, %exp3A, %reduce_sum3A_21 [0] : vector<16x256x128xf32> to vector<256x128xf32>
    %div3A = arith.divf %reduce_sum3A_20, %reduce_sum3A_22 : vector<256x128xf32>
    %get3A_23 = arith.constant 0 : index
    %get3A_24 = arith.constant 0 : index
    %get3A_25 = vector.load %arg5[%get3A_23, %get3A_24] : memref<128x128xf32, #tpu.memory_space<vmem>>, vector<128x128xf32>
    %dot_general3A_26 = arith.constant dense<0.000000e+00> : vector<256x128xf32>
    %dot_general3A_27 = tpu.matmul %div3A, %get3A_25, %dot_general3A_26 {dimension_numbers = #tpu.dot_dimension_numbers<[1], [0], [0], [1], [0, 0, 1, 1], [], []>, transpose_lhs_hint = false} : vector<256x128xf32>, vector<128x128xf32>, vector<256x128xf32> -> vector<256x128xf32>
    %get3A_28 = arith.constant 0 : index
    %get3A_29 = arith.constant 0 : index
    %get3A_30 = vector.load %arg6[%get3A_28, %get3A_29] : memref<1x128xf32, #tpu.memory_space<vmem>>, vector<1x128xf32>
    %add3A_31 = vector.broadcast %get3A_30 : vector<1x128xf32> to vector<256x128xf32>
    %add3A_32 = arith.addf %dot_general3A_27, %add3A_31 : vector<256x128xf32>
    %ge3A = arith.constant 0.000000e+00 : f32
    %ge3A_33 = vector.broadcast %ge3A : f32 to vector<256x128xf32>
    %ge3A_34 = arith.cmpf oge, %add3A_32, %ge3A_33 : vector<256x128xf32>
    %mul3A_35 = arith.constant 2.000000e-01 : f32
    %mul3A_36 = vector.broadcast %mul3A_35 : f32 to vector<256x128xf32>
    %mul3A_37 = arith.mulf %mul3A_36, %add3A_32 : vector<256x128xf32>
    %select_n3A = arith.select %ge3A_34, %add3A_32, %mul3A_37 : vector<256x128xi1>, vector<256x128xf32>
    %swap3A = arith.constant 0 : index
    %swap3A_38 = arith.constant 0 : index
    %swap3A_39 = vector.load %arg7[%swap3A, %swap3A_38] : memref<256x128xf32, #tpu.memory_space<vmem>>, vector<256x128xf32>
    tpu.vector_store %arg7[%swap3A, %swap3A_38], %select_n3A {strides = array<i32>} : memref<256x128xf32, #tpu.memory_space<vmem>>, vector<256x128xf32>,
    return
  }
  func.func @transform_0(%arg0: i32) -> (i32, i32, i32) {
    %c0_i32 = arith.constant 0 : i32
    %c0_i32_0 = arith.constant 0 : i32
    %c0_i32_1 = arith.constant 0 : i32
    return %c0_i32, %arg0, %c0_i32_0 : i32, i32, i32
  }
  func.func @transform_1(%arg0: i32) -> (i32, i32, i32) {
    %c0_i32 = arith.constant 0 : i32
    %c0_i32_0 = arith.constant 0 : i32
    %c0_i32_1 = arith.constant 0 : i32
    return %c0_i32, %arg0, %c0_i32_0 : i32, i32, i32
  }
  func.func @transform_2(%arg0: i32) -> (i32, i32) {
    %c0_i32 = arith.constant 0 : i32
    %c0_i32_0 = arith.constant 0 : i32
    %c0_i32_1 = arith.constant 0 : i32
    return %c0_i32, %c0_i32_0 : i32, i32
  }
  func.func @transform_3(%arg0: i32) -> (i32, i32) {
    %c0_i32 = arith.constant 0 : i32
    %c0_i32_0 = arith.constant 0 : i32
    %c0_i32_1 = arith.constant 0 : i32
    return %c0_i32, %c0_i32_0 : i32, i32
  }
  func.func @transform_4(%arg0: i32) -> (i32, i32) {
    %c0_i32 = arith.constant 0 : i32
    %c0_i32_0 = arith.constant 0 : i32
    %c0_i32_1 = arith.constant 0 : i32
    return %c0_i32, %c0_i32_0 : i32, i32
  }
  func.func @transform_5(%arg0: i32) -> (i32, i32) {
    %c0_i32 = arith.constant 0 : i32
    %c0_i32_0 = arith.constant 0 : i32
    %c0_i32_1 = arith.constant 0 : i32
    return %c0_i32, %c0_i32_0 : i32, i32
  }
  func.func @transform_6(%arg0: i32) -> (i32, i32) {
    %c0_i32 = arith.constant 0 : i32
    %c0_i32_0 = arith.constant 0 : i32
    return %arg0, %c0_i32 : i32, i32
  }
}

module attributes {stable_mosaic.version = 14 : i64} {
  func.func @_pass_e_body(%arg0: i32, %arg1: memref<16x256x128xf32, #tpu.memory_space<vmem>>, %arg2: memref<16x256x128xbf16, #tpu.memory_space<vmem>>, %arg3: memref<128x128xf32, #tpu.memory_space<vmem>>, %arg4: memref<128x128xf32, #tpu.memory_space<vmem>>, %arg5: memref<128x128xf32, #tpu.memory_space<vmem>>, %arg6: memref<1x128xf32, #tpu.memory_space<vmem>>, %arg7: memref<256x128xf32, #tpu.memory_space<vmem>>) attributes {dimension_semantics = [#tpu.dimension_semantics<arbitrary>], iteration_bounds = array<i64: 48>, scalar_prefetch = 0 : i64, scratch_operands = 0 : i64, tpu.core_type = #tpu.core_type<tc>, window_params = [{transform_indices = @transform_0, window_bounds = array<i64: 16, 256, 128>}, {transform_indices = @transform_1, window_bounds = array<i64: 16, 256, 128>}, {pipeline_mode = #tpu.pipeline_mode<synchronous>, transform_indices = @transform_2, window_bounds = array<i64: 128, 128>}, {pipeline_mode = #tpu.pipeline_mode<synchronous>, transform_indices = @transform_3, window_bounds = array<i64: 128, 128>}, {pipeline_mode = #tpu.pipeline_mode<synchronous>, transform_indices = @transform_4, window_bounds = array<i64: 128, 128>}, {pipeline_mode = #tpu.pipeline_mode<synchronous>, transform_indices = @transform_5, window_bounds = array<i64: 1, 128>}, {transform_indices = @transform_6, window_bounds = array<i64: 256, 128>}]} {
    %get3A = arith.constant 0 : index
    %get3A_0 = arith.constant 0 : index
    %get3A_1 = arith.constant 0 : index
    %get3A_2 = vector.load %arg1[%get3A, %get3A_0, %get3A_1] : memref<16x256x128xf32, #tpu.memory_space<vmem>>, vector<16x256x128xf32>
    %reshape3A = vector.shape_cast %get3A_2 : vector<16x256x128xf32> to vector<4096x128xf32>
    %get3A_3 = arith.constant 0 : index
    %get3A_4 = arith.constant 0 : index
    %get3A_5 = arith.constant 0 : index
    %get3A_6 = vector.load %arg2[%get3A_3, %get3A_4, %get3A_5] : memref<16x256x128xbf16, #tpu.memory_space<vmem>>, vector<16x256x128xbf16>
    %reshape3A_7 = vector.shape_cast %get3A_6 : vector<16x256x128xbf16> to vector<4096x128xbf16>
    %convert_element_type3A = arith.extf %reshape3A_7 : vector<4096x128xbf16> to vector<4096x128xf32>
    %get3A_8 = arith.constant 0 : index
    %get3A_9 = arith.constant 0 : index
    %get3A_10 = vector.load %arg3[%get3A_8, %get3A_9] : memref<128x128xf32, #tpu.memory_space<vmem>>, vector<128x128xf32>
    %dot_general3A = arith.constant dense<0.000000e+00> : vector<4096x128xf32>
    %dot_general3A_11 = tpu.matmul %reshape3A, %get3A_10, %dot_general3A {dimension_numbers = #tpu.dot_dimension_numbers<[1], [0], [0], [1], [0, 0, 1, 1], [], []>, transpose_lhs_hint = false} : vector<4096x128xf32>, vector<128x128xf32>, vector<4096x128xf32> -> vector<4096x128xf32>
    %get3A_12 = arith.constant 0 : index
    %get3A_13 = arith.constant 0 : index
    %get3A_14 = vector.load %arg4[%get3A_12, %get3A_13] : memref<128x128xf32, #tpu.memory_space<vmem>>, vector<128x128xf32>
    %dot_general3A_15 = arith.constant dense<0.000000e+00> : vector<4096x128xf32>
    %dot_general3A_16 = tpu.matmul %convert_element_type3A, %get3A_14, %dot_general3A_15 {dimension_numbers = #tpu.dot_dimension_numbers<[1], [0], [0], [1], [0, 0, 1, 1], [], []>, transpose_lhs_hint = false} : vector<4096x128xf32>, vector<128x128xf32>, vector<4096x128xf32> -> vector<4096x128xf32>
    %add3A = arith.addf %dot_general3A_11, %dot_general3A_16 : vector<4096x128xf32>
    %reshape3A_17 = vector.shape_cast %add3A : vector<4096x128xf32> to vector<16x256x128xf32>
    %reduce_max3A = arith.constant dense<0xFF800000> : vector<256x128xf32>
    %reduce_max3A_18 = vector.multi_reduction <maximumf>, %reshape3A_17, %reduce_max3A [0] : vector<16x256x128xf32> to vector<256x128xf32>
    %broadcast_in_dim3A = vector.shape_cast %reduce_max3A_18 : vector<256x128xf32> to vector<1x256x128xf32>
    %sub3A = vector.broadcast %broadcast_in_dim3A : vector<1x256x128xf32> to vector<16x256x128xf32>
    %sub3A_19 = arith.subf %reshape3A_17, %sub3A : vector<16x256x128xf32>
    %exp3A = math.exp %sub3A_19 : vector<16x256x128xf32>
    %mul3A = arith.mulf %reshape3A_17, %exp3A : vector<16x256x128xf32>
    %reduce_sum3A = arith.constant dense<0.000000e+00> : vector<256x128xf32>
    %reduce_sum3A_20 = vector.multi_reduction <add>, %mul3A, %reduce_sum3A [0] : vector<16x256x128xf32> to vector<256x128xf32>
    %reduce_sum3A_21 = arith.constant dense<0.000000e+00> : vector<256x128xf32>
    %reduce_sum3A_22 = vector.multi_reduction <add>, %exp3A, %reduce_sum3A_21 [0] : vector<16x256x128xf32> to vector<256x128xf32>
    %div3A = arith.divf %reduce_sum3A_20, %reduce_sum3A_22 : vector<256x128xf32>
    %get3A_23 = arith.constant 0 : index
    %get3A_24 = arith.constant 0 : index
    %get3A_25 = vector.load %arg5[%get3A_23, %get3A_24] : memref<128x128xf32, #tpu.memory_space<vmem>>, vector<128x128xf32>
    %dot_general3A_26 = arith.constant dense<0.000000e+00> : vector<256x128xf32>
    %dot_general3A_27 = tpu.matmul %div3A, %get3A_25, %dot_general3A_26 {dimension_numbers = #tpu.dot_dimension_numbers<[1], [0], [0], [1], [0, 0, 1, 1], [], []>, transpose_lhs_hint = false} : vector<256x128xf32>, vector<128x128xf32>, vector<256x128xf32> -> vector<256x128xf32>
    %get3A_28 = arith.constant 0 : index
    %get3A_29 = arith.constant 0 : index
    %get3A_30 = vector.load %arg6[%get3A_28, %get3A_29] : memref<1x128xf32, #tpu.memory_space<vmem>>, vector<1x128xf32>
    %add3A_31 = vector.broadcast %get3A_30 : vector<1x128xf32> to vector<256x128xf32>
    %add3A_32 = arith.addf %dot_general3A_27, %add3A_31 : vector<256x128xf32>
    %ge3A = arith.constant 0.000000e+00 : f32
    %ge3A_33 = vector.broadcast %ge3A : f32 to vector<256x128xf32>
    %ge3A_34 = arith.cmpf oge, %add3A_32, %ge3A_33 : vector<256x128xf32>
    %mul3A_35 = arith.constant 2.000000e-01 : f32
    %mul3A_36 = vector.broadcast %mul3A_35 : f32 to vector<256x128xf32>
    %mul3A_37 = arith.mulf %mul3A_36, %add3A_32 : vector<256x128xf32>
    %select_n3A = arith.select %ge3A_34, %add3A_32, %mul3A_37 : vector<256x128xi1>, vector<256x128xf32>
    %swap3A = arith.constant 0 : index
    %swap3A_38 = arith.constant 0 : index
    %swap3A_39 = vector.load %arg7[%swap3A, %swap3A_38] : memref<256x128xf32, #tpu.memory_space<vmem>>, vector<256x128xf32>
    tpu.vector_store %arg7[%swap3A, %swap3A_38], %select_n3A {strides = array<i32>} : memref<256x128xf32, #tpu.memory_space<vmem>>, vector<256x128xf32>,
    return
  }
  func.func @transform_0(%arg0: i32) -> (i32, i32, i32) {
    %c0_i32 = arith.constant 0 : i32
    %c0_i32_0 = arith.constant 0 : i32
    %c0_i32_1 = arith.constant 0 : i32
    return %c0_i32, %arg0, %c0_i32_0 : i32, i32, i32
  }
  func.func @transform_1(%arg0: i32) -> (i32, i32, i32) {
    %c0_i32 = arith.constant 0 : i32
    %c0_i32_0 = arith.constant 0 : i32
    %c0_i32_1 = arith.constant 0 : i32
    return %c0_i32, %arg0, %c0_i32_0 : i32, i32, i32
  }
  func.func @transform_2(%arg0: i32) -> (i32, i32) {
    %c0_i32 = arith.constant 0 : i32
    %c0_i32_0 = arith.constant 0 : i32
    %c0_i32_1 = arith.constant 0 : i32
    return %c0_i32, %c0_i32_0 : i32, i32
  }
  func.func @transform_3(%arg0: i32) -> (i32, i32) {
    %c0_i32 = arith.constant 0 : i32
    %c0_i32_0 = arith.constant 0 : i32
    %c0_i32_1 = arith.constant 0 : i32
    return %c0_i32, %c0_i32_0 : i32, i32
  }
  func.func @transform_4(%arg0: i32) -> (i32, i32) {
    %c0_i32 = arith.constant 0 : i32
    %c0_i32_0 = arith.constant 0 : i32
    %c0_i32_1 = arith.constant 0 : i32
    return %c0_i32, %c0_i32_0 : i32, i32
  }
  func.func @transform_5(%arg0: i32) -> (i32, i32) {
    %c0_i32 = arith.constant 0 : i32
    %c0_i32_0 = arith.constant 0 : i32
    %c0_i32_1 = arith.constant 0 : i32
    return %c0_i32, %c0_i32_0 : i32, i32
  }
  func.func @transform_6(%arg0: i32) -> (i32, i32) {
    %c0_i32 = arith.constant 0 : i32
    %c0_i32_0 = arith.constant 0 : i32
    return %arg0, %c0_i32 : i32, i32
  }
}

module attributes {stable_mosaic.version = 14 : i64} {
  func.func @_pass_f_body(%arg0: i32, %arg1: memref<1024x32xf32, #tpu.memory_space<vmem>>, %arg2: memref<1024x8xf32, #tpu.memory_space<vmem>>, %arg3: memref<32x64xf32, #tpu.memory_space<vmem>>, %arg4: memref<1x64xf32, #tpu.memory_space<vmem>>, %arg5: memref<8x64xf32, #tpu.memory_space<vmem>>, %arg6: memref<1x64xf32, #tpu.memory_space<vmem>>, %arg7: memref<64x1024xf32, #tpu.memory_space<vmem>>) attributes {dimension_semantics = [#tpu.dimension_semantics<arbitrary>], iteration_bounds = array<i64: 98>, scalar_prefetch = 0 : i64, scratch_operands = 0 : i64, tpu.core_type = #tpu.core_type<tc>, window_params = [{transform_indices = @transform_0, window_bounds = array<i64: 1024, 32>}, {transform_indices = @transform_1, window_bounds = array<i64: 1024, 8>}, {pipeline_mode = #tpu.pipeline_mode<synchronous>, transform_indices = @transform_2, window_bounds = array<i64: 32, 64>}, {pipeline_mode = #tpu.pipeline_mode<synchronous>, transform_indices = @transform_3, window_bounds = array<i64: 1, 64>}, {pipeline_mode = #tpu.pipeline_mode<synchronous>, transform_indices = @transform_4, window_bounds = array<i64: 8, 64>}, {pipeline_mode = #tpu.pipeline_mode<synchronous>, transform_indices = @transform_5, window_bounds = array<i64: 1, 64>}, {transform_indices = @transform_6, window_bounds = array<i64: 64, 1024>}]} {
    %get3A = arith.constant 0 : index
    %get3A_0 = arith.constant 0 : index
    %get3A_1 = vector.load %arg1[%get3A, %get3A_0] : memref<1024x32xf32, #tpu.memory_space<vmem>>, vector<1024x32xf32>
    %get3A_2 = arith.constant 0 : index
    %get3A_3 = arith.constant 0 : index
    %get3A_4 = vector.load %arg3[%get3A_2, %get3A_3] : memref<32x64xf32, #tpu.memory_space<vmem>>, vector<32x64xf32>
    %dot_general3A = arith.constant dense<0.000000e+00> : vector<1024x64xf32>
    %dot_general3A_5 = tpu.matmul %get3A_1, %get3A_4, %dot_general3A {dimension_numbers = #tpu.dot_dimension_numbers<[1], [0], [0], [1], [0, 0, 1, 1], [], []>, transpose_lhs_hint = false} : vector<1024x32xf32>, vector<32x64xf32>, vector<1024x64xf32> -> vector<1024x64xf32>
    %get3A_6 = arith.constant 0 : index
    %get3A_7 = arith.constant 0 : index
    %get3A_8 = vector.load %arg4[%get3A_6, %get3A_7] : memref<1x64xf32, #tpu.memory_space<vmem>>, vector<1x64xf32>
    %add3A = vector.broadcast %get3A_8 : vector<1x64xf32> to vector<1024x64xf32>
    %add3A_9 = arith.addf %dot_general3A_5, %add3A : vector<1024x64xf32>
    %get3A_10 = arith.constant 0 : index
    %get3A_11 = arith.constant 0 : index
    %get3A_12 = vector.load %arg2[%get3A_10, %get3A_11] : memref<1024x8xf32, #tpu.memory_space<vmem>>, vector<1024x8xf32>
    %get3A_13 = arith.constant 0 : index
    %get3A_14 = arith.constant 0 : index
    %get3A_15 = vector.load %arg5[%get3A_13, %get3A_14] : memref<8x64xf32, #tpu.memory_space<vmem>>, vector<8x64xf32>
    %dot_general3A_16 = arith.constant dense<0.000000e+00> : vector<1024x64xf32>
    %dot_general3A_17 = tpu.matmul %get3A_12, %get3A_15, %dot_general3A_16 {dimension_numbers = #tpu.dot_dimension_numbers<[1], [0], [0], [1], [0, 0, 1, 1], [], []>, transpose_lhs_hint = false} : vector<1024x8xf32>, vector<8x64xf32>, vector<1024x64xf32> -> vector<1024x64xf32>
    %get3A_18 = arith.constant 0 : index
    %get3A_19 = arith.constant 0 : index
    %get3A_20 = vector.load %arg6[%get3A_18, %get3A_19] : memref<1x64xf32, #tpu.memory_space<vmem>>, vector<1x64xf32>
    %add3A_21 = vector.broadcast %get3A_20 : vector<1x64xf32> to vector<1024x64xf32>
    %add3A_22 = arith.addf %dot_general3A_17, %add3A_21 : vector<1024x64xf32>
    %add3A_23 = arith.addf %add3A_9, %add3A_22 : vector<1024x64xf32>
    %ge3A = arith.constant 0.000000e+00 : f32
    %ge3A_24 = vector.broadcast %ge3A : f32 to vector<1024x64xf32>
    %ge3A_25 = arith.cmpf oge, %add3A_23, %ge3A_24 : vector<1024x64xf32>
    %mul3A = arith.constant 2.000000e-01 : f32
    %mul3A_26 = vector.broadcast %mul3A : f32 to vector<1024x64xf32>
    %mul3A_27 = arith.mulf %mul3A_26, %add3A_23 : vector<1024x64xf32>
    %select_n3A = arith.select %ge3A_25, %add3A_23, %mul3A_27 : vector<1024x64xi1>, vector<1024x64xf32>
    %transpose3A = tpu.transpose %select_n3A, [1, 0] : vector<1024x64xf32> -> vector<64x1024xf32>
    %swap3A = arith.constant 0 : index
    %swap3A_28 = arith.constant 0 : index
    %swap3A_29 = vector.load %arg7[%swap3A, %swap3A_28] : memref<64x1024xf32, #tpu.memory_space<vmem>>, vector<64x1024xf32>
    tpu.vector_store %arg7[%swap3A, %swap3A_28], %transpose3A {strides = array<i32>} : memref<64x1024xf32, #tpu.memory_space<vmem>>, vector<64x1024xf32>,
    return
  }
  func.func @transform_0(%arg0: i32) -> (i32, i32) {
    %c0_i32 = arith.constant 0 : i32
    %c0_i32_0 = arith.constant 0 : i32
    return %arg0, %c0_i32 : i32, i32
  }
  func.func @transform_1(%arg0: i32) -> (i32, i32) {
    %c0_i32 = arith.constant 0 : i32
    %c0_i32_0 = arith.constant 0 : i32
    return %arg0, %c0_i32 : i32, i32
  }
  func.func @transform_2(%arg0: i32) -> (i32, i32) {
    %c0_i32 = arith.constant 0 : i32
    %c0_i32_0 = arith.constant 0 : i32
    %c0_i32_1 = arith.constant 0 : i32
    return %c0_i32, %c0_i32_0 : i32, i32
  }
  func.func @transform_3(%arg0: i32) -> (i32, i32) {
    %c0_i32 = arith.constant 0 : i32
    %c0_i32_0 = arith.constant 0 : i32
    %c0_i32_1 = arith.constant 0 : i32
    return %c0_i32, %c0_i32_0 : i32, i32
  }
  func.func @transform_4(%arg0: i32) -> (i32, i32) {
    %c0_i32 = arith.constant 0 : i32
    %c0_i32_0 = arith.constant 0 : i32
    %c0_i32_1 = arith.constant 0 : i32
    return %c0_i32, %c0_i32_0 : i32, i32
  }
  func.func @transform_5(%arg0: i32) -> (i32, i32) {
    %c0_i32 = arith.constant 0 : i32
    %c0_i32_0 = arith.constant 0 : i32
    %c0_i32_1 = arith.constant 0 : i32
    return %c0_i32, %c0_i32_0 : i32, i32
  }
  func.func @transform_6(%arg0: i32) -> (i32, i32) {
    %c0_i32 = arith.constant 0 : i32
    %c0_i32_0 = arith.constant 0 : i32
    return %c0_i32, %arg0 : i32, i32
  }
}

</mosaic_0001>

<sc_bundles>
// kernel: kernel.12.cloned.1.call-start
scs
__scs_entry_jumppad:
0x0: {  	(pc) =	sbr.rel $0x88, $3  }
0x1: {  	(tag) =	ssettag $0x0;
	lr =	simm.s32 $0x1  }
0x2: {  	[smem:$0x3F80] =	sst lr;
	_ =	strace $0xD0000000  }
0x3: {  	_ = 	snop  }
0x4: {  	_ = 	snop  }
0x5: {  	_ = 	snop  }
0x6: {  	_ = 	snop  }
0x7: {  	_ = 	snop  }
__scs_overlays_trampoline_lowered:
0x8: {  	[smem:$0x3F8F] =	sst s0  }
0x9: {  	[smem:$0x3F90] =	sst s1  }
0xa: {  	[smem:$0x3F91] =	sst s2  }
0xb: {  	[smem:$0x3F92] =	sst s3  }
0xc: {  	[smem:$0x3F93] =	sst s4  }
0xd: {  	[smem:$0x3F94] =	sst s5  }
0xe: {  	[smem:$0x3F95] =	sst s6  }
0xf: {  	[smem:$0x3F96] =	sst s7  }
0x10: {  	[smem:$0x3F97] =	sst s8  }
0x11: {  	[smem:$0x3F98] =	sst s9;
	s0 =	simm.s32 @!p0 $0x0  }
0x12: {  	s1 =	sld [smem:$0x3F7E];
	s0 =	simm.s32 @p0 $0x1  }
0x13: {  	[smem:$0x3F99] =	sst s0;
	s0 =	simm.s32 @!p1 $0x0  }
0x14: {  	s2 =	sld [smem:$0x3F7D];
	s0 =	simm.s32 @p1 $0x1  }
0x15: {  	[smem:$0x3F9A] =	sst s0;
	s0 =	simm.s32 @!p2 $0x0  }
0x16: {  	s3 =	sld [smem:$0x3FDB];
	s0 =	simm.s32 @p2 $0x1  }
0x17: {  	s4 =	simm.s32 $0x1BF5;
	[smem:$0x3F9C] =	sst s0  }
0x18: {  	s0 =	sld [smem:$0x3F7F];
	_ =	swait.ge [sflag:s4], $0x0  }
0x19: {  	s7 =	sld [smem:$0x3F80]  }
0x1a: {  	s8 =	sadd.s32 $0xFFFFE003, lr  }
0x1b: {  	s9 =	sadd.s32 $0xFFFFFEF7, lr;
	s5 =	simm.s32 $0xFFFFFFFF;
	p2 =	slt.u32 s8, $0xFFFFF086  }
0x1c: {  	p1 =	slt.u32 s9, $0xF7A;
	s5 =	simm.s32 @!p2 $0x0  }
0x1d: {  	s5 =	simm.s32 @p1 $0x1;
	p0 =	seq.s32 s7, s2  }
0x1e: {  	s7 =	smul.u32 @!p0 $0xF7A, s2;
	p2 =	seq.s32 @!p0 s5, $0x0  }
0x1f: {  	s9 =	smul.u32 $0xF7A, s1;
	s8 =	simm.s32 @!p0 $0x1BF5;
	p2 =	por !p2, p0  }
0x20: {  	[sflag:s8] =	ssyncset.s32 @!p0 $0xFFFFF086;
	s6 =	sadd.s32 @!p0 s3, s7;
	s7 =	simm.s32 @!p0 $0x108  }
0x21: {  	s3 =	sadd.s32 s3, s9;
	s6 =	sadd.s32 @!p0 $0x88, s6;
	s7 =	simm.s32 @p2 $0x1082  }
0x22: {  	[simem:s7], [sflag:s8] =	dma.local @!p0 [hbm:s6], $0xF7A  }
0x23: {  	s9 =	sor.u32 $0xD0000000, s2;
	s6 =	simm.s32 $0x108;
	_ =	swait.ge @!p0 [sflag:s8], $0x0  }
0x24: {  	s3 =	sadd.s32 $0x88, s3;
	s6 =	simm.s32 @!p1 $0x1082;
	[sflag:s4] =	ssyncset.s32 $0xFFFFF086  }
0x25: {  	[simem:s6], [sflag:s4] =	dma.local [hbm:s3], $0xF7A  }
0x26: {  	[smem:$0x3F80] =	sst s1;
	(tag) =	ssettag s2;
	_ =	strace s9  }
0x27: {  	s1 =	sld [smem:$0x3F90]  }
0x28: {  	s2 =	sld [smem:$0x3F91]  }
0x29: {  	s4 =	sld [smem:$0x3F93]  }
0x2a: {  	p0 =	seq.s32 s5, $0x0;
	s5 =	sld [smem:$0x3F94]  }
0x2b: {  	s6 =	sld [smem:$0x3F95]  }
0x2c: {  	s7 =	sld [smem:$0x3F96]  }
0x2d: {  	s3 =	simm.s32 $0x108;
	s8 =	sld [smem:$0x3F97]  }
0x2e: {  	s3 =	simm.s32 @!p0 $0x1082;
	s9 =	sld [smem:$0x3F98]  }
0x2f: {  	lr =	sadd.s32 s0, s3;
	s0 =	sld [smem:$0x3F8F]  }
0x30: {  	s3 =	sld [smem:$0x3F92]  }
0x31: {  	[smem:$0x3F9B] =	sst s10  }
0x32: {  	s10 =	sld [smem:$0x3F99];
	_ =	sdelay $0x3  }
0x33: {  	p0 =	seq.s32 s10, $0x1;
	s10 =	sld [smem:$0x3F9B];
	_ =	sdelay $0x3  }
0x34: {  	[smem:$0x3F9B] =	sst s10  }
0x35: {  	s10 =	sld [smem:$0x3F9A];
	_ =	sdelay $0x3  }
0x36: {  	p1 =	seq.s32 s10, $0x1;
	s10 =	sld [smem:$0x3F9B];
	_ =	sdelay $0x3  }
0x37: {  	[smem:$0x3F9B] =	sst s10  }
0x38: {  	s10 =	sld [smem:$0x3F9C]  }
0x39: {  	_ = 	snop;
	(pc) =	sbr.ind lr, $3  }
0x3a: {  	_ = 	snop  }
0x3b: {  	_ = 	snop  }
0x3c: {  	p2 =	seq.s32 s10, $0x1;
	s10 =	sld [smem:$0x3F9B]  }
0x3d: {  	_ =	shalt  }
0x3e: {  	_ =	shalt  }
0x3f: {  	_ =	shalt  }
0x40: {  	_ =	shalt  }
0x41: {  	_ =	shalt  }
0x42: {  	_ =	shalt  }
0x43: {  	_ =	shalt  }
0x44: {  	_ =	shalt  }
0x45: {  	_ =	shalt  }
0x46: {  	_ =	shalt  }
0x47: {  	_ =	shalt  }
0x48: {  	_ =	shalt  }
0x49: {  	_ =	shalt  }
0x4a: {  	_ =	shalt  }
0x4b: {  	_ =	shalt  }
0x4c: {  	_ =	shalt  }
0x4d: {  	_ =	shalt  }
0x4e: {  	_ =	shalt  }
0x4f: {  	_ =	shalt  }
0x50: {  	_ =	shalt  }
0x51: {  	_ =	shalt  }
0x52: {  	_ =	shalt  }
0x53: {  	_ =	shalt  }
0x54: {  	_ =	shalt  }
0x55: {  	_ =	shalt  }
0x56: {  	_ =	shalt  }
0x57: {  	_ =	shalt  }
0x58: {  	_ =	shalt  }
0x59: {  	_ =	shalt  }
0x5a: {  	_ =	shalt  }
0x5b: {  	_ =	shalt  }
0x5c: {  	_ =	shalt  }
0x5d: {  	_ =	shalt  }
0x5e: {  	_ =	shalt  }
0x5f: {  	_ =	shalt  }
0x60: {  	_ =	shalt  }
0x61: {  	_ =	shalt  }
0x62: {  	_ =	shalt  }
0x63: {  	_ =	shalt  }
0x64: {  	_ =	shalt  }
0x65: {  	_ =	shalt  }
0x66: {  	_ =	shalt  }
0x67: {  	_ =	shalt  }
0x68: {  	_ =	shalt  }
0x69: {  	_ =	shalt  }
0x6a: {  	_ =	shalt  }
0x6b: {  	_ =	shalt  }
0x6c: {  	_ =	shalt  }
0x6d: {  	_ =	shalt  }
0x6e: {  	_ =	shalt  }
0x6f: {  	_ =	shalt  }
0x70: {  	_ =	shalt  }
0x71: {  	_ =	shalt  }
0x72: {  	_ =	shalt  }
0x73: {  	_ =	shalt  }
0x74: {  	_ =	shalt  }
0x75: {  	_ =	shalt  }
0x76: {  	_ =	shalt  }
0x77: {  	_ =	shalt  }
0x78: {  	_ =	shalt  }
0x79: {  	_ =	shalt  }
0x7a: {  	_ =	shalt  }
0x7b: {  	_ =	shalt  }
0x7c: {  	_ =	shalt  }
0x7d: {  	_ =	shalt  }
0x7e: {  	_ =	shalt  }
0x7f: {  	_ =	shalt  }
0x80: {  	_ =	shalt  }
0x81: {  	_ =	shalt  }
0x82: {  	_ =	shalt  }
0x83: {  	_ =	shalt  }
0x84: {  	_ =	shalt  }
0x85: {  	_ =	shalt  }
0x86: {  	_ =	shalt  }
0x87: {  	_ =	shalt  }
.Lfunc_end0:
.L_simem_size_0:
called_computation_lowered:
.L_overlay_start_0:
0x88: {  	s2 =	sld [smem:$0x3FD9]  }
0x89: {  	s3 =	sld [smem:$0x3FFE];
	_ =	sdelay $0x1  }
0x8a: {  	s1 =	srdreg.scid  }
0x8b: {  	s0 =	sand.u32 $0x1, s1  }
0x8c: {  	s17 =	sshll.u32 s0, $0xA;
	s2 =	sadd.s32 s3, s2  }
0x8d: {  	s2 =	sadd.s32 s2, s17  }
0x8e: {  	[smem:$0x3FA7] =	sst s2  }
0x8f: {  	_ = 	snop  }
0x90: {  	s2 =	sld [smem:$0x3FD0];
	(tm) =	ssettm $0x1  }
0x91: {  	s18 =	sld [smem:$0x3FFB];
	_ =	sdelay $0x3  }
0x92: {  	_ =	strace s18  }
0x93: {  	s3 =	sld [smem:$0x3FFC];
	_ =	sdelay $0x3  }
0x94: {  	_ =	strace s3  }
0x95: {  	s3 =	sld [smem:$0x3FFD];
	_ =	sdelay $0x3  }
0x96: {  	_ =	strace s3  }
0x97: {  	_ =	strace $0x8FFFFFFF  }
0x98: {  	s19 =	sld [smem:$0x3FDB];
	_ =	sdelay $0x1  }
0x99: {  	s4 =	simm.s32 $_scs_section_size  }
0x9a: {  	s5 =	simm.s32 $_size__tile_overlayer_lowered;
	s6 =	simm.s32 $_tile_overlayer_lowered  }
0x9b: {  	s22 =	simm.s32 $0x1BFF;
	s21 =	sshll.u32 s6, $0x1;
	s3 =	sadd.s32 s4, s19  }
0x9c: {  	s7 =	simm.s32 $0x0;
	s20 =	sshll.u32 s5, $0x1;
	s5 =	sadd.s32 s21, s3  }
0x9d: {  	[timem:s7], [sflag:s22] =	dma.local [hbm:s5], s20  }
0x9e: {  	_ =	swait.ge [sflag:s22], s20  }
0x9f: {  	s4 =	ssub.s32 $0x0, s20;
	[sflag:s22] =	ssyncset.done $0x0  }
0xa0: {  	[sflag:s22] =	ssyncadd.s32 s4;
	_ =	sdelay $0x1  }
0xa1: {  	s23 =	simm.s32 $0x1B8B  }
0xa2: {  	_ =	swait.ge [sflag:s23], $0x1  }
0xa3: {  	[sflag:s23] =	ssyncset.done $0x0  }
0xa4: {  	s25 =	simm.s32 $0x1B8E;
	s24 =	sld [smem:$0x3FFE];
	[sflag:s23] =	ssyncadd.s32 $0xFFFFFFFF  }
0xa5: {  	s26 =	simm.s32 $execute0_lowered;
	[smem:$0x3FD2] =	sst s25  }
0xa6: {  	s5 =	sshll.u32 s26, $0x1;
	_ =	strace $0x80000046;
	[dreg:$0x1] =	wrdreg $0xFFFFFFFF  }
0xa7: {  	s28 =	simm.s32 $_size_execute0_lowered;
	s3 =	sadd.s32 s3, s5;
	[dreg:$0x0] =	wrdreg $0x0  }
0xa8: {  	s5 =	sshll.u32 s28, $0x1;
	[dreg:$0x2] =	wrdreg s3  }
0xa9: {  	[dreg:$0x3] =	wrdreg s5  }
0xaa: {  	[dreg:$0x4] =	wrdreg $0xC0  }
0xab: {  	_ =	task [dreg:s7], $0x5FFFF  }
0xac: {  	[dreg:$0x1] =	wrdreg $0xFFFFFFFF  }
0xad: {  	[dreg:$0x0] =	wrdreg $0x60  }
0xae: {  	[dreg:$0x2] =	wrdreg s2  }
0xaf: {  	[dreg:$0x3] =	wrdreg s24  }
0xb0: {  	[dreg:$0x4] =	wrdreg $0x9  }
0xb1: {  	_ =	task.clear_ibuf [dreg:s7], $0x5FFFF;
	_ =	strace $0x90000046  }
0xb2: {  	s29 =	simm.s32 $0x9;
	_ =	strace $0x80000048  }
0xb3: {  	_ =	swait.ge [sflag:s29], $0x1  }
0xb4: {  	[sflag:s29] =	ssyncadd.s32 $0xFFFFFFFF  }
0xb5: {  	_ =	strace $0x90000048  }
0xb6: {  	_ =	sfence  }
0xb7: {  	s30 =	sld [smem:$0x0];
	_ =	sdelay $0x2  }
0xb8: {  	s31 =	sshll.u32 s1, $0xD;
	s1 =	sshrl.u32 s1, $0x2  }
0xb9: {  	s3 =	sand.u32 $0x4000, s31;
	s1 =	sadd.s32 s1, s30  }
0xba: {  	s0 =	sor.u32 s3, s0;
	s1 =	sshll.u32 s1, $0x11  }
0xbb: {  	s0 =	sor.u32 s1, s0  }
0xbc: {  	s0 =	sadd.s32 $0x8F2B, s0  }
0xbd: {  	[sflag:s0] =	ssyncadd.remote.s32 $0x1  }
0xbe: {  	_ =	sfence.sel $0xFFFF  }
0xbf: {  	[dreg:$0x0] =	wrdreg $0xFFFFFFFF;
	(pc) =	sbr.abs _section_cstart, $3  }
0xc0: {  	[dreg:$0x1] =	wrdreg $0xFFFFFFFF  }
0xc1: {  	_ =	task.clear_ibuf [dreg:s7], $0x2FFFF;
	_ =	strace $0x9FFFFFFF  }
0xc2: {  	(tm) =	ssettm $0x7FFFFFFF  }
0xc3: {  	_ =	shalt  }
tec
execute0_lowered:
.L_overlay_start_1:
0x0: {  	(tag) =	ssettag $0x1  }
0x1: {  	s2 =	rddreg [dreg:$0x0]  }
0x2: {  	s4 =	rddreg [dreg:$0x1];
	s3 =	simm.s32 $0x0  }
0x3: {  	s8 =	simm.s32 $0x1A00;
	[smem:$0x7FF] =	sst s3  }
0x4: {  	s9 =	simm.s32 $0x100;
	_ =	strace $0x80000047;
	[dreg:$0x5] =	wrdreg s8  }
0x5: {  	s10 =	simm.s32 $0x2A00;
	[dreg:$0x6] =	wrdreg s9  }
0x6: {  	s11 =	simm.s32 $0x180;
	[dreg:$0x7] =	wrdreg s10  }
0x7: {  	s12 =	simm.s32 $0x3A00;
	[dreg:$0x8] =	wrdreg s11  }
0x8: {  	s13 =	simm.s32 $0x200;
	[dreg:$0x9] =	wrdreg s12  }
0x9: {  	s15 =	simm.s32 $0x4A00;
	[dreg:$0xa] =	wrdreg s13  }
0xa: {  	s16 =	simm.s32 $0x280;
	[dreg:$0xb] =	wrdreg s15  }
0xb: {  	s7 =	stileid.u32;
	s17 =	simm.s32 $0x5A00;
	[dreg:$0xc] =	wrdreg s16  }
0xc: {  	s0 =	srdreg.scid;
	s19 =	simm.s32 $0x300;
	[dreg:$0xd] =	wrdreg s17  }
0xd: {  	s21 =	simm.s32 $0x6A00;
	s22 =	simm.s32 $0x380;
	[dreg:$0xe] =	wrdreg s19  }
0xe: {  	s23 =	simm.s32 $0x7A00;
	s24 =	simm.s32 $0x400;
	[dreg:$0xf] =	wrdreg s21  }
0xf: {  	s25 =	simm.s32 $0x8A00;
	s26 =	simm.s32 $0x480;
	[dreg:$0x10] =	wrdreg s22  }
0x10: {  	s28 =	simm.s32 $0x9A00;
	s29 =	simm.s32 $0x580;
	[dreg:$0x11] =	wrdreg s23  }
0x11: {  	s30 =	simm.s32 $0xBA00;
	s0 =	sand.u32 $0x1, s0;
	[dreg:$0x12] =	wrdreg s24  }
0x12: {  	s1 =	smul.u32 $0xC800, s7;
	s31 =	sadd.s32 $0x18CE00, s4;
	[dreg:$0x13] =	wrdreg s25  }
0x13: {  	s14 =	smul.u32 $0x32000, s7;
	s7 =	simm.s32 $0x80;
	[dreg:$0x14] =	wrdreg s26  }
0x14: {  	s5 =	smul.u32 $0x6400, s0;
	s18 =	ssub.s32 $0x2, s0;
	[dreg:$0x15] =	wrdreg s28  }
0x15: {  	s0 =	smul.u32 $0x19000, s0;
	s8 =	simm.s32 $0xA00;
	[dreg:$0x16] =	wrdreg s29  }
0x16: {  	s9 =	simm.s32 $0x1;
	[dreg:$0x17] =	wrdreg s30;
	s10 =	simm.s32 $0x500  }
0x17: {  	s11 =	simm.s32 $0xAA00;
	s12 =	simm.s32 $0xCA00;
	s13 =	simm.s32 $0x680  }
0x18: {  	s15 =	simm.s32 $0x700;
	s16 =	simm.s32 $0xEA00;
	s17 =	simm.s32 $0x780  }
0x19: {  	s19 =	simm.s32 $0x800;
	s21 =	simm.s32 $0x880;
	s22 =	simm.s32 $0x11A00  }
0x1a: {  	s23 =	simm.s32 $0x900;
	s24 =	simm.s32 $0x12A00;
	s25 =	simm.s32 $0x980  }
0x1b: {  	s26 =	simm.s32 $0x13A00;
	s4 =	sadd.s32 s14, s4;
	s20 =	sshrl.u32 s18, $0x1  }
0x1c: {  	s14 =	simm.s32 $0xDA00;
	s1 =	sadd.s32 s5, s1;
	s5 =	ssub.s32 s18, s20  }
0x1d: {  	s0 =	sadd.s32 s0, s4;
	s6 =	sshrl.u32 s1, $0x3;
	s5 =	smax.u32 s5, $0x1  }
0x1e: {  	s1 =	sadd.s32 $0x500, s1;
	s0 =	sadd.s32 $0x49B600, s0;
	[dreg:$0x19] =	wrdreg s5  }
0x1f: {  	s6 =	sadd.s32 s6, s31;
	s1 =	sshrl.u32 s1, $0x3;
	[dreg:$0x1a] =	wrdreg s0  }
0x20: {  	s18 =	simm.s32 $0xFA00;
	[dreg:$0x3] =	wrdreg s6;
	s1 =	sadd.s32 s1, s31  }
0x21: {  	s20 =	simm.s32 $0x10A00;
	s31 =	simm.s32 $0x600;
	[dreg:$0x4] =	wrdreg s1  }
0x22: {  	s4 =	simm.s32 $0x0;
	s6 =	simm.s32 $0x4;
	[dreg:$0x18] =	wrdreg s31  }
.LBB2_1:
0x23: {  	p0 =	por $0x1, $0x1  }
0x24: {  	[dreg:$0x1b] =	wrdreg s4;
	s1 =	simm.s32 @!p0 $0x2  }
0x25: {  	_ =	swait.ge @!p0 [sflag:s1], $0xA000  }
0x26: {  	s29 =	rddreg [dreg:$0x3];
	[sflag:s1] =	ssyncset.done @!p0 $0x0  }
0x27: {  	[sflag:s1] =	ssyncadd.s32 @!p0 $0xFFFF6000;
	s30 =	sadd.s32 $0x0, s29  }
0x28: {  	[tilespmem:s3], [sflag:$0x4] =	stream.linear.gather [hbm4b:s30+s3], $0x500, $0x38;
	[tilespmem:$0x14A00] =	vst v63  }
0x29: {  	_ =	swait.ge [sflag:s6], $0x500  }
0x2a: {  	s0 =	rddreg [dreg:$0x6]  }
0x2b: {  	s28 =	rddreg [dreg:$0x5]  }
0x2c: {  	s5 =	rddreg [dreg:$0x7]  }
0x2d: {  	[sflag:s6] =	ssyncset.done $0x0;
	s31 =	rddreg [dreg:$0x9]  }
0x2e: {  	s29 =	rddreg [dreg:$0x8];
	[sflag:s6] =	ssyncadd.s32 $0xFFFFFB00  }
0x2f: {  	[tilespmem:s8], [sflag:$0x1] =	stream.indirect.gather [hbm4b:s2+s7], $0x20, s3, s7, $0xb8;
	[tilespmem:$0x14A00] =	vst v63  }
0x30: {  	s30 =	rddreg [dreg:$0xb]  }
0x31: {  	[tilespmem:s28], [sflag:$0x1] =	stream.indirect.gather [hbm4b:s2+s7], $0x20, s7, s7, $0xb8;
	[tilespmem:$0x14A00] =	vst v63  }
0x32: {  	s28 =	rddreg [dreg:$0xd]  }
0x33: {  	[tilespmem:s5], [sflag:$0x1] =	stream.indirect.gather [hbm4b:s2+s7], $0x20, s0, s7, $0xb8;
	[tilespmem:$0x14A00] =	vst v63  }
0x34: {  	s0 =	rddreg [dreg:$0xa]  }
0x35: {  	[tilespmem:s31], [sflag:$0x1] =	stream.indirect.gather [hbm4b:s2+s7], $0x20, s29, s7, $0xb8;
	[tilespmem:$0x14A00] =	vst v63  }
0x36: {  	s31 =	rddreg [dreg:$0xc]  }
0x37: {  	s29 =	rddreg [dreg:$0xf]  }
0x38: {  	[tilespmem:s30], [sflag:$0x1] =	stream.indirect.gather [hbm4b:s2+s7], $0x20, s0, s7, $0xb8;
	[tilespmem:$0x14A00] =	vst v63  }
0x39: {  	s30 =	rddreg [dreg:$0xe]  }
0x3a: {  	s0 =	rddreg [dreg:$0x11]  }
0x3b: {  	[tilespmem:s28], [sflag:$0x1] =	stream.indirect.gather [hbm4b:s2+s7], $0x20, s31, s7, $0xb8;
	[tilespmem:$0x14A00] =	vst v63  }
0x3c: {  	s31 =	rddreg [dreg:$0x10]  }
0x3d: {  	s28 =	rddreg [dreg:$0x13]  }
0x3e: {  	[tilespmem:s29], [sflag:$0x1] =	stream.indirect.gather [hbm4b:s2+s7], $0x20, s30, s7, $0xb8;
	[tilespmem:$0x14A00] =	vst v63  }
0x3f: {  	s29 =	rddreg [dreg:$0x12]  }
0x40: {  	[tilespmem:s0], [sflag:$0x1] =	stream.indirect.gather [hbm4b:s2+s7], $0x20, s31, s7, $0xb8;
	[tilespmem:$0x14A00] =	vst v63  }
0x41: {  	s30 =	rddreg [dreg:$0x15]  }
0x42: {  	[tilespmem:s28], [sflag:$0x1] =	stream.indirect.gather [hbm4b:s2+s7], $0x20, s29, s7, $0xb8;
	[tilespmem:$0x14A00] =	vst v63  }
0x43: {  	s31 =	rddreg [dreg:$0x14]  }
0x44: {  	[tilespmem:s30], [sflag:$0x1] =	stream.indirect.gather [hbm4b:s2+s7], $0x20, s31, s7, $0xb8;
	[tilespmem:$0x14A00] =	vst v63  }
0x45: {  	_ =	swait.ge [sflag:s9], $0x1000  }
0x46: {  	[sflag:s9] =	ssyncset.done $0x0  }
0x47: {  	[sflag:s9] =	ssyncadd.s32 $0xFFFFF000  }
0x48: {  	_ =	swait.ge [sflag:s9], $0x1000  }
0x49: {  	[sflag:s9] =	ssyncset.done $0x0  }
0x4a: {  	[sflag:s9] =	ssyncadd.s32 $0xFFFFF000  }
0x4b: {  	_ =	swait.ge [sflag:s9], $0x1000  }
0x4c: {  	[sflag:s9] =	ssyncset.done $0x0  }
0x4d: {  	[sflag:s9] =	ssyncadd.s32 $0xFFFFF000  }
0x4e: {  	_ =	swait.ge [sflag:s9], $0x1000  }
0x4f: {  	[sflag:s9] =	ssyncset.done $0x0  }
0x50: {  	[sflag:s9] =	ssyncadd.s32 $0xFFFFF000  }
0x51: {  	_ =	swait.ge [sflag:s9], $0x1000  }
0x52: {  	[sflag:s9] =	ssyncset.done $0x0  }
0x53: {  	[sflag:s9] =	ssyncadd.s32 $0xFFFFF000  }
0x54: {  	_ =	swait.ge [sflag:s9], $0x1000  }
0x55: {  	[sflag:s9] =	ssyncset.done $0x0  }
0x56: {  	[sflag:s9] =	ssyncadd.s32 $0xFFFFF000  }
0x57: {  	_ =	swait.ge [sflag:s9], $0x1000  }
0x58: {  	[sflag:s9] =	ssyncset.done $0x0  }
0x59: {  	[sflag:s9] =	ssyncadd.s32 $0xFFFFF000  }
0x5a: {  	_ =	swait.ge [sflag:s9], $0x1000  }
0x5b: {  	[sflag:s9] =	ssyncset.done $0x0  }
0x5c: {  	[sflag:s9] =	ssyncadd.s32 $0xFFFFF000  }
0x5d: {  	_ =	swait.ge [sflag:s9], $0x1000  }
0x5e: {  	[sflag:s9] =	ssyncset.done $0x0  }
0x5f: {  	[sflag:s9] =	ssyncadd.s32 $0xFFFFF000  }
0x60: {  	_ =	swait.ge [sflag:s9], $0x1000  }
0x61: {  	[sflag:s9] =	ssyncset.done $0x0;
	s31 =	rddreg [dreg:$0x1a]  }
0x62: {  	s4 =	simm.s32 @!p0 $0x3;
	s0 =	sadd.s32 $0xFFFFEC00, s31;
	[sflag:s9] =	ssyncadd.s32 $0xFFFFF000  }
0x63: {  	[hbm4b:s0+s3] =	stream.linear.scatter [tilespmem:s8], [sflag:$0x2], $0xA000, $0x38;
	[tilespmem:$0x14A00] =	vst v63  }
0x64: {  	_ =	swait.ge @!p0 [sflag:s4], $0xA000  }
0x65: {  	s5 =	rddreg [dreg:$0x4];
	[sflag:s4] =	ssyncset.done @!p0 $0x0  }
0x66: {  	[sflag:s4] =	ssyncadd.s32 @!p0 $0xFFFF6000;
	s1 =	sadd.s32 $0x0, s5  }
0x67: {  	[tilespmem:s10], [sflag:$0x4] =	stream.linear.gather [hbm4b:s1+s3], $0x500, $0x38;
	[tilespmem:$0x14A00] =	vst v63  }
0x68: {  	_ =	swait.ge [sflag:s6], $0x500  }
0x69: {  	[sflag:s6] =	ssyncset.done $0x0  }
0x6a: {  	s28 =	rddreg [dreg:$0x16];
	[sflag:s6] =	ssyncadd.s32 $0xFFFFFB00  }
0x6b: {  	[tilespmem:s11], [sflag:$0x1] =	stream.indirect.gather [hbm4b:s2+s7], $0x20, s10, s7, $0xb8;
	[tilespmem:$0x14A00] =	vst v63  }
0x6c: {  	s29 =	rddreg [dreg:$0x17]  }
0x6d: {  	[tilespmem:s29], [sflag:$0x1] =	stream.indirect.gather [hbm4b:s2+s7], $0x20, s28, s7, $0xb8;
	[tilespmem:$0x14A00] =	vst v63  }
0x6e: {  	s30 =	rddreg [dreg:$0x18]  }
0x6f: {  	[tilespmem:s12], [sflag:$0x1] =	stream.indirect.gather [hbm4b:s2+s7], $0x20, s30, s7, $0xb8;
	[tilespmem:$0x14A00] =	vst v63  }
0x70: {  	_ = 	snop  }
0x71: {  	[tilespmem:s14], [sflag:$0x1] =	stream.indirect.gather [hbm4b:s2+s7], $0x20, s13, s7, $0xb8;
	[tilespmem:$0x14A00] =	vst v63  }
0x72: {  	_ = 	snop  }
0x73: {  	[tilespmem:s16], [sflag:$0x1] =	stream.indirect.gather [hbm4b:s2+s7], $0x20, s15, s7, $0xb8;
	[tilespmem:$0x14A00] =	vst v63  }
0x74: {  	_ = 	snop  }
0x75: {  	[tilespmem:s18], [sflag:$0x1] =	stream.indirect.gather [hbm4b:s2+s7], $0x20, s17, s7, $0xb8;
	[tilespmem:$0x14A00] =	vst v63  }
0x76: {  	_ = 	snop  }
0x77: {  	[tilespmem:s20], [sflag:$0x1] =	stream.indirect.gather [hbm4b:s2+s7], $0x20, s19, s7, $0xb8;
	[tilespmem:$0x14A00] =	vst v63  }
0x78: {  	_ = 	snop  }
0x79: {  	[tilespmem:s22], [sflag:$0x1] =	stream.indirect.gather [hbm4b:s2+s7], $0x20, s21, s7, $0xb8;
	[tilespmem:$0x14A00] =	vst v63  }
0x7a: {  	_ = 	snop  }
0x7b: {  	[tilespmem:s24], [sflag:$0x1] =	stream.indirect.gather [hbm4b:s2+s7], $0x20, s23, s7, $0xb8;
	[tilespmem:$0x14A00] =	vst v63  }
0x7c: {  	_ = 	snop  }
0x7d: {  	[tilespmem:s26], [sflag:$0x1] =	stream.indirect.gather [hbm4b:s2+s7], $0x20, s25, s7, $0xb8;
	[tilespmem:$0x14A00] =	vst v63  }
0x7e: {  	_ =	swait.ge [sflag:s9], $0x1000  }
0x7f: {  	[sflag:s9] =	ssyncset.done $0x0  }
0x80: {  	[sflag:s9] =	ssyncadd.s32 $0xFFFFF000  }
0x81: {  	_ =	swait.ge [sflag:s9], $0x1000  }
0x82: {  	[sflag:s9] =	ssyncset.done $0x0  }
0x83: {  	[sflag:s9] =	ssyncadd.s32 $0xFFFFF000  }
0x84: {  	_ =	swait.ge [sflag:s9], $0x1000  }
0x85: {  	[sflag:s9] =	ssyncset.done $0x0  }
0x86: {  	[sflag:s9] =	ssyncadd.s32 $0xFFFFF000  }
0x87: {  	_ =	swait.ge [sflag:s9], $0x1000  }
0x88: {  	[sflag:s9] =	ssyncset.done $0x0  }
0x89: {  	[sflag:s9] =	ssyncadd.s32 $0xFFFFF000  }
0x8a: {  	_ =	swait.ge [sflag:s9], $0x1000  }
0x8b: {  	[sflag:s9] =	ssyncset.done $0x0  }
0x8c: {  	[sflag:s9] =	ssyncadd.s32 $0xFFFFF000  }
0x8d: {  	_ =	swait.ge [sflag:s9], $0x1000  }
0x8e: {  	[sflag:s9] =	ssyncset.done $0x0  }
0x8f: {  	[sflag:s9] =	ssyncadd.s32 $0xFFFFF000  }
0x90: {  	_ =	swait.ge [sflag:s9], $0x1000  }
0x91: {  	[sflag:s9] =	ssyncset.done $0x0  }
0x92: {  	[sflag:s9] =	ssyncadd.s32 $0xFFFFF000  }
0x93: {  	_ =	swait.ge [sflag:s9], $0x1000  }
0x94: {  	s5 =	smov.u32 s31;
	s1 =	simm.s32 $0x140;
	[sflag:s9] =	ssyncset.done $0x0  }
.LBB2_2:
0x95: {  	[sflag:s9] =	ssyncadd.s32 $0xFFFFF000  }
0x96: {  	_ =	swait.ge [sflag:s9], $0x1000  }
0x97: {  	[sflag:s9] =	ssyncset.done $0x0  }
0x98: {  	[sflag:s9] =	ssyncadd.s32 $0xFFFFF000  }
0x99: {  	s4 =	smov.u32 s1;
	_ =	swait.ge [sflag:s9], $0x1000  }
0x9a: {  	p1 =	seq.s32 s4, $0x0;
	[sflag:s9] =	ssyncset.done $0x0  }
0x9b: {  	s28 =	simm.s32 @!p1 $0x2;
	[sflag:s9] =	ssyncadd.s32 $0xFFFFF000  }
0x9c: {  	[hbm4b:s31+s3] =	stream.linear.scatter [tilespmem:s11], [sflag:$0x3], $0xA000, $0x38;
	[tilespmem:$0x14A00] =	vst v63  }
0x9d: {  	_ =	swait.ge @!p1 [sflag:s28], $0xA000  }
0x9e: {  	[sflag:s28] =	ssyncset.done @!p1 $0x0;
	s29 =	rddreg [dreg:$0x3]  }
0x9f: {  	[sflag:s28] =	ssyncadd.s32 @!p1 $0xFFFF6000;
	s29 =	sadd.s32 s4, s29  }
0xa0: {  	[tilespmem:s3], [sflag:$0x4] =	stream.linear.gather [hbm4b:s29+s3], $0x500, $0x38;
	[tilespmem:$0x14A00] =	vst v63  }
0xa1: {  	_ =	swait.ge [sflag:s6], $0x500  }
0xa2: {  	s28 =	rddreg [dreg:$0x15]  }
0xa3: {  	s29 =	rddreg [dreg:$0x13]  }
0xa4: {  	s0 =	rddreg [dreg:$0x11]  }
0xa5: {  	s30 =	rddreg [dreg:$0xf]  }
0xa6: {  	s12 =	rddreg [dreg:$0xd]  }
0xa7: {  	s13 =	rddreg [dreg:$0xb]  }
0xa8: {  	[sflag:s6] =	ssyncset.done $0x0;
	s14 =	rddreg [dreg:$0x6]  }
0xa9: {  	s15 =	rddreg [dreg:$0x5];
	[sflag:s6] =	ssyncadd.s32 $0xFFFFFB00  }
0xaa: {  	[tilespmem:s8], [sflag:$0x1] =	stream.indirect.gather [hbm4b:s2+s7], $0x20, s3, s7, $0xb8;
	[tilespmem:$0x14A00] =	vst v63  }
0xab: {  	s16 =	rddreg [dreg:$0x7]  }
0xac: {  	[tilespmem:s15], [sflag:$0x1] =	stream.indirect.gather [hbm4b:s2+s7], $0x20, s7, s7, $0xb8;
	[tilespmem:$0x14A00] =	vst v63  }
0xad: {  	s17 =	rddreg [dreg:$0x9]  }
0xae: {  	[tilespmem:s16], [sflag:$0x1] =	stream.indirect.gather [hbm4b:s2+s7], $0x20, s14, s7, $0xb8;
	[tilespmem:$0x14A00] =	vst v63  }
0xaf: {  	s15 =	rddreg [dreg:$0x8]  }
0xb0: {  	[tilespmem:s17], [sflag:$0x1] =	stream.indirect.gather [hbm4b:s2+s7], $0x20, s15, s7, $0xb8;
	[tilespmem:$0x14A00] =	vst v63  }
0xb1: {  	s14 =	rddreg [dreg:$0xa]  }
0xb2: {  	[tilespmem:s13], [sflag:$0x1] =	stream.indirect.gather [hbm4b:s2+s7], $0x20, s14, s7, $0xb8;
	[tilespmem:$0x14A00] =	vst v63  }
0xb3: {  	s15 =	rddreg [dreg:$0xc]  }
0xb4: {  	[tilespmem:s12], [sflag:$0x1] =	stream.indirect.gather [hbm4b:s2+s7], $0x20, s15, s7, $0xb8;
	[tilespmem:$0x14A00] =	vst v63  }
0xb5: {  	s13 =	rddreg [dreg:$0xe]  }
0xb6: {  	[tilespmem:s30], [sflag:$0x1] =	stream.indirect.gather [hbm4b:s2+s7], $0x20, s13, s7, $0xb8;
	[tilespmem:$0x14A00] =	vst v63  }
0xb7: {  	s12 =	rddreg [dreg:$0x10]  }
0xb8: {  	[tilespmem:s0], [sflag:$0x1] =	stream.indirect.gather [hbm4b:s2+s7], $0x20, s12, s7, $0xb8;
	[tilespmem:$0x14A00] =	vst v63  }
0xb9: {  	s30 =	rddreg [dreg:$0x12]  }
0xba: {  	[tilespmem:s29], [sflag:$0x1] =	stream.indirect.gather [hbm4b:s2+s7], $0x20, s30, s7, $0xb8;
	[tilespmem:$0x14A00] =	vst v63  }
0xbb: {  	s12 =	rddreg [dreg:$0x14]  }
0xbc: {  	[tilespmem:s28], [sflag:$0x1] =	stream.indirect.gather [hbm4b:s2+s7], $0x20, s12, s7, $0xb8;
	[tilespmem:$0x14A00] =	vst v63  }
0xbd: {  	_ =	swait.ge [sflag:s9], $0x1000  }
0xbe: {  	[sflag:s9] =	ssyncset.done $0x0  }
0xbf: {  	[sflag:s9] =	ssyncadd.s32 $0xFFFFF000  }
0xc0: {  	_ =	swait.ge [sflag:s9], $0x1000  }
0xc1: {  	[sflag:s9] =	ssyncset.done $0x0  }
0xc2: {  	[sflag:s9] =	ssyncadd.s32 $0xFFFFF000  }
0xc3: {  	_ =	swait.ge [sflag:s9], $0x1000  }
0xc4: {  	[sflag:s9] =	ssyncset.done $0x0  }
0xc5: {  	[sflag:s9] =	ssyncadd.s32 $0xFFFFF000  }
0xc6: {  	_ =	swait.ge [sflag:s9], $0x1000  }
0xc7: {  	[sflag:s9] =	ssyncset.done $0x0  }
0xc8: {  	[sflag:s9] =	ssyncadd.s32 $0xFFFFF000  }
0xc9: {  	_ =	swait.ge [sflag:s9], $0x1000  }
0xca: {  	[sflag:s9] =	ssyncset.done $0x0  }
0xcb: {  	[sflag:s9] =	ssyncadd.s32 $0xFFFFF000  }
0xcc: {  	_ =	swait.ge [sflag:s9], $0x1000  }
0xcd: {  	[sflag:s9] =	ssyncset.done $0x0  }
0xce: {  	[sflag:s9] =	ssyncadd.s32 $0xFFFFF000  }
0xcf: {  	_ =	swait.ge [sflag:s9], $0x1000  }
0xd0: {  	[sflag:s9] =	ssyncset.done $0x0  }
0xd1: {  	[sflag:s9] =	ssyncadd.s32 $0xFFFFF000  }
0xd2: {  	_ =	swait.ge [sflag:s9], $0x1000  }
0xd3: {  	[sflag:s9] =	ssyncset.done $0x0  }
0xd4: {  	[sflag:s9] =	ssyncadd.s32 $0xFFFFF000  }
0xd5: {  	_ =	swait.ge [sflag:s9], $0x1000  }
0xd6: {  	[sflag:s9] =	ssyncset.done $0x0  }
0xd7: {  	[sflag:s9] =	ssyncadd.s32 $0xFFFFF000  }
0xd8: {  	_ =	swait.ge [sflag:s9], $0x1000  }
0xd9: {  	s5 =	sadd.s32 $0x2800, s5;
	[sflag:s9] =	ssyncset.done $0x0  }
0xda: {  	s29 =	sadd.s32 $0xFFFFEC00, s5;
	s12 =	simm.s32 @!p1 $0x3;
	[sflag:s9] =	ssyncadd.s32 $0xFFFFF000  }
0xdb: {  	[hbm4b:s29+s3] =	stream.linear.scatter [tilespmem:s8], [sflag:$0x2], $0xA000, $0x38;
	[tilespmem:$0x14A00] =	vst v63  }
0xdc: {  	_ =	swait.ge @!p1 [sflag:s12], $0xA000  }
0xdd: {  	[sflag:s12] =	ssyncset.done @!p1 $0x0;
	s30 =	rddreg [dreg:$0x4]  }
0xde: {  	[sflag:s12] =	ssyncadd.s32 @!p1 $0xFFFF6000;
	s0 =	sadd.s32 s4, s30  }
0xdf: {  	[tilespmem:s10], [sflag:$0x4] =	stream.linear.gather [hbm4b:s0+s3], $0x500, $0x38;
	[tilespmem:$0x14A00] =	vst v63  }
0xe0: {  	_ =	swait.ge [sflag:s6], $0x500  }
0xe1: {  	[sflag:s6] =	ssyncset.done $0x0  }
0xe2: {  	s28 =	rddreg [dreg:$0x16];
	[sflag:s6] =	ssyncadd.s32 $0xFFFFFB00  }
0xe3: {  	[tilespmem:s11], [sflag:$0x1] =	stream.indirect.gather [hbm4b:s2+s7], $0x20, s10, s7, $0xb8;
	[tilespmem:$0x14A00] =	vst v63  }
0xe4: {  	s29 =	rddreg [dreg:$0x17]  }
0xe5: {  	[tilespmem:s29], [sflag:$0x1] =	stream.indirect.gather [hbm4b:s2+s7], $0x20, s28, s7, $0xb8;
	[tilespmem:$0x14A00] =	vst v63  }
0xe6: {  	s18 =	simm.s32 $0xCA00;
	s30 =	rddreg [dreg:$0x18]  }
0xe7: {  	[tilespmem:s18], [sflag:$0x1] =	stream.indirect.gather [hbm4b:s2+s7], $0x20, s30, s7, $0xb8;
	[tilespmem:$0x14A00] =	vst v63  }
0xe8: {  	s14 =	simm.s32 $0xDA00;
	s13 =	simm.s32 $0x680  }
0xe9: {  	[tilespmem:s14], [sflag:$0x1] =	stream.indirect.gather [hbm4b:s2+s7], $0x20, s13, s7, $0xb8;
	[tilespmem:$0x14A00] =	vst v63  }
0xea: {  	s16 =	simm.s32 $0xEA00;
	s15 =	simm.s32 $0x700  }
0xeb: {  	[tilespmem:s16], [sflag:$0x1] =	stream.indirect.gather [hbm4b:s2+s7], $0x20, s15, s7, $0xb8;
	[tilespmem:$0x14A00] =	vst v63  }
0xec: {  	s17 =	simm.s32 $0x780;
	s18 =	simm.s32 $0xFA00  }
0xed: {  	[tilespmem:s18], [sflag:$0x1] =	stream.indirect.gather [hbm4b:s2+s7], $0x20, s17, s7, $0xb8;
	[tilespmem:$0x14A00] =	vst v63  }
0xee: {  	_ = 	snop  }
0xef: {  	[tilespmem:s20], [sflag:$0x1] =	stream.indirect.gather [hbm4b:s2+s7], $0x20, s19, s7, $0xb8;
	[tilespmem:$0x14A00] =	vst v63  }
0xf0: {  	_ = 	snop  }
0xf1: {  	[tilespmem:s22], [sflag:$0x1] =	stream.indirect.gather [hbm4b:s2+s7], $0x20, s21, s7, $0xb8;
	[tilespmem:$0x14A00] =	vst v63  }
0xf2: {  	_ = 	snop  }
0xf3: {  	[tilespmem:s24], [sflag:$0x1] =	stream.indirect.gather [hbm4b:s2+s7], $0x20, s23, s7, $0xb8;
	[tilespmem:$0x14A00] =	vst v63  }
0xf4: {  	_ = 	snop  }
0xf5: {  	[tilespmem:s26], [sflag:$0x1] =	stream.indirect.gather [hbm4b:s2+s7], $0x20, s25, s7, $0xb8;
	[tilespmem:$0x14A00] =	vst v63  }
0xf6: {  	_ =	swait.ge [sflag:s9], $0x1000  }
0xf7: {  	[sflag:s9] =	ssyncset.done $0x0  }
0xf8: {  	[sflag:s9] =	ssyncadd.s32 $0xFFFFF000  }
0xf9: {  	_ =	swait.ge [sflag:s9], $0x1000  }
0xfa: {  	[sflag:s9] =	ssyncset.done $0x0  }
0xfb: {  	[sflag:s9] =	ssyncadd.s32 $0xFFFFF000  }
0xfc: {  	_ =	swait.ge [sflag:s9], $0x1000  }
0xfd: {  	[sflag:s9] =	ssyncset.done $0x0  }
0xfe: {  	[sflag:s9] =	ssyncadd.s32 $0xFFFFF000  }
0xff: {  	_ =	swait.ge [sflag:s9], $0x1000  }
0x100: {  	[sflag:s9] =	ssyncset.done $0x0  }
0x101: {  	[sflag:s9] =	ssyncadd.s32 $0xFFFFF000  }
0x102: {  	_ =	swait.ge [sflag:s9], $0x1000  }
0x103: {  	[sflag:s9] =	ssyncset.done $0x0  }
0x104: {  	[sflag:s9] =	ssyncadd.s32 $0xFFFFF000  }
0x105: {  	_ =	swait.ge [sflag:s9], $0x1000  }
0x106: {  	s1 =	sadd.s32 $0x140, s1;
	[sflag:s9] =	ssyncset.done $0x0  }
0x107: {  	p0 =	sne.s32 s1, $0xC80;
	[sflag:s9] =	ssyncadd.s32 $0xFFFFF000  }
.Ltmp0:
0x108: {  	_ =	swait.ge [sflag:s9], $0x1000;
	(pc) =	sbr.rel @p0 .LBB2_2-.Ltmp0, $4  }
0x109: {  	[sflag:s9] =	ssyncset.done $0x0  }
0x10a: {  	[sflag:s9] =	ssyncadd.s32 $0xFFFFF000  }
0x10b: {  	_ =	swait.ge [sflag:s9], $0x1000  }
0x10c: {  	s31 =	smov.u32 s5;
	s12 =	simm.s32 $0xCA00;
	[sflag:s9] =	ssyncset.done $0x0  }
0x10d: {  	[sflag:s9] =	ssyncadd.s32 $0xFFFFF000  }
0x10e: {  	_ =	swait.ge [sflag:s9], $0x1000  }
0x10f: {  	[sflag:s9] =	ssyncset.done $0x0  }
0x110: {  	[sflag:s9] =	ssyncadd.s32 $0xFFFFF000  }
0x111: {  	_ =	swait.ge [sflag:s9], $0x1000  }
0x112: {  	[sflag:s9] =	ssyncset.done $0x0  }
0x113: {  	s0 =	simm.s32 $0x2;
	[sflag:s9] =	ssyncadd.s32 $0xFFFFF000  }
0x114: {  	[hbm4b:s31+s3] =	stream.linear.scatter [tilespmem:s11], [sflag:$0x3], $0xA000, $0x38;
	[tilespmem:$0x14A00] =	vst v63  }
0x115: {  	_ =	swait.ge [sflag:s0], $0xA000  }
0x116: {  	[sflag:s0] =	ssyncset.done $0x0  }
0x117: {  	s1 =	simm.s32 $0x3;
	[sflag:s0] =	ssyncadd.s32 $0xFFFF6000  }
0x118: {  	_ =	swait.ge [sflag:s1], $0xA000  }
0x119: {  	s4 =	rddreg [dreg:$0x1b]  }
0x11a: {  	s31 =	rddreg [dreg:$0x19];
	s4 =	sadd.s32 $0x1, s4  }
0x11b: {  	p0 =	sne.s32 s4, s31  }
.Ltmp1:
0x11c: {  	_ = 	snop;
	(pc) =	sbr.rel @p0 .LBB2_1-.Ltmp1, $3  }
0x11d: {  	_ =	sdelay $0x1  }
0x11e: {  	[sflag:s1] =	ssyncset.done $0x0  }
0x11f: {  	[sflag:s1] =	ssyncadd.s32 $0xFFFF6000  }
0x120: {  	_ =	sfence.sel $0x180000  }
0x121: {  	[bflag:$0x0] =	sbarrier.arrive $0xFFFF  }
0x122: {  	_ =	strace $0x90000047  }
0x123: {  	s0 =	stileid.u32;
	[bflag:$0x2] =	sbarrier.arrive $0xFFFF  }
0x124: {  	p0 =	sne.s32 s0, $0x0;
	s0 =	rddreg [dreg:$0x2]  }
0x125: {  	s0 =	sadd.s32 @!p0 $0x100000, s0  }
0x126: {  	[sflag:s0] =	ssyncadd.tile.s32 @!p0 $0x1;
	_ =	shalt  }
.Lfunc_end2:
_tile_overlayer_lowered:
.L_overlay_start_2:
0x127: {  	(tag) =	ssettag $0x2  }
0x128: {  	s0 =	rddreg [dreg:$0x0];
	s2 =	stileid.u32  }
0x129: {  	s1 =	rddreg [dreg:$0x1];
	p0 =	sne.s32 s2, $0x0  }
0x12a: {  	s3 =	rddreg [dreg:$0x2];
	[bflag:$0x3] =	sbarrier.arrive $0xFFFF;
	s2 =	simm.s32 @!p0 $0x1C04  }
0x12b: {  	[timem:s3], [sflag:s2] =	dma.local @!p0 [hbm:s0], s1  }
0x12c: {  	s0 =	simm.s32 @!p0 $0x4  }
0x12d: {  	_ =	swait.ge @!p0 [sflag:s0], s1  }
0x12e: {  	s1 =	ssub.s32 @!p0 $0x0, s1;
	[sflag:s0] =	ssyncset.done @!p0 $0x0  }
0x12f: {  	[sflag:s0] =	ssyncadd.s32 @!p0 s1  }
0x130: {  	[bflag:$0x3] =	sbarrier.arrive $0xFFFF  }
0x131: {  	_ =	shalt  }

// kernel: kernel.15.cloned.1.call-start
scs
__scs_entry_jumppad:
0x0: {  	(pc) =	sbr.rel $0x88, $3  }
0x1: {  	(tag) =	ssettag $0x0;
	lr =	simm.s32 $0x1  }
0x2: {  	[smem:$0x3F80] =	sst lr;
	_ =	strace $0xD0000000  }
0x3: {  	_ = 	snop  }
0x4: {  	_ = 	snop  }
0x5: {  	_ = 	snop  }
0x6: {  	_ = 	snop  }
0x7: {  	_ = 	snop  }
__scs_overlays_trampoline_lowered:
0x8: {  	[smem:$0x3F8F] =	sst s0  }
0x9: {  	[smem:$0x3F90] =	sst s1  }
0xa: {  	[smem:$0x3F91] =	sst s2  }
0xb: {  	[smem:$0x3F92] =	sst s3  }
0xc: {  	[smem:$0x3F93] =	sst s4  }
0xd: {  	[smem:$0x3F94] =	sst s5  }
0xe: {  	[smem:$0x3F95] =	sst s6  }
0xf: {  	[smem:$0x3F96] =	sst s7  }
0x10: {  	[smem:$0x3F97] =	sst s8  }
0x11: {  	[smem:$0x3F98] =	sst s9;
	s0 =	simm.s32 @!p0 $0x0  }
0x12: {  	s1 =	sld [smem:$0x3F7E];
	s0 =	simm.s32 @p0 $0x1  }
0x13: {  	[smem:$0x3F99] =	sst s0;
	s0 =	simm.s32 @!p1 $0x0  }
0x14: {  	s2 =	sld [smem:$0x3F7D];
	s0 =	simm.s32 @p1 $0x1  }
0x15: {  	[smem:$0x3F9A] =	sst s0;
	s0 =	simm.s32 @!p2 $0x0  }
0x16: {  	s3 =	sld [smem:$0x3FDB];
	s0 =	simm.s32 @p2 $0x1  }
0x17: {  	s4 =	simm.s32 $0x1BF5;
	[smem:$0x3F9C] =	sst s0  }
0x18: {  	s0 =	sld [smem:$0x3F7F];
	_ =	swait.ge [sflag:s4], $0x0  }
0x19: {  	s7 =	sld [smem:$0x3F80]  }
0x1a: {  	s8 =	sadd.s32 $0xFFFFE003, lr  }
0x1b: {  	s9 =	sadd.s32 $0xFFFFFEF7, lr;
	s5 =	simm.s32 $0xFFFFFFFF;
	p2 =	slt.u32 s8, $0xFFFFF086  }
0x1c: {  	p1 =	slt.u32 s9, $0xF7A;
	s5 =	simm.s32 @!p2 $0x0  }
0x1d: {  	s5 =	simm.s32 @p1 $0x1;
	p0 =	seq.s32 s7, s2  }
0x1e: {  	s7 =	smul.u32 @!p0 $0xF7A, s2;
	p2 =	seq.s32 @!p0 s5, $0x0  }
0x1f: {  	s9 =	smul.u32 $0xF7A, s1;
	s8 =	simm.s32 @!p0 $0x1BF5;
	p2 =	por !p2, p0  }
0x20: {  	[sflag:s8] =	ssyncset.s32 @!p0 $0xFFFFF086;
	s6 =	sadd.s32 @!p0 s3, s7;
	s7 =	simm.s32 @!p0 $0x108  }
0x21: {  	s3 =	sadd.s32 s3, s9;
	s6 =	sadd.s32 @!p0 $0x88, s6;
	s7 =	simm.s32 @p2 $0x1082  }
0x22: {  	[simem:s7], [sflag:s8] =	dma.local @!p0 [hbm:s6], $0xF7A  }
0x23: {  	s9 =	sor.u32 $0xD0000000, s2;
	s6 =	simm.s32 $0x108;
	_ =	swait.ge @!p0 [sflag:s8], $0x0  }
0x24: {  	s3 =	sadd.s32 $0x88, s3;
	s6 =	simm.s32 @!p1 $0x1082;
	[sflag:s4] =	ssyncset.s32 $0xFFFFF086  }
0x25: {  	[simem:s6], [sflag:s4] =	dma.local [hbm:s3], $0xF7A  }
0x26: {  	[smem:$0x3F80] =	sst s1;
	(tag) =	ssettag s2;
	_ =	strace s9  }
0x27: {  	s1 =	sld [smem:$0x3F90]  }
0x28: {  	s2 =	sld [smem:$0x3F91]  }
0x29: {  	s4 =	sld [smem:$0x3F93]  }
0x2a: {  	p0 =	seq.s32 s5, $0x0;
	s5 =	sld [smem:$0x3F94]  }
0x2b: {  	s6 =	sld [smem:$0x3F95]  }
0x2c: {  	s7 =	sld [smem:$0x3F96]  }
0x2d: {  	s3 =	simm.s32 $0x108;
	s8 =	sld [smem:$0x3F97]  }
0x2e: {  	s3 =	simm.s32 @!p0 $0x1082;
	s9 =	sld [smem:$0x3F98]  }
0x2f: {  	lr =	sadd.s32 s0, s3;
	s0 =	sld [smem:$0x3F8F]  }
0x30: {  	s3 =	sld [smem:$0x3F92]  }
0x31: {  	[smem:$0x3F9B] =	sst s10  }
0x32: {  	s10 =	sld [smem:$0x3F99];
	_ =	sdelay $0x3  }
0x33: {  	p0 =	seq.s32 s10, $0x1;
	s10 =	sld [smem:$0x3F9B];
	_ =	sdelay $0x3  }
0x34: {  	[smem:$0x3F9B] =	sst s10  }
0x35: {  	s10 =	sld [smem:$0x3F9A];
	_ =	sdelay $0x3  }
0x36: {  	p1 =	seq.s32 s10, $0x1;
	s10 =	sld [smem:$0x3F9B];
	_ =	sdelay $0x3  }
0x37: {  	[smem:$0x3F9B] =	sst s10  }
0x38: {  	s10 =	sld [smem:$0x3F9C]  }
0x39: {  	_ = 	snop;
	(pc) =	sbr.ind lr, $3  }
0x3a: {  	_ = 	snop  }
0x3b: {  	_ = 	snop  }
0x3c: {  	p2 =	seq.s32 s10, $0x1;
	s10 =	sld [smem:$0x3F9B]  }
0x3d: {  	_ =	shalt  }
0x3e: {  	_ =	shalt  }
0x3f: {  	_ =	shalt  }
0x40: {  	_ =	shalt  }
0x41: {  	_ =	shalt  }
0x42: {  	_ =	shalt  }
0x43: {  	_ =	shalt  }
0x44: {  	_ =	shalt  }
0x45: {  	_ =	shalt  }
0x46: {  	_ =	shalt  }
0x47: {  	_ =	shalt  }
0x48: {  	_ =	shalt  }
0x49: {  	_ =	shalt  }
0x4a: {  	_ =	shalt  }
0x4b: {  	_ =	shalt  }
0x4c: {  	_ =	shalt  }
0x4d: {  	_ =	shalt  }
0x4e: {  	_ =	shalt  }
0x4f: {  	_ =	shalt  }
0x50: {  	_ =	shalt  }
0x51: {  	_ =	shalt  }
0x52: {  	_ =	shalt  }
0x53: {  	_ =	shalt  }
0x54: {  	_ =	shalt  }
0x55: {  	_ =	shalt  }
0x56: {  	_ =	shalt  }
0x57: {  	_ =	shalt  }
0x58: {  	_ =	shalt  }
0x59: {  	_ =	shalt  }
0x5a: {  	_ =	shalt  }
0x5b: {  	_ =	shalt  }
0x5c: {  	_ =	shalt  }
0x5d: {  	_ =	shalt  }
0x5e: {  	_ =	shalt  }
0x5f: {  	_ =	shalt  }
0x60: {  	_ =	shalt  }
0x61: {  	_ =	shalt  }
0x62: {  	_ =	shalt  }
0x63: {  	_ =	shalt  }
0x64: {  	_ =	shalt  }
0x65: {  	_ =	shalt  }
0x66: {  	_ =	shalt  }
0x67: {  	_ =	shalt  }
0x68: {  	_ =	shalt  }
0x69: {  	_ =	shalt  }
0x6a: {  	_ =	shalt  }
0x6b: {  	_ =	shalt  }
0x6c: {  	_ =	shalt  }
0x6d: {  	_ =	shalt  }
0x6e: {  	_ =	shalt  }
0x6f: {  	_ =	shalt  }
0x70: {  	_ =	shalt  }
0x71: {  	_ =	shalt  }
0x72: {  	_ =	shalt  }
0x73: {  	_ =	shalt  }
0x74: {  	_ =	shalt  }
0x75: {  	_ =	shalt  }
0x76: {  	_ =	shalt  }
0x77: {  	_ =	shalt  }
0x78: {  	_ =	shalt  }
0x79: {  	_ =	shalt  }
0x7a: {  	_ =	shalt  }
0x7b: {  	_ =	shalt  }
0x7c: {  	_ =	shalt  }
0x7d: {  	_ =	shalt  }
0x7e: {  	_ =	shalt  }
0x7f: {  	_ =	shalt  }
0x80: {  	_ =	shalt  }
0x81: {  	_ =	shalt  }
0x82: {  	_ =	shalt  }
0x83: {  	_ =	shalt  }
0x84: {  	_ =	shalt  }
0x85: {  	_ =	shalt  }
0x86: {  	_ =	shalt  }
0x87: {  	_ =	shalt  }
.Lfunc_end0:
.L_simem_size_0:
called_computation.1_lowered:
.L_overlay_start_0:
0x88: {  	s2 =	sld [smem:$0x3FD9]  }
0x89: {  	s3 =	sld [smem:$0x3FFE];
	_ =	sdelay $0x1  }
0x8a: {  	s1 =	srdreg.scid  }
0x8b: {  	s0 =	sand.u32 $0x1, s1  }
0x8c: {  	s17 =	sshll.u32 s0, $0xA;
	s2 =	sadd.s32 s3, s2  }
0x8d: {  	s2 =	sadd.s32 s2, s17  }
0x8e: {  	[smem:$0x3FA7] =	sst s2  }
0x8f: {  	_ = 	snop  }
0x90: {  	s18 =	sld [smem:$0x3FD0];
	(tm) =	ssettm $0x1  }
0x91: {  	s19 =	sld [smem:$0x3FFB];
	_ =	sdelay $0x3  }
0x92: {  	_ =	strace s19  }
0x93: {  	s2 =	sld [smem:$0x3FFC];
	_ =	sdelay $0x3  }
0x94: {  	_ =	strace s2  }
0x95: {  	s2 =	sld [smem:$0x3FFD];
	_ =	sdelay $0x3  }
0x96: {  	_ =	strace s2  }
0x97: {  	_ =	strace $0x8FFFFFFF  }
0x98: {  	s20 =	sld [smem:$0x3FDB];
	_ =	sdelay $0x1  }
0x99: {  	s4 =	simm.s32 $_scs_section_size  }
0x9a: {  	s5 =	simm.s32 $_size__tile_overlayer_lowered;
	s6 =	simm.s32 $_tile_overlayer_lowered  }
0x9b: {  	s7 =	simm.s32 $0x1BFF;
	s21 =	sshll.u32 s6, $0x1;
	s4 =	sadd.s32 s4, s20  }
0x9c: {  	s22 =	simm.s32 $0x0;
	s5 =	sshll.u32 s5, $0x1;
	s6 =	sadd.s32 s21, s4  }
0x9d: {  	[timem:s22], [sflag:s7] =	dma.local [hbm:s6], s5  }
0x9e: {  	_ =	swait.ge [sflag:s7], s5  }
0x9f: {  	s5 =	ssub.s32 $0x0, s5;
	[sflag:s7] =	ssyncset.done $0x0  }
0xa0: {  	[sflag:s7] =	ssyncadd.s32 s5;
	_ =	sdelay $0x1  }
0xa1: {  	s23 =	simm.s32 $0x1B8B  }
0xa2: {  	_ =	swait.ge [sflag:s23], $0x1  }
0xa3: {  	[sflag:s23] =	ssyncset.done $0x0  }
0xa4: {  	[sflag:s23] =	ssyncadd.s32 $0xFFFFFFFF  }
0xa5: {  	s5 =	sld [smem:$0x0]  }
0xa6: {  	s6 =	sand.u32 $0xFFFFFFFE, s1  }
0xa7: {  	p0 =	sne.s32 s1, s6  }
0xa8: {  	s6 =	sshll.u32 @p0 s6, $0xE  }
0xa9: {  	s6 =	sadd.s32 @p0 $0x11B8D, s6;
	s7 =	sshll.u32 @p0 s5, $0x11  }
0xaa: {  	s6 =	sor.u32 @p0 s7, s6  }
0xab: {  	[sflag:s6] =	ssyncadd.remote.s32 @p0 $0x1;
	_ =	sdelay $0x1  }
0xac: {  	s6 =	simm.s32 @p0 $0x1B8D  }
0xad: {  	_ =	swait.eq @p0 [sflag:s6], $0x1  }
0xae: {  	[sflag:s6] =	ssyncadd.s32 @p0 $0xFFFFFFFF  }
0xaf: {  	s7 =	sshll.u32 @!p0 s1, $0xE  }
0xb0: {  	s7 =	sor.u32 @!p0 $0x4000, s7;
	s6 =	simm.s32 @!p0 $0x1B8D  }
0xb1: {  	s5 =	sshll.u32 @!p0 s5, $0x11;
	s7 =	sadd.s32 @!p0 $0x11B8D, s7;
	_ =	swait.eq @!p0 [sflag:s6], $0x1  }
0xb2: {  	s5 =	sor.u32 @!p0 s5, s7;
	[sflag:s6] =	ssyncadd.s32 @!p0 $0xFFFFFFFF  }
0xb3: {  	s25 =	simm.s32 $0x1B8E;
	s24 =	sld [smem:$0x3FFE];
	[sflag:s5] =	ssyncadd.remote.s32 @!p0 $0x1  }
0xb4: {  	s26 =	simm.s32 $execute0_lowered;
	[smem:$0x3FD2] =	sst s25  }
0xb5: {  	s6 =	sshll.u32 s26, $0x1;
	_ =	strace $0x80000049;
	[dreg:$0x1] =	wrdreg $0xFFFFFFFF  }
0xb6: {  	s28 =	simm.s32 $_size_execute0_lowered;
	s4 =	sadd.s32 s4, s6;
	[dreg:$0x0] =	wrdreg $0x0  }
0xb7: {  	s6 =	sshll.u32 s28, $0x1;
	[dreg:$0x2] =	wrdreg s4  }
0xb8: {  	[dreg:$0x3] =	wrdreg s6  }
0xb9: {  	[dreg:$0x4] =	wrdreg $0xC0  }
0xba: {  	_ =	task [dreg:s22], $0x5FFFF  }
0xbb: {  	[dreg:$0x1] =	wrdreg $0xFFFFFFFF  }
0xbc: {  	[dreg:$0x0] =	wrdreg $0x60  }
0xbd: {  	[dreg:$0x2] =	wrdreg s18  }
0xbe: {  	[dreg:$0x3] =	wrdreg s24  }
0xbf: {  	[dreg:$0x4] =	wrdreg $0xA  }
0xc0: {  	_ =	task.clear_ibuf [dreg:s22], $0x5FFFF;
	_ =	strace $0x90000049  }
0xc1: {  	s29 =	simm.s32 $0xA;
	_ =	strace $0x8000004B  }
0xc2: {  	_ =	swait.ge [sflag:s29], $0x1  }
0xc3: {  	[sflag:s29] =	ssyncadd.s32 $0xFFFFFFFF  }
0xc4: {  	_ =	strace $0x9000004B  }
0xc5: {  	_ =	sfence  }
0xc6: {  	s30 =	sld [smem:$0x0];
	_ =	sdelay $0x2  }
0xc7: {  	s31 =	sshll.u32 s1, $0xD;
	s1 =	sshrl.u32 s1, $0x2  }
0xc8: {  	s4 =	sand.u32 $0x4000, s31;
	s1 =	sadd.s32 s1, s30  }
0xc9: {  	s0 =	sor.u32 s4, s0;
	s1 =	sshll.u32 s1, $0x11  }
0xca: {  	s0 =	sor.u32 s1, s0  }
0xcb: {  	s0 =	sadd.s32 $0x8F2B, s0  }
0xcc: {  	[sflag:s0] =	ssyncadd.remote.s32 $0x1  }
0xcd: {  	_ =	sfence.sel $0xFFFF  }
0xce: {  	[dreg:$0x0] =	wrdreg $0xFFFFFFFF;
	(pc) =	sbr.abs _section_cstart, $3  }
0xcf: {  	[dreg:$0x1] =	wrdreg $0xFFFFFFFF  }
0xd0: {  	_ =	task.clear_ibuf [dreg:s22], $0x2FFFF;
	_ =	strace $0x9FFFFFFF  }
0xd1: {  	(tm) =	ssettm $0x7FFFFFFF  }
tec
execute0_lowered:
.L_overlay_start_1:
0x0: {  	(tag) =	ssettag $0x1  }
0x1: {  	s2 =	rddreg [dreg:$0x0]  }
0x2: {  	s4 =	rddreg [dreg:$0x1];
	s3 =	simm.s32 $0x0  }
0x3: {  	s8 =	simm.s32 $0x1A00;
	[smem:$0x7FF] =	sst s3  }
0x4: {  	s9 =	simm.s32 $0x100;
	_ =	strace $0x8000004A;
	[dreg:$0x5] =	wrdreg s8  }
0x5: {  	s10 =	simm.s32 $0x2A00;
	[dreg:$0x6] =	wrdreg s9  }
0x6: {  	s11 =	simm.s32 $0x180;
	[dreg:$0x7] =	wrdreg s10  }
0x7: {  	s12 =	simm.s32 $0x3A00;
	[dreg:$0x8] =	wrdreg s11  }
0x8: {  	s13 =	simm.s32 $0x200;
	[dreg:$0x9] =	wrdreg s12  }
0x9: {  	s15 =	simm.s32 $0x4A00;
	[dreg:$0xa] =	wrdreg s13  }
0xa: {  	s16 =	simm.s32 $0x280;
	[dreg:$0xb] =	wrdreg s15  }
0xb: {  	s7 =	stileid.u32;
	s17 =	simm.s32 $0x5A00;
	[dreg:$0xc] =	wrdreg s16  }
0xc: {  	s0 =	srdreg.scid;
	s19 =	simm.s32 $0x300;
	[dreg:$0xd] =	wrdreg s17  }
0xd: {  	s21 =	simm.s32 $0x6A00;
	s22 =	simm.s32 $0x380;
	[dreg:$0xe] =	wrdreg s19  }
0xe: {  	s23 =	simm.s32 $0x7A00;
	s24 =	simm.s32 $0x400;
	[dreg:$0xf] =	wrdreg s21  }
0xf: {  	s25 =	simm.s32 $0x8A00;
	s26 =	simm.s32 $0x480;
	[dreg:$0x10] =	wrdreg s22  }
0x10: {  	s28 =	simm.s32 $0x9A00;
	s29 =	simm.s32 $0x580;
	[dreg:$0x11] =	wrdreg s23  }
0x11: {  	s30 =	simm.s32 $0xBA00;
	s0 =	sand.u32 $0x1, s0;
	[dreg:$0x12] =	wrdreg s24  }
0x12: {  	s1 =	smul.u32 $0xC800, s7;
	s31 =	sadd.s32 $0x1A5E00, s4;
	[dreg:$0x13] =	wrdreg s25  }
0x13: {  	s14 =	smul.u32 $0x32000, s7;
	s7 =	simm.s32 $0x80;
	[dreg:$0x14] =	wrdreg s26  }
0x14: {  	s5 =	smul.u32 $0x6400, s0;
	s18 =	ssub.s32 $0x2, s0;
	[dreg:$0x15] =	wrdreg s28  }
0x15: {  	s0 =	smul.u32 $0x19000, s0;
	s8 =	simm.s32 $0xA00;
	[dreg:$0x16] =	wrdreg s29  }
0x16: {  	s9 =	simm.s32 $0x1;
	[dreg:$0x17] =	wrdreg s30;
	s10 =	simm.s32 $0x500  }
0x17: {  	s11 =	simm.s32 $0xAA00;
	s12 =	simm.s32 $0xCA00;
	s13 =	simm.s32 $0x680  }
0x18: {  	s15 =	simm.s32 $0x700;
	s16 =	simm.s32 $0xEA00;
	s17 =	simm.s32 $0x780  }
0x19: {  	s19 =	simm.s32 $0x800;
	s21 =	simm.s32 $0x880;
	s22 =	simm.s32 $0x11A00  }
0x1a: {  	s23 =	simm.s32 $0x900;
	s24 =	simm.s32 $0x12A00;
	s25 =	simm.s32 $0x980  }
0x1b: {  	s26 =	simm.s32 $0x13A00;
	s4 =	sadd.s32 s14, s4;
	s20 =	sshrl.u32 s18, $0x1  }
0x1c: {  	s14 =	simm.s32 $0xDA00;
	s1 =	sadd.s32 s5, s1;
	s5 =	ssub.s32 s18, s20  }
0x1d: {  	s0 =	sadd.s32 s0, s4;
	s6 =	sshrl.u32 s1, $0x3;
	s5 =	smax.u32 s5, $0x1  }
0x1e: {  	s1 =	sadd.s32 $0x500, s1;
	s0 =	sadd.s32 $0x7BB600, s0;
	[dreg:$0x19] =	wrdreg s5  }
0x1f: {  	s6 =	sadd.s32 s6, s31;
	s1 =	sshrl.u32 s1, $0x3;
	[dreg:$0x1a] =	wrdreg s0  }
0x20: {  	s18 =	simm.s32 $0xFA00;
	[dreg:$0x3] =	wrdreg s6;
	s1 =	sadd.s32 s1, s31  }
0x21: {  	s20 =	simm.s32 $0x10A00;
	s31 =	simm.s32 $0x600;
	[dreg:$0x4] =	wrdreg s1  }
0x22: {  	s4 =	simm.s32 $0x0;
	s6 =	simm.s32 $0x4;
	[dreg:$0x18] =	wrdreg s31  }
.LBB2_1:
0x23: {  	p0 =	por $0x1, $0x1  }
0x24: {  	[dreg:$0x1b] =	wrdreg s4;
	s1 =	simm.s32 @!p0 $0x2  }
0x25: {  	_ =	swait.ge @!p0 [sflag:s1], $0xA000  }
0x26: {  	s29 =	rddreg [dreg:$0x3];
	[sflag:s1] =	ssyncset.done @!p0 $0x0  }
0x27: {  	[sflag:s1] =	ssyncadd.s32 @!p0 $0xFFFF6000;
	s30 =	sadd.s32 $0x0, s29  }
0x28: {  	[tilespmem:s3], [sflag:$0x4] =	stream.linear.gather [hbm4b:s30+s3], $0x500, $0x38;
	[tilespmem:$0x14A00] =	vst v63  }
0x29: {  	_ =	swait.ge [sflag:s6], $0x500  }
0x2a: {  	s0 =	rddreg [dreg:$0x6]  }
0x2b: {  	s28 =	rddreg [dreg:$0x5]  }
0x2c: {  	s5 =	rddreg [dreg:$0x7]  }
0x2d: {  	[sflag:s6] =	ssyncset.done $0x0;
	s31 =	rddreg [dreg:$0x9]  }
0x2e: {  	s29 =	rddreg [dreg:$0x8];
	[sflag:s6] =	ssyncadd.s32 $0xFFFFFB00  }
0x2f: {  	[tilespmem:s8], [sflag:$0x1] =	stream.indirect.gather [hbm4b:s2+s7], $0x20, s3, s7, $0xb8;
	[tilespmem:$0x14A00] =	vst v63  }
0x30: {  	s30 =	rddreg [dreg:$0xb]  }
0x31: {  	[tilespmem:s28], [sflag:$0x1] =	stream.indirect.gather [hbm4b:s2+s7], $0x20, s7, s7, $0xb8;
	[tilespmem:$0x14A00] =	vst v63  }
0x32: {  	s28 =	rddreg [dreg:$0xd]  }
0x33: {  	[tilespmem:s5], [sflag:$0x1] =	stream.indirect.gather [hbm4b:s2+s7], $0x20, s0, s7, $0xb8;
	[tilespmem:$0x14A00] =	vst v63  }
0x34: {  	s0 =	rddreg [dreg:$0xa]  }
0x35: {  	[tilespmem:s31], [sflag:$0x1] =	stream.indirect.gather [hbm4b:s2+s7], $0x20, s29, s7, $0xb8;
	[tilespmem:$0x14A00] =	vst v63  }
0x36: {  	s31 =	rddreg [dreg:$0xc]  }
0x37: {  	s29 =	rddreg [dreg:$0xf]  }
0x38: {  	[tilespmem:s30], [sflag:$0x1] =	stream.indirect.gather [hbm4b:s2+s7], $0x20, s0, s7, $0xb8;
	[tilespmem:$0x14A00] =	vst v63  }
0x39: {  	s30 =	rddreg [dreg:$0xe]  }
0x3a: {  	s0 =	rddreg [dreg:$0x11]  }
0x3b: {  	[tilespmem:s28], [sflag:$0x1] =	stream.indirect.gather [hbm4b:s2+s7], $0x20, s31, s7, $0xb8;
	[tilespmem:$0x14A00] =	vst v63  }
0x3c: {  	s31 =	rddreg [dreg:$0x10]  }
0x3d: {  	s28 =	rddreg [dreg:$0x13]  }
0x3e: {  	[tilespmem:s29], [sflag:$0x1] =	stream.indirect.gather [hbm4b:s2+s7], $0x20, s30, s7, $0xb8;
	[tilespmem:$0x14A00] =	vst v63  }
0x3f: {  	s29 =	rddreg [dreg:$0x12]  }
0x40: {  	[tilespmem:s0], [sflag:$0x1] =	stream.indirect.gather [hbm4b:s2+s7], $0x20, s31, s7, $0xb8;
	[tilespmem:$0x14A00] =	vst v63  }
0x41: {  	s30 =	rddreg [dreg:$0x15]  }
0x42: {  	[tilespmem:s28], [sflag:$0x1] =	stream.indirect.gather [hbm4b:s2+s7], $0x20, s29, s7, $0xb8;
	[tilespmem:$0x14A00] =	vst v63  }
0x43: {  	s31 =	rddreg [dreg:$0x14]  }
0x44: {  	[tilespmem:s30], [sflag:$0x1] =	stream.indirect.gather [hbm4b:s2+s7], $0x20, s31, s7, $0xb8;
	[tilespmem:$0x14A00] =	vst v63  }
0x45: {  	_ =	swait.ge [sflag:s9], $0x1000  }
0x46: {  	[sflag:s9] =	ssyncset.done $0x0  }
0x47: {  	[sflag:s9] =	ssyncadd.s32 $0xFFFFF000  }
0x48: {  	_ =	swait.ge [sflag:s9], $0x1000  }
0x49: {  	[sflag:s9] =	ssyncset.done $0x0  }
0x4a: {  	[sflag:s9] =	ssyncadd.s32 $0xFFFFF000  }
0x4b: {  	_ =	swait.ge [sflag:s9], $0x1000  }
0x4c: {  	[sflag:s9] =	ssyncset.done $0x0  }
0x4d: {  	[sflag:s9] =	ssyncadd.s32 $0xFFFFF000  }
0x4e: {  	_ =	swait.ge [sflag:s9], $0x1000  }
0x4f: {  	[sflag:s9] =	ssyncset.done $0x0  }
0x50: {  	[sflag:s9] =	ssyncadd.s32 $0xFFFFF000  }
0x51: {  	_ =	swait.ge [sflag:s9], $0x1000  }
0x52: {  	[sflag:s9] =	ssyncset.done $0x0  }
0x53: {  	[sflag:s9] =	ssyncadd.s32 $0xFFFFF000  }
0x54: {  	_ =	swait.ge [sflag:s9], $0x1000  }
0x55: {  	[sflag:s9] =	ssyncset.done $0x0  }
0x56: {  	[sflag:s9] =	ssyncadd.s32 $0xFFFFF000  }
0x57: {  	_ =	swait.ge [sflag:s9], $0x1000  }
0x58: {  	[sflag:s9] =	ssyncset.done $0x0  }
0x59: {  	[sflag:s9] =	ssyncadd.s32 $0xFFFFF000  }
0x5a: {  	_ =	swait.ge [sflag:s9], $0x1000  }
0x5b: {  	[sflag:s9] =	ssyncset.done $0x0  }
0x5c: {  	[sflag:s9] =	ssyncadd.s32 $0xFFFFF000  }
0x5d: {  	_ =	swait.ge [sflag:s9], $0x1000  }
0x5e: {  	[sflag:s9] =	ssyncset.done $0x0  }
0x5f: {  	[sflag:s9] =	ssyncadd.s32 $0xFFFFF000  }
0x60: {  	_ =	swait.ge [sflag:s9], $0x1000  }
0x61: {  	[sflag:s9] =	ssyncset.done $0x0;
	s31 =	rddreg [dreg:$0x1a]  }
0x62: {  	s4 =	simm.s32 @!p0 $0x3;
	s0 =	sadd.s32 $0xFFFFEC00, s31;
	[sflag:s9] =	ssyncadd.s32 $0xFFFFF000  }
0x63: {  	[hbm4b:s0+s3] =	stream.linear.scatter [tilespmem:s8], [sflag:$0x2], $0xA000, $0x38;
	[tilespmem:$0x14A00] =	vst v63  }
0x64: {  	_ =	swait.ge @!p0 [sflag:s4], $0xA000  }
0x65: {  	s5 =	rddreg [dreg:$0x4];
	[sflag:s4] =	ssyncset.done @!p0 $0x0  }
0x66: {  	[sflag:s4] =	ssyncadd.s32 @!p0 $0xFFFF6000;
	s1 =	sadd.s32 $0x0, s5  }
0x67: {  	[tilespmem:s10], [sflag:$0x4] =	stream.linear.gather [hbm4b:s1+s3], $0x500, $0x38;
	[tilespmem:$0x14A00] =	vst v63  }
0x68: {  	_ =	swait.ge [sflag:s6], $0x500  }
0x69: {  	[sflag:s6] =	ssyncset.done $0x0  }
0x6a: {  	s28 =	rddreg [dreg:$0x16];
	[sflag:s6] =	ssyncadd.s32 $0xFFFFFB00  }
0x6b: {  	[tilespmem:s11], [sflag:$0x1] =	stream.indirect.gather [hbm4b:s2+s7], $0x20, s10, s7, $0xb8;
	[tilespmem:$0x14A00] =	vst v63  }
0x6c: {  	s29 =	rddreg [dreg:$0x17]  }
0x6d: {  	[tilespmem:s29], [sflag:$0x1] =	stream.indirect.gather [hbm4b:s2+s7], $0x20, s28, s7, $0xb8;
	[tilespmem:$0x14A00] =	vst v63  }
0x6e: {  	s30 =	rddreg [dreg:$0x18]  }
0x6f: {  	[tilespmem:s12], [sflag:$0x1] =	stream.indirect.gather [hbm4b:s2+s7], $0x20, s30, s7, $0xb8;
	[tilespmem:$0x14A00] =	vst v63  }
0x70: {  	_ = 	snop  }
0x71: {  	[tilespmem:s14], [sflag:$0x1] =	stream.indirect.gather [hbm4b:s2+s7], $0x20, s13, s7, $0xb8;
	[tilespmem:$0x14A00] =	vst v63  }
0x72: {  	_ = 	snop  }
0x73: {  	[tilespmem:s16], [sflag:$0x1] =	stream.indirect.gather [hbm4b:s2+s7], $0x20, s15, s7, $0xb8;
	[tilespmem:$0x14A00] =	vst v63  }
0x74: {  	_ = 	snop  }
0x75: {  	[tilespmem:s18], [sflag:$0x1] =	stream.indirect.gather [hbm4b:s2+s7], $0x20, s17, s7, $0xb8;
	[tilespmem:$0x14A00] =	vst v63  }
0x76: {  	_ = 	snop  }
0x77: {  	[tilespmem:s20], [sflag:$0x1] =	stream.indirect.gather [hbm4b:s2+s7], $0x20, s19, s7, $0xb8;
	[tilespmem:$0x14A00] =	vst v63  }
0x78: {  	_ = 	snop  }
0x79: {  	[tilespmem:s22], [sflag:$0x1] =	stream.indirect.gather [hbm4b:s2+s7], $0x20, s21, s7, $0xb8;
	[tilespmem:$0x14A00] =	vst v63  }
0x7a: {  	_ = 	snop  }
0x7b: {  	[tilespmem:s24], [sflag:$0x1] =	stream.indirect.gather [hbm4b:s2+s7], $0x20, s23, s7, $0xb8;
	[tilespmem:$0x14A00] =	vst v63  }
0x7c: {  	_ = 	snop  }
0x7d: {  	[tilespmem:s26], [sflag:$0x1] =	stream.indirect.gather [hbm4b:s2+s7], $0x20, s25, s7, $0xb8;
	[tilespmem:$0x14A00] =	vst v63  }
0x7e: {  	_ =	swait.ge [sflag:s9], $0x1000  }
0x7f: {  	[sflag:s9] =	ssyncset.done $0x0  }
0x80: {  	[sflag:s9] =	ssyncadd.s32 $0xFFFFF000  }
0x81: {  	_ =	swait.ge [sflag:s9], $0x1000  }
0x82: {  	[sflag:s9] =	ssyncset.done $0x0  }
0x83: {  	[sflag:s9] =	ssyncadd.s32 $0xFFFFF000  }
0x84: {  	_ =	swait.ge [sflag:s9], $0x1000  }
0x85: {  	[sflag:s9] =	ssyncset.done $0x0  }
0x86: {  	[sflag:s9] =	ssyncadd.s32 $0xFFFFF000  }
0x87: {  	_ =	swait.ge [sflag:s9], $0x1000  }
0x88: {  	[sflag:s9] =	ssyncset.done $0x0  }
0x89: {  	[sflag:s9] =	ssyncadd.s32 $0xFFFFF000  }
0x8a: {  	_ =	swait.ge [sflag:s9], $0x1000  }
0x8b: {  	[sflag:s9] =	ssyncset.done $0x0  }
0x8c: {  	[sflag:s9] =	ssyncadd.s32 $0xFFFFF000  }
0x8d: {  	_ =	swait.ge [sflag:s9], $0x1000  }
0x8e: {  	[sflag:s9] =	ssyncset.done $0x0  }
0x8f: {  	[sflag:s9] =	ssyncadd.s32 $0xFFFFF000  }
0x90: {  	_ =	swait.ge [sflag:s9], $0x1000  }
0x91: {  	[sflag:s9] =	ssyncset.done $0x0  }
0x92: {  	[sflag:s9] =	ssyncadd.s32 $0xFFFFF000  }
0x93: {  	_ =	swait.ge [sflag:s9], $0x1000  }
0x94: {  	s5 =	smov.u32 s31;
	s1 =	simm.s32 $0x140;
	[sflag:s9] =	ssyncset.done $0x0  }
.LBB2_2:
0x95: {  	[sflag:s9] =	ssyncadd.s32 $0xFFFFF000  }
0x96: {  	_ =	swait.ge [sflag:s9], $0x1000  }
0x97: {  	[sflag:s9] =	ssyncset.done $0x0  }
0x98: {  	[sflag:s9] =	ssyncadd.s32 $0xFFFFF000  }
0x99: {  	s4 =	smov.u32 s1;
	_ =	swait.ge [sflag:s9], $0x1000  }
0x9a: {  	p1 =	seq.s32 s4, $0x0;
	[sflag:s9] =	ssyncset.done $0x0  }
0x9b: {  	s28 =	simm.s32 @!p1 $0x2;
	[sflag:s9] =	ssyncadd.s32 $0xFFFFF000  }
0x9c: {  	[hbm4b:s31+s3] =	stream.linear.scatter [tilespmem:s11], [sflag:$0x3], $0xA000, $0x38;
	[tilespmem:$0x14A00] =	vst v63  }
0x9d: {  	_ =	swait.ge @!p1 [sflag:s28], $0xA000  }
0x9e: {  	[sflag:s28] =	ssyncset.done @!p1 $0x0;
	s29 =	rddreg [dreg:$0x3]  }
0x9f: {  	[sflag:s28] =	ssyncadd.s32 @!p1 $0xFFFF6000;
	s29 =	sadd.s32 s4, s29  }
0xa0: {  	[tilespmem:s3], [sflag:$0x4] =	stream.linear.gather [hbm4b:s29+s3], $0x500, $0x38;
	[tilespmem:$0x14A00] =	vst v63  }
0xa1: {  	_ =	swait.ge [sflag:s6], $0x500  }
0xa2: {  	s28 =	rddreg [dreg:$0x15]  }
0xa3: {  	s29 =	rddreg [dreg:$0x13]  }
0xa4: {  	s0 =	rddreg [dreg:$0x11]  }
0xa5: {  	s30 =	rddreg [dreg:$0xf]  }
0xa6: {  	s12 =	rddreg [dreg:$0xd]  }
0xa7: {  	s13 =	rddreg [dreg:$0xb]  }
0xa8: {  	[sflag:s6] =	ssyncset.done $0x0;
	s14 =	rddreg [dreg:$0x6]  }
0xa9: {  	s15 =	rddreg [dreg:$0x5];
	[sflag:s6] =	ssyncadd.s32 $0xFFFFFB00  }
0xaa: {  	[tilespmem:s8], [sflag:$0x1] =	stream.indirect.gather [hbm4b:s2+s7], $0x20, s3, s7, $0xb8;
	[tilespmem:$0x14A00] =	vst v63  }
0xab: {  	s16 =	rddreg [dreg:$0x7]  }
0xac: {  	[tilespmem:s15], [sflag:$0x1] =	stream.indirect.gather [hbm4b:s2+s7], $0x20, s7, s7, $0xb8;
	[tilespmem:$0x14A00] =	vst v63  }
0xad: {  	s17 =	rddreg [dreg:$0x9]  }
0xae: {  	[tilespmem:s16], [sflag:$0x1] =	stream.indirect.gather [hbm4b:s2+s7], $0x20, s14, s7, $0xb8;
	[tilespmem:$0x14A00] =	vst v63  }
0xaf: {  	s15 =	rddreg [dreg:$0x8]  }
0xb0: {  	[tilespmem:s17], [sflag:$0x1] =	stream.indirect.gather [hbm4b:s2+s7], $0x20, s15, s7, $0xb8;
	[tilespmem:$0x14A00] =	vst v63  }
0xb1: {  	s14 =	rddreg [dreg:$0xa]  }
0xb2: {  	[tilespmem:s13], [sflag:$0x1] =	stream.indirect.gather [hbm4b:s2+s7], $0x20, s14, s7, $0xb8;
	[tilespmem:$0x14A00] =	vst v63  }
0xb3: {  	s15 =	rddreg [dreg:$0xc]  }
0xb4: {  	[tilespmem:s12], [sflag:$0x1] =	stream.indirect.gather [hbm4b:s2+s7], $0x20, s15, s7, $0xb8;
	[tilespmem:$0x14A00] =	vst v63  }
0xb5: {  	s13 =	rddreg [dreg:$0xe]  }
0xb6: {  	[tilespmem:s30], [sflag:$0x1] =	stream.indirect.gather [hbm4b:s2+s7], $0x20, s13, s7, $0xb8;
	[tilespmem:$0x14A00] =	vst v63  }
0xb7: {  	s12 =	rddreg [dreg:$0x10]  }
0xb8: {  	[tilespmem:s0], [sflag:$0x1] =	stream.indirect.gather [hbm4b:s2+s7], $0x20, s12, s7, $0xb8;
	[tilespmem:$0x14A00] =	vst v63  }
0xb9: {  	s30 =	rddreg [dreg:$0x12]  }
0xba: {  	[tilespmem:s29], [sflag:$0x1] =	stream.indirect.gather [hbm4b:s2+s7], $0x20, s30, s7, $0xb8;
	[tilespmem:$0x14A00] =	vst v63  }
0xbb: {  	s12 =	rddreg [dreg:$0x14]  }
0xbc: {  	[tilespmem:s28], [sflag:$0x1] =	stream.indirect.gather [hbm4b:s2+s7], $0x20, s12, s7, $0xb8;
	[tilespmem:$0x14A00] =	vst v63  }
0xbd: {  	_ =	swait.ge [sflag:s9], $0x1000  }
0xbe: {  	[sflag:s9] =	ssyncset.done $0x0  }
0xbf: {  	[sflag:s9] =	ssyncadd.s32 $0xFFFFF000  }
0xc0: {  	_ =	swait.ge [sflag:s9], $0x1000  }
0xc1: {  	[sflag:s9] =	ssyncset.done $0x0  }
0xc2: {  	[sflag:s9] =	ssyncadd.s32 $0xFFFFF000  }
0xc3: {  	_ =	swait.ge [sflag:s9], $0x1000  }
0xc4: {  	[sflag:s9] =	ssyncset.done $0x0  }
0xc5: {  	[sflag:s9] =	ssyncadd.s32 $0xFFFFF000  }
0xc6: {  	_ =	swait.ge [sflag:s9], $0x1000  }
0xc7: {  	[sflag:s9] =	ssyncset.done $0x0  }
0xc8: {  	[sflag:s9] =	ssyncadd.s32 $0xFFFFF000  }
0xc9: {  	_ =	swait.ge [sflag:s9], $0x1000  }
0xca: {  	[sflag:s9] =	ssyncset.done $0x0  }
0xcb: {  	[sflag:s9] =	ssyncadd.s32 $0xFFFFF000  }
0xcc: {  	_ =	swait.ge [sflag:s9], $0x1000  }
0xcd: {  	[sflag:s9] =	ssyncset.done $0x0  }
0xce: {  	[sflag:s9] =	ssyncadd.s32 $0xFFFFF000  }
0xcf: {  	_ =	swait.ge [sflag:s9], $0x1000  }
0xd0: {  	[sflag:s9] =	ssyncset.done $0x0  }
0xd1: {  	[sflag:s9] =	ssyncadd.s32 $0xFFFFF000  }
0xd2: {  	_ =	swait.ge [sflag:s9], $0x1000  }
0xd3: {  	[sflag:s9] =	ssyncset.done $0x0  }
0xd4: {  	[sflag:s9] =	ssyncadd.s32 $0xFFFFF000  }
0xd5: {  	_ =	swait.ge [sflag:s9], $0x1000  }
0xd6: {  	[sflag:s9] =	ssyncset.done $0x0  }
0xd7: {  	[sflag:s9] =	ssyncadd.s32 $0xFFFFF000  }
0xd8: {  	_ =	swait.ge [sflag:s9], $0x1000  }
0xd9: {  	s5 =	sadd.s32 $0x2800, s5;
	[sflag:s9] =	ssyncset.done $0x0  }
0xda: {  	s29 =	sadd.s32 $0xFFFFEC00, s5;
	s12 =	simm.s32 @!p1 $0x3;
	[sflag:s9] =	ssyncadd.s32 $0xFFFFF000  }
0xdb: {  	[hbm4b:s29+s3] =	stream.linear.scatter [tilespmem:s8], [sflag:$0x2], $0xA000, $0x38;
	[tilespmem:$0x14A00] =	vst v63  }
0xdc: {  	_ =	swait.ge @!p1 [sflag:s12], $0xA000  }
0xdd: {  	[sflag:s12] =	ssyncset.done @!p1 $0x0;
	s30 =	rddreg [dreg:$0x4]  }
0xde: {  	[sflag:s12] =	ssyncadd.s32 @!p1 $0xFFFF6000;
	s0 =	sadd.s32 s4, s30  }
0xdf: {  	[tilespmem:s10], [sflag:$0x4] =	stream.linear.gather [hbm4b:s0+s3], $0x500, $0x38;
	[tilespmem:$0x14A00] =	vst v63  }
0xe0: {  	_ =	swait.ge [sflag:s6], $0x500  }
0xe1: {  	[sflag:s6] =	ssyncset.done $0x0  }
0xe2: {  	s28 =	rddreg [dreg:$0x16];
	[sflag:s6] =	ssyncadd.s32 $0xFFFFFB00  }
0xe3: {  	[tilespmem:s11], [sflag:$0x1] =	stream.indirect.gather [hbm4b:s2+s7], $0x20, s10, s7, $0xb8;
	[tilespmem:$0x14A00] =	vst v63  }
0xe4: {  	s29 =	rddreg [dreg:$0x17]  }
0xe5: {  	[tilespmem:s29], [sflag:$0x1] =	stream.indirect.gather [hbm4b:s2+s7], $0x20, s28, s7, $0xb8;
	[tilespmem:$0x14A00] =	vst v63  }
0xe6: {  	s18 =	simm.s32 $0xCA00;
	s30 =	rddreg [dreg:$0x18]  }
0xe7: {  	[tilespmem:s18], [sflag:$0x1] =	stream.indirect.gather [hbm4b:s2+s7], $0x20, s30, s7, $0xb8;
	[tilespmem:$0x14A00] =	vst v63  }
0xe8: {  	s14 =	simm.s32 $0xDA00;
	s13 =	simm.s32 $0x680  }
0xe9: {  	[tilespmem:s14], [sflag:$0x1] =	stream.indirect.gather [hbm4b:s2+s7], $0x20, s13, s7, $0xb8;
	[tilespmem:$0x14A00] =	vst v63  }
0xea: {  	s16 =	simm.s32 $0xEA00;
	s15 =	simm.s32 $0x700  }
0xeb: {  	[tilespmem:s16], [sflag:$0x1] =	stream.indirect.gather [hbm4b:s2+s7], $0x20, s15, s7, $0xb8;
	[tilespmem:$0x14A00] =	vst v63  }
0xec: {  	s17 =	simm.s32 $0x780;
	s18 =	simm.s32 $0xFA00  }
0xed: {  	[tilespmem:s18], [sflag:$0x1] =	stream.indirect.gather [hbm4b:s2+s7], $0x20, s17, s7, $0xb8;
	[tilespmem:$0x14A00] =	vst v63  }
0xee: {  	_ = 	snop  }
0xef: {  	[tilespmem:s20], [sflag:$0x1] =	stream.indirect.gather [hbm4b:s2+s7], $0x20, s19, s7, $0xb8;
	[tilespmem:$0x14A00] =	vst v63  }
0xf0: {  	_ = 	snop  }
0xf1: {  	[tilespmem:s22], [sflag:$0x1] =	stream.indirect.gather [hbm4b:s2+s7], $0x20, s21, s7, $0xb8;
	[tilespmem:$0x14A00] =	vst v63  }
0xf2: {  	_ = 	snop  }
0xf3: {  	[tilespmem:s24], [sflag:$0x1] =	stream.indirect.gather [hbm4b:s2+s7], $0x20, s23, s7, $0xb8;
	[tilespmem:$0x14A00] =	vst v63  }
0xf4: {  	_ = 	snop  }
0xf5: {  	[tilespmem:s26], [sflag:$0x1] =	stream.indirect.gather [hbm4b:s2+s7], $0x20, s25, s7, $0xb8;
	[tilespmem:$0x14A00] =	vst v63  }
0xf6: {  	_ =	swait.ge [sflag:s9], $0x1000  }
0xf7: {  	[sflag:s9] =	ssyncset.done $0x0  }
0xf8: {  	[sflag:s9] =	ssyncadd.s32 $0xFFFFF000  }
0xf9: {  	_ =	swait.ge [sflag:s9], $0x1000  }
0xfa: {  	[sflag:s9] =	ssyncset.done $0x0  }
0xfb: {  	[sflag:s9] =	ssyncadd.s32 $0xFFFFF000  }
0xfc: {  	_ =	swait.ge [sflag:s9], $0x1000  }
0xfd: {  	[sflag:s9] =	ssyncset.done $0x0  }
0xfe: {  	[sflag:s9] =	ssyncadd.s32 $0xFFFFF000  }
0xff: {  	_ =	swait.ge [sflag:s9], $0x1000  }
0x100: {  	[sflag:s9] =	ssyncset.done $0x0  }
0x101: {  	[sflag:s9] =	ssyncadd.s32 $0xFFFFF000  }
0x102: {  	_ =	swait.ge [sflag:s9], $0x1000  }
0x103: {  	[sflag:s9] =	ssyncset.done $0x0  }
0x104: {  	[sflag:s9] =	ssyncadd.s32 $0xFFFFF000  }
0x105: {  	_ =	swait.ge [sflag:s9], $0x1000  }
0x106: {  	s1 =	sadd.s32 $0x140, s1;
	[sflag:s9] =	ssyncset.done $0x0  }
0x107: {  	p0 =	sne.s32 s1, $0xC80;
	[sflag:s9] =	ssyncadd.s32 $0xFFFFF000  }
.Ltmp0:
0x108: {  	_ =	swait.ge [sflag:s9], $0x1000;
	(pc) =	sbr.rel @p0 .LBB2_2-.Ltmp0, $4  }
0x109: {  	[sflag:s9] =	ssyncset.done $0x0  }
0x10a: {  	[sflag:s9] =	ssyncadd.s32 $0xFFFFF000  }
0x10b: {  	_ =	swait.ge [sflag:s9], $0x1000  }
0x10c: {  	s31 =	smov.u32 s5;
	s12 =	simm.s32 $0xCA00;
	[sflag:s9] =	ssyncset.done $0x0  }
0x10d: {  	[sflag:s9] =	ssyncadd.s32 $0xFFFFF000  }
0x10e: {  	_ =	swait.ge [sflag:s9], $0x1000  }
0x10f: {  	[sflag:s9] =	ssyncset.done $0x0  }
0x110: {  	[sflag:s9] =	ssyncadd.s32 $0xFFFFF000  }
0x111: {  	_ =	swait.ge [sflag:s9], $0x1000  }
0x112: {  	[sflag:s9] =	ssyncset.done $0x0  }
0x113: {  	s0 =	simm.s32 $0x2;
	[sflag:s9] =	ssyncadd.s32 $0xFFFFF000  }
0x114: {  	[hbm4b:s31+s3] =	stream.linear.scatter [tilespmem:s11], [sflag:$0x3], $0xA000, $0x38;
	[tilespmem:$0x14A00] =	vst v63  }
0x115: {  	_ =	swait.ge [sflag:s0], $0xA000  }
0x116: {  	[sflag:s0] =	ssyncset.done $0x0  }
0x117: {  	s1 =	simm.s32 $0x3;
	[sflag:s0] =	ssyncadd.s32 $0xFFFF6000  }
0x118: {  	_ =	swait.ge [sflag:s1], $0xA000  }
0x119: {  	s4 =	rddreg [dreg:$0x1b]  }
0x11a: {  	s31 =	rddreg [dreg:$0x19];
	s4 =	sadd.s32 $0x1, s4  }
0x11b: {  	p0 =	sne.s32 s4, s31  }
.Ltmp1:
0x11c: {  	_ = 	snop;
	(pc) =	sbr.rel @p0 .LBB2_1-.Ltmp1, $3  }
0x11d: {  	_ =	sdelay $0x1  }
0x11e: {  	[sflag:s1] =	ssyncset.done $0x0  }
0x11f: {  	[sflag:s1] =	ssyncadd.s32 $0xFFFF6000  }
0x120: {  	_ =	sfence.sel $0x180000  }
0x121: {  	[bflag:$0x0] =	sbarrier.arrive $0xFFFF  }
0x122: {  	_ =	strace $0x9000004A  }
0x123: {  	s0 =	stileid.u32;
	[bflag:$0x2] =	sbarrier.arrive $0xFFFF  }
0x124: {  	p0 =	sne.s32 s0, $0x0;
	s0 =	rddreg [dreg:$0x2]  }
0x125: {  	s0 =	sadd.s32 @!p0 $0x100000, s0  }
0x126: {  	[sflag:s0] =	ssyncadd.tile.s32 @!p0 $0x1;
	_ =	shalt  }
.Lfunc_end2:
_tile_overlayer_lowered:
.L_overlay_start_2:
0x127: {  	(tag) =	ssettag $0x2  }
0x128: {  	s0 =	rddreg [dreg:$0x0];
	s2 =	stileid.u32  }
0x129: {  	s1 =	rddreg [dreg:$0x1];
	p0 =	sne.s32 s2, $0x0  }
0x12a: {  	s3 =	rddreg [dreg:$0x2];
	[bflag:$0x3] =	sbarrier.arrive $0xFFFF;
	s2 =	simm.s32 @!p0 $0x1C04  }
0x12b: {  	[timem:s3], [sflag:s2] =	dma.local @!p0 [hbm:s0], s1  }
0x12c: {  	s0 =	simm.s32 @!p0 $0x4  }
0x12d: {  	_ =	swait.ge @!p0 [sflag:s0], s1  }
0x12e: {  	s1 =	ssub.s32 @!p0 $0x0, s1;
	[sflag:s0] =	ssyncset.done @!p0 $0x0  }
0x12f: {  	[sflag:s0] =	ssyncadd.s32 @!p0 s1  }
0x130: {  	[bflag:$0x3] =	sbarrier.arrive $0xFFFF  }
0x131: {  	_ =	shalt  }

// kernel: kernel.18.cloned.1.call-start
scs
__scs_entry_jumppad:
0x0: {  	(pc) =	sbr.rel $0x88, $3  }
0x1: {  	(tag) =	ssettag $0x0;
	lr =	simm.s32 $0x1  }
0x2: {  	[smem:$0x3F80] =	sst lr;
	_ =	strace $0xD0000000  }
0x3: {  	_ = 	snop  }
0x4: {  	_ = 	snop  }
0x5: {  	_ = 	snop  }
0x6: {  	_ = 	snop  }
0x7: {  	_ = 	snop  }
__scs_overlays_trampoline_lowered:
0x8: {  	[smem:$0x3F8F] =	sst s0  }
0x9: {  	[smem:$0x3F90] =	sst s1  }
0xa: {  	[smem:$0x3F91] =	sst s2  }
0xb: {  	[smem:$0x3F92] =	sst s3  }
0xc: {  	[smem:$0x3F93] =	sst s4  }
0xd: {  	[smem:$0x3F94] =	sst s5  }
0xe: {  	[smem:$0x3F95] =	sst s6  }
0xf: {  	[smem:$0x3F96] =	sst s7  }
0x10: {  	[smem:$0x3F97] =	sst s8  }
0x11: {  	[smem:$0x3F98] =	sst s9;
	s0 =	simm.s32 @!p0 $0x0  }
0x12: {  	s1 =	sld [smem:$0x3F7E];
	s0 =	simm.s32 @p0 $0x1  }
0x13: {  	[smem:$0x3F99] =	sst s0;
	s0 =	simm.s32 @!p1 $0x0  }
0x14: {  	s2 =	sld [smem:$0x3F7D];
	s0 =	simm.s32 @p1 $0x1  }
0x15: {  	[smem:$0x3F9A] =	sst s0;
	s0 =	simm.s32 @!p2 $0x0  }
0x16: {  	s3 =	sld [smem:$0x3FDB];
	s0 =	simm.s32 @p2 $0x1  }
0x17: {  	s4 =	simm.s32 $0x1BF5;
	[smem:$0x3F9C] =	sst s0  }
0x18: {  	s0 =	sld [smem:$0x3F7F];
	_ =	swait.ge [sflag:s4], $0x0  }
0x19: {  	s7 =	sld [smem:$0x3F80]  }
0x1a: {  	s8 =	sadd.s32 $0xFFFFE003, lr  }
0x1b: {  	s9 =	sadd.s32 $0xFFFFFEF7, lr;
	s5 =	simm.s32 $0xFFFFFFFF;
	p2 =	slt.u32 s8, $0xFFFFF086  }
0x1c: {  	p1 =	slt.u32 s9, $0xF7A;
	s5 =	simm.s32 @!p2 $0x0  }
0x1d: {  	s5 =	simm.s32 @p1 $0x1;
	p0 =	seq.s32 s7, s2  }
0x1e: {  	s7 =	smul.u32 @!p0 $0xF7A, s2;
	p2 =	seq.s32 @!p0 s5, $0x0  }
0x1f: {  	s9 =	smul.u32 $0xF7A, s1;
	s8 =	simm.s32 @!p0 $0x1BF5;
	p2 =	por !p2, p0  }
0x20: {  	[sflag:s8] =	ssyncset.s32 @!p0 $0xFFFFF086;
	s6 =	sadd.s32 @!p0 s3, s7;
	s7 =	simm.s32 @!p0 $0x108  }
0x21: {  	s3 =	sadd.s32 s3, s9;
	s6 =	sadd.s32 @!p0 $0x88, s6;
	s7 =	simm.s32 @p2 $0x1082  }
0x22: {  	[simem:s7], [sflag:s8] =	dma.local @!p0 [hbm:s6], $0xF7A  }
0x23: {  	s9 =	sor.u32 $0xD0000000, s2;
	s6 =	simm.s32 $0x108;
	_ =	swait.ge @!p0 [sflag:s8], $0x0  }
0x24: {  	s3 =	sadd.s32 $0x88, s3;
	s6 =	simm.s32 @!p1 $0x1082;
	[sflag:s4] =	ssyncset.s32 $0xFFFFF086  }
0x25: {  	[simem:s6], [sflag:s4] =	dma.local [hbm:s3], $0xF7A  }
0x26: {  	[smem:$0x3F80] =	sst s1;
	(tag) =	ssettag s2;
	_ =	strace s9  }
0x27: {  	s1 =	sld [smem:$0x3F90]  }
0x28: {  	s2 =	sld [smem:$0x3F91]  }
0x29: {  	s4 =	sld [smem:$0x3F93]  }
0x2a: {  	p0 =	seq.s32 s5, $0x0;
	s5 =	sld [smem:$0x3F94]  }
0x2b: {  	s6 =	sld [smem:$0x3F95]  }
0x2c: {  	s7 =	sld [smem:$0x3F96]  }
0x2d: {  	s3 =	simm.s32 $0x108;
	s8 =	sld [smem:$0x3F97]  }
0x2e: {  	s3 =	simm.s32 @!p0 $0x1082;
	s9 =	sld [smem:$0x3F98]  }
0x2f: {  	lr =	sadd.s32 s0, s3;
	s0 =	sld [smem:$0x3F8F]  }
0x30: {  	s3 =	sld [smem:$0x3F92]  }
0x31: {  	[smem:$0x3F9B] =	sst s10  }
0x32: {  	s10 =	sld [smem:$0x3F99];
	_ =	sdelay $0x3  }
0x33: {  	p0 =	seq.s32 s10, $0x1;
	s10 =	sld [smem:$0x3F9B];
	_ =	sdelay $0x3  }
0x34: {  	[smem:$0x3F9B] =	sst s10  }
0x35: {  	s10 =	sld [smem:$0x3F9A];
	_ =	sdelay $0x3  }
0x36: {  	p1 =	seq.s32 s10, $0x1;
	s10 =	sld [smem:$0x3F9B];
	_ =	sdelay $0x3  }
0x37: {  	[smem:$0x3F9B] =	sst s10  }
0x38: {  	s10 =	sld [smem:$0x3F9C]  }
0x39: {  	_ = 	snop;
	(pc) =	sbr.ind lr, $3  }
0x3a: {  	_ = 	snop  }
0x3b: {  	_ = 	snop  }
0x3c: {  	p2 =	seq.s32 s10, $0x1;
	s10 =	sld [smem:$0x3F9B]  }
0x3d: {  	_ =	shalt  }
0x3e: {  	_ =	shalt  }
0x3f: {  	_ =	shalt  }
0x40: {  	_ =	shalt  }
0x41: {  	_ =	shalt  }
0x42: {  	_ =	shalt  }
0x43: {  	_ =	shalt  }
0x44: {  	_ =	shalt  }
0x45: {  	_ =	shalt  }
0x46: {  	_ =	shalt  }
0x47: {  	_ =	shalt  }
0x48: {  	_ =	shalt  }
0x49: {  	_ =	shalt  }
0x4a: {  	_ =	shalt  }
0x4b: {  	_ =	shalt  }
0x4c: {  	_ =	shalt  }
0x4d: {  	_ =	shalt  }
0x4e: {  	_ =	shalt  }
0x4f: {  	_ =	shalt  }
0x50: {  	_ =	shalt  }
0x51: {  	_ =	shalt  }
0x52: {  	_ =	shalt  }
0x53: {  	_ =	shalt  }
0x54: {  	_ =	shalt  }
0x55: {  	_ =	shalt  }
0x56: {  	_ =	shalt  }
0x57: {  	_ =	shalt  }
0x58: {  	_ =	shalt  }
0x59: {  	_ =	shalt  }
0x5a: {  	_ =	shalt  }
0x5b: {  	_ =	shalt  }
0x5c: {  	_ =	shalt  }
0x5d: {  	_ =	shalt  }
0x5e: {  	_ =	shalt  }
0x5f: {  	_ =	shalt  }
0x60: {  	_ =	shalt  }
0x61: {  	_ =	shalt  }
0x62: {  	_ =	shalt  }
0x63: {  	_ =	shalt  }
0x64: {  	_ =	shalt  }
0x65: {  	_ =	shalt  }
0x66: {  	_ =	shalt  }
0x67: {  	_ =	shalt  }
0x68: {  	_ =	shalt  }
0x69: {  	_ =	shalt  }
0x6a: {  	_ =	shalt  }
0x6b: {  	_ =	shalt  }
0x6c: {  	_ =	shalt  }
0x6d: {  	_ =	shalt  }
0x6e: {  	_ =	shalt  }
0x6f: {  	_ =	shalt  }
0x70: {  	_ =	shalt  }
0x71: {  	_ =	shalt  }
0x72: {  	_ =	shalt  }
0x73: {  	_ =	shalt  }
0x74: {  	_ =	shalt  }
0x75: {  	_ =	shalt  }
0x76: {  	_ =	shalt  }
0x77: {  	_ =	shalt  }
0x78: {  	_ =	shalt  }
0x79: {  	_ =	shalt  }
0x7a: {  	_ =	shalt  }
0x7b: {  	_ =	shalt  }
0x7c: {  	_ =	shalt  }
0x7d: {  	_ =	shalt  }
0x7e: {  	_ =	shalt  }
0x7f: {  	_ =	shalt  }
0x80: {  	_ =	shalt  }
0x81: {  	_ =	shalt  }
0x82: {  	_ =	shalt  }
0x83: {  	_ =	shalt  }
0x84: {  	_ =	shalt  }
0x85: {  	_ =	shalt  }
0x86: {  	_ =	shalt  }
0x87: {  	_ =	shalt  }
.Lfunc_end0:
.L_simem_size_0:
called_computation.2_lowered:
.L_overlay_start_0:
0x88: {  	s2 =	sld [smem:$0x3FD9]  }
0x89: {  	s3 =	sld [smem:$0x3FFE];
	_ =	sdelay $0x1  }
0x8a: {  	s1 =	srdreg.scid  }
0x8b: {  	s0 =	sand.u32 $0x1, s1  }
0x8c: {  	s17 =	sshll.u32 s0, $0xA;
	s2 =	sadd.s32 s3, s2  }
0x8d: {  	s2 =	sadd.s32 s2, s17  }
0x8e: {  	[smem:$0x3FA7] =	sst s2  }
0x8f: {  	_ = 	snop  }
0x90: {  	s2 =	sld [smem:$0x3FD0];
	(tm) =	ssettm $0x1  }
0x91: {  	s18 =	sld [smem:$0x3FFB];
	_ =	sdelay $0x3  }
0x92: {  	_ =	strace s18  }
0x93: {  	s3 =	sld [smem:$0x3FFC];
	_ =	sdelay $0x3  }
0x94: {  	_ =	strace s3  }
0x95: {  	s3 =	sld [smem:$0x3FFD];
	_ =	sdelay $0x3  }
0x96: {  	_ =	strace s3  }
0x97: {  	_ =	strace $0x8FFFFFFF  }
0x98: {  	s19 =	sld [smem:$0x3FDB];
	_ =	sdelay $0x1  }
0x99: {  	s4 =	simm.s32 $_scs_section_size  }
0x9a: {  	s5 =	simm.s32 $_size__tile_overlayer_lowered;
	s6 =	simm.s32 $_tile_overlayer_lowered  }
0x9b: {  	s22 =	simm.s32 $0x1BFF;
	s21 =	sshll.u32 s6, $0x1;
	s3 =	sadd.s32 s4, s19  }
0x9c: {  	s7 =	simm.s32 $0x0;
	s20 =	sshll.u32 s5, $0x1;
	s5 =	sadd.s32 s21, s3  }
0x9d: {  	[timem:s7], [sflag:s22] =	dma.local [hbm:s5], s20  }
0x9e: {  	_ =	swait.ge [sflag:s22], s20  }
0x9f: {  	s4 =	ssub.s32 $0x0, s20;
	[sflag:s22] =	ssyncset.done $0x0  }
0xa0: {  	[sflag:s22] =	ssyncadd.s32 s4;
	_ =	sdelay $0x1  }
0xa1: {  	s23 =	simm.s32 $0x1B8B  }
0xa2: {  	_ =	swait.ge [sflag:s23], $0x1  }
0xa3: {  	[sflag:s23] =	ssyncset.done $0x0  }
0xa4: {  	s25 =	simm.s32 $0x1B8E;
	s24 =	sld [smem:$0x3FFE];
	[sflag:s23] =	ssyncadd.s32 $0xFFFFFFFF  }
0xa5: {  	s26 =	simm.s32 $execute0_lowered;
	[smem:$0x3FD2] =	sst s25  }
0xa6: {  	s5 =	sshll.u32 s26, $0x1;
	_ =	strace $0x8000004C;
	[dreg:$0x1] =	wrdreg $0xFFFFFFFF  }
0xa7: {  	s28 =	simm.s32 $_size_execute0_lowered;
	s3 =	sadd.s32 s3, s5;
	[dreg:$0x0] =	wrdreg $0x0  }
0xa8: {  	s5 =	sshll.u32 s28, $0x1;
	[dreg:$0x2] =	wrdreg s3  }
0xa9: {  	[dreg:$0x3] =	wrdreg s5  }
0xaa: {  	[dreg:$0x4] =	wrdreg $0xC0  }
0xab: {  	_ =	task [dreg:s7], $0x5FFFF  }
0xac: {  	[dreg:$0x1] =	wrdreg $0xFFFFFFFF  }
0xad: {  	[dreg:$0x0] =	wrdreg $0x60  }
0xae: {  	[dreg:$0x2] =	wrdreg s2  }
0xaf: {  	[dreg:$0x3] =	wrdreg s24  }
0xb0: {  	[dreg:$0x4] =	wrdreg $0x9  }
0xb1: {  	_ =	task.clear_ibuf [dreg:s7], $0x5FFFF;
	_ =	strace $0x9000004C  }
0xb2: {  	s29 =	simm.s32 $0x9;
	_ =	strace $0x8000004E  }
0xb3: {  	_ =	swait.ge [sflag:s29], $0x1  }
0xb4: {  	[sflag:s29] =	ssyncadd.s32 $0xFFFFFFFF  }
0xb5: {  	_ =	strace $0x9000004E  }
0xb6: {  	_ =	sfence  }
0xb7: {  	s30 =	sld [smem:$0x0];
	_ =	sdelay $0x2  }
0xb8: {  	s31 =	sshll.u32 s1, $0xD;
	s1 =	sshrl.u32 s1, $0x2  }
0xb9: {  	s3 =	sand.u32 $0x4000, s31;
	s1 =	sadd.s32 s1, s30  }
0xba: {  	s0 =	sor.u32 s3, s0;
	s1 =	sshll.u32 s1, $0x11  }
0xbb: {  	s0 =	sor.u32 s1, s0  }
0xbc: {  	s0 =	sadd.s32 $0x8F2B, s0  }
0xbd: {  	[sflag:s0] =	ssyncadd.remote.s32 $0x1  }
0xbe: {  	_ =	sfence.sel $0xFFFF  }
0xbf: {  	[dreg:$0x0] =	wrdreg $0xFFFFFFFF;
	(pc) =	sbr.abs _section_cstart, $3  }
0xc0: {  	[dreg:$0x1] =	wrdreg $0xFFFFFFFF  }
0xc1: {  	_ =	task.clear_ibuf [dreg:s7], $0x2FFFF;
	_ =	strace $0x9FFFFFFF  }
0xc2: {  	(tm) =	ssettm $0x7FFFFFFF  }
0xc3: {  	_ =	shalt  }
tec
execute0_lowered:
.L_overlay_start_1:
0x0: {  	(tag) =	ssettag $0x1  }
0x1: {  	s2 =	rddreg [dreg:$0x0]  }
0x2: {  	s4 =	rddreg [dreg:$0x1];
	s3 =	simm.s32 $0x0  }
0x3: {  	s8 =	simm.s32 $0x1A00;
	[smem:$0x7FF] =	sst s3  }
0x4: {  	s9 =	simm.s32 $0x100;
	_ =	strace $0x8000004D;
	[dreg:$0x5] =	wrdreg s8  }
0x5: {  	s10 =	simm.s32 $0x2A00;
	[dreg:$0x6] =	wrdreg s9  }
0x6: {  	s11 =	simm.s32 $0x180;
	[dreg:$0x7] =	wrdreg s10  }
0x7: {  	s12 =	simm.s32 $0x3A00;
	[dreg:$0x8] =	wrdreg s11  }
0x8: {  	s13 =	simm.s32 $0x200;
	[dreg:$0x9] =	wrdreg s12  }
0x9: {  	s15 =	simm.s32 $0x4A00;
	[dreg:$0xa] =	wrdreg s13  }
0xa: {  	s16 =	simm.s32 $0x280;
	[dreg:$0xb] =	wrdreg s15  }
0xb: {  	s7 =	stileid.u32;
	s17 =	simm.s32 $0x5A00;
	[dreg:$0xc] =	wrdreg s16  }
0xc: {  	s0 =	srdreg.scid;
	s19 =	simm.s32 $0x300;
	[dreg:$0xd] =	wrdreg s17  }
0xd: {  	s21 =	simm.s32 $0x6A00;
	s22 =	simm.s32 $0x380;
	[dreg:$0xe] =	wrdreg s19  }
0xe: {  	s23 =	simm.s32 $0x7A00;
	s24 =	simm.s32 $0x400;
	[dreg:$0xf] =	wrdreg s21  }
0xf: {  	s25 =	simm.s32 $0x8A00;
	s26 =	simm.s32 $0x480;
	[dreg:$0x10] =	wrdreg s22  }
0x10: {  	s28 =	simm.s32 $0x9A00;
	s29 =	simm.s32 $0x580;
	[dreg:$0x11] =	wrdreg s23  }
0x11: {  	s30 =	simm.s32 $0xBA00;
	s0 =	sand.u32 $0x1, s0;
	[dreg:$0x12] =	wrdreg s24  }
0x12: {  	s1 =	smul.u32 $0xC800, s7;
	s31 =	sadd.s32 $0x18CE00, s4;
	[dreg:$0x13] =	wrdreg s25  }
0x13: {  	s14 =	smul.u32 $0x32000, s7;
	s7 =	simm.s32 $0x80;
	[dreg:$0x14] =	wrdreg s26  }
0x14: {  	s5 =	smul.u32 $0x6400, s0;
	s18 =	ssub.s32 $0x2, s0;
	[dreg:$0x15] =	wrdreg s28  }
0x15: {  	s0 =	smul.u32 $0x19000, s0;
	s8 =	simm.s32 $0xA00;
	[dreg:$0x16] =	wrdreg s29  }
0x16: {  	s9 =	simm.s32 $0x1;
	[dreg:$0x17] =	wrdreg s30;
	s10 =	simm.s32 $0x500  }
0x17: {  	s11 =	simm.s32 $0xAA00;
	s12 =	simm.s32 $0xCA00;
	s13 =	simm.s32 $0x680  }
0x18: {  	s15 =	simm.s32 $0x700;
	s16 =	simm.s32 $0xEA00;
	s17 =	simm.s32 $0x780  }
0x19: {  	s19 =	simm.s32 $0x800;
	s21 =	simm.s32 $0x880;
	s22 =	simm.s32 $0x11A00  }
0x1a: {  	s23 =	simm.s32 $0x900;
	s24 =	simm.s32 $0x12A00;
	s25 =	simm.s32 $0x980  }
0x1b: {  	s26 =	simm.s32 $0x13A00;
	s4 =	sadd.s32 s14, s4;
	s20 =	sshrl.u32 s18, $0x1  }
0x1c: {  	s14 =	simm.s32 $0xDA00;
	s1 =	sadd.s32 s5, s1;
	s5 =	ssub.s32 s18, s20  }
0x1d: {  	s0 =	sadd.s32 s0, s4;
	s6 =	sshrl.u32 s1, $0x3;
	s5 =	smax.u32 s5, $0x1  }
0x1e: {  	s1 =	sadd.s32 $0x500, s1;
	s0 =	sadd.s32 $0x4E0200, s0;
	[dreg:$0x19] =	wrdreg s5  }
0x1f: {  	s6 =	sadd.s32 s6, s31;
	s1 =	sshrl.u32 s1, $0x3;
	[dreg:$0x1a] =	wrdreg s0  }
0x20: {  	s18 =	simm.s32 $0xFA00;
	[dreg:$0x3] =	wrdreg s6;
	s1 =	sadd.s32 s1, s31  }
0x21: {  	s20 =	simm.s32 $0x10A00;
	s31 =	simm.s32 $0x600;
	[dreg:$0x4] =	wrdreg s1  }
0x22: {  	s4 =	simm.s32 $0x0;
	s6 =	simm.s32 $0x4;
	[dreg:$0x18] =	wrdreg s31  }
.LBB2_1:
0x23: {  	p0 =	por $0x1, $0x1  }
0x24: {  	[dreg:$0x1b] =	wrdreg s4;
	s1 =	simm.s32 @!p0 $0x2  }
0x25: {  	_ =	swait.ge @!p0 [sflag:s1], $0xA000  }
0x26: {  	s29 =	rddreg [dreg:$0x3];
	[sflag:s1] =	ssyncset.done @!p0 $0x0  }
0x27: {  	[sflag:s1] =	ssyncadd.s32 @!p0 $0xFFFF6000;
	s30 =	sadd.s32 $0x0, s29  }
0x28: {  	[tilespmem:s3], [sflag:$0x4] =	stream.linear.gather [hbm4b:s30+s3], $0x500, $0x38;
	[tilespmem:$0x14A00] =	vst v63  }
0x29: {  	_ =	swait.ge [sflag:s6], $0x500  }
0x2a: {  	s0 =	rddreg [dreg:$0x6]  }
0x2b: {  	s28 =	rddreg [dreg:$0x5]  }
0x2c: {  	s5 =	rddreg [dreg:$0x7]  }
0x2d: {  	[sflag:s6] =	ssyncset.done $0x0;
	s31 =	rddreg [dreg:$0x9]  }
0x2e: {  	s29 =	rddreg [dreg:$0x8];
	[sflag:s6] =	ssyncadd.s32 $0xFFFFFB00  }
0x2f: {  	[tilespmem:s8], [sflag:$0x1] =	stream.indirect.gather [hbm4b:s2+s7], $0x20, s3, s7, $0xb8;
	[tilespmem:$0x14A00] =	vst v63  }
0x30: {  	s30 =	rddreg [dreg:$0xb]  }
0x31: {  	[tilespmem:s28], [sflag:$0x1] =	stream.indirect.gather [hbm4b:s2+s7], $0x20, s7, s7, $0xb8;
	[tilespmem:$0x14A00] =	vst v63  }
0x32: {  	s28 =	rddreg [dreg:$0xd]  }
0x33: {  	[tilespmem:s5], [sflag:$0x1] =	stream.indirect.gather [hbm4b:s2+s7], $0x20, s0, s7, $0xb8;
	[tilespmem:$0x14A00] =	vst v63  }
0x34: {  	s0 =	rddreg [dreg:$0xa]  }
0x35: {  	[tilespmem:s31], [sflag:$0x1] =	stream.indirect.gather [hbm4b:s2+s7], $0x20, s29, s7, $0xb8;
	[tilespmem:$0x14A00] =	vst v63  }
0x36: {  	s31 =	rddreg [dreg:$0xc]  }
0x37: {  	s29 =	rddreg [dreg:$0xf]  }
0x38: {  	[tilespmem:s30], [sflag:$0x1] =	stream.indirect.gather [hbm4b:s2+s7], $0x20, s0, s7, $0xb8;
	[tilespmem:$0x14A00] =	vst v63  }
0x39: {  	s30 =	rddreg [dreg:$0xe]  }
0x3a: {  	s0 =	rddreg [dreg:$0x11]  }
0x3b: {  	[tilespmem:s28], [sflag:$0x1] =	stream.indirect.gather [hbm4b:s2+s7], $0x20, s31, s7, $0xb8;
	[tilespmem:$0x14A00] =	vst v63  }
0x3c: {  	s31 =	rddreg [dreg:$0x10]  }
0x3d: {  	s28 =	rddreg [dreg:$0x13]  }
0x3e: {  	[tilespmem:s29], [sflag:$0x1] =	stream.indirect.gather [hbm4b:s2+s7], $0x20, s30, s7, $0xb8;
	[tilespmem:$0x14A00] =	vst v63  }
0x3f: {  	s29 =	rddreg [dreg:$0x12]  }
0x40: {  	[tilespmem:s0], [sflag:$0x1] =	stream.indirect.gather [hbm4b:s2+s7], $0x20, s31, s7, $0xb8;
	[tilespmem:$0x14A00] =	vst v63  }
0x41: {  	s30 =	rddreg [dreg:$0x15]  }
0x42: {  	[tilespmem:s28], [sflag:$0x1] =	stream.indirect.gather [hbm4b:s2+s7], $0x20, s29, s7, $0xb8;
	[tilespmem:$0x14A00] =	vst v63  }
0x43: {  	s31 =	rddreg [dreg:$0x14]  }
0x44: {  	[tilespmem:s30], [sflag:$0x1] =	stream.indirect.gather [hbm4b:s2+s7], $0x20, s31, s7, $0xb8;
	[tilespmem:$0x14A00] =	vst v63  }
0x45: {  	_ =	swait.ge [sflag:s9], $0x1000  }
0x46: {  	[sflag:s9] =	ssyncset.done $0x0  }
0x47: {  	[sflag:s9] =	ssyncadd.s32 $0xFFFFF000  }
0x48: {  	_ =	swait.ge [sflag:s9], $0x1000  }
0x49: {  	[sflag:s9] =	ssyncset.done $0x0  }
0x4a: {  	[sflag:s9] =	ssyncadd.s32 $0xFFFFF000  }
0x4b: {  	_ =	swait.ge [sflag:s9], $0x1000  }
0x4c: {  	[sflag:s9] =	ssyncset.done $0x0  }
0x4d: {  	[sflag:s9] =	ssyncadd.s32 $0xFFFFF000  }
0x4e: {  	_ =	swait.ge [sflag:s9], $0x1000  }
0x4f: {  	[sflag:s9] =	ssyncset.done $0x0  }
0x50: {  	[sflag:s9] =	ssyncadd.s32 $0xFFFFF000  }
0x51: {  	_ =	swait.ge [sflag:s9], $0x1000  }
0x52: {  	[sflag:s9] =	ssyncset.done $0x0  }
0x53: {  	[sflag:s9] =	ssyncadd.s32 $0xFFFFF000  }
0x54: {  	_ =	swait.ge [sflag:s9], $0x1000  }
0x55: {  	[sflag:s9] =	ssyncset.done $0x0  }
0x56: {  	[sflag:s9] =	ssyncadd.s32 $0xFFFFF000  }
0x57: {  	_ =	swait.ge [sflag:s9], $0x1000  }
0x58: {  	[sflag:s9] =	ssyncset.done $0x0  }
0x59: {  	[sflag:s9] =	ssyncadd.s32 $0xFFFFF000  }
0x5a: {  	_ =	swait.ge [sflag:s9], $0x1000  }
0x5b: {  	[sflag:s9] =	ssyncset.done $0x0  }
0x5c: {  	[sflag:s9] =	ssyncadd.s32 $0xFFFFF000  }
0x5d: {  	_ =	swait.ge [sflag:s9], $0x1000  }
0x5e: {  	[sflag:s9] =	ssyncset.done $0x0  }
0x5f: {  	[sflag:s9] =	ssyncadd.s32 $0xFFFFF000  }
0x60: {  	_ =	swait.ge [sflag:s9], $0x1000  }
0x61: {  	[sflag:s9] =	ssyncset.done $0x0;
	s31 =	rddreg [dreg:$0x1a]  }
0x62: {  	s4 =	simm.s32 @!p0 $0x3;
	s0 =	sadd.s32 $0xFFFFEC00, s31;
	[sflag:s9] =	ssyncadd.s32 $0xFFFFF000  }
0x63: {  	[hbm4b:s0+s3] =	stream.linear.scatter [tilespmem:s8], [sflag:$0x2], $0xA000, $0x38;
	[tilespmem:$0x14A00] =	vst v63  }
0x64: {  	_ =	swait.ge @!p0 [sflag:s4], $0xA000  }
0x65: {  	s5 =	rddreg [dreg:$0x4];
	[sflag:s4] =	ssyncset.done @!p0 $0x0  }
0x66: {  	[sflag:s4] =	ssyncadd.s32 @!p0 $0xFFFF6000;
	s1 =	sadd.s32 $0x0, s5  }
0x67: {  	[tilespmem:s10], [sflag:$0x4] =	stream.linear.gather [hbm4b:s1+s3], $0x500, $0x38;
	[tilespmem:$0x14A00] =	vst v63  }
0x68: {  	_ =	swait.ge [sflag:s6], $0x500  }
0x69: {  	[sflag:s6] =	ssyncset.done $0x0  }
0x6a: {  	s28 =	rddreg [dreg:$0x16];
	[sflag:s6] =	ssyncadd.s32 $0xFFFFFB00  }
0x6b: {  	[tilespmem:s11], [sflag:$0x1] =	stream.indirect.gather [hbm4b:s2+s7], $0x20, s10, s7, $0xb8;
	[tilespmem:$0x14A00] =	vst v63  }
0x6c: {  	s29 =	rddreg [dreg:$0x17]  }
0x6d: {  	[tilespmem:s29], [sflag:$0x1] =	stream.indirect.gather [hbm4b:s2+s7], $0x20, s28, s7, $0xb8;
	[tilespmem:$0x14A00] =	vst v63  }
0x6e: {  	s30 =	rddreg [dreg:$0x18]  }
0x6f: {  	[tilespmem:s12], [sflag:$0x1] =	stream.indirect.gather [hbm4b:s2+s7], $0x20, s30, s7, $0xb8;
	[tilespmem:$0x14A00] =	vst v63  }
0x70: {  	_ = 	snop  }
0x71: {  	[tilespmem:s14], [sflag:$0x1] =	stream.indirect.gather [hbm4b:s2+s7], $0x20, s13, s7, $0xb8;
	[tilespmem:$0x14A00] =	vst v63  }
0x72: {  	_ = 	snop  }
0x73: {  	[tilespmem:s16], [sflag:$0x1] =	stream.indirect.gather [hbm4b:s2+s7], $0x20, s15, s7, $0xb8;
	[tilespmem:$0x14A00] =	vst v63  }
0x74: {  	_ = 	snop  }
0x75: {  	[tilespmem:s18], [sflag:$0x1] =	stream.indirect.gather [hbm4b:s2+s7], $0x20, s17, s7, $0xb8;
	[tilespmem:$0x14A00] =	vst v63  }
0x76: {  	_ = 	snop  }
0x77: {  	[tilespmem:s20], [sflag:$0x1] =	stream.indirect.gather [hbm4b:s2+s7], $0x20, s19, s7, $0xb8;
	[tilespmem:$0x14A00] =	vst v63  }
0x78: {  	_ = 	snop  }
0x79: {  	[tilespmem:s22], [sflag:$0x1] =	stream.indirect.gather [hbm4b:s2+s7], $0x20, s21, s7, $0xb8;
	[tilespmem:$0x14A00] =	vst v63  }
0x7a: {  	_ = 	snop  }
0x7b: {  	[tilespmem:s24], [sflag:$0x1] =	stream.indirect.gather [hbm4b:s2+s7], $0x20, s23, s7, $0xb8;
	[tilespmem:$0x14A00] =	vst v63  }
0x7c: {  	_ = 	snop  }
0x7d: {  	[tilespmem:s26], [sflag:$0x1] =	stream.indirect.gather [hbm4b:s2+s7], $0x20, s25, s7, $0xb8;
	[tilespmem:$0x14A00] =	vst v63  }
0x7e: {  	_ =	swait.ge [sflag:s9], $0x1000  }
0x7f: {  	[sflag:s9] =	ssyncset.done $0x0  }
0x80: {  	[sflag:s9] =	ssyncadd.s32 $0xFFFFF000  }
0x81: {  	_ =	swait.ge [sflag:s9], $0x1000  }
0x82: {  	[sflag:s9] =	ssyncset.done $0x0  }
0x83: {  	[sflag:s9] =	ssyncadd.s32 $0xFFFFF000  }
0x84: {  	_ =	swait.ge [sflag:s9], $0x1000  }
0x85: {  	[sflag:s9] =	ssyncset.done $0x0  }
0x86: {  	[sflag:s9] =	ssyncadd.s32 $0xFFFFF000  }
0x87: {  	_ =	swait.ge [sflag:s9], $0x1000  }
0x88: {  	[sflag:s9] =	ssyncset.done $0x0  }
0x89: {  	[sflag:s9] =	ssyncadd.s32 $0xFFFFF000  }
0x8a: {  	_ =	swait.ge [sflag:s9], $0x1000  }
0x8b: {  	[sflag:s9] =	ssyncset.done $0x0  }
0x8c: {  	[sflag:s9] =	ssyncadd.s32 $0xFFFFF000  }
0x8d: {  	_ =	swait.ge [sflag:s9], $0x1000  }
0x8e: {  	[sflag:s9] =	ssyncset.done $0x0  }
0x8f: {  	[sflag:s9] =	ssyncadd.s32 $0xFFFFF000  }
0x90: {  	_ =	swait.ge [sflag:s9], $0x1000  }
0x91: {  	[sflag:s9] =	ssyncset.done $0x0  }
0x92: {  	[sflag:s9] =	ssyncadd.s32 $0xFFFFF000  }
0x93: {  	_ =	swait.ge [sflag:s9], $0x1000  }
0x94: {  	s5 =	smov.u32 s31;
	s1 =	simm.s32 $0x140;
	[sflag:s9] =	ssyncset.done $0x0  }
.LBB2_2:
0x95: {  	[sflag:s9] =	ssyncadd.s32 $0xFFFFF000  }
0x96: {  	_ =	swait.ge [sflag:s9], $0x1000  }
0x97: {  	[sflag:s9] =	ssyncset.done $0x0  }
0x98: {  	[sflag:s9] =	ssyncadd.s32 $0xFFFFF000  }
0x99: {  	s4 =	smov.u32 s1;
	_ =	swait.ge [sflag:s9], $0x1000  }
0x9a: {  	p1 =	seq.s32 s4, $0x0;
	[sflag:s9] =	ssyncset.done $0x0  }
0x9b: {  	s28 =	simm.s32 @!p1 $0x2;
	[sflag:s9] =	ssyncadd.s32 $0xFFFFF000  }
0x9c: {  	[hbm4b:s31+s3] =	stream.linear.scatter [tilespmem:s11], [sflag:$0x3], $0xA000, $0x38;
	[tilespmem:$0x14A00] =	vst v63  }
0x9d: {  	_ =	swait.ge @!p1 [sflag:s28], $0xA000  }
0x9e: {  	[sflag:s28] =	ssyncset.done @!p1 $0x0;
	s29 =	rddreg [dreg:$0x3]  }
0x9f: {  	[sflag:s28] =	ssyncadd.s32 @!p1 $0xFFFF6000;
	s29 =	sadd.s32 s4, s29  }
0xa0: {  	[tilespmem:s3], [sflag:$0x4] =	stream.linear.gather [hbm4b:s29+s3], $0x500, $0x38;
	[tilespmem:$0x14A00] =	vst v63  }
0xa1: {  	_ =	swait.ge [sflag:s6], $0x500  }
0xa2: {  	s28 =	rddreg [dreg:$0x15]  }
0xa3: {  	s29 =	rddreg [dreg:$0x13]  }
0xa4: {  	s0 =	rddreg [dreg:$0x11]  }
0xa5: {  	s30 =	rddreg [dreg:$0xf]  }
0xa6: {  	s12 =	rddreg [dreg:$0xd]  }
0xa7: {  	s13 =	rddreg [dreg:$0xb]  }
0xa8: {  	[sflag:s6] =	ssyncset.done $0x0;
	s14 =	rddreg [dreg:$0x6]  }
0xa9: {  	s15 =	rddreg [dreg:$0x5];
	[sflag:s6] =	ssyncadd.s32 $0xFFFFFB00  }
0xaa: {  	[tilespmem:s8], [sflag:$0x1] =	stream.indirect.gather [hbm4b:s2+s7], $0x20, s3, s7, $0xb8;
	[tilespmem:$0x14A00] =	vst v63  }
0xab: {  	s16 =	rddreg [dreg:$0x7]  }
0xac: {  	[tilespmem:s15], [sflag:$0x1] =	stream.indirect.gather [hbm4b:s2+s7], $0x20, s7, s7, $0xb8;
	[tilespmem:$0x14A00] =	vst v63  }
0xad: {  	s17 =	rddreg [dreg:$0x9]  }
0xae: {  	[tilespmem:s16], [sflag:$0x1] =	stream.indirect.gather [hbm4b:s2+s7], $0x20, s14, s7, $0xb8;
	[tilespmem:$0x14A00] =	vst v63  }
0xaf: {  	s15 =	rddreg [dreg:$0x8]  }
0xb0: {  	[tilespmem:s17], [sflag:$0x1] =	stream.indirect.gather [hbm4b:s2+s7], $0x20, s15, s7, $0xb8;
	[tilespmem:$0x14A00] =	vst v63  }
0xb1: {  	s14 =	rddreg [dreg:$0xa]  }
0xb2: {  	[tilespmem:s13], [sflag:$0x1] =	stream.indirect.gather [hbm4b:s2+s7], $0x20, s14, s7, $0xb8;
	[tilespmem:$0x14A00] =	vst v63  }
0xb3: {  	s15 =	rddreg [dreg:$0xc]  }
0xb4: {  	[tilespmem:s12], [sflag:$0x1] =	stream.indirect.gather [hbm4b:s2+s7], $0x20, s15, s7, $0xb8;
	[tilespmem:$0x14A00] =	vst v63  }
0xb5: {  	s13 =	rddreg [dreg:$0xe]  }
0xb6: {  	[tilespmem:s30], [sflag:$0x1] =	stream.indirect.gather [hbm4b:s2+s7], $0x20, s13, s7, $0xb8;
	[tilespmem:$0x14A00] =	vst v63  }
0xb7: {  	s12 =	rddreg [dreg:$0x10]  }
0xb8: {  	[tilespmem:s0], [sflag:$0x1] =	stream.indirect.gather [hbm4b:s2+s7], $0x20, s12, s7, $0xb8;
	[tilespmem:$0x14A00] =	vst v63  }
0xb9: {  	s30 =	rddreg [dreg:$0x12]  }
0xba: {  	[tilespmem:s29], [sflag:$0x1] =	stream.indirect.gather [hbm4b:s2+s7], $0x20, s30, s7, $0xb8;
	[tilespmem:$0x14A00] =	vst v63  }
0xbb: {  	s12 =	rddreg [dreg:$0x14]  }
0xbc: {  	[tilespmem:s28], [sflag:$0x1] =	stream.indirect.gather [hbm4b:s2+s7], $0x20, s12, s7, $0xb8;
	[tilespmem:$0x14A00] =	vst v63  }
0xbd: {  	_ =	swait.ge [sflag:s9], $0x1000  }
0xbe: {  	[sflag:s9] =	ssyncset.done $0x0  }
0xbf: {  	[sflag:s9] =	ssyncadd.s32 $0xFFFFF000  }
0xc0: {  	_ =	swait.ge [sflag:s9], $0x1000  }
0xc1: {  	[sflag:s9] =	ssyncset.done $0x0  }
0xc2: {  	[sflag:s9] =	ssyncadd.s32 $0xFFFFF000  }
0xc3: {  	_ =	swait.ge [sflag:s9], $0x1000  }
0xc4: {  	[sflag:s9] =	ssyncset.done $0x0  }
0xc5: {  	[sflag:s9] =	ssyncadd.s32 $0xFFFFF000  }
0xc6: {  	_ =	swait.ge [sflag:s9], $0x1000  }
0xc7: {  	[sflag:s9] =	ssyncset.done $0x0  }
0xc8: {  	[sflag:s9] =	ssyncadd.s32 $0xFFFFF000  }
0xc9: {  	_ =	swait.ge [sflag:s9], $0x1000  }
0xca: {  	[sflag:s9] =	ssyncset.done $0x0  }
0xcb: {  	[sflag:s9] =	ssyncadd.s32 $0xFFFFF000  }
0xcc: {  	_ =	swait.ge [sflag:s9], $0x1000  }
0xcd: {  	[sflag:s9] =	ssyncset.done $0x0  }
0xce: {  	[sflag:s9] =	ssyncadd.s32 $0xFFFFF000  }
0xcf: {  	_ =	swait.ge [sflag:s9], $0x1000  }
0xd0: {  	[sflag:s9] =	ssyncset.done $0x0  }
0xd1: {  	[sflag:s9] =	ssyncadd.s32 $0xFFFFF000  }
0xd2: {  	_ =	swait.ge [sflag:s9], $0x1000  }
0xd3: {  	[sflag:s9] =	ssyncset.done $0x0  }
0xd4: {  	[sflag:s9] =	ssyncadd.s32 $0xFFFFF000  }
0xd5: {  	_ =	swait.ge [sflag:s9], $0x1000  }
0xd6: {  	[sflag:s9] =	ssyncset.done $0x0  }
0xd7: {  	[sflag:s9] =	ssyncadd.s32 $0xFFFFF000  }
0xd8: {  	_ =	swait.ge [sflag:s9], $0x1000  }
0xd9: {  	s5 =	sadd.s32 $0x2800, s5;
	[sflag:s9] =	ssyncset.done $0x0  }
0xda: {  	s29 =	sadd.s32 $0xFFFFEC00, s5;
	s12 =	simm.s32 @!p1 $0x3;
	[sflag:s9] =	ssyncadd.s32 $0xFFFFF000  }
0xdb: {  	[hbm4b:s29+s3] =	stream.linear.scatter [tilespmem:s8], [sflag:$0x2], $0xA000, $0x38;
	[tilespmem:$0x14A00] =	vst v63  }
0xdc: {  	_ =	swait.ge @!p1 [sflag:s12], $0xA000  }
0xdd: {  	[sflag:s12] =	ssyncset.done @!p1 $0x0;
	s30 =	rddreg [dreg:$0x4]  }
0xde: {  	[sflag:s12] =	ssyncadd.s32 @!p1 $0xFFFF6000;
	s0 =	sadd.s32 s4, s30  }
0xdf: {  	[tilespmem:s10], [sflag:$0x4] =	stream.linear.gather [hbm4b:s0+s3], $0x500, $0x38;
	[tilespmem:$0x14A00] =	vst v63  }
0xe0: {  	_ =	swait.ge [sflag:s6], $0x500  }
0xe1: {  	[sflag:s6] =	ssyncset.done $0x0  }
0xe2: {  	s28 =	rddreg [dreg:$0x16];
	[sflag:s6] =	ssyncadd.s32 $0xFFFFFB00  }
0xe3: {  	[tilespmem:s11], [sflag:$0x1] =	stream.indirect.gather [hbm4b:s2+s7], $0x20, s10, s7, $0xb8;
	[tilespmem:$0x14A00] =	vst v63  }
0xe4: {  	s29 =	rddreg [dreg:$0x17]  }
0xe5: {  	[tilespmem:s29], [sflag:$0x1] =	stream.indirect.gather [hbm4b:s2+s7], $0x20, s28, s7, $0xb8;
	[tilespmem:$0x14A00] =	vst v63  }
0xe6: {  	s18 =	simm.s32 $0xCA00;
	s30 =	rddreg [dreg:$0x18]  }
0xe7: {  	[tilespmem:s18], [sflag:$0x1] =	stream.indirect.gather [hbm4b:s2+s7], $0x20, s30, s7, $0xb8;
	[tilespmem:$0x14A00] =	vst v63  }
0xe8: {  	s14 =	simm.s32 $0xDA00;
	s13 =	simm.s32 $0x680  }
0xe9: {  	[tilespmem:s14], [sflag:$0x1] =	stream.indirect.gather [hbm4b:s2+s7], $0x20, s13, s7, $0xb8;
	[tilespmem:$0x14A00] =	vst v63  }
0xea: {  	s16 =	simm.s32 $0xEA00;
	s15 =	simm.s32 $0x700  }
0xeb: {  	[tilespmem:s16], [sflag:$0x1] =	stream.indirect.gather [hbm4b:s2+s7], $0x20, s15, s7, $0xb8;
	[tilespmem:$0x14A00] =	vst v63  }
0xec: {  	s17 =	simm.s32 $0x780;
	s18 =	simm.s32 $0xFA00  }
0xed: {  	[tilespmem:s18], [sflag:$0x1] =	stream.indirect.gather [hbm4b:s2+s7], $0x20, s17, s7, $0xb8;
	[tilespmem:$0x14A00] =	vst v63  }
0xee: {  	_ = 	snop  }
0xef: {  	[tilespmem:s20], [sflag:$0x1] =	stream.indirect.gather [hbm4b:s2+s7], $0x20, s19, s7, $0xb8;
	[tilespmem:$0x14A00] =	vst v63  }
0xf0: {  	_ = 	snop  }
0xf1: {  	[tilespmem:s22], [sflag:$0x1] =	stream.indirect.gather [hbm4b:s2+s7], $0x20, s21, s7, $0xb8;
	[tilespmem:$0x14A00] =	vst v63  }
0xf2: {  	_ = 	snop  }
0xf3: {  	[tilespmem:s24], [sflag:$0x1] =	stream.indirect.gather [hbm4b:s2+s7], $0x20, s23, s7, $0xb8;
	[tilespmem:$0x14A00] =	vst v63  }
0xf4: {  	_ = 	snop  }
0xf5: {  	[tilespmem:s26], [sflag:$0x1] =	stream.indirect.gather [hbm4b:s2+s7], $0x20, s25, s7, $0xb8;
	[tilespmem:$0x14A00] =	vst v63  }
0xf6: {  	_ =	swait.ge [sflag:s9], $0x1000  }
0xf7: {  	[sflag:s9] =	ssyncset.done $0x0  }
0xf8: {  	[sflag:s9] =	ssyncadd.s32 $0xFFFFF000  }
0xf9: {  	_ =	swait.ge [sflag:s9], $0x1000  }
0xfa: {  	[sflag:s9] =	ssyncset.done $0x0  }
0xfb: {  	[sflag:s9] =	ssyncadd.s32 $0xFFFFF000  }
0xfc: {  	_ =	swait.ge [sflag:s9], $0x1000  }
0xfd: {  	[sflag:s9] =	ssyncset.done $0x0  }
0xfe: {  	[sflag:s9] =	ssyncadd.s32 $0xFFFFF000  }
0xff: {  	_ =	swait.ge [sflag:s9], $0x1000  }
0x100: {  	[sflag:s9] =	ssyncset.done $0x0  }
0x101: {  	[sflag:s9] =	ssyncadd.s32 $0xFFFFF000  }
0x102: {  	_ =	swait.ge [sflag:s9], $0x1000  }
0x103: {  	[sflag:s9] =	ssyncset.done $0x0  }
0x104: {  	[sflag:s9] =	ssyncadd.s32 $0xFFFFF000  }
0x105: {  	_ =	swait.ge [sflag:s9], $0x1000  }
0x106: {  	s1 =	sadd.s32 $0x140, s1;
	[sflag:s9] =	ssyncset.done $0x0  }
0x107: {  	p0 =	sne.s32 s1, $0xC80;
	[sflag:s9] =	ssyncadd.s32 $0xFFFFF000  }
.Ltmp0:
0x108: {  	_ =	swait.ge [sflag:s9], $0x1000;
	(pc) =	sbr.rel @p0 .LBB2_2-.Ltmp0, $4  }
0x109: {  	[sflag:s9] =	ssyncset.done $0x0  }
0x10a: {  	[sflag:s9] =	ssyncadd.s32 $0xFFFFF000  }
0x10b: {  	_ =	swait.ge [sflag:s9], $0x1000  }
0x10c: {  	s31 =	smov.u32 s5;
	s12 =	simm.s32 $0xCA00;
	[sflag:s9] =	ssyncset.done $0x0  }
0x10d: {  	[sflag:s9] =	ssyncadd.s32 $0xFFFFF000  }
0x10e: {  	_ =	swait.ge [sflag:s9], $0x1000  }
0x10f: {  	[sflag:s9] =	ssyncset.done $0x0  }
0x110: {  	[sflag:s9] =	ssyncadd.s32 $0xFFFFF000  }
0x111: {  	_ =	swait.ge [sflag:s9], $0x1000  }
0x112: {  	[sflag:s9] =	ssyncset.done $0x0  }
0x113: {  	s0 =	simm.s32 $0x2;
	[sflag:s9] =	ssyncadd.s32 $0xFFFFF000  }
0x114: {  	[hbm4b:s31+s3] =	stream.linear.scatter [tilespmem:s11], [sflag:$0x3], $0xA000, $0x38;
	[tilespmem:$0x14A00] =	vst v63  }
0x115: {  	_ =	swait.ge [sflag:s0], $0xA000  }
0x116: {  	[sflag:s0] =	ssyncset.done $0x0  }
0x117: {  	s1 =	simm.s32 $0x3;
	[sflag:s0] =	ssyncadd.s32 $0xFFFF6000  }
0x118: {  	_ =	swait.ge [sflag:s1], $0xA000  }
0x119: {  	s4 =	rddreg [dreg:$0x1b]  }
0x11a: {  	s31 =	rddreg [dreg:$0x19];
	s4 =	sadd.s32 $0x1, s4  }
0x11b: {  	p0 =	sne.s32 s4, s31  }
.Ltmp1:
0x11c: {  	_ = 	snop;
	(pc) =	sbr.rel @p0 .LBB2_1-.Ltmp1, $3  }
0x11d: {  	_ =	sdelay $0x1  }
0x11e: {  	[sflag:s1] =	ssyncset.done $0x0  }
0x11f: {  	[sflag:s1] =	ssyncadd.s32 $0xFFFF6000  }
0x120: {  	_ =	sfence.sel $0x180000  }
0x121: {  	[bflag:$0x0] =	sbarrier.arrive $0xFFFF  }
0x122: {  	_ =	strace $0x9000004D  }
0x123: {  	s0 =	stileid.u32;
	[bflag:$0x2] =	sbarrier.arrive $0xFFFF  }
0x124: {  	p0 =	sne.s32 s0, $0x0;
	s0 =	rddreg [dreg:$0x2]  }
0x125: {  	s0 =	sadd.s32 @!p0 $0x100000, s0  }
0x126: {  	[sflag:s0] =	ssyncadd.tile.s32 @!p0 $0x1;
	_ =	shalt  }
.Lfunc_end2:
_tile_overlayer_lowered:
.L_overlay_start_2:
0x127: {  	(tag) =	ssettag $0x2  }
0x128: {  	s0 =	rddreg [dreg:$0x0];
	s2 =	stileid.u32  }
0x129: {  	s1 =	rddreg [dreg:$0x1];
	p0 =	sne.s32 s2, $0x0  }
0x12a: {  	s3 =	rddreg [dreg:$0x2];
	[bflag:$0x3] =	sbarrier.arrive $0xFFFF;
	s2 =	simm.s32 @!p0 $0x1C04  }
0x12b: {  	[timem:s3], [sflag:s2] =	dma.local @!p0 [hbm:s0], s1  }
0x12c: {  	s0 =	simm.s32 @!p0 $0x4  }
0x12d: {  	_ =	swait.ge @!p0 [sflag:s0], s1  }
0x12e: {  	s1 =	ssub.s32 @!p0 $0x0, s1;
	[sflag:s0] =	ssyncset.done @!p0 $0x0  }
0x12f: {  	[sflag:s0] =	ssyncadd.s32 @!p0 s1  }
0x130: {  	[bflag:$0x3] =	sbarrier.arrive $0xFFFF  }
0x131: {  	_ =	shalt  }

// kernel: kernel.21.cloned.1.call-start
scs
__scs_entry_jumppad:
0x0: {  	(pc) =	sbr.rel $0x88, $3  }
0x1: {  	(tag) =	ssettag $0x0;
	lr =	simm.s32 $0x1  }
0x2: {  	[smem:$0x3F80] =	sst lr;
	_ =	strace $0xD0000000  }
0x3: {  	_ = 	snop  }
0x4: {  	_ = 	snop  }
0x5: {  	_ = 	snop  }
0x6: {  	_ = 	snop  }
0x7: {  	_ = 	snop  }
__scs_overlays_trampoline_lowered:
0x8: {  	[smem:$0x3F8F] =	sst s0  }
0x9: {  	[smem:$0x3F90] =	sst s1  }
0xa: {  	[smem:$0x3F91] =	sst s2  }
0xb: {  	[smem:$0x3F92] =	sst s3  }
0xc: {  	[smem:$0x3F93] =	sst s4  }
0xd: {  	[smem:$0x3F94] =	sst s5  }
0xe: {  	[smem:$0x3F95] =	sst s6  }
0xf: {  	[smem:$0x3F96] =	sst s7  }
0x10: {  	[smem:$0x3F97] =	sst s8  }
0x11: {  	[smem:$0x3F98] =	sst s9;
	s0 =	simm.s32 @!p0 $0x0  }
0x12: {  	s1 =	sld [smem:$0x3F7E];
	s0 =	simm.s32 @p0 $0x1  }
0x13: {  	[smem:$0x3F99] =	sst s0;
	s0 =	simm.s32 @!p1 $0x0  }
0x14: {  	s2 =	sld [smem:$0x3F7D];
	s0 =	simm.s32 @p1 $0x1  }
0x15: {  	[smem:$0x3F9A] =	sst s0;
	s0 =	simm.s32 @!p2 $0x0  }
0x16: {  	s3 =	sld [smem:$0x3FDB];
	s0 =	simm.s32 @p2 $0x1  }
0x17: {  	s4 =	simm.s32 $0x1BF5;
	[smem:$0x3F9C] =	sst s0  }
0x18: {  	s0 =	sld [smem:$0x3F7F];
	_ =	swait.ge [sflag:s4], $0x0  }
0x19: {  	s7 =	sld [smem:$0x3F80]  }
0x1a: {  	s8 =	sadd.s32 $0xFFFFE003, lr  }
0x1b: {  	s9 =	sadd.s32 $0xFFFFFEF7, lr;
	s5 =	simm.s32 $0xFFFFFFFF;
	p2 =	slt.u32 s8, $0xFFFFF086  }
0x1c: {  	p1 =	slt.u32 s9, $0xF7A;
	s5 =	simm.s32 @!p2 $0x0  }
0x1d: {  	s5 =	simm.s32 @p1 $0x1;
	p0 =	seq.s32 s7, s2  }
0x1e: {  	s7 =	smul.u32 @!p0 $0xF7A, s2;
	p2 =	seq.s32 @!p0 s5, $0x0  }
0x1f: {  	s9 =	smul.u32 $0xF7A, s1;
	s8 =	simm.s32 @!p0 $0x1BF5;
	p2 =	por !p2, p0  }
0x20: {  	[sflag:s8] =	ssyncset.s32 @!p0 $0xFFFFF086;
	s6 =	sadd.s32 @!p0 s3, s7;
	s7 =	simm.s32 @!p0 $0x108  }
0x21: {  	s3 =	sadd.s32 s3, s9;
	s6 =	sadd.s32 @!p0 $0x88, s6;
	s7 =	simm.s32 @p2 $0x1082  }
0x22: {  	[simem:s7], [sflag:s8] =	dma.local @!p0 [hbm:s6], $0xF7A  }
0x23: {  	s9 =	sor.u32 $0xD0000000, s2;
	s6 =	simm.s32 $0x108;
	_ =	swait.ge @!p0 [sflag:s8], $0x0  }
0x24: {  	s3 =	sadd.s32 $0x88, s3;
	s6 =	simm.s32 @!p1 $0x1082;
	[sflag:s4] =	ssyncset.s32 $0xFFFFF086  }
0x25: {  	[simem:s6], [sflag:s4] =	dma.local [hbm:s3], $0xF7A  }
0x26: {  	[smem:$0x3F80] =	sst s1;
	(tag) =	ssettag s2;
	_ =	strace s9  }
0x27: {  	s1 =	sld [smem:$0x3F90]  }
0x28: {  	s2 =	sld [smem:$0x3F91]  }
0x29: {  	s4 =	sld [smem:$0x3F93]  }
0x2a: {  	p0 =	seq.s32 s5, $0x0;
	s5 =	sld [smem:$0x3F94]  }
0x2b: {  	s6 =	sld [smem:$0x3F95]  }
0x2c: {  	s7 =	sld [smem:$0x3F96]  }
0x2d: {  	s3 =	simm.s32 $0x108;
	s8 =	sld [smem:$0x3F97]  }
0x2e: {  	s3 =	simm.s32 @!p0 $0x1082;
	s9 =	sld [smem:$0x3F98]  }
0x2f: {  	lr =	sadd.s32 s0, s3;
	s0 =	sld [smem:$0x3F8F]  }
0x30: {  	s3 =	sld [smem:$0x3F92]  }
0x31: {  	[smem:$0x3F9B] =	sst s10  }
0x32: {  	s10 =	sld [smem:$0x3F99];
	_ =	sdelay $0x3  }
0x33: {  	p0 =	seq.s32 s10, $0x1;
	s10 =	sld [smem:$0x3F9B];
	_ =	sdelay $0x3  }
0x34: {  	[smem:$0x3F9B] =	sst s10  }
0x35: {  	s10 =	sld [smem:$0x3F9A];
	_ =	sdelay $0x3  }
0x36: {  	p1 =	seq.s32 s10, $0x1;
	s10 =	sld [smem:$0x3F9B];
	_ =	sdelay $0x3  }
0x37: {  	[smem:$0x3F9B] =	sst s10  }
0x38: {  	s10 =	sld [smem:$0x3F9C]  }
0x39: {  	_ = 	snop;
	(pc) =	sbr.ind lr, $3  }
0x3a: {  	_ = 	snop  }
0x3b: {  	_ = 	snop  }
0x3c: {  	p2 =	seq.s32 s10, $0x1;
	s10 =	sld [smem:$0x3F9B]  }
0x3d: {  	_ =	shalt  }
0x3e: {  	_ =	shalt  }
0x3f: {  	_ =	shalt  }
0x40: {  	_ =	shalt  }
0x41: {  	_ =	shalt  }
0x42: {  	_ =	shalt  }
0x43: {  	_ =	shalt  }
0x44: {  	_ =	shalt  }
0x45: {  	_ =	shalt  }
0x46: {  	_ =	shalt  }
0x47: {  	_ =	shalt  }
0x48: {  	_ =	shalt  }
0x49: {  	_ =	shalt  }
0x4a: {  	_ =	shalt  }
0x4b: {  	_ =	shalt  }
0x4c: {  	_ =	shalt  }
0x4d: {  	_ =	shalt  }
0x4e: {  	_ =	shalt  }
0x4f: {  	_ =	shalt  }
0x50: {  	_ =	shalt  }
0x51: {  	_ =	shalt  }
0x52: {  	_ =	shalt  }
0x53: {  	_ =	shalt  }
0x54: {  	_ =	shalt  }
0x55: {  	_ =	shalt  }
0x56: {  	_ =	shalt  }
0x57: {  	_ =	shalt  }
0x58: {  	_ =	shalt  }
0x59: {  	_ =	shalt  }
0x5a: {  	_ =	shalt  }
0x5b: {  	_ =	shalt  }
0x5c: {  	_ =	shalt  }
0x5d: {  	_ =	shalt  }
0x5e: {  	_ =	shalt  }
0x5f: {  	_ =	shalt  }
0x60: {  	_ =	shalt  }
0x61: {  	_ =	shalt  }
0x62: {  	_ =	shalt  }
0x63: {  	_ =	shalt  }
0x64: {  	_ =	shalt  }
0x65: {  	_ =	shalt  }
0x66: {  	_ =	shalt  }
0x67: {  	_ =	shalt  }
0x68: {  	_ =	shalt  }
0x69: {  	_ =	shalt  }
0x6a: {  	_ =	shalt  }
0x6b: {  	_ =	shalt  }
0x6c: {  	_ =	shalt  }
0x6d: {  	_ =	shalt  }
0x6e: {  	_ =	shalt  }
0x6f: {  	_ =	shalt  }
0x70: {  	_ =	shalt  }
0x71: {  	_ =	shalt  }
0x72: {  	_ =	shalt  }
0x73: {  	_ =	shalt  }
0x74: {  	_ =	shalt  }
0x75: {  	_ =	shalt  }
0x76: {  	_ =	shalt  }
0x77: {  	_ =	shalt  }
0x78: {  	_ =	shalt  }
0x79: {  	_ =	shalt  }
0x7a: {  	_ =	shalt  }
0x7b: {  	_ =	shalt  }
0x7c: {  	_ =	shalt  }
0x7d: {  	_ =	shalt  }
0x7e: {  	_ =	shalt  }
0x7f: {  	_ =	shalt  }
0x80: {  	_ =	shalt  }
0x81: {  	_ =	shalt  }
0x82: {  	_ =	shalt  }
0x83: {  	_ =	shalt  }
0x84: {  	_ =	shalt  }
0x85: {  	_ =	shalt  }
0x86: {  	_ =	shalt  }
0x87: {  	_ =	shalt  }
.Lfunc_end0:
.L_simem_size_0:
called_computation.3_lowered:
.L_overlay_start_0:
0x88: {  	s2 =	sld [smem:$0x3FD9]  }
0x89: {  	s3 =	sld [smem:$0x3FFE];
	_ =	sdelay $0x1  }
0x8a: {  	s1 =	srdreg.scid  }
0x8b: {  	s0 =	sand.u32 $0x1, s1  }
0x8c: {  	s17 =	sshll.u32 s0, $0xA;
	s2 =	sadd.s32 s3, s2  }
0x8d: {  	s2 =	sadd.s32 s2, s17  }
0x8e: {  	[smem:$0x3FA7] =	sst s2  }
0x8f: {  	_ = 	snop  }
0x90: {  	s18 =	sld [smem:$0x3FD0];
	(tm) =	ssettm $0x1  }
0x91: {  	s19 =	sld [smem:$0x3FFB];
	_ =	sdelay $0x3  }
0x92: {  	_ =	strace s19  }
0x93: {  	s2 =	sld [smem:$0x3FFC];
	_ =	sdelay $0x3  }
0x94: {  	_ =	strace s2  }
0x95: {  	s2 =	sld [smem:$0x3FFD];
	_ =	sdelay $0x3  }
0x96: {  	_ =	strace s2  }
0x97: {  	_ =	strace $0x8FFFFFFF  }
0x98: {  	s20 =	sld [smem:$0x3FDB];
	_ =	sdelay $0x1  }
0x99: {  	s4 =	simm.s32 $_scs_section_size  }
0x9a: {  	s5 =	simm.s32 $_size__tile_overlayer_lowered;
	s6 =	simm.s32 $_tile_overlayer_lowered  }
0x9b: {  	s7 =	simm.s32 $0x1BFF;
	s21 =	sshll.u32 s6, $0x1;
	s4 =	sadd.s32 s4, s20  }
0x9c: {  	s22 =	simm.s32 $0x0;
	s5 =	sshll.u32 s5, $0x1;
	s6 =	sadd.s32 s21, s4  }
0x9d: {  	[timem:s22], [sflag:s7] =	dma.local [hbm:s6], s5  }
0x9e: {  	_ =	swait.ge [sflag:s7], s5  }
0x9f: {  	s5 =	ssub.s32 $0x0, s5;
	[sflag:s7] =	ssyncset.done $0x0  }
0xa0: {  	[sflag:s7] =	ssyncadd.s32 s5;
	_ =	sdelay $0x1  }
0xa1: {  	s23 =	simm.s32 $0x1B8B  }
0xa2: {  	_ =	swait.ge [sflag:s23], $0x1  }
0xa3: {  	[sflag:s23] =	ssyncset.done $0x0  }
0xa4: {  	[sflag:s23] =	ssyncadd.s32 $0xFFFFFFFF  }
0xa5: {  	s5 =	sld [smem:$0x0]  }
0xa6: {  	s6 =	sand.u32 $0xFFFFFFFE, s1  }
0xa7: {  	p0 =	sne.s32 s1, s6  }
0xa8: {  	s6 =	sshll.u32 @p0 s6, $0xE  }
0xa9: {  	s6 =	sadd.s32 @p0 $0x11B8D, s6;
	s7 =	sshll.u32 @p0 s5, $0x11  }
0xaa: {  	s6 =	sor.u32 @p0 s7, s6  }
0xab: {  	[sflag:s6] =	ssyncadd.remote.s32 @p0 $0x1;
	_ =	sdelay $0x1  }
0xac: {  	s6 =	simm.s32 @p0 $0x1B8D  }
0xad: {  	_ =	swait.eq @p0 [sflag:s6], $0x1  }
0xae: {  	[sflag:s6] =	ssyncadd.s32 @p0 $0xFFFFFFFF  }
0xaf: {  	s7 =	sshll.u32 @!p0 s1, $0xE  }
0xb0: {  	s7 =	sor.u32 @!p0 $0x4000, s7;
	s6 =	simm.s32 @!p0 $0x1B8D  }
0xb1: {  	s5 =	sshll.u32 @!p0 s5, $0x11;
	s7 =	sadd.s32 @!p0 $0x11B8D, s7;
	_ =	swait.eq @!p0 [sflag:s6], $0x1  }
0xb2: {  	s5 =	sor.u32 @!p0 s5, s7;
	[sflag:s6] =	ssyncadd.s32 @!p0 $0xFFFFFFFF  }
0xb3: {  	s25 =	simm.s32 $0x1B8E;
	s24 =	sld [smem:$0x3FFE];
	[sflag:s5] =	ssyncadd.remote.s32 @!p0 $0x1  }
0xb4: {  	s26 =	simm.s32 $execute0_lowered;
	[smem:$0x3FD2] =	sst s25  }
0xb5: {  	s6 =	sshll.u32 s26, $0x1;
	_ =	strace $0x8000004F;
	[dreg:$0x1] =	wrdreg $0xFFFFFFFF  }
0xb6: {  	s28 =	simm.s32 $_size_execute0_lowered;
	s4 =	sadd.s32 s4, s6;
	[dreg:$0x0] =	wrdreg $0x0  }
0xb7: {  	s6 =	sshll.u32 s28, $0x1;
	[dreg:$0x2] =	wrdreg s4  }
0xb8: {  	[dreg:$0x3] =	wrdreg s6  }
0xb9: {  	[dreg:$0x4] =	wrdreg $0xC0  }
0xba: {  	_ =	task [dreg:s22], $0x5FFFF  }
0xbb: {  	[dreg:$0x1] =	wrdreg $0xFFFFFFFF  }
0xbc: {  	[dreg:$0x0] =	wrdreg $0x60  }
0xbd: {  	[dreg:$0x2] =	wrdreg s18  }
0xbe: {  	[dreg:$0x3] =	wrdreg s24  }
0xbf: {  	[dreg:$0x4] =	wrdreg $0xA  }
0xc0: {  	_ =	task.clear_ibuf [dreg:s22], $0x5FFFF;
	_ =	strace $0x9000004F  }
0xc1: {  	s29 =	simm.s32 $0xA;
	_ =	strace $0x80000051  }
0xc2: {  	_ =	swait.ge [sflag:s29], $0x1  }
0xc3: {  	[sflag:s29] =	ssyncadd.s32 $0xFFFFFFFF  }
0xc4: {  	_ =	strace $0x90000051  }
0xc5: {  	_ =	sfence  }
0xc6: {  	s30 =	sld [smem:$0x0];
	_ =	sdelay $0x2  }
0xc7: {  	s31 =	sshll.u32 s1, $0xD;
	s1 =	sshrl.u32 s1, $0x2  }
0xc8: {  	s4 =	sand.u32 $0x4000, s31;
	s1 =	sadd.s32 s1, s30  }
0xc9: {  	s0 =	sor.u32 s4, s0;
	s1 =	sshll.u32 s1, $0x11  }
0xca: {  	s0 =	sor.u32 s1, s0  }
0xcb: {  	s0 =	sadd.s32 $0x8F2B, s0  }
0xcc: {  	[sflag:s0] =	ssyncadd.remote.s32 $0x1  }
0xcd: {  	_ =	sfence.sel $0xFFFF  }
0xce: {  	[dreg:$0x0] =	wrdreg $0xFFFFFFFF;
	(pc) =	sbr.abs _section_cstart, $3  }
0xcf: {  	[dreg:$0x1] =	wrdreg $0xFFFFFFFF  }
0xd0: {  	_ =	task.clear_ibuf [dreg:s22], $0x2FFFF;
	_ =	strace $0x9FFFFFFF  }
0xd1: {  	(tm) =	ssettm $0x7FFFFFFF  }
tec
execute0_lowered:
.L_overlay_start_1:
0x0: {  	(tag) =	ssettag $0x1  }
0x1: {  	s2 =	rddreg [dreg:$0x0]  }
0x2: {  	s4 =	rddreg [dreg:$0x1];
	s3 =	simm.s32 $0x0  }
0x3: {  	s8 =	simm.s32 $0x1A00;
	[smem:$0x7FF] =	sst s3  }
0x4: {  	s9 =	simm.s32 $0x100;
	_ =	strace $0x80000050;
	[dreg:$0x5] =	wrdreg s8  }
0x5: {  	s10 =	simm.s32 $0x2A00;
	[dreg:$0x6] =	wrdreg s9  }
0x6: {  	s11 =	simm.s32 $0x180;
	[dreg:$0x7] =	wrdreg s10  }
0x7: {  	s12 =	simm.s32 $0x3A00;
	[dreg:$0x8] =	wrdreg s11  }
0x8: {  	s13 =	simm.s32 $0x200;
	[dreg:$0x9] =	wrdreg s12  }
0x9: {  	s15 =	simm.s32 $0x4A00;
	[dreg:$0xa] =	wrdreg s13  }
0xa: {  	s16 =	simm.s32 $0x280;
	[dreg:$0xb] =	wrdreg s15  }
0xb: {  	s7 =	stileid.u32;
	s17 =	simm.s32 $0x5A00;
	[dreg:$0xc] =	wrdreg s16  }
0xc: {  	s0 =	srdreg.scid;
	s19 =	simm.s32 $0x300;
	[dreg:$0xd] =	wrdreg s17  }
0xd: {  	s21 =	simm.s32 $0x6A00;
	s22 =	simm.s32 $0x380;
	[dreg:$0xe] =	wrdreg s19  }
0xe: {  	s23 =	simm.s32 $0x7A00;
	s24 =	simm.s32 $0x400;
	[dreg:$0xf] =	wrdreg s21  }
0xf: {  	s25 =	simm.s32 $0x8A00;
	s26 =	simm.s32 $0x480;
	[dreg:$0x10] =	wrdreg s22  }
0x10: {  	s28 =	simm.s32 $0x9A00;
	s29 =	simm.s32 $0x580;
	[dreg:$0x11] =	wrdreg s23  }
0x11: {  	s30 =	simm.s32 $0xBA00;
	s0 =	sand.u32 $0x1, s0;
	[dreg:$0x12] =	wrdreg s24  }
0x12: {  	s1 =	smul.u32 $0xC800, s7;
	s31 =	sadd.s32 $0x1A5E00, s4;
	[dreg:$0x13] =	wrdreg s25  }
0x13: {  	s14 =	smul.u32 $0x32000, s7;
	s7 =	simm.s32 $0x80;
	[dreg:$0x14] =	wrdreg s26  }
0x14: {  	s5 =	smul.u32 $0x6400, s0;
	s18 =	ssub.s32 $0x2, s0;
	[dreg:$0x15] =	wrdreg s28  }
0x15: {  	s0 =	smul.u32 $0x19000, s0;
	s8 =	simm.s32 $0xA00;
	[dreg:$0x16] =	wrdreg s29  }
0x16: {  	s9 =	simm.s32 $0x1;
	[dreg:$0x17] =	wrdreg s30;
	s10 =	simm.s32 $0x500  }
0x17: {  	s11 =	simm.s32 $0xAA00;
	s12 =	simm.s32 $0xCA00;
	s13 =	simm.s32 $0x680  }
0x18: {  	s15 =	simm.s32 $0x700;
	s16 =	simm.s32 $0xEA00;
	s17 =	simm.s32 $0x780  }
0x19: {  	s19 =	simm.s32 $0x800;
	s21 =	simm.s32 $0x880;
	s22 =	simm.s32 $0x11A00  }
0x1a: {  	s23 =	simm.s32 $0x900;
	s24 =	simm.s32 $0x12A00;
	s25 =	simm.s32 $0x980  }
0x1b: {  	s26 =	simm.s32 $0x13A00;
	s4 =	sadd.s32 s14, s4;
	s20 =	sshrl.u32 s18, $0x1  }
0x1c: {  	s14 =	simm.s32 $0xDA00;
	s1 =	sadd.s32 s5, s1;
	s5 =	ssub.s32 s18, s20  }
0x1d: {  	s0 =	sadd.s32 s0, s4;
	s6 =	sshrl.u32 s1, $0x3;
	s5 =	smax.u32 s5, $0x1  }
0x1e: {  	s1 =	sadd.s32 $0x500, s1;
	s0 =	sadd.s32 $0x800200, s0;
	[dreg:$0x19] =	wrdreg s5  }
0x1f: {  	s6 =	sadd.s32 s6, s31;
	s1 =	sshrl.u32 s1, $0x3;
	[dreg:$0x1a] =	wrdreg s0  }
0x20: {  	s18 =	simm.s32 $0xFA00;
	[dreg:$0x3] =	wrdreg s6;
	s1 =	sadd.s32 s1, s31  }
0x21: {  	s20 =	simm.s32 $0x10A00;
	s31 =	simm.s32 $0x600;
	[dreg:$0x4] =	wrdreg s1  }
0x22: {  	s4 =	simm.s32 $0x0;
	s6 =	simm.s32 $0x4;
	[dreg:$0x18] =	wrdreg s31  }
.LBB2_1:
0x23: {  	p0 =	por $0x1, $0x1  }
0x24: {  	[dreg:$0x1b] =	wrdreg s4;
	s1 =	simm.s32 @!p0 $0x2  }
0x25: {  	_ =	swait.ge @!p0 [sflag:s1], $0xA000  }
0x26: {  	s29 =	rddreg [dreg:$0x3];
	[sflag:s1] =	ssyncset.done @!p0 $0x0  }
0x27: {  	[sflag:s1] =	ssyncadd.s32 @!p0 $0xFFFF6000;
	s30 =	sadd.s32 $0x0, s29  }
0x28: {  	[tilespmem:s3], [sflag:$0x4] =	stream.linear.gather [hbm4b:s30+s3], $0x500, $0x38;
	[tilespmem:$0x14A00] =	vst v63  }
0x29: {  	_ =	swait.ge [sflag:s6], $0x500  }
0x2a: {  	s0 =	rddreg [dreg:$0x6]  }
0x2b: {  	s28 =	rddreg [dreg:$0x5]  }
0x2c: {  	s5 =	rddreg [dreg:$0x7]  }
0x2d: {  	[sflag:s6] =	ssyncset.done $0x0;
	s31 =	rddreg [dreg:$0x9]  }
0x2e: {  	s29 =	rddreg [dreg:$0x8];
	[sflag:s6] =	ssyncadd.s32 $0xFFFFFB00  }
0x2f: {  	[tilespmem:s8], [sflag:$0x1] =	stream.indirect.gather [hbm4b:s2+s7], $0x20, s3, s7, $0xb8;
	[tilespmem:$0x14A00] =	vst v63  }
0x30: {  	s30 =	rddreg [dreg:$0xb]  }
0x31: {  	[tilespmem:s28], [sflag:$0x1] =	stream.indirect.gather [hbm4b:s2+s7], $0x20, s7, s7, $0xb8;
	[tilespmem:$0x14A00] =	vst v63  }
0x32: {  	s28 =	rddreg [dreg:$0xd]  }
0x33: {  	[tilespmem:s5], [sflag:$0x1] =	stream.indirect.gather [hbm4b:s2+s7], $0x20, s0, s7, $0xb8;
	[tilespmem:$0x14A00] =	vst v63  }
0x34: {  	s0 =	rddreg [dreg:$0xa]  }
0x35: {  	[tilespmem:s31], [sflag:$0x1] =	stream.indirect.gather [hbm4b:s2+s7], $0x20, s29, s7, $0xb8;
	[tilespmem:$0x14A00] =	vst v63  }
0x36: {  	s31 =	rddreg [dreg:$0xc]  }
0x37: {  	s29 =	rddreg [dreg:$0xf]  }
0x38: {  	[tilespmem:s30], [sflag:$0x1] =	stream.indirect.gather [hbm4b:s2+s7], $0x20, s0, s7, $0xb8;
	[tilespmem:$0x14A00] =	vst v63  }
0x39: {  	s30 =	rddreg [dreg:$0xe]  }
0x3a: {  	s0 =	rddreg [dreg:$0x11]  }
0x3b: {  	[tilespmem:s28], [sflag:$0x1] =	stream.indirect.gather [hbm4b:s2+s7], $0x20, s31, s7, $0xb8;
	[tilespmem:$0x14A00] =	vst v63  }
0x3c: {  	s31 =	rddreg [dreg:$0x10]  }
0x3d: {  	s28 =	rddreg [dreg:$0x13]  }
0x3e: {  	[tilespmem:s29], [sflag:$0x1] =	stream.indirect.gather [hbm4b:s2+s7], $0x20, s30, s7, $0xb8;
	[tilespmem:$0x14A00] =	vst v63  }
0x3f: {  	s29 =	rddreg [dreg:$0x12]  }
0x40: {  	[tilespmem:s0], [sflag:$0x1] =	stream.indirect.gather [hbm4b:s2+s7], $0x20, s31, s7, $0xb8;
	[tilespmem:$0x14A00] =	vst v63  }
0x41: {  	s30 =	rddreg [dreg:$0x15]  }
0x42: {  	[tilespmem:s28], [sflag:$0x1] =	stream.indirect.gather [hbm4b:s2+s7], $0x20, s29, s7, $0xb8;
	[tilespmem:$0x14A00] =	vst v63  }
0x43: {  	s31 =	rddreg [dreg:$0x14]  }
0x44: {  	[tilespmem:s30], [sflag:$0x1] =	stream.indirect.gather [hbm4b:s2+s7], $0x20, s31, s7, $0xb8;
	[tilespmem:$0x14A00] =	vst v63  }
0x45: {  	_ =	swait.ge [sflag:s9], $0x1000  }
0x46: {  	[sflag:s9] =	ssyncset.done $0x0  }
0x47: {  	[sflag:s9] =	ssyncadd.s32 $0xFFFFF000  }
0x48: {  	_ =	swait.ge [sflag:s9], $0x1000  }
0x49: {  	[sflag:s9] =	ssyncset.done $0x0  }
0x4a: {  	[sflag:s9] =	ssyncadd.s32 $0xFFFFF000  }
0x4b: {  	_ =	swait.ge [sflag:s9], $0x1000  }
0x4c: {  	[sflag:s9] =	ssyncset.done $0x0  }
0x4d: {  	[sflag:s9] =	ssyncadd.s32 $0xFFFFF000  }
0x4e: {  	_ =	swait.ge [sflag:s9], $0x1000  }
0x4f: {  	[sflag:s9] =	ssyncset.done $0x0  }
0x50: {  	[sflag:s9] =	ssyncadd.s32 $0xFFFFF000  }
0x51: {  	_ =	swait.ge [sflag:s9], $0x1000  }
0x52: {  	[sflag:s9] =	ssyncset.done $0x0  }
0x53: {  	[sflag:s9] =	ssyncadd.s32 $0xFFFFF000  }
0x54: {  	_ =	swait.ge [sflag:s9], $0x1000  }
0x55: {  	[sflag:s9] =	ssyncset.done $0x0  }
0x56: {  	[sflag:s9] =	ssyncadd.s32 $0xFFFFF000  }
0x57: {  	_ =	swait.ge [sflag:s9], $0x1000  }
0x58: {  	[sflag:s9] =	ssyncset.done $0x0  }
0x59: {  	[sflag:s9] =	ssyncadd.s32 $0xFFFFF000  }
0x5a: {  	_ =	swait.ge [sflag:s9], $0x1000  }
0x5b: {  	[sflag:s9] =	ssyncset.done $0x0  }
0x5c: {  	[sflag:s9] =	ssyncadd.s32 $0xFFFFF000  }
0x5d: {  	_ =	swait.ge [sflag:s9], $0x1000  }
0x5e: {  	[sflag:s9] =	ssyncset.done $0x0  }
0x5f: {  	[sflag:s9] =	ssyncadd.s32 $0xFFFFF000  }
0x60: {  	_ =	swait.ge [sflag:s9], $0x1000  }
0x61: {  	[sflag:s9] =	ssyncset.done $0x0;
	s31 =	rddreg [dreg:$0x1a]  }
0x62: {  	s4 =	simm.s32 @!p0 $0x3;
	s0 =	sadd.s32 $0xFFFFEC00, s31;
	[sflag:s9] =	ssyncadd.s32 $0xFFFFF000  }
0x63: {  	[hbm4b:s0+s3] =	stream.linear.scatter [tilespmem:s8], [sflag:$0x2], $0xA000, $0x38;
	[tilespmem:$0x14A00] =	vst v63  }
0x64: {  	_ =	swait.ge @!p0 [sflag:s4], $0xA000  }
0x65: {  	s5 =	rddreg [dreg:$0x4];
	[sflag:s4] =	ssyncset.done @!p0 $0x0  }
0x66: {  	[sflag:s4] =	ssyncadd.s32 @!p0 $0xFFFF6000;
	s1 =	sadd.s32 $0x0, s5  }
0x67: {  	[tilespmem:s10], [sflag:$0x4] =	stream.linear.gather [hbm4b:s1+s3], $0x500, $0x38;
	[tilespmem:$0x14A00] =	vst v63  }
0x68: {  	_ =	swait.ge [sflag:s6], $0x500  }
0x69: {  	[sflag:s6] =	ssyncset.done $0x0  }
0x6a: {  	s28 =	rddreg [dreg:$0x16];
	[sflag:s6] =	ssyncadd.s32 $0xFFFFFB00  }
0x6b: {  	[tilespmem:s11], [sflag:$0x1] =	stream.indirect.gather [hbm4b:s2+s7], $0x20, s10, s7, $0xb8;
	[tilespmem:$0x14A00] =	vst v63  }
0x6c: {  	s29 =	rddreg [dreg:$0x17]  }
0x6d: {  	[tilespmem:s29], [sflag:$0x1] =	stream.indirect.gather [hbm4b:s2+s7], $0x20, s28, s7, $0xb8;
	[tilespmem:$0x14A00] =	vst v63  }
0x6e: {  	s30 =	rddreg [dreg:$0x18]  }
0x6f: {  	[tilespmem:s12], [sflag:$0x1] =	stream.indirect.gather [hbm4b:s2+s7], $0x20, s30, s7, $0xb8;
	[tilespmem:$0x14A00] =	vst v63  }
0x70: {  	_ = 	snop  }
0x71: {  	[tilespmem:s14], [sflag:$0x1] =	stream.indirect.gather [hbm4b:s2+s7], $0x20, s13, s7, $0xb8;
	[tilespmem:$0x14A00] =	vst v63  }
0x72: {  	_ = 	snop  }
0x73: {  	[tilespmem:s16], [sflag:$0x1] =	stream.indirect.gather [hbm4b:s2+s7], $0x20, s15, s7, $0xb8;
	[tilespmem:$0x14A00] =	vst v63  }
0x74: {  	_ = 	snop  }
0x75: {  	[tilespmem:s18], [sflag:$0x1] =	stream.indirect.gather [hbm4b:s2+s7], $0x20, s17, s7, $0xb8;
	[tilespmem:$0x14A00] =	vst v63  }
0x76: {  	_ = 	snop  }
0x77: {  	[tilespmem:s20], [sflag:$0x1] =	stream.indirect.gather [hbm4b:s2+s7], $0x20, s19, s7, $0xb8;
	[tilespmem:$0x14A00] =	vst v63  }
0x78: {  	_ = 	snop  }
0x79: {  	[tilespmem:s22], [sflag:$0x1] =	stream.indirect.gather [hbm4b:s2+s7], $0x20, s21, s7, $0xb8;
	[tilespmem:$0x14A00] =	vst v63  }
0x7a: {  	_ = 	snop  }
0x7b: {  	[tilespmem:s24], [sflag:$0x1] =	stream.indirect.gather [hbm4b:s2+s7], $0x20, s23, s7, $0xb8;
	[tilespmem:$0x14A00] =	vst v63  }
0x7c: {  	_ = 	snop  }
0x7d: {  	[tilespmem:s26], [sflag:$0x1] =	stream.indirect.gather [hbm4b:s2+s7], $0x20, s25, s7, $0xb8;
	[tilespmem:$0x14A00] =	vst v63  }
0x7e: {  	_ =	swait.ge [sflag:s9], $0x1000  }
0x7f: {  	[sflag:s9] =	ssyncset.done $0x0  }
0x80: {  	[sflag:s9] =	ssyncadd.s32 $0xFFFFF000  }
0x81: {  	_ =	swait.ge [sflag:s9], $0x1000  }
0x82: {  	[sflag:s9] =	ssyncset.done $0x0  }
0x83: {  	[sflag:s9] =	ssyncadd.s32 $0xFFFFF000  }
0x84: {  	_ =	swait.ge [sflag:s9], $0x1000  }
0x85: {  	[sflag:s9] =	ssyncset.done $0x0  }
0x86: {  	[sflag:s9] =	ssyncadd.s32 $0xFFFFF000  }
0x87: {  	_ =	swait.ge [sflag:s9], $0x1000  }
0x88: {  	[sflag:s9] =	ssyncset.done $0x0  }
0x89: {  	[sflag:s9] =	ssyncadd.s32 $0xFFFFF000  }
0x8a: {  	_ =	swait.ge [sflag:s9], $0x1000  }
0x8b: {  	[sflag:s9] =	ssyncset.done $0x0  }
0x8c: {  	[sflag:s9] =	ssyncadd.s32 $0xFFFFF000  }
0x8d: {  	_ =	swait.ge [sflag:s9], $0x1000  }
0x8e: {  	[sflag:s9] =	ssyncset.done $0x0  }
0x8f: {  	[sflag:s9] =	ssyncadd.s32 $0xFFFFF000  }
0x90: {  	_ =	swait.ge [sflag:s9], $0x1000  }
0x91: {  	[sflag:s9] =	ssyncset.done $0x0  }
0x92: {  	[sflag:s9] =	ssyncadd.s32 $0xFFFFF000  }
0x93: {  	_ =	swait.ge [sflag:s9], $0x1000  }
0x94: {  	s5 =	smov.u32 s31;
	s1 =	simm.s32 $0x140;
	[sflag:s9] =	ssyncset.done $0x0  }
.LBB2_2:
0x95: {  	[sflag:s9] =	ssyncadd.s32 $0xFFFFF000  }
0x96: {  	_ =	swait.ge [sflag:s9], $0x1000  }
0x97: {  	[sflag:s9] =	ssyncset.done $0x0  }
0x98: {  	[sflag:s9] =	ssyncadd.s32 $0xFFFFF000  }
0x99: {  	s4 =	smov.u32 s1;
	_ =	swait.ge [sflag:s9], $0x1000  }
0x9a: {  	p1 =	seq.s32 s4, $0x0;
	[sflag:s9] =	ssyncset.done $0x0  }
0x9b: {  	s28 =	simm.s32 @!p1 $0x2;
	[sflag:s9] =	ssyncadd.s32 $0xFFFFF000  }
0x9c: {  	[hbm4b:s31+s3] =	stream.linear.scatter [tilespmem:s11], [sflag:$0x3], $0xA000, $0x38;
	[tilespmem:$0x14A00] =	vst v63  }
0x9d: {  	_ =	swait.ge @!p1 [sflag:s28], $0xA000  }
0x9e: {  	[sflag:s28] =	ssyncset.done @!p1 $0x0;
	s29 =	rddreg [dreg:$0x3]  }
0x9f: {  	[sflag:s28] =	ssyncadd.s32 @!p1 $0xFFFF6000;
	s29 =	sadd.s32 s4, s29  }
0xa0: {  	[tilespmem:s3], [sflag:$0x4] =	stream.linear.gather [hbm4b:s29+s3], $0x500, $0x38;
	[tilespmem:$0x14A00] =	vst v63  }
0xa1: {  	_ =	swait.ge [sflag:s6], $0x500  }
0xa2: {  	s28 =	rddreg [dreg:$0x15]  }
0xa3: {  	s29 =	rddreg [dreg:$0x13]  }
0xa4: {  	s0 =	rddreg [dreg:$0x11]  }
0xa5: {  	s30 =	rddreg [dreg:$0xf]  }
0xa6: {  	s12 =	rddreg [dreg:$0xd]  }
0xa7: {  	s13 =	rddreg [dreg:$0xb]  }
0xa8: {  	[sflag:s6] =	ssyncset.done $0x0;
	s14 =	rddreg [dreg:$0x6]  }
0xa9: {  	s15 =	rddreg [dreg:$0x5];
	[sflag:s6] =	ssyncadd.s32 $0xFFFFFB00  }
0xaa: {  	[tilespmem:s8], [sflag:$0x1] =	stream.indirect.gather [hbm4b:s2+s7], $0x20, s3, s7, $0xb8;
	[tilespmem:$0x14A00] =	vst v63  }
0xab: {  	s16 =	rddreg [dreg:$0x7]  }
0xac: {  	[tilespmem:s15], [sflag:$0x1] =	stream.indirect.gather [hbm4b:s2+s7], $0x20, s7, s7, $0xb8;
	[tilespmem:$0x14A00] =	vst v63  }
0xad: {  	s17 =	rddreg [dreg:$0x9]  }
0xae: {  	[tilespmem:s16], [sflag:$0x1] =	stream.indirect.gather [hbm4b:s2+s7], $0x20, s14, s7, $0xb8;
	[tilespmem:$0x14A00] =	vst v63  }
0xaf: {  	s15 =	rddreg [dreg:$0x8]  }
0xb0: {  	[tilespmem:s17], [sflag:$0x1] =	stream.indirect.gather [hbm4b:s2+s7], $0x20, s15, s7, $0xb8;
	[tilespmem:$0x14A00] =	vst v63  }
0xb1: {  	s14 =	rddreg [dreg:$0xa]  }
0xb2: {  	[tilespmem:s13], [sflag:$0x1] =	stream.indirect.gather [hbm4b:s2+s7], $0x20, s14, s7, $0xb8;
	[tilespmem:$0x14A00] =	vst v63  }
0xb3: {  	s15 =	rddreg [dreg:$0xc]  }
0xb4: {  	[tilespmem:s12], [sflag:$0x1] =	stream.indirect.gather [hbm4b:s2+s7], $0x20, s15, s7, $0xb8;
	[tilespmem:$0x14A00] =	vst v63  }
0xb5: {  	s13 =	rddreg [dreg:$0xe]  }
0xb6: {  	[tilespmem:s30], [sflag:$0x1] =	stream.indirect.gather [hbm4b:s2+s7], $0x20, s13, s7, $0xb8;
	[tilespmem:$0x14A00] =	vst v63  }
0xb7: {  	s12 =	rddreg [dreg:$0x10]  }
0xb8: {  	[tilespmem:s0], [sflag:$0x1] =	stream.indirect.gather [hbm4b:s2+s7], $0x20, s12, s7, $0xb8;
	[tilespmem:$0x14A00] =	vst v63  }
0xb9: {  	s30 =	rddreg [dreg:$0x12]  }
0xba: {  	[tilespmem:s29], [sflag:$0x1] =	stream.indirect.gather [hbm4b:s2+s7], $0x20, s30, s7, $0xb8;
	[tilespmem:$0x14A00] =	vst v63  }
0xbb: {  	s12 =	rddreg [dreg:$0x14]  }
0xbc: {  	[tilespmem:s28], [sflag:$0x1] =	stream.indirect.gather [hbm4b:s2+s7], $0x20, s12, s7, $0xb8;
	[tilespmem:$0x14A00] =	vst v63  }
0xbd: {  	_ =	swait.ge [sflag:s9], $0x1000  }
0xbe: {  	[sflag:s9] =	ssyncset.done $0x0  }
0xbf: {  	[sflag:s9] =	ssyncadd.s32 $0xFFFFF000  }
0xc0: {  	_ =	swait.ge [sflag:s9], $0x1000  }
0xc1: {  	[sflag:s9] =	ssyncset.done $0x0  }
0xc2: {  	[sflag:s9] =	ssyncadd.s32 $0xFFFFF000  }
0xc3: {  	_ =	swait.ge [sflag:s9], $0x1000  }
0xc4: {  	[sflag:s9] =	ssyncset.done $0x0  }
0xc5: {  	[sflag:s9] =	ssyncadd.s32 $0xFFFFF000  }
0xc6: {  	_ =	swait.ge [sflag:s9], $0x1000  }
0xc7: {  	[sflag:s9] =	ssyncset.done $0x0  }
0xc8: {  	[sflag:s9] =	ssyncadd.s32 $0xFFFFF000  }
0xc9: {  	_ =	swait.ge [sflag:s9], $0x1000  }
0xca: {  	[sflag:s9] =	ssyncset.done $0x0  }
0xcb: {  	[sflag:s9] =	ssyncadd.s32 $0xFFFFF000  }
0xcc: {  	_ =	swait.ge [sflag:s9], $0x1000  }
0xcd: {  	[sflag:s9] =	ssyncset.done $0x0  }
0xce: {  	[sflag:s9] =	ssyncadd.s32 $0xFFFFF000  }
0xcf: {  	_ =	swait.ge [sflag:s9], $0x1000  }
0xd0: {  	[sflag:s9] =	ssyncset.done $0x0  }
0xd1: {  	[sflag:s9] =	ssyncadd.s32 $0xFFFFF000  }
0xd2: {  	_ =	swait.ge [sflag:s9], $0x1000  }
0xd3: {  	[sflag:s9] =	ssyncset.done $0x0  }
0xd4: {  	[sflag:s9] =	ssyncadd.s32 $0xFFFFF000  }
0xd5: {  	_ =	swait.ge [sflag:s9], $0x1000  }
0xd6: {  	[sflag:s9] =	ssyncset.done $0x0  }
0xd7: {  	[sflag:s9] =	ssyncadd.s32 $0xFFFFF000  }
0xd8: {  	_ =	swait.ge [sflag:s9], $0x1000  }
0xd9: {  	s5 =	sadd.s32 $0x2800, s5;
	[sflag:s9] =	ssyncset.done $0x0  }
0xda: {  	s29 =	sadd.s32 $0xFFFFEC00, s5;
	s12 =	simm.s32 @!p1 $0x3;
	[sflag:s9] =	ssyncadd.s32 $0xFFFFF000  }
0xdb: {  	[hbm4b:s29+s3] =	stream.linear.scatter [tilespmem:s8], [sflag:$0x2], $0xA000, $0x38;
	[tilespmem:$0x14A00] =	vst v63  }
0xdc: {  	_ =	swait.ge @!p1 [sflag:s12], $0xA000  }
0xdd: {  	[sflag:s12] =	ssyncset.done @!p1 $0x0;
	s30 =	rddreg [dreg:$0x4]  }
0xde: {  	[sflag:s12] =	ssyncadd.s32 @!p1 $0xFFFF6000;
	s0 =	sadd.s32 s4, s30  }
0xdf: {  	[tilespmem:s10], [sflag:$0x4] =	stream.linear.gather [hbm4b:s0+s3], $0x500, $0x38;
	[tilespmem:$0x14A00] =	vst v63  }
0xe0: {  	_ =	swait.ge [sflag:s6], $0x500  }
0xe1: {  	[sflag:s6] =	ssyncset.done $0x0  }
0xe2: {  	s28 =	rddreg [dreg:$0x16];
	[sflag:s6] =	ssyncadd.s32 $0xFFFFFB00  }
0xe3: {  	[tilespmem:s11], [sflag:$0x1] =	stream.indirect.gather [hbm4b:s2+s7], $0x20, s10, s7, $0xb8;
	[tilespmem:$0x14A00] =	vst v63  }
0xe4: {  	s29 =	rddreg [dreg:$0x17]  }
0xe5: {  	[tilespmem:s29], [sflag:$0x1] =	stream.indirect.gather [hbm4b:s2+s7], $0x20, s28, s7, $0xb8;
	[tilespmem:$0x14A00] =	vst v63  }
0xe6: {  	s18 =	simm.s32 $0xCA00;
	s30 =	rddreg [dreg:$0x18]  }
0xe7: {  	[tilespmem:s18], [sflag:$0x1] =	stream.indirect.gather [hbm4b:s2+s7], $0x20, s30, s7, $0xb8;
	[tilespmem:$0x14A00] =	vst v63  }
0xe8: {  	s14 =	simm.s32 $0xDA00;
	s13 =	simm.s32 $0x680  }
0xe9: {  	[tilespmem:s14], [sflag:$0x1] =	stream.indirect.gather [hbm4b:s2+s7], $0x20, s13, s7, $0xb8;
	[tilespmem:$0x14A00] =	vst v63  }
0xea: {  	s16 =	simm.s32 $0xEA00;
	s15 =	simm.s32 $0x700  }
0xeb: {  	[tilespmem:s16], [sflag:$0x1] =	stream.indirect.gather [hbm4b:s2+s7], $0x20, s15, s7, $0xb8;
	[tilespmem:$0x14A00] =	vst v63  }
0xec: {  	s17 =	simm.s32 $0x780;
	s18 =	simm.s32 $0xFA00  }
0xed: {  	[tilespmem:s18], [sflag:$0x1] =	stream.indirect.gather [hbm4b:s2+s7], $0x20, s17, s7, $0xb8;
	[tilespmem:$0x14A00] =	vst v63  }
0xee: {  	_ = 	snop  }
0xef: {  	[tilespmem:s20], [sflag:$0x1] =	stream.indirect.gather [hbm4b:s2+s7], $0x20, s19, s7, $0xb8;
	[tilespmem:$0x14A00] =	vst v63  }
0xf0: {  	_ = 	snop  }
0xf1: {  	[tilespmem:s22], [sflag:$0x1] =	stream.indirect.gather [hbm4b:s2+s7], $0x20, s21, s7, $0xb8;
	[tilespmem:$0x14A00] =	vst v63  }
0xf2: {  	_ = 	snop  }
0xf3: {  	[tilespmem:s24], [sflag:$0x1] =	stream.indirect.gather [hbm4b:s2+s7], $0x20, s23, s7, $0xb8;
	[tilespmem:$0x14A00] =	vst v63  }
0xf4: {  	_ = 	snop  }
0xf5: {  	[tilespmem:s26], [sflag:$0x1] =	stream.indirect.gather [hbm4b:s2+s7], $0x20, s25, s7, $0xb8;
	[tilespmem:$0x14A00] =	vst v63  }
0xf6: {  	_ =	swait.ge [sflag:s9], $0x1000  }
0xf7: {  	[sflag:s9] =	ssyncset.done $0x0  }
0xf8: {  	[sflag:s9] =	ssyncadd.s32 $0xFFFFF000  }
0xf9: {  	_ =	swait.ge [sflag:s9], $0x1000  }
0xfa: {  	[sflag:s9] =	ssyncset.done $0x0  }
0xfb: {  	[sflag:s9] =	ssyncadd.s32 $0xFFFFF000  }
0xfc: {  	_ =	swait.ge [sflag:s9], $0x1000  }
0xfd: {  	[sflag:s9] =	ssyncset.done $0x0  }
0xfe: {  	[sflag:s9] =	ssyncadd.s32 $0xFFFFF000  }
0xff: {  	_ =	swait.ge [sflag:s9], $0x1000  }
0x100: {  	[sflag:s9] =	ssyncset.done $0x0  }
0x101: {  	[sflag:s9] =	ssyncadd.s32 $0xFFFFF000  }
0x102: {  	_ =	swait.ge [sflag:s9], $0x1000  }
0x103: {  	[sflag:s9] =	ssyncset.done $0x0  }
0x104: {  	[sflag:s9] =	ssyncadd.s32 $0xFFFFF000  }
0x105: {  	_ =	swait.ge [sflag:s9], $0x1000  }
0x106: {  	s1 =	sadd.s32 $0x140, s1;
	[sflag:s9] =	ssyncset.done $0x0  }
0x107: {  	p0 =	sne.s32 s1, $0xC80;
	[sflag:s9] =	ssyncadd.s32 $0xFFFFF000  }
.Ltmp0:
0x108: {  	_ =	swait.ge [sflag:s9], $0x1000;
	(pc) =	sbr.rel @p0 .LBB2_2-.Ltmp0, $4  }
0x109: {  	[sflag:s9] =	ssyncset.done $0x0  }
0x10a: {  	[sflag:s9] =	ssyncadd.s32 $0xFFFFF000  }
0x10b: {  	_ =	swait.ge [sflag:s9], $0x1000  }
0x10c: {  	s31 =	smov.u32 s5;
	s12 =	simm.s32 $0xCA00;
	[sflag:s9] =	ssyncset.done $0x0  }
0x10d: {  	[sflag:s9] =	ssyncadd.s32 $0xFFFFF000  }
0x10e: {  	_ =	swait.ge [sflag:s9], $0x1000  }
0x10f: {  	[sflag:s9] =	ssyncset.done $0x0  }
0x110: {  	[sflag:s9] =	ssyncadd.s32 $0xFFFFF000  }
0x111: {  	_ =	swait.ge [sflag:s9], $0x1000  }
0x112: {  	[sflag:s9] =	ssyncset.done $0x0  }
0x113: {  	s0 =	simm.s32 $0x2;
	[sflag:s9] =	ssyncadd.s32 $0xFFFFF000  }
0x114: {  	[hbm4b:s31+s3] =	stream.linear.scatter [tilespmem:s11], [sflag:$0x3], $0xA000, $0x38;
	[tilespmem:$0x14A00] =	vst v63  }
0x115: {  	_ =	swait.ge [sflag:s0], $0xA000  }
0x116: {  	[sflag:s0] =	ssyncset.done $0x0  }
0x117: {  	s1 =	simm.s32 $0x3;
	[sflag:s0] =	ssyncadd.s32 $0xFFFF6000  }
0x118: {  	_ =	swait.ge [sflag:s1], $0xA000  }
0x119: {  	s4 =	rddreg [dreg:$0x1b]  }
0x11a: {  	s31 =	rddreg [dreg:$0x19];
	s4 =	sadd.s32 $0x1, s4  }
0x11b: {  	p0 =	sne.s32 s4, s31  }
.Ltmp1:
0x11c: {  	_ = 	snop;
	(pc) =	sbr.rel @p0 .LBB2_1-.Ltmp1, $3  }
0x11d: {  	_ =	sdelay $0x1  }
0x11e: {  	[sflag:s1] =	ssyncset.done $0x0  }
0x11f: {  	[sflag:s1] =	ssyncadd.s32 $0xFFFF6000  }
0x120: {  	_ =	sfence.sel $0x180000  }
0x121: {  	[bflag:$0x0] =	sbarrier.arrive $0xFFFF  }
0x122: {  	_ =	strace $0x90000050  }
0x123: {  	s0 =	stileid.u32;
	[bflag:$0x2] =	sbarrier.arrive $0xFFFF  }
0x124: {  	p0 =	sne.s32 s0, $0x0;
	s0 =	rddreg [dreg:$0x2]  }
0x125: {  	s0 =	sadd.s32 @!p0 $0x100000, s0  }
0x126: {  	[sflag:s0] =	ssyncadd.tile.s32 @!p0 $0x1;
	_ =	shalt  }
.Lfunc_end2:
_tile_overlayer_lowered:
.L_overlay_start_2:
0x127: {  	(tag) =	ssettag $0x2  }
0x128: {  	s0 =	rddreg [dreg:$0x0];
	s2 =	stileid.u32  }
0x129: {  	s1 =	rddreg [dreg:$0x1];
	p0 =	sne.s32 s2, $0x0  }
0x12a: {  	s3 =	rddreg [dreg:$0x2];
	[bflag:$0x3] =	sbarrier.arrive $0xFFFF;
	s2 =	simm.s32 @!p0 $0x1C04  }
0x12b: {  	[timem:s3], [sflag:s2] =	dma.local @!p0 [hbm:s0], s1  }
0x12c: {  	s0 =	simm.s32 @!p0 $0x4  }
0x12d: {  	_ =	swait.ge @!p0 [sflag:s0], s1  }
0x12e: {  	s1 =	ssub.s32 @!p0 $0x0, s1;
	[sflag:s0] =	ssyncset.done @!p0 $0x0  }
0x12f: {  	[sflag:s0] =	ssyncadd.s32 @!p0 s1  }
0x130: {  	[bflag:$0x3] =	sbarrier.arrive $0xFFFF  }
0x131: {  	_ =	shalt  }

</sc_bundles>
